<compile_context>
chip_gen: v7x
topology: tpu7x:2x2x1
jax: 0.10.2.dev20260603
libtpu: 0.0.44.dev20260713+nightly
codegen_flags: <defaults>
</compile_context>

<pallas_src>
import functools

import jax
import jax.numpy as jnp
from jax import lax
from jax.experimental import pallas as pl
from jax.experimental.pallas import tpu as pltpu
from jax.experimental.pallas import tpu_sc as plsc

N_HEADS = 2
N = 10000
E = 320000
F = 128
FH = 64
SPW = 16
RW = FH + SPW

NC, NS = 2, 16
EPS = E // NS
CH = 80
NCHUNK = EPS // CH


def _prep_body(x_ref, w_ref, am0_ref, am1_ref, am2_ref,
               haug_ref, spa_ref, spr_ref):
    h = x_ref[...] * w_ref[...]
    s0 = jnp.dot(h, am0_ref[...], preferred_element_type=jnp.float32)
    s1 = jnp.dot(h, am1_ref[...], preferred_element_type=jnp.float32)
    s2 = jnp.dot(h, am2_ref[...], preferred_element_type=jnp.float32)
    haug_ref[0] = jnp.concatenate([h[:, :FH], s1], axis=1)
    haug_ref[1] = jnp.concatenate([h[:, FH:], s1], axis=1)
    spa_ref[...] = s0
    spr_ref[...] = s2


def _fin_body(h0l, h0r, h1l, h1r, out_ref):
    l0 = h0l[...]
    r0 = h0r[...]
    out_ref[0] = (jnp.concatenate([l0[:, :FH], r0[:, :FH]], axis=1)
                  / l0[:, FH:FH + 1])
    out_ref[1] = (jnp.concatenate([h1l[...], h1r[...]], axis=1)
                  / l0[:, FH + 1:FH + 2])


def _edge_kernel(haug_hbm, spa_hbm, sprt_hbm, a0_hbm, a2_hbm, r1_hbm,
                 rawf0_hbm, rawf1_hbm,
                 a0_v, a2_v, r1_v, sidx_v, rows_v, spa0_v, spr_v,
                 valf0_v, valf1_v,
                 accf0, accf1,
                 sem0a, sem1a, sem2a, sem0b, sem1b, sem2b,
                 isema, isemb, ssf0a, ssf0b, ssf1):
    c_id = lax.axis_index("c")
    s_id = lax.axis_index("s")
    zero16 = jnp.zeros((16,), jnp.float32)
    lane = lax.iota(jnp.int32, 16)

    def zrow(r, _):
        for j in range(RW // 16):
            valf0_v[0, r, pl.ds(j * 16, 16)] = zero16
        for j in range(FH // 16):
            valf1_v[r, pl.ds(j * 16, 16)] = zero16
        return 0
    lax.fori_loop(0, CH, zrow, 0)

    @pl.when(s_id < 10)
    def _():
        u0 = s_id * 1000
        for k in range(1000 // 40):
            dst = pl.ds(u0 + k * 40, 40)
            pltpu.sync_copy(valf0_v.at[0, pl.ds(0, 40)], accf0.at[dst])

    @pl.when(s_id >= 6)
    def _():
        u0 = (s_id - 6) * 1000
        for k in range(1000 // 40):
            dst = pl.ds(u0 + k * 40, 40)
            pltpu.sync_copy(valf1_v.at[pl.ds(0, 40)], accf1.at[dst])

    plsc.subcore_barrier()

    cbase = c_id * N
    sems = ((sem0a, sem1a, sem2a), (sem0b, sem1b, sem2b))
    isems = (isema, isemb)
    ssf0 = (ssf0a, ssf0b)

    def idx_slices(g):
        base = s_id * EPS + g * CH
        return pl.ds(base, CH)

    def issue_idx(g, p):
        esl = idx_slices(g)
        pltpu.async_copy(a0_hbm.at[esl], a0_v.at[p], isems[p])
        pltpu.async_copy(a2_hbm.at[esl], a2_v.at[p], isems[p])
        pltpu.async_copy(r1_hbm.at[esl], r1_v.at[p], isems[p])

    def wait_idx(g, p):
        esl = idx_slices(g)
        pltpu.make_async_copy(a0_hbm.at[esl], a0_v.at[p], isems[p]).wait()
        pltpu.make_async_copy(a2_hbm.at[esl], a2_v.at[p], isems[p]).wait()
        pltpu.make_async_copy(r1_hbm.at[esl], r1_v.at[p], isems[p]).wait()

    def issue_gathers(p):
        for j in range(CH // 16):
            sl = pl.ds(j * 16, 16)
            a2_v[p, sl] = a2_v[p, sl] + cbase
        pltpu.async_copy(haug_hbm.at[a2_v.at[p]], rows_v.at[p], sems[p][0])
        pltpu.async_copy(spa_hbm.at[a0_v.at[p]], spa0_v.at[p], sems[p][1])
        pltpu.async_copy(sprt_hbm.at[r1_v.at[p]], spr_v.at[p], sems[p][2])

    def wait_gathers(p):
        pltpu.make_async_copy(
            haug_hbm.at[a2_v.at[p]], rows_v.at[p], sems[p][0]).wait()
        pltpu.make_async_copy(
            spa_hbm.at[a0_v.at[p]], spa0_v.at[p], sems[p][1]).wait()
        pltpu.make_async_copy(
            sprt_hbm.at[r1_v.at[p]], spr_v.at[p], sems[p][2]).wait()

    def wait_scatter_f0(p):
        pltpu.make_async_copy(
            valf0_v.at[p], accf0.at[sidx_v.at[p]], ssf0[p]).wait()

    def wait_scatter_f1(p):
        pltpu.make_async_copy(
            valf1_v, accf1.at[sidx_v.at[p]], ssf1).wait()

    def compute_scatter(g, p):
        @pl.when(g >= 2)
        def _():
            wait_scatter_f0(p)

        @pl.when(g >= 1)
        def _():
            wait_scatter_f1(1 - p)

        @plsc.parallel_loop(0, CH, 1, unroll=40)
        def _edge_loop(c):
            ehv = (spa0_v[p, c, pl.ds(0, 16)]
                   + rows_v[p, c, pl.ds(FH, 16)]
                   + spr_v[p, c, pl.ds(0, 16)])
            ev = jnp.exp(-jnp.where(ehv >= 0, ehv, 0.2 * ehv))
            e0b = jnp.broadcast_to(ev[0], (16,))
            e1b = jnp.broadcast_to(ev[1], (16,))
            for j in range(FH // 16):
                sl = pl.ds(j * 16, 16)
                row = rows_v[p, c, sl]
                valf0_v[p, c, sl] = row * e0b
                valf1_v[c, sl] = row * e1b
            valf0_v[p, c, pl.ds(FH, 16)] = jnp.where(lane < 2, ev, 0.0)

        for j in range(CH // 16):
            sl = pl.ds(j * 16, 16)
            sidx_v[p, sl] = a0_v[p, sl]
        idx = sidx_v.at[p]
        pltpu.async_copy(valf0_v.at[p], accf0.at[idx], ssf0[p], add=True)
        pltpu.async_copy(valf1_v, accf1.at[idx], ssf1, add=True)

    def round_body(g, p):
        @pl.when(g + 1 < NCHUNK)
        def _():
            wait_idx(g + 1, 1 - p)
            issue_gathers(1 - p)
        wait_gathers(p)
        compute_scatter(g, p)

        @pl.when(g + 2 < NCHUNK)
        def _():
            issue_idx(g + 2, p)

    issue_idx(0, 0)
    wait_idx(0, 0)
    issue_gathers(0)
    issue_idx(1, 1)

    def pair(gp, _):
        g0 = gp * 2
        round_body(g0, 0)
        round_body(g0 + 1, 1)
        return 0

    lax.fori_loop(0, NCHUNK // 2, pair, 0)
    wait_scatter_f0(0)
    wait_scatter_f0(1)
    wait_scatter_f1(1)
    plsc.subcore_barrier()

    @pl.when(s_id < 10)
    def _():
        src = s_id * 1000
        off = c_id * N + src
        pltpu.sync_copy(accf0.at[pl.ds(src, 1000)],
                        rawf0_hbm.at[pl.ds(off, 1000)])

    @pl.when(s_id >= 6)
    def _():
        src = (s_id - 6) * 1000
        off = c_id * N + src
        pltpu.sync_copy(accf1.at[pl.ds(src, 1000)],
                        rawf1_hbm.at[pl.ds(off, 1000)])


def kernel(input, inputr, A, w, a_src_dst):
    x = input.astype(jnp.float32)
    a0 = A[0].astype(jnp.int32)
    a2 = A[2].astype(jnp.int32)
    r1 = inputr[1].astype(jnp.int32)
    w0 = w[0].astype(jnp.float32).reshape(1, F)
    af = a_src_dst.astype(jnp.float32)[:, :, :, 0]
    ams = [jnp.pad(jnp.swapaxes(af[:, k, :], 0, 1), ((0, 0), (0, SPW - 2)))
           for k in range(3)]

    b0 = 1000
    haug, spa, sprt = pl.pallas_call(
        _prep_body,
        grid=(N // b0,),
        in_specs=[
            pl.BlockSpec((b0, F), lambda i: (i, 0)),
            pl.BlockSpec((1, F), lambda i: (0, 0)),
            pl.BlockSpec((F, SPW), lambda i: (0, 0)),
            pl.BlockSpec((F, SPW), lambda i: (0, 0)),
            pl.BlockSpec((F, SPW), lambda i: (0, 0)),
        ],
        out_specs=[
            pl.BlockSpec((2, b0, RW), lambda i: (0, i, 0)),
            pl.BlockSpec((b0, SPW), lambda i: (i, 0)),
            pl.BlockSpec((b0, SPW), lambda i: (i, 0)),
        ],
        out_shape=[
            jax.ShapeDtypeStruct((2, N, RW), jnp.float32),
            jax.ShapeDtypeStruct((N, SPW), jnp.float32),
            jax.ShapeDtypeStruct((N, SPW), jnp.float32),
        ],
    )(x, w0, ams[0], ams[1], ams[2])
    haug_flat = haug.reshape(2 * N, RW)

    mesh = plsc.VectorSubcoreMesh(
        core_axis_name="c", subcore_axis_name="s",
        num_cores=NC, num_subcores=NS)
    edge_call = functools.partial(
        pl.kernel,
        out_type=[
            jax.ShapeDtypeStruct((NC * N, RW), jnp.float32),
            jax.ShapeDtypeStruct((NC * N, FH), jnp.float32),
        ],
        mesh=mesh,
        scratch_types=[
            pltpu.VMEM((2, CH), jnp.int32),
            pltpu.VMEM((2, CH), jnp.int32),
            pltpu.VMEM((2, CH), jnp.int32),
            pltpu.VMEM((2, CH), jnp.int32),
            pltpu.VMEM((2, CH, RW), jnp.float32),
            pltpu.VMEM((2, CH, SPW), jnp.float32),
            pltpu.VMEM((2, CH, SPW), jnp.float32),
            pltpu.VMEM((2, CH, RW), jnp.float32),
            pltpu.VMEM((CH, FH), jnp.float32),
            pltpu.VMEM_SHARED((N, RW), jnp.float32),
            pltpu.VMEM_SHARED((N, FH), jnp.float32),
            pltpu.SemaphoreType.DMA,
            pltpu.SemaphoreType.DMA,
            pltpu.SemaphoreType.DMA,
            pltpu.SemaphoreType.DMA,
            pltpu.SemaphoreType.DMA,
            pltpu.SemaphoreType.DMA,
            pltpu.SemaphoreType.DMA,
            pltpu.SemaphoreType.DMA,
            pltpu.SemaphoreType.DMA,
            pltpu.SemaphoreType.DMA,
            pltpu.SemaphoreType.DMA,
        ],
        compiler_params=pltpu.CompilerParams(use_tc_tiling_on_sc=False),
    )(_edge_kernel)
    rawf0, rawf1 = edge_call(haug_flat, spa, sprt, a0, a2, r1)

    b2 = 1000
    nb = N // b2
    out = pl.pallas_call(
        _fin_body,
        grid=(nb,),
        in_specs=[
            pl.BlockSpec((b2, RW), lambda i: (i, 0)),
            pl.BlockSpec((b2, RW), lambda i: (nb + i, 0)),
            pl.BlockSpec((b2, FH), lambda i: (i, 0)),
            pl.BlockSpec((b2, FH), lambda i: (nb + i, 0)),
        ],
        out_specs=pl.BlockSpec((2, b2, F), lambda i: (0, i, 0)),
        out_shape=jax.ShapeDtypeStruct((N_HEADS, N, F), jnp.float32),
    )(rawf0, rawf0, rawf1, rawf1)
    return out

# --- scband reference (transcript-rebuilt; emitter-appended) ---
"""Pipeline reference for scband-rmulti-head-graph-attention-52716428591535 (READ-ONLY COPY).

The authoritative reference and input builder live on the scoring server;
editing this copy changes nothing except your own understanding.
"""

import jax, jax.numpy as jnp
import numpy as np

N_HEAD = 2
F_OUT = 128
N_NODES = 10000
N_EDGES = 320000


def setup_inputs(seed: int = 0) -> dict:
    key = jax.random.key(seed)
    k1, k2, k3, k4, k5 = jax.random.split(key, 5)
    x = jax.random.normal(k1, (N_NODES, F_OUT), dtype=jnp.float32)
    # NOTE: in Rmode='concat', forward indexes h with inputr[1, :], so inputr is an
    # int index tensor of shape [2, E] with values < N (quirk of the original module).
    inputr = jax.random.randint(k2, (2, N_EDGES), 0, N_NODES, dtype=jnp.int64)
    A = jax.random.randint(k3, (3, N_EDGES), 0, N_NODES, dtype=jnp.int64)
    # diag=True -> w: [n_head-1, 1, f_out] (xavier_uniform-like scale)
    w = jax.random.normal(k4, (N_HEAD - 1, 1, F_OUT), dtype=jnp.float32) * (1.0 / np.sqrt(F_OUT))
    a_src_dst = jax.random.normal(k5, (N_HEAD, 3, F_OUT, 1), dtype=jnp.float32) * 0.1
    return {"input": x, "inputr": inputr, "A": A, "w": w, "a_src_dst": a_src_dst}


def reference(input, inputr, A, w, a_src_dst):
    N = input.shape[0]
    outs = []
    h = None
    for i in range(N_HEAD):
        if i < N_HEAD - 1:
            # diag=True: elementwise multiply with broadcast row weight
            h = input * w[i]
        # else: h is reused from the previous head (faithful to original quirk)
        # Rmode == 'concat'
        edge_h = h[A[0, :], :] @ a_src_dst[i, 0]
        edge_h = edge_h + h[A[2, :], :] @ a_src_dst[i, 1]
        edge_h = edge_h + h[inputr[1, :], :] @ a_src_dst[i, 2]
        edge_e = jnp.exp(-jax.nn.leaky_relu(edge_h[:, 0], negative_slope=0.2))
        # SpecialSpmm(A[[0,2]], edge_e, [N,N], ones(N,1)) == per-row (A[0]) sum of edge_e
        e_rowsum = jax.ops.segment_sum(edge_e, A[0, :], num_segments=N)
        # attn_dropout = 0.0 -> dropout is identity
        # SpecialSpmm(A[[0,2]], edge_e, [N,N], h) == scatter-add of edge_e * h[A[2]] into rows A[0]
        h_prime = jax.ops.segment_sum(edge_e[:, None] * h[A[2, :], :], A[0, :], num_segments=N)
        h_prime = h_prime / e_rowsum[:, None]
        outs.append(h_prime[None])
    # bias=False
    return jnp.concatenate(outs, axis=0)

if __name__ == "__main__":
    import jax
    _d = setup_inputs()
    print(jax.jit(kernel)(*tuple(_d.values())))

</pallas_src>

<mosaic_0001>
#map = affine_map<(d0, d1) -> (0, 0)>
#map1 = affine_map<(d0, d1) -> (0)>
module attributes {stable_mosaic.version = 14 : i64} {
  func.func @_edge_kernel(%arg0: i32, %arg1: i32, %arg2: memref<20000x80xf32, #tpu.memory_space<hbm>>, %arg3: memref<10000x16xf32, #tpu.memory_space<hbm>>, %arg4: memref<10000x16xf32, #tpu.memory_space<hbm>>, %arg5: memref<320000xi32, #tpu.memory_space<hbm>>, %arg6: memref<320000xi32, #tpu.memory_space<hbm>>, %arg7: memref<320000xi32, #tpu.memory_space<hbm>>, %arg8: memref<20000x80xf32, #tpu.memory_space<hbm>>, %arg9: memref<20000x64xf32, #tpu.memory_space<hbm>>, %arg10: memref<2x80xi32, #tpu.memory_space<vmem>>, %arg11: memref<2x80xi32, #tpu.memory_space<vmem>>, %arg12: memref<2x80xi32, #tpu.memory_space<vmem>>, %arg13: memref<2x80xi32, #tpu.memory_space<vmem>>, %arg14: memref<2x80x80xf32, #tpu.memory_space<vmem>>, %arg15: memref<2x80x16xf32, #tpu.memory_space<vmem>>, %arg16: memref<2x80x16xf32, #tpu.memory_space<vmem>>, %arg17: memref<2x80x80xf32, #tpu.memory_space<vmem>>, %arg18: memref<80x64xf32, #tpu.memory_space<vmem>>, %arg19: memref<10000x80xf32, #tpu.memory_space<vmem_shared>>, %arg20: memref<10000x64xf32, #tpu.memory_space<vmem_shared>>, %arg21: memref<!tpu.dma_semaphore, #tpu.memory_space<semaphore_mem>>, %arg22: memref<!tpu.dma_semaphore, #tpu.memory_space<semaphore_mem>>, %arg23: memref<!tpu.dma_semaphore, #tpu.memory_space<semaphore_mem>>, %arg24: memref<!tpu.dma_semaphore, #tpu.memory_space<semaphore_mem>>, %arg25: memref<!tpu.dma_semaphore, #tpu.memory_space<semaphore_mem>>, %arg26: memref<!tpu.dma_semaphore, #tpu.memory_space<semaphore_mem>>, %arg27: memref<!tpu.dma_semaphore, #tpu.memory_space<semaphore_mem>>, %arg28: memref<!tpu.dma_semaphore, #tpu.memory_space<semaphore_mem>>, %arg29: memref<!tpu.dma_semaphore, #tpu.memory_space<semaphore_mem>>, %arg30: memref<!tpu.dma_semaphore, #tpu.memory_space<semaphore_mem>>, %arg31: memref<!tpu.dma_semaphore, #tpu.memory_space<semaphore_mem>>) attributes {dimension_semantics = [#tpu.dimension_semantics<core_parallel>, #tpu.dimension_semantics<subcore_parallel>], iteration_bounds = array<i64: 2, 16>, scalar_prefetch = 0 : i64, scratch_operands = 22 : i64, tpu.core_type = #tpu.core_type<sc_vector_subcore>, window_params = [{transform_indices = #map}, {transform_indices = #map}, {transform_indices = #map}, {transform_indices = #map1}, {transform_indices = #map1}, {transform_indices = #map1}, {transform_indices = #map}, {transform_indices = #map}]} {
    %broadcast_in_dim3A = arith.constant 0.000000e+00 : f32
    %broadcast_in_dim3A_0 = vector.broadcast %broadcast_in_dim3A : f32 to vector<16xf32>
    %iota3A = tpu.iota {dimensions = array<i32: 0>} : vector<16xi32>
    %scan3A = arith.constant 0 : i32
    %scan3A_1 = arith.constant 0 : i32
    %scan3A_2 = arith.constant 80 : i32
    %scan3A_3 = arith.addi %scan3A_1, %scan3A_2 : i32
    %scan3A_4 = arith.constant 1 : i32
    %scan3A_5 = scf.for %scan3A_252 = %scan3A_1 to %scan3A_3 step %scan3A_4 iter_args(%scan3A_253 = %scan3A) -> (i32)  : i32 {
      %swap3A_254 = arith.constant 0 : i32
      %swap3A_255 = arith.index_cast %swap3A_254 : i32 to index
      %swap3A_256 = arith.index_cast %scan3A_252 : i32 to index
      %swap3A_257 = arith.constant 0 : index
      %swap3A_258 = tpu.vector_load %arg17[%swap3A_255, %swap3A_256, %swap3A_257] {strides = array<i32>} : memref<2x80x80xf32, #tpu.memory_space<vmem>>, vector<1x1x16xf32>,
      %swap3A_259 = vector.shape_cast %swap3A_258 : vector<1x1x16xf32> to vector<16xf32>
      %swap3A_260 = vector.shape_cast %broadcast_in_dim3A_0 : vector<16xf32> to vector<1x1x16xf32>
      tpu.vector_store %arg17[%swap3A_255, %swap3A_256, %swap3A_257], %swap3A_260 {strides = array<i32>} : memref<2x80x80xf32, #tpu.memory_space<vmem>>, vector<1x1x16xf32>,
      %swap3A_261 = arith.constant 0 : i32
      %swap3A_262 = arith.index_cast %swap3A_261 : i32 to index
      %swap3A_263 = arith.index_cast %scan3A_252 : i32 to index
      %swap3A_264 = arith.constant 16 : index
      %swap3A_265 = tpu.vector_load %arg17[%swap3A_262, %swap3A_263, %swap3A_264] {strides = array<i32>} : memref<2x80x80xf32, #tpu.memory_space<vmem>>, vector<1x1x16xf32>,
      %swap3A_266 = vector.shape_cast %swap3A_265 : vector<1x1x16xf32> to vector<16xf32>
      %swap3A_267 = vector.shape_cast %broadcast_in_dim3A_0 : vector<16xf32> to vector<1x1x16xf32>
      tpu.vector_store %arg17[%swap3A_262, %swap3A_263, %swap3A_264], %swap3A_267 {strides = array<i32>} : memref<2x80x80xf32, #tpu.memory_space<vmem>>, vector<1x1x16xf32>,
      %swap3A_268 = arith.constant 0 : i32
      %swap3A_269 = arith.index_cast %swap3A_268 : i32 to index
      %swap3A_270 = arith.index_cast %scan3A_252 : i32 to index
      %swap3A_271 = arith.constant 32 : index
      %swap3A_272 = tpu.vector_load %arg17[%swap3A_269, %swap3A_270, %swap3A_271] {strides = array<i32>} : memref<2x80x80xf32, #tpu.memory_space<vmem>>, vector<1x1x16xf32>,
      %swap3A_273 = vector.shape_cast %swap3A_272 : vector<1x1x16xf32> to vector<16xf32>
      %swap3A_274 = vector.shape_cast %broadcast_in_dim3A_0 : vector<16xf32> to vector<1x1x16xf32>
      tpu.vector_store %arg17[%swap3A_269, %swap3A_270, %swap3A_271], %swap3A_274 {strides = array<i32>} : memref<2x80x80xf32, #tpu.memory_space<vmem>>, vector<1x1x16xf32>,
      %swap3A_275 = arith.constant 0 : i32
      %swap3A_276 = arith.index_cast %swap3A_275 : i32 to index
      %swap3A_277 = arith.index_cast %scan3A_252 : i32 to index
      %swap3A_278 = arith.constant 48 : index
      %swap3A_279 = tpu.vector_load %arg17[%swap3A_276, %swap3A_277, %swap3A_278] {strides = array<i32>} : memref<2x80x80xf32, #tpu.memory_space<vmem>>, vector<1x1x16xf32>,
      %swap3A_280 = vector.shape_cast %swap3A_279 : vector<1x1x16xf32> to vector<16xf32>
      %swap3A_281 = vector.shape_cast %broadcast_in_dim3A_0 : vector<16xf32> to vector<1x1x16xf32>
      tpu.vector_store %arg17[%swap3A_276, %swap3A_277, %swap3A_278], %swap3A_281 {strides = array<i32>} : memref<2x80x80xf32, #tpu.memory_space<vmem>>, vector<1x1x16xf32>,
      %swap3A_282 = arith.constant 0 : i32
      %swap3A_283 = arith.index_cast %swap3A_282 : i32 to index
      %swap3A_284 = arith.index_cast %scan3A_252 : i32 to index
      %swap3A_285 = arith.constant 64 : index
      %swap3A_286 = tpu.vector_load %arg17[%swap3A_283, %swap3A_284, %swap3A_285] {strides = array<i32>} : memref<2x80x80xf32, #tpu.memory_space<vmem>>, vector<1x1x16xf32>,
      %swap3A_287 = vector.shape_cast %swap3A_286 : vector<1x1x16xf32> to vector<16xf32>
      %swap3A_288 = vector.shape_cast %broadcast_in_dim3A_0 : vector<16xf32> to vector<1x1x16xf32>
      tpu.vector_store %arg17[%swap3A_283, %swap3A_284, %swap3A_285], %swap3A_288 {strides = array<i32>} : memref<2x80x80xf32, #tpu.memory_space<vmem>>, vector<1x1x16xf32>,
      %swap3A_289 = arith.index_cast %scan3A_252 : i32 to index
      %swap3A_290 = arith.constant 0 : index
      %swap3A_291 = tpu.vector_load %arg18[%swap3A_289, %swap3A_290] {strides = array<i32>} : memref<80x64xf32, #tpu.memory_space<vmem>>, vector<1x16xf32>,
      %swap3A_292 = vector.shape_cast %swap3A_291 : vector<1x16xf32> to vector<16xf32>
      %swap3A_293 = vector.shape_cast %broadcast_in_dim3A_0 : vector<16xf32> to vector<1x16xf32>
      tpu.vector_store %arg18[%swap3A_289, %swap3A_290], %swap3A_293 {strides = array<i32>} : memref<80x64xf32, #tpu.memory_space<vmem>>, vector<1x16xf32>,
      %swap3A_294 = arith.index_cast %scan3A_252 : i32 to index
      %swap3A_295 = arith.constant 16 : index
      %swap3A_296 = tpu.vector_load %arg18[%swap3A_294, %swap3A_295] {strides = array<i32>} : memref<80x64xf32, #tpu.memory_space<vmem>>, vector<1x16xf32>,
      %swap3A_297 = vector.shape_cast %swap3A_296 : vector<1x16xf32> to vector<16xf32>
      %swap3A_298 = vector.shape_cast %broadcast_in_dim3A_0 : vector<16xf32> to vector<1x16xf32>
      tpu.vector_store %arg18[%swap3A_294, %swap3A_295], %swap3A_298 {strides = array<i32>} : memref<80x64xf32, #tpu.memory_space<vmem>>, vector<1x16xf32>,
      %swap3A_299 = arith.index_cast %scan3A_252 : i32 to index
      %swap3A_300 = arith.constant 32 : index
      %swap3A_301 = tpu.vector_load %arg18[%swap3A_299, %swap3A_300] {strides = array<i32>} : memref<80x64xf32, #tpu.memory_space<vmem>>, vector<1x16xf32>,
      %swap3A_302 = vector.shape_cast %swap3A_301 : vector<1x16xf32> to vector<16xf32>
      %swap3A_303 = vector.shape_cast %broadcast_in_dim3A_0 : vector<16xf32> to vector<1x16xf32>
      tpu.vector_store %arg18[%swap3A_299, %swap3A_300], %swap3A_303 {strides = array<i32>} : memref<80x64xf32, #tpu.memory_space<vmem>>, vector<1x16xf32>,
      %swap3A_304 = arith.index_cast %scan3A_252 : i32 to index
      %swap3A_305 = arith.constant 48 : index
      %swap3A_306 = tpu.vector_load %arg18[%swap3A_304, %swap3A_305] {strides = array<i32>} : memref<80x64xf32, #tpu.memory_space<vmem>>, vector<1x16xf32>,
      %swap3A_307 = vector.shape_cast %swap3A_306 : vector<1x16xf32> to vector<16xf32>
      %swap3A_308 = vector.shape_cast %broadcast_in_dim3A_0 : vector<16xf32> to vector<1x16xf32>
      tpu.vector_store %arg18[%swap3A_304, %swap3A_305], %swap3A_308 {strides = array<i32>} : memref<80x64xf32, #tpu.memory_space<vmem>>, vector<1x16xf32>,
      %scan3A_309 = arith.constant 0 : i32
      scf.yield %scan3A_309 : i32
    }
    %scan3A_6 = arith.constant 80 : i32
    %lt3A = arith.constant 10 : i32
    %lt3A_7 = arith.cmpi slt, %arg1, %lt3A : i32
    %convert_element_type3A = arith.extui %lt3A_7 : i1 to i32
    %cond3A = arith.constant 0 : i32
    %cond3A_8 = arith.cmpi ne, %convert_element_type3A, %cond3A : i32
    scf.if %cond3A_8 {
      %mul3A_252 = arith.constant 1000 : i32
      %mul3A_253 = arith.muli %arg1, %mul3A_252 : i32
      %add3A_254 = arith.constant 0 : i32
      %add3A_255 = arith.addi %mul3A_253, %add3A_254 : i32
      %run_scoped3A = arith.constant 0 : i32
      "tpu.region"() ({
        %run_scoped3A_328 = tpu.sem_alloc : memref<!tpu.dma_semaphore, #tpu.memory_space<semaphore_mem>>
        %dma_start3A_329 = arith.constant 0 : i32
        %dma_start3A_330 = arith.constant 0 : i32
        %dma_start3A_331 = tpu.memref_slice %arg17[%run_scoped3A, %dma_start3A_329, %dma_start3A_330] : memref<2x80x80xf32, #tpu.memory_space<vmem>> -> memref<1x40x80xf32, #tpu.memory_space<vmem>>
        %dma_start3A_332 = tpu.memref_squeeze %dma_start3A_331 : memref<1x40x80xf32, #tpu.memory_space<vmem>> -> memref<40x80xf32, #tpu.memory_space<vmem>>
        %dma_start3A_333 = arith.constant 0 : i32
        %dma_start3A_334 = tpu.memref_slice %arg19[%add3A_255, %dma_start3A_333] : memref<10000x80xf32, #tpu.memory_space<vmem_shared>> -> memref<40x80xf32, #tpu.memory_space<vmem_shared>>
        %dma_start3A_335 = arith.constant 0 : i32
        %dma_start3A_336 = tpu.memref_slice %arg19[%add3A_255, %dma_start3A_335] : memref<10000x80xf32, #tpu.memory_space<vmem_shared>> -> memref<40x80xf32, #tpu.memory_space<vmem_shared>>
        %dma_start3A_337 = arith.constant 0 : i32
        %dma_start3A_338 = arith.constant 0 : i32
        %dma_start3A_339 = tpu.memref_slice %arg17[%run_scoped3A, %dma_start3A_337, %dma_start3A_338] : memref<2x80x80xf32, #tpu.memory_space<vmem>> -> memref<1x40x80xf32, #tpu.memory_space<vmem>>
        %dma_start3A_340 = tpu.memref_squeeze %dma_start3A_339 : memref<1x40x80xf32, #tpu.memory_space<vmem>> -> memref<40x80xf32, #tpu.memory_space<vmem>>
        tpu.enqueue_dma source(%dma_start3A_340 : memref<40x80xf32, #tpu.memory_space<vmem>>) target(%dma_start3A_336 : memref<40x80xf32, #tpu.memory_space<vmem_shared>>) target_semaphore(%run_scoped3A_328 : memref<!tpu.dma_semaphore, #tpu.memory_space<semaphore_mem>>)
        %dma_wait3A_341 = arith.constant 0 : i32
        %dma_wait3A_342 = arith.constant 0 : i32
        %dma_wait3A_343 = tpu.memref_slice %arg17[%run_scoped3A, %dma_wait3A_341, %dma_wait3A_342] : memref<2x80x80xf32, #tpu.memory_space<vmem>> -> memref<1x40x80xf32, #tpu.memory_space<vmem>>
        %dma_wait3A_344 = tpu.memref_squeeze %dma_wait3A_343 : memref<1x40x80xf32, #tpu.memory_space<vmem>> -> memref<40x80xf32, #tpu.memory_space<vmem>>
        %dma_wait3A_345 = arith.constant 0 : i32
        %dma_wait3A_346 = tpu.memref_slice %arg19[%add3A_255, %dma_wait3A_345] : memref<10000x80xf32, #tpu.memory_space<vmem_shared>> -> memref<40x80xf32, #tpu.memory_space<vmem_shared>>
        %dma_wait3A_347 = arith.constant 0 : i32
        %dma_wait3A_348 = tpu.memref_slice %arg19[%add3A_255, %dma_wait3A_347] : memref<10000x80xf32, #tpu.memory_space<vmem_shared>> -> memref<40x80xf32, #tpu.memory_space<vmem_shared>>
        %dma_wait3A_349 = arith.constant 0 : i32
        %dma_wait3A_350 = arith.constant 0 : i32
        %dma_wait3A_351 = tpu.memref_slice %arg17[%run_scoped3A, %dma_wait3A_349, %dma_wait3A_350] : memref<2x80x80xf32, #tpu.memory_space<vmem>> -> memref<1x40x80xf32, #tpu.memory_space<vmem>>
        %dma_wait3A_352 = tpu.memref_squeeze %dma_wait3A_351 : memref<1x40x80xf32, #tpu.memory_space<vmem>> -> memref<40x80xf32, #tpu.memory_space<vmem>>
        tpu.wait_dma2 semaphore(%run_scoped3A_328 : memref<!tpu.dma_semaphore, #tpu.memory_space<semaphore_mem>>) src(%dma_wait3A_352 : memref<40x80xf32, #tpu.memory_space<vmem>>) dst(%dma_wait3A_348 : memref<40x80xf32, #tpu.memory_space<vmem_shared>>)
        tpu.yield
      }) : () -> ()
      %add3A_256 = arith.constant 40 : i32
      %add3A_257 = arith.addi %mul3A_253, %add3A_256 : i32
      %run_scoped3A_258 = arith.constant 0 : i32
      "tpu.region"() ({
        %run_scoped3A_328 = tpu.sem_alloc : memref<!tpu.dma_semaphore, #tpu.memory_space<semaphore_mem>>
        %dma_start3A_329 = arith.constant 0 : i32
        %dma_start3A_330 = arith.constant 0 : i32
        %dma_start3A_331 = tpu.memref_slice %arg17[%run_scoped3A_258, %dma_start3A_329, %dma_start3A_330] : memref<2x80x80xf32, #tpu.memory_space<vmem>> -> memref<1x40x80xf32, #tpu.memory_space<vmem>>
        %dma_start3A_332 = tpu.memref_squeeze %dma_start3A_331 : memref<1x40x80xf32, #tpu.memory_space<vmem>> -> memref<40x80xf32, #tpu.memory_space<vmem>>
        %dma_start3A_333 = arith.constant 0 : i32
        %dma_start3A_334 = tpu.memref_slice %arg19[%add3A_257, %dma_start3A_333] : memref<10000x80xf32, #tpu.memory_space<vmem_shared>> -> memref<40x80xf32, #tpu.memory_space<vmem_shared>>
        %dma_start3A_335 = arith.constant 0 : i32
        %dma_start3A_336 = tpu.memref_slice %arg19[%add3A_257, %dma_start3A_335] : memref<10000x80xf32, #tpu.memory_space<vmem_shared>> -> memref<40x80xf32, #tpu.memory_space<vmem_shared>>
        %dma_start3A_337 = arith.constant 0 : i32
        %dma_start3A_338 = arith.constant 0 : i32
        %dma_start3A_339 = tpu.memref_slice %arg17[%run_scoped3A_258, %dma_start3A_337, %dma_start3A_338] : memref<2x80x80xf32, #tpu.memory_space<vmem>> -> memref<1x40x80xf32, #tpu.memory_space<vmem>>
        %dma_start3A_340 = tpu.memref_squeeze %dma_start3A_339 : memref<1x40x80xf32, #tpu.memory_space<vmem>> -> memref<40x80xf32, #tpu.memory_space<vmem>>
        tpu.enqueue_dma source(%dma_start3A_340 : memref<40x80xf32, #tpu.memory_space<vmem>>) target(%dma_start3A_336 : memref<40x80xf32, #tpu.memory_space<vmem_shared>>) target_semaphore(%run_scoped3A_328 : memref<!tpu.dma_semaphore, #tpu.memory_space<semaphore_mem>>)
        %dma_wait3A_341 = arith.constant 0 : i32
        %dma_wait3A_342 = arith.constant 0 : i32
        %dma_wait3A_343 = tpu.memref_slice %arg17[%run_scoped3A_258, %dma_wait3A_341, %dma_wait3A_342] : memref<2x80x80xf32, #tpu.memory_space<vmem>> -> memref<1x40x80xf32, #tpu.memory_space<vmem>>
        %dma_wait3A_344 = tpu.memref_squeeze %dma_wait3A_343 : memref<1x40x80xf32, #tpu.memory_space<vmem>> -> memref<40x80xf32, #tpu.memory_space<vmem>>
        %dma_wait3A_345 = arith.constant 0 : i32
        %dma_wait3A_346 = tpu.memref_slice %arg19[%add3A_257, %dma_wait3A_345] : memref<10000x80xf32, #tpu.memory_space<vmem_shared>> -> memref<40x80xf32, #tpu.memory_space<vmem_shared>>
        %dma_wait3A_347 = arith.constant 0 : i32
        %dma_wait3A_348 = tpu.memref_slice %arg19[%add3A_257, %dma_wait3A_347] : memref<10000x80xf32, #tpu.memory_space<vmem_shared>> -> memref<40x80xf32, #tpu.memory_space<vmem_shared>>
        %dma_wait3A_349 = arith.constant 0 : i32
        %dma_wait3A_350 = arith.constant 0 : i32
        %dma_wait3A_351 = tpu.memref_slice %arg17[%run_scoped3A_258, %dma_wait3A_349, %dma_wait3A_350] : memref<2x80x80xf32, #tpu.memory_space<vmem>> -> memref<1x40x80xf32, #tpu.memory_space<vmem>>
        %dma_wait3A_352 = tpu.memref_squeeze %dma_wait3A_351 : memref<1x40x80xf32, #tpu.memory_space<vmem>> -> memref<40x80xf32, #tpu.memory_space<vmem>>
        tpu.wait_dma2 semaphore(%run_scoped3A_328 : memref<!tpu.dma_semaphore, #tpu.memory_space<semaphore_mem>>) src(%dma_wait3A_352 : memref<40x80xf32, #tpu.memory_space<vmem>>) dst(%dma_wait3A_348 : memref<40x80xf32, #tpu.memory_space<vmem_shared>>)
        tpu.yield
      }) : () -> ()
      %add3A_259 = arith.constant 80 : i32
      %add3A_260 = arith.addi %mul3A_253, %add3A_259 : i32
      %run_scoped3A_261 = arith.constant 0 : i32
      "tpu.region"() ({
        %run_scoped3A_328 = tpu.sem_alloc : memref<!tpu.dma_semaphore, #tpu.memory_space<semaphore_mem>>
        %dma_start3A_329 = arith.constant 0 : i32
        %dma_start3A_330 = arith.constant 0 : i32
        %dma_start3A_331 = tpu.memref_slice %arg17[%run_scoped3A_261, %dma_start3A_329, %dma_start3A_330] : memref<2x80x80xf32, #tpu.memory_space<vmem>> -> memref<1x40x80xf32, #tpu.memory_space<vmem>>
        %dma_start3A_332 = tpu.memref_squeeze %dma_start3A_331 : memref<1x40x80xf32, #tpu.memory_space<vmem>> -> memref<40x80xf32, #tpu.memory_space<vmem>>
        %dma_start3A_333 = arith.constant 0 : i32
        %dma_start3A_334 = tpu.memref_slice %arg19[%add3A_260, %dma_start3A_333] : memref<10000x80xf32, #tpu.memory_space<vmem_shared>> -> memref<40x80xf32, #tpu.memory_space<vmem_shared>>
        %dma_start3A_335 = arith.constant 0 : i32
        %dma_start3A_336 = tpu.memref_slice %arg19[%add3A_260, %dma_start3A_335] : memref<10000x80xf32, #tpu.memory_space<vmem_shared>> -> memref<40x80xf32, #tpu.memory_space<vmem_shared>>
        %dma_start3A_337 = arith.constant 0 : i32
        %dma_start3A_338 = arith.constant 0 : i32
        %dma_start3A_339 = tpu.memref_slice %arg17[%run_scoped3A_261, %dma_start3A_337, %dma_start3A_338] : memref<2x80x80xf32, #tpu.memory_space<vmem>> -> memref<1x40x80xf32, #tpu.memory_space<vmem>>
        %dma_start3A_340 = tpu.memref_squeeze %dma_start3A_339 : memref<1x40x80xf32, #tpu.memory_space<vmem>> -> memref<40x80xf32, #tpu.memory_space<vmem>>
        tpu.enqueue_dma source(%dma_start3A_340 : memref<40x80xf32, #tpu.memory_space<vmem>>) target(%dma_start3A_336 : memref<40x80xf32, #tpu.memory_space<vmem_shared>>) target_semaphore(%run_scoped3A_328 : memref<!tpu.dma_semaphore, #tpu.memory_space<semaphore_mem>>)
        %dma_wait3A_341 = arith.constant 0 : i32
        %dma_wait3A_342 = arith.constant 0 : i32
        %dma_wait3A_343 = tpu.memref_slice %arg17[%run_scoped3A_261, %dma_wait3A_341, %dma_wait3A_342] : memref<2x80x80xf32, #tpu.memory_space<vmem>> -> memref<1x40x80xf32, #tpu.memory_space<vmem>>
        %dma_wait3A_344 = tpu.memref_squeeze %dma_wait3A_343 : memref<1x40x80xf32, #tpu.memory_space<vmem>> -> memref<40x80xf32, #tpu.memory_space<vmem>>
        %dma_wait3A_345 = arith.constant 0 : i32
        %dma_wait3A_346 = tpu.memref_slice %arg19[%add3A_260, %dma_wait3A_345] : memref<10000x80xf32, #tpu.memory_space<vmem_shared>> -> memref<40x80xf32, #tpu.memory_space<vmem_shared>>
        %dma_wait3A_347 = arith.constant 0 : i32
        %dma_wait3A_348 = tpu.memref_slice %arg19[%add3A_260, %dma_wait3A_347] : memref<10000x80xf32, #tpu.memory_space<vmem_shared>> -> memref<40x80xf32, #tpu.memory_space<vmem_shared>>
        %dma_wait3A_349 = arith.constant 0 : i32
        %dma_wait3A_350 = arith.constant 0 : i32
        %dma_wait3A_351 = tpu.memref_slice %arg17[%run_scoped3A_261, %dma_wait3A_349, %dma_wait3A_350] : memref<2x80x80xf32, #tpu.memory_space<vmem>> -> memref<1x40x80xf32, #tpu.memory_space<vmem>>
        %dma_wait3A_352 = tpu.memref_squeeze %dma_wait3A_351 : memref<1x40x80xf32, #tpu.memory_space<vmem>> -> memref<40x80xf32, #tpu.memory_space<vmem>>
        tpu.wait_dma2 semaphore(%run_scoped3A_328 : memref<!tpu.dma_semaphore, #tpu.memory_space<semaphore_mem>>) src(%dma_wait3A_352 : memref<40x80xf32, #tpu.memory_space<vmem>>) dst(%dma_wait3A_348 : memref<40x80xf32, #tpu.memory_space<vmem_shared>>)
        tpu.yield
      }) : () -> ()
      %add3A_262 = arith.constant 120 : i32
      %add3A_263 = arith.addi %mul3A_253, %add3A_262 : i32
      %run_scoped3A_264 = arith.constant 0 : i32
      "tpu.region"() ({
        %run_scoped3A_328 = tpu.sem_alloc : memref<!tpu.dma_semaphore, #tpu.memory_space<semaphore_mem>>
        %dma_start3A_329 = arith.constant 0 : i32
        %dma_start3A_330 = arith.constant 0 : i32
        %dma_start3A_331 = tpu.memref_slice %arg17[%run_scoped3A_264, %dma_start3A_329, %dma_start3A_330] : memref<2x80x80xf32, #tpu.memory_space<vmem>> -> memref<1x40x80xf32, #tpu.memory_space<vmem>>
        %dma_start3A_332 = tpu.memref_squeeze %dma_start3A_331 : memref<1x40x80xf32, #tpu.memory_space<vmem>> -> memref<40x80xf32, #tpu.memory_space<vmem>>
        %dma_start3A_333 = arith.constant 0 : i32
        %dma_start3A_334 = tpu.memref_slice %arg19[%add3A_263, %dma_start3A_333] : memref<10000x80xf32, #tpu.memory_space<vmem_shared>> -> memref<40x80xf32, #tpu.memory_space<vmem_shared>>
        %dma_start3A_335 = arith.constant 0 : i32
        %dma_start3A_336 = tpu.memref_slice %arg19[%add3A_263, %dma_start3A_335] : memref<10000x80xf32, #tpu.memory_space<vmem_shared>> -> memref<40x80xf32, #tpu.memory_space<vmem_shared>>
        %dma_start3A_337 = arith.constant 0 : i32
        %dma_start3A_338 = arith.constant 0 : i32
        %dma_start3A_339 = tpu.memref_slice %arg17[%run_scoped3A_264, %dma_start3A_337, %dma_start3A_338] : memref<2x80x80xf32, #tpu.memory_space<vmem>> -> memref<1x40x80xf32, #tpu.memory_space<vmem>>
        %dma_start3A_340 = tpu.memref_squeeze %dma_start3A_339 : memref<1x40x80xf32, #tpu.memory_space<vmem>> -> memref<40x80xf32, #tpu.memory_space<vmem>>
        tpu.enqueue_dma source(%dma_start3A_340 : memref<40x80xf32, #tpu.memory_space<vmem>>) target(%dma_start3A_336 : memref<40x80xf32, #tpu.memory_space<vmem_shared>>) target_semaphore(%run_scoped3A_328 : memref<!tpu.dma_semaphore, #tpu.memory_space<semaphore_mem>>)
        %dma_wait3A_341 = arith.constant 0 : i32
        %dma_wait3A_342 = arith.constant 0 : i32
        %dma_wait3A_343 = tpu.memref_slice %arg17[%run_scoped3A_264, %dma_wait3A_341, %dma_wait3A_342] : memref<2x80x80xf32, #tpu.memory_space<vmem>> -> memref<1x40x80xf32, #tpu.memory_space<vmem>>
        %dma_wait3A_344 = tpu.memref_squeeze %dma_wait3A_343 : memref<1x40x80xf32, #tpu.memory_space<vmem>> -> memref<40x80xf32, #tpu.memory_space<vmem>>
        %dma_wait3A_345 = arith.constant 0 : i32
        %dma_wait3A_346 = tpu.memref_slice %arg19[%add3A_263, %dma_wait3A_345] : memref<10000x80xf32, #tpu.memory_space<vmem_shared>> -> memref<40x80xf32, #tpu.memory_space<vmem_shared>>
        %dma_wait3A_347 = arith.constant 0 : i32
        %dma_wait3A_348 = tpu.memref_slice %arg19[%add3A_263, %dma_wait3A_347] : memref<10000x80xf32, #tpu.memory_space<vmem_shared>> -> memref<40x80xf32, #tpu.memory_space<vmem_shared>>
        %dma_wait3A_349 = arith.constant 0 : i32
        %dma_wait3A_350 = arith.constant 0 : i32
        %dma_wait3A_351 = tpu.memref_slice %arg17[%run_scoped3A_264, %dma_wait3A_349, %dma_wait3A_350] : memref<2x80x80xf32, #tpu.memory_space<vmem>> -> memref<1x40x80xf32, #tpu.memory_space<vmem>>
        %dma_wait3A_352 = tpu.memref_squeeze %dma_wait3A_351 : memref<1x40x80xf32, #tpu.memory_space<vmem>> -> memref<40x80xf32, #tpu.memory_space<vmem>>
        tpu.wait_dma2 semaphore(%run_scoped3A_328 : memref<!tpu.dma_semaphore, #tpu.memory_space<semaphore_mem>>) src(%dma_wait3A_352 : memref<40x80xf32, #tpu.memory_space<vmem>>) dst(%dma_wait3A_348 : memref<40x80xf32, #tpu.memory_space<vmem_shared>>)
        tpu.yield
      }) : () -> ()
      %add3A_265 = arith.constant 160 : i32
      %add3A_266 = arith.addi %mul3A_253, %add3A_265 : i32
      %run_scoped3A_267 = arith.constant 0 : i32
      "tpu.region"() ({
        %run_scoped3A_328 = tpu.sem_alloc : memref<!tpu.dma_semaphore, #tpu.memory_space<semaphore_mem>>
        %dma_start3A_329 = arith.constant 0 : i32
        %dma_start3A_330 = arith.constant 0 : i32
        %dma_start3A_331 = tpu.memref_slice %arg17[%run_scoped3A_267, %dma_start3A_329, %dma_start3A_330] : memref<2x80x80xf32, #tpu.memory_space<vmem>> -> memref<1x40x80xf32, #tpu.memory_space<vmem>>
        %dma_start3A_332 = tpu.memref_squeeze %dma_start3A_331 : memref<1x40x80xf32, #tpu.memory_space<vmem>> -> memref<40x80xf32, #tpu.memory_space<vmem>>
        %dma_start3A_333 = arith.constant 0 : i32
        %dma_start3A_334 = tpu.memref_slice %arg19[%add3A_266, %dma_start3A_333] : memref<10000x80xf32, #tpu.memory_space<vmem_shared>> -> memref<40x80xf32, #tpu.memory_space<vmem_shared>>
        %dma_start3A_335 = arith.constant 0 : i32
        %dma_start3A_336 = tpu.memref_slice %arg19[%add3A_266, %dma_start3A_335] : memref<10000x80xf32, #tpu.memory_space<vmem_shared>> -> memref<40x80xf32, #tpu.memory_space<vmem_shared>>
        %dma_start3A_337 = arith.constant 0 : i32
        %dma_start3A_338 = arith.constant 0 : i32
        %dma_start3A_339 = tpu.memref_slice %arg17[%run_scoped3A_267, %dma_start3A_337, %dma_start3A_338] : memref<2x80x80xf32, #tpu.memory_space<vmem>> -> memref<1x40x80xf32, #tpu.memory_space<vmem>>
        %dma_start3A_340 = tpu.memref_squeeze %dma_start3A_339 : memref<1x40x80xf32, #tpu.memory_space<vmem>> -> memref<40x80xf32, #tpu.memory_space<vmem>>
        tpu.enqueue_dma source(%dma_start3A_340 : memref<40x80xf32, #tpu.memory_space<vmem>>) target(%dma_start3A_336 : memref<40x80xf32, #tpu.memory_space<vmem_shared>>) target_semaphore(%run_scoped3A_328 : memref<!tpu.dma_semaphore, #tpu.memory_space<semaphore_mem>>)
        %dma_wait3A_341 = arith.constant 0 : i32
        %dma_wait3A_342 = arith.constant 0 : i32
        %dma_wait3A_343 = tpu.memref_slice %arg17[%run_scoped3A_267, %dma_wait3A_341, %dma_wait3A_342] : memref<2x80x80xf32, #tpu.memory_space<vmem>> -> memref<1x40x80xf32, #tpu.memory_space<vmem>>
        %dma_wait3A_344 = tpu.memref_squeeze %dma_wait3A_343 : memref<1x40x80xf32, #tpu.memory_space<vmem>> -> memref<40x80xf32, #tpu.memory_space<vmem>>
        %dma_wait3A_345 = arith.constant 0 : i32
        %dma_wait3A_346 = tpu.memref_slice %arg19[%add3A_266, %dma_wait3A_345] : memref<10000x80xf32, #tpu.memory_space<vmem_shared>> -> memref<40x80xf32, #tpu.memory_space<vmem_shared>>
        %dma_wait3A_347 = arith.constant 0 : i32
        %dma_wait3A_348 = tpu.memref_slice %arg19[%add3A_266, %dma_wait3A_347] : memref<10000x80xf32, #tpu.memory_space<vmem_shared>> -> memref<40x80xf32, #tpu.memory_space<vmem_shared>>
        %dma_wait3A_349 = arith.constant 0 : i32
        %dma_wait3A_350 = arith.constant 0 : i32
        %dma_wait3A_351 = tpu.memref_slice %arg17[%run_scoped3A_267, %dma_wait3A_349, %dma_wait3A_350] : memref<2x80x80xf32, #tpu.memory_space<vmem>> -> memref<1x40x80xf32, #tpu.memory_space<vmem>>
        %dma_wait3A_352 = tpu.memref_squeeze %dma_wait3A_351 : memref<1x40x80xf32, #tpu.memory_space<vmem>> -> memref<40x80xf32, #tpu.memory_space<vmem>>
        tpu.wait_dma2 semaphore(%run_scoped3A_328 : memref<!tpu.dma_semaphore, #tpu.memory_space<semaphore_mem>>) src(%dma_wait3A_352 : memref<40x80xf32, #tpu.memory_space<vmem>>) dst(%dma_wait3A_348 : memref<40x80xf32, #tpu.memory_space<vmem_shared>>)
        tpu.yield
      }) : () -> ()
      %add3A_268 = arith.constant 200 : i32
      %add3A_269 = arith.addi %mul3A_253, %add3A_268 : i32
      %run_scoped3A_270 = arith.constant 0 : i32
      "tpu.region"() ({
        %run_scoped3A_328 = tpu.sem_alloc : memref<!tpu.dma_semaphore, #tpu.memory_space<semaphore_mem>>
        %dma_start3A_329 = arith.constant 0 : i32
        %dma_start3A_330 = arith.constant 0 : i32
        %dma_start3A_331 = tpu.memref_slice %arg17[%run_scoped3A_270, %dma_start3A_329, %dma_start3A_330] : memref<2x80x80xf32, #tpu.memory_space<vmem>> -> memref<1x40x80xf32, #tpu.memory_space<vmem>>
        %dma_start3A_332 = tpu.memref_squeeze %dma_start3A_331 : memref<1x40x80xf32, #tpu.memory_space<vmem>> -> memref<40x80xf32, #tpu.memory_space<vmem>>
        %dma_start3A_333 = arith.constant 0 : i32
        %dma_start3A_334 = tpu.memref_slice %arg19[%add3A_269, %dma_start3A_333] : memref<10000x80xf32, #tpu.memory_space<vmem_shared>> -> memref<40x80xf32, #tpu.memory_space<vmem_shared>>
        %dma_start3A_335 = arith.constant 0 : i32
        %dma_start3A_336 = tpu.memref_slice %arg19[%add3A_269, %dma_start3A_335] : memref<10000x80xf32, #tpu.memory_space<vmem_shared>> -> memref<40x80xf32, #tpu.memory_space<vmem_shared>>
        %dma_start3A_337 = arith.constant 0 : i32
        %dma_start3A_338 = arith.constant 0 : i32
        %dma_start3A_339 = tpu.memref_slice %arg17[%run_scoped3A_270, %dma_start3A_337, %dma_start3A_338] : memref<2x80x80xf32, #tpu.memory_space<vmem>> -> memref<1x40x80xf32, #tpu.memory_space<vmem>>
        %dma_start3A_340 = tpu.memref_squeeze %dma_start3A_339 : memref<1x40x80xf32, #tpu.memory_space<vmem>> -> memref<40x80xf32, #tpu.memory_space<vmem>>
        tpu.enqueue_dma source(%dma_start3A_340 : memref<40x80xf32, #tpu.memory_space<vmem>>) target(%dma_start3A_336 : memref<40x80xf32, #tpu.memory_space<vmem_shared>>) target_semaphore(%run_scoped3A_328 : memref<!tpu.dma_semaphore, #tpu.memory_space<semaphore_mem>>)
        %dma_wait3A_341 = arith.constant 0 : i32
        %dma_wait3A_342 = arith.constant 0 : i32
        %dma_wait3A_343 = tpu.memref_slice %arg17[%run_scoped3A_270, %dma_wait3A_341, %dma_wait3A_342] : memref<2x80x80xf32, #tpu.memory_space<vmem>> -> memref<1x40x80xf32, #tpu.memory_space<vmem>>
        %dma_wait3A_344 = tpu.memref_squeeze %dma_wait3A_343 : memref<1x40x80xf32, #tpu.memory_space<vmem>> -> memref<40x80xf32, #tpu.memory_space<vmem>>
        %dma_wait3A_345 = arith.constant 0 : i32
        %dma_wait3A_346 = tpu.memref_slice %arg19[%add3A_269, %dma_wait3A_345] : memref<10000x80xf32, #tpu.memory_space<vmem_shared>> -> memref<40x80xf32, #tpu.memory_space<vmem_shared>>
        %dma_wait3A_347 = arith.constant 0 : i32
        %dma_wait3A_348 = tpu.memref_slice %arg19[%add3A_269, %dma_wait3A_347] : memref<10000x80xf32, #tpu.memory_space<vmem_shared>> -> memref<40x80xf32, #tpu.memory_space<vmem_shared>>
        %dma_wait3A_349 = arith.constant 0 : i32
        %dma_wait3A_350 = arith.constant 0 : i32
        %dma_wait3A_351 = tpu.memref_slice %arg17[%run_scoped3A_270, %dma_wait3A_349, %dma_wait3A_350] : memref<2x80x80xf32, #tpu.memory_space<vmem>> -> memref<1x40x80xf32, #tpu.memory_space<vmem>>
        %dma_wait3A_352 = tpu.memref_squeeze %dma_wait3A_351 : memref<1x40x80xf32, #tpu.memory_space<vmem>> -> memref<40x80xf32, #tpu.memory_space<vmem>>
        tpu.wait_dma2 semaphore(%run_scoped3A_328 : memref<!tpu.dma_semaphore, #tpu.memory_space<semaphore_mem>>) src(%dma_wait3A_352 : memref<40x80xf32, #tpu.memory_space<vmem>>) dst(%dma_wait3A_348 : memref<40x80xf32, #tpu.memory_space<vmem_shared>>)
        tpu.yield
      }) : () -> ()
      %add3A_271 = arith.constant 240 : i32
      %add3A_272 = arith.addi %mul3A_253, %add3A_271 : i32
      %run_scoped3A_273 = arith.constant 0 : i32
      "tpu.region"() ({
        %run_scoped3A_328 = tpu.sem_alloc : memref<!tpu.dma_semaphore, #tpu.memory_space<semaphore_mem>>
        %dma_start3A_329 = arith.constant 0 : i32
        %dma_start3A_330 = arith.constant 0 : i32
        %dma_start3A_331 = tpu.memref_slice %arg17[%run_scoped3A_273, %dma_start3A_329, %dma_start3A_330] : memref<2x80x80xf32, #tpu.memory_space<vmem>> -> memref<1x40x80xf32, #tpu.memory_space<vmem>>
        %dma_start3A_332 = tpu.memref_squeeze %dma_start3A_331 : memref<1x40x80xf32, #tpu.memory_space<vmem>> -> memref<40x80xf32, #tpu.memory_space<vmem>>
        %dma_start3A_333 = arith.constant 0 : i32
        %dma_start3A_334 = tpu.memref_slice %arg19[%add3A_272, %dma_start3A_333] : memref<10000x80xf32, #tpu.memory_space<vmem_shared>> -> memref<40x80xf32, #tpu.memory_space<vmem_shared>>
        %dma_start3A_335 = arith.constant 0 : i32
        %dma_start3A_336 = tpu.memref_slice %arg19[%add3A_272, %dma_start3A_335] : memref<10000x80xf32, #tpu.memory_space<vmem_shared>> -> memref<40x80xf32, #tpu.memory_space<vmem_shared>>
        %dma_start3A_337 = arith.constant 0 : i32
        %dma_start3A_338 = arith.constant 0 : i32
        %dma_start3A_339 = tpu.memref_slice %arg17[%run_scoped3A_273, %dma_start3A_337, %dma_start3A_338] : memref<2x80x80xf32, #tpu.memory_space<vmem>> -> memref<1x40x80xf32, #tpu.memory_space<vmem>>
        %dma_start3A_340 = tpu.memref_squeeze %dma_start3A_339 : memref<1x40x80xf32, #tpu.memory_space<vmem>> -> memref<40x80xf32, #tpu.memory_space<vmem>>
        tpu.enqueue_dma source(%dma_start3A_340 : memref<40x80xf32, #tpu.memory_space<vmem>>) target(%dma_start3A_336 : memref<40x80xf32, #tpu.memory_space<vmem_shared>>) target_semaphore(%run_scoped3A_328 : memref<!tpu.dma_semaphore, #tpu.memory_space<semaphore_mem>>)
        %dma_wait3A_341 = arith.constant 0 : i32
        %dma_wait3A_342 = arith.constant 0 : i32
        %dma_wait3A_343 = tpu.memref_slice %arg17[%run_scoped3A_273, %dma_wait3A_341, %dma_wait3A_342] : memref<2x80x80xf32, #tpu.memory_space<vmem>> -> memref<1x40x80xf32, #tpu.memory_space<vmem>>
        %dma_wait3A_344 = tpu.memref_squeeze %dma_wait3A_343 : memref<1x40x80xf32, #tpu.memory_space<vmem>> -> memref<40x80xf32, #tpu.memory_space<vmem>>
        %dma_wait3A_345 = arith.constant 0 : i32
        %dma_wait3A_346 = tpu.memref_slice %arg19[%add3A_272, %dma_wait3A_345] : memref<10000x80xf32, #tpu.memory_space<vmem_shared>> -> memref<40x80xf32, #tpu.memory_space<vmem_shared>>
        %dma_wait3A_347 = arith.constant 0 : i32
        %dma_wait3A_348 = tpu.memref_slice %arg19[%add3A_272, %dma_wait3A_347] : memref<10000x80xf32, #tpu.memory_space<vmem_shared>> -> memref<40x80xf32, #tpu.memory_space<vmem_shared>>
        %dma_wait3A_349 = arith.constant 0 : i32
        %dma_wait3A_350 = arith.constant 0 : i32
        %dma_wait3A_351 = tpu.memref_slice %arg17[%run_scoped3A_273, %dma_wait3A_349, %dma_wait3A_350] : memref<2x80x80xf32, #tpu.memory_space<vmem>> -> memref<1x40x80xf32, #tpu.memory_space<vmem>>
        %dma_wait3A_352 = tpu.memref_squeeze %dma_wait3A_351 : memref<1x40x80xf32, #tpu.memory_space<vmem>> -> memref<40x80xf32, #tpu.memory_space<vmem>>
        tpu.wait_dma2 semaphore(%run_scoped3A_328 : memref<!tpu.dma_semaphore, #tpu.memory_space<semaphore_mem>>) src(%dma_wait3A_352 : memref<40x80xf32, #tpu.memory_space<vmem>>) dst(%dma_wait3A_348 : memref<40x80xf32, #tpu.memory_space<vmem_shared>>)
        tpu.yield
      }) : () -> ()
      %add3A_274 = arith.constant 280 : i32
      %add3A_275 = arith.addi %mul3A_253, %add3A_274 : i32
      %run_scoped3A_276 = arith.constant 0 : i32
      "tpu.region"() ({
        %run_scoped3A_328 = tpu.sem_alloc : memref<!tpu.dma_semaphore, #tpu.memory_space<semaphore_mem>>
        %dma_start3A_329 = arith.constant 0 : i32
        %dma_start3A_330 = arith.constant 0 : i32
        %dma_start3A_331 = tpu.memref_slice %arg17[%run_scoped3A_276, %dma_start3A_329, %dma_start3A_330] : memref<2x80x80xf32, #tpu.memory_space<vmem>> -> memref<1x40x80xf32, #tpu.memory_space<vmem>>
        %dma_start3A_332 = tpu.memref_squeeze %dma_start3A_331 : memref<1x40x80xf32, #tpu.memory_space<vmem>> -> memref<40x80xf32, #tpu.memory_space<vmem>>
        %dma_start3A_333 = arith.constant 0 : i32
        %dma_start3A_334 = tpu.memref_slice %arg19[%add3A_275, %dma_start3A_333] : memref<10000x80xf32, #tpu.memory_space<vmem_shared>> -> memref<40x80xf32, #tpu.memory_space<vmem_shared>>
        %dma_start3A_335 = arith.constant 0 : i32
        %dma_start3A_336 = tpu.memref_slice %arg19[%add3A_275, %dma_start3A_335] : memref<10000x80xf32, #tpu.memory_space<vmem_shared>> -> memref<40x80xf32, #tpu.memory_space<vmem_shared>>
        %dma_start3A_337 = arith.constant 0 : i32
        %dma_start3A_338 = arith.constant 0 : i32
        %dma_start3A_339 = tpu.memref_slice %arg17[%run_scoped3A_276, %dma_start3A_337, %dma_start3A_338] : memref<2x80x80xf32, #tpu.memory_space<vmem>> -> memref<1x40x80xf32, #tpu.memory_space<vmem>>
        %dma_start3A_340 = tpu.memref_squeeze %dma_start3A_339 : memref<1x40x80xf32, #tpu.memory_space<vmem>> -> memref<40x80xf32, #tpu.memory_space<vmem>>
        tpu.enqueue_dma source(%dma_start3A_340 : memref<40x80xf32, #tpu.memory_space<vmem>>) target(%dma_start3A_336 : memref<40x80xf32, #tpu.memory_space<vmem_shared>>) target_semaphore(%run_scoped3A_328 : memref<!tpu.dma_semaphore, #tpu.memory_space<semaphore_mem>>)
        %dma_wait3A_341 = arith.constant 0 : i32
        %dma_wait3A_342 = arith.constant 0 : i32
        %dma_wait3A_343 = tpu.memref_slice %arg17[%run_scoped3A_276, %dma_wait3A_341, %dma_wait3A_342] : memref<2x80x80xf32, #tpu.memory_space<vmem>> -> memref<1x40x80xf32, #tpu.memory_space<vmem>>
        %dma_wait3A_344 = tpu.memref_squeeze %dma_wait3A_343 : memref<1x40x80xf32, #tpu.memory_space<vmem>> -> memref<40x80xf32, #tpu.memory_space<vmem>>
        %dma_wait3A_345 = arith.constant 0 : i32
        %dma_wait3A_346 = tpu.memref_slice %arg19[%add3A_275, %dma_wait3A_345] : memref<10000x80xf32, #tpu.memory_space<vmem_shared>> -> memref<40x80xf32, #tpu.memory_space<vmem_shared>>
        %dma_wait3A_347 = arith.constant 0 : i32
        %dma_wait3A_348 = tpu.memref_slice %arg19[%add3A_275, %dma_wait3A_347] : memref<10000x80xf32, #tpu.memory_space<vmem_shared>> -> memref<40x80xf32, #tpu.memory_space<vmem_shared>>
        %dma_wait3A_349 = arith.constant 0 : i32
        %dma_wait3A_350 = arith.constant 0 : i32
        %dma_wait3A_351 = tpu.memref_slice %arg17[%run_scoped3A_276, %dma_wait3A_349, %dma_wait3A_350] : memref<2x80x80xf32, #tpu.memory_space<vmem>> -> memref<1x40x80xf32, #tpu.memory_space<vmem>>
        %dma_wait3A_352 = tpu.memref_squeeze %dma_wait3A_351 : memref<1x40x80xf32, #tpu.memory_space<vmem>> -> memref<40x80xf32, #tpu.memory_space<vmem>>
        tpu.wait_dma2 semaphore(%run_scoped3A_328 : memref<!tpu.dma_semaphore, #tpu.memory_space<semaphore_mem>>) src(%dma_wait3A_352 : memref<40x80xf32, #tpu.memory_space<vmem>>) dst(%dma_wait3A_348 : memref<40x80xf32, #tpu.memory_space<vmem_shared>>)
        tpu.yield
      }) : () -> ()
      %add3A_277 = arith.constant 320 : i32
      %add3A_278 = arith.addi %mul3A_253, %add3A_277 : i32
      %run_scoped3A_279 = arith.constant 0 : i32
      "tpu.region"() ({
        %run_scoped3A_328 = tpu.sem_alloc : memref<!tpu.dma_semaphore, #tpu.memory_space<semaphore_mem>>
        %dma_start3A_329 = arith.constant 0 : i32
        %dma_start3A_330 = arith.constant 0 : i32
        %dma_start3A_331 = tpu.memref_slice %arg17[%run_scoped3A_279, %dma_start3A_329, %dma_start3A_330] : memref<2x80x80xf32, #tpu.memory_space<vmem>> -> memref<1x40x80xf32, #tpu.memory_space<vmem>>
        %dma_start3A_332 = tpu.memref_squeeze %dma_start3A_331 : memref<1x40x80xf32, #tpu.memory_space<vmem>> -> memref<40x80xf32, #tpu.memory_space<vmem>>
        %dma_start3A_333 = arith.constant 0 : i32
        %dma_start3A_334 = tpu.memref_slice %arg19[%add3A_278, %dma_start3A_333] : memref<10000x80xf32, #tpu.memory_space<vmem_shared>> -> memref<40x80xf32, #tpu.memory_space<vmem_shared>>
        %dma_start3A_335 = arith.constant 0 : i32
        %dma_start3A_336 = tpu.memref_slice %arg19[%add3A_278, %dma_start3A_335] : memref<10000x80xf32, #tpu.memory_space<vmem_shared>> -> memref<40x80xf32, #tpu.memory_space<vmem_shared>>
        %dma_start3A_337 = arith.constant 0 : i32
        %dma_start3A_338 = arith.constant 0 : i32
        %dma_start3A_339 = tpu.memref_slice %arg17[%run_scoped3A_279, %dma_start3A_337, %dma_start3A_338] : memref<2x80x80xf32, #tpu.memory_space<vmem>> -> memref<1x40x80xf32, #tpu.memory_space<vmem>>
        %dma_start3A_340 = tpu.memref_squeeze %dma_start3A_339 : memref<1x40x80xf32, #tpu.memory_space<vmem>> -> memref<40x80xf32, #tpu.memory_space<vmem>>
        tpu.enqueue_dma source(%dma_start3A_340 : memref<40x80xf32, #tpu.memory_space<vmem>>) target(%dma_start3A_336 : memref<40x80xf32, #tpu.memory_space<vmem_shared>>) target_semaphore(%run_scoped3A_328 : memref<!tpu.dma_semaphore, #tpu.memory_space<semaphore_mem>>)
        %dma_wait3A_341 = arith.constant 0 : i32
        %dma_wait3A_342 = arith.constant 0 : i32
        %dma_wait3A_343 = tpu.memref_slice %arg17[%run_scoped3A_279, %dma_wait3A_341, %dma_wait3A_342] : memref<2x80x80xf32, #tpu.memory_space<vmem>> -> memref<1x40x80xf32, #tpu.memory_space<vmem>>
        %dma_wait3A_344 = tpu.memref_squeeze %dma_wait3A_343 : memref<1x40x80xf32, #tpu.memory_space<vmem>> -> memref<40x80xf32, #tpu.memory_space<vmem>>
        %dma_wait3A_345 = arith.constant 0 : i32
        %dma_wait3A_346 = tpu.memref_slice %arg19[%add3A_278, %dma_wait3A_345] : memref<10000x80xf32, #tpu.memory_space<vmem_shared>> -> memref<40x80xf32, #tpu.memory_space<vmem_shared>>
        %dma_wait3A_347 = arith.constant 0 : i32
        %dma_wait3A_348 = tpu.memref_slice %arg19[%add3A_278, %dma_wait3A_347] : memref<10000x80xf32, #tpu.memory_space<vmem_shared>> -> memref<40x80xf32, #tpu.memory_space<vmem_shared>>
        %dma_wait3A_349 = arith.constant 0 : i32
        %dma_wait3A_350 = arith.constant 0 : i32
        %dma_wait3A_351 = tpu.memref_slice %arg17[%run_scoped3A_279, %dma_wait3A_349, %dma_wait3A_350] : memref<2x80x80xf32, #tpu.memory_space<vmem>> -> memref<1x40x80xf32, #tpu.memory_space<vmem>>
        %dma_wait3A_352 = tpu.memref_squeeze %dma_wait3A_351 : memref<1x40x80xf32, #tpu.memory_space<vmem>> -> memref<40x80xf32, #tpu.memory_space<vmem>>
        tpu.wait_dma2 semaphore(%run_scoped3A_328 : memref<!tpu.dma_semaphore, #tpu.memory_space<semaphore_mem>>) src(%dma_wait3A_352 : memref<40x80xf32, #tpu.memory_space<vmem>>) dst(%dma_wait3A_348 : memref<40x80xf32, #tpu.memory_space<vmem_shared>>)
        tpu.yield
      }) : () -> ()
      %add3A_280 = arith.constant 360 : i32
      %add3A_281 = arith.addi %mul3A_253, %add3A_280 : i32
      %run_scoped3A_282 = arith.constant 0 : i32
      "tpu.region"() ({
        %run_scoped3A_328 = tpu.sem_alloc : memref<!tpu.dma_semaphore, #tpu.memory_space<semaphore_mem>>
        %dma_start3A_329 = arith.constant 0 : i32
        %dma_start3A_330 = arith.constant 0 : i32
        %dma_start3A_331 = tpu.memref_slice %arg17[%run_scoped3A_282, %dma_start3A_329, %dma_start3A_330] : memref<2x80x80xf32, #tpu.memory_space<vmem>> -> memref<1x40x80xf32, #tpu.memory_space<vmem>>
        %dma_start3A_332 = tpu.memref_squeeze %dma_start3A_331 : memref<1x40x80xf32, #tpu.memory_space<vmem>> -> memref<40x80xf32, #tpu.memory_space<vmem>>
        %dma_start3A_333 = arith.constant 0 : i32
        %dma_start3A_334 = tpu.memref_slice %arg19[%add3A_281, %dma_start3A_333] : memref<10000x80xf32, #tpu.memory_space<vmem_shared>> -> memref<40x80xf32, #tpu.memory_space<vmem_shared>>
        %dma_start3A_335 = arith.constant 0 : i32
        %dma_start3A_336 = tpu.memref_slice %arg19[%add3A_281, %dma_start3A_335] : memref<10000x80xf32, #tpu.memory_space<vmem_shared>> -> memref<40x80xf32, #tpu.memory_space<vmem_shared>>
        %dma_start3A_337 = arith.constant 0 : i32
        %dma_start3A_338 = arith.constant 0 : i32
        %dma_start3A_339 = tpu.memref_slice %arg17[%run_scoped3A_282, %dma_start3A_337, %dma_start3A_338] : memref<2x80x80xf32, #tpu.memory_space<vmem>> -> memref<1x40x80xf32, #tpu.memory_space<vmem>>
        %dma_start3A_340 = tpu.memref_squeeze %dma_start3A_339 : memref<1x40x80xf32, #tpu.memory_space<vmem>> -> memref<40x80xf32, #tpu.memory_space<vmem>>
        tpu.enqueue_dma source(%dma_start3A_340 : memref<40x80xf32, #tpu.memory_space<vmem>>) target(%dma_start3A_336 : memref<40x80xf32, #tpu.memory_space<vmem_shared>>) target_semaphore(%run_scoped3A_328 : memref<!tpu.dma_semaphore, #tpu.memory_space<semaphore_mem>>)
        %dma_wait3A_341 = arith.constant 0 : i32
        %dma_wait3A_342 = arith.constant 0 : i32
        %dma_wait3A_343 = tpu.memref_slice %arg17[%run_scoped3A_282, %dma_wait3A_341, %dma_wait3A_342] : memref<2x80x80xf32, #tpu.memory_space<vmem>> -> memref<1x40x80xf32, #tpu.memory_space<vmem>>
        %dma_wait3A_344 = tpu.memref_squeeze %dma_wait3A_343 : memref<1x40x80xf32, #tpu.memory_space<vmem>> -> memref<40x80xf32, #tpu.memory_space<vmem>>
        %dma_wait3A_345 = arith.constant 0 : i32
        %dma_wait3A_346 = tpu.memref_slice %arg19[%add3A_281, %dma_wait3A_345] : memref<10000x80xf32, #tpu.memory_space<vmem_shared>> -> memref<40x80xf32, #tpu.memory_space<vmem_shared>>
        %dma_wait3A_347 = arith.constant 0 : i32
        %dma_wait3A_348 = tpu.memref_slice %arg19[%add3A_281, %dma_wait3A_347] : memref<10000x80xf32, #tpu.memory_space<vmem_shared>> -> memref<40x80xf32, #tpu.memory_space<vmem_shared>>
        %dma_wait3A_349 = arith.constant 0 : i32
        %dma_wait3A_350 = arith.constant 0 : i32
        %dma_wait3A_351 = tpu.memref_slice %arg17[%run_scoped3A_282, %dma_wait3A_349, %dma_wait3A_350] : memref<2x80x80xf32, #tpu.memory_space<vmem>> -> memref<1x40x80xf32, #tpu.memory_space<vmem>>
        %dma_wait3A_352 = tpu.memref_squeeze %dma_wait3A_351 : memref<1x40x80xf32, #tpu.memory_space<vmem>> -> memref<40x80xf32, #tpu.memory_space<vmem>>
        tpu.wait_dma2 semaphore(%run_scoped3A_328 : memref<!tpu.dma_semaphore, #tpu.memory_space<semaphore_mem>>) src(%dma_wait3A_352 : memref<40x80xf32, #tpu.memory_space<vmem>>) dst(%dma_wait3A_348 : memref<40x80xf32, #tpu.memory_space<vmem_shared>>)
        tpu.yield
      }) : () -> ()
      %add3A_283 = arith.constant 400 : i32
      %add3A_284 = arith.addi %mul3A_253, %add3A_283 : i32
      %run_scoped3A_285 = arith.constant 0 : i32
      "tpu.region"() ({
        %run_scoped3A_328 = tpu.sem_alloc : memref<!tpu.dma_semaphore, #tpu.memory_space<semaphore_mem>>
        %dma_start3A_329 = arith.constant 0 : i32
        %dma_start3A_330 = arith.constant 0 : i32
        %dma_start3A_331 = tpu.memref_slice %arg17[%run_scoped3A_285, %dma_start3A_329, %dma_start3A_330] : memref<2x80x80xf32, #tpu.memory_space<vmem>> -> memref<1x40x80xf32, #tpu.memory_space<vmem>>
        %dma_start3A_332 = tpu.memref_squeeze %dma_start3A_331 : memref<1x40x80xf32, #tpu.memory_space<vmem>> -> memref<40x80xf32, #tpu.memory_space<vmem>>
        %dma_start3A_333 = arith.constant 0 : i32
        %dma_start3A_334 = tpu.memref_slice %arg19[%add3A_284, %dma_start3A_333] : memref<10000x80xf32, #tpu.memory_space<vmem_shared>> -> memref<40x80xf32, #tpu.memory_space<vmem_shared>>
        %dma_start3A_335 = arith.constant 0 : i32
        %dma_start3A_336 = tpu.memref_slice %arg19[%add3A_284, %dma_start3A_335] : memref<10000x80xf32, #tpu.memory_space<vmem_shared>> -> memref<40x80xf32, #tpu.memory_space<vmem_shared>>
        %dma_start3A_337 = arith.constant 0 : i32
        %dma_start3A_338 = arith.constant 0 : i32
        %dma_start3A_339 = tpu.memref_slice %arg17[%run_scoped3A_285, %dma_start3A_337, %dma_start3A_338] : memref<2x80x80xf32, #tpu.memory_space<vmem>> -> memref<1x40x80xf32, #tpu.memory_space<vmem>>
        %dma_start3A_340 = tpu.memref_squeeze %dma_start3A_339 : memref<1x40x80xf32, #tpu.memory_space<vmem>> -> memref<40x80xf32, #tpu.memory_space<vmem>>
        tpu.enqueue_dma source(%dma_start3A_340 : memref<40x80xf32, #tpu.memory_space<vmem>>) target(%dma_start3A_336 : memref<40x80xf32, #tpu.memory_space<vmem_shared>>) target_semaphore(%run_scoped3A_328 : memref<!tpu.dma_semaphore, #tpu.memory_space<semaphore_mem>>)
        %dma_wait3A_341 = arith.constant 0 : i32
        %dma_wait3A_342 = arith.constant 0 : i32
        %dma_wait3A_343 = tpu.memref_slice %arg17[%run_scoped3A_285, %dma_wait3A_341, %dma_wait3A_342] : memref<2x80x80xf32, #tpu.memory_space<vmem>> -> memref<1x40x80xf32, #tpu.memory_space<vmem>>
        %dma_wait3A_344 = tpu.memref_squeeze %dma_wait3A_343 : memref<1x40x80xf32, #tpu.memory_space<vmem>> -> memref<40x80xf32, #tpu.memory_space<vmem>>
        %dma_wait3A_345 = arith.constant 0 : i32
        %dma_wait3A_346 = tpu.memref_slice %arg19[%add3A_284, %dma_wait3A_345] : memref<10000x80xf32, #tpu.memory_space<vmem_shared>> -> memref<40x80xf32, #tpu.memory_space<vmem_shared>>
        %dma_wait3A_347 = arith.constant 0 : i32
        %dma_wait3A_348 = tpu.memref_slice %arg19[%add3A_284, %dma_wait3A_347] : memref<10000x80xf32, #tpu.memory_space<vmem_shared>> -> memref<40x80xf32, #tpu.memory_space<vmem_shared>>
        %dma_wait3A_349 = arith.constant 0 : i32
        %dma_wait3A_350 = arith.constant 0 : i32
        %dma_wait3A_351 = tpu.memref_slice %arg17[%run_scoped3A_285, %dma_wait3A_349, %dma_wait3A_350] : memref<2x80x80xf32, #tpu.memory_space<vmem>> -> memref<1x40x80xf32, #tpu.memory_space<vmem>>
        %dma_wait3A_352 = tpu.memref_squeeze %dma_wait3A_351 : memref<1x40x80xf32, #tpu.memory_space<vmem>> -> memref<40x80xf32, #tpu.memory_space<vmem>>
        tpu.wait_dma2 semaphore(%run_scoped3A_328 : memref<!tpu.dma_semaphore, #tpu.memory_space<semaphore_mem>>) src(%dma_wait3A_352 : memref<40x80xf32, #tpu.memory_space<vmem>>) dst(%dma_wait3A_348 : memref<40x80xf32, #tpu.memory_space<vmem_shared>>)
        tpu.yield
      }) : () -> ()
      %add3A_286 = arith.constant 440 : i32
      %add3A_287 = arith.addi %mul3A_253, %add3A_286 : i32
      %run_scoped3A_288 = arith.constant 0 : i32
      "tpu.region"() ({
        %run_scoped3A_328 = tpu.sem_alloc : memref<!tpu.dma_semaphore, #tpu.memory_space<semaphore_mem>>
        %dma_start3A_329 = arith.constant 0 : i32
        %dma_start3A_330 = arith.constant 0 : i32
        %dma_start3A_331 = tpu.memref_slice %arg17[%run_scoped3A_288, %dma_start3A_329, %dma_start3A_330] : memref<2x80x80xf32, #tpu.memory_space<vmem>> -> memref<1x40x80xf32, #tpu.memory_space<vmem>>
        %dma_start3A_332 = tpu.memref_squeeze %dma_start3A_331 : memref<1x40x80xf32, #tpu.memory_space<vmem>> -> memref<40x80xf32, #tpu.memory_space<vmem>>
        %dma_start3A_333 = arith.constant 0 : i32
        %dma_start3A_334 = tpu.memref_slice %arg19[%add3A_287, %dma_start3A_333] : memref<10000x80xf32, #tpu.memory_space<vmem_shared>> -> memref<40x80xf32, #tpu.memory_space<vmem_shared>>
        %dma_start3A_335 = arith.constant 0 : i32
        %dma_start3A_336 = tpu.memref_slice %arg19[%add3A_287, %dma_start3A_335] : memref<10000x80xf32, #tpu.memory_space<vmem_shared>> -> memref<40x80xf32, #tpu.memory_space<vmem_shared>>
        %dma_start3A_337 = arith.constant 0 : i32
        %dma_start3A_338 = arith.constant 0 : i32
        %dma_start3A_339 = tpu.memref_slice %arg17[%run_scoped3A_288, %dma_start3A_337, %dma_start3A_338] : memref<2x80x80xf32, #tpu.memory_space<vmem>> -> memref<1x40x80xf32, #tpu.memory_space<vmem>>
        %dma_start3A_340 = tpu.memref_squeeze %dma_start3A_339 : memref<1x40x80xf32, #tpu.memory_space<vmem>> -> memref<40x80xf32, #tpu.memory_space<vmem>>
        tpu.enqueue_dma source(%dma_start3A_340 : memref<40x80xf32, #tpu.memory_space<vmem>>) target(%dma_start3A_336 : memref<40x80xf32, #tpu.memory_space<vmem_shared>>) target_semaphore(%run_scoped3A_328 : memref<!tpu.dma_semaphore, #tpu.memory_space<semaphore_mem>>)
        %dma_wait3A_341 = arith.constant 0 : i32
        %dma_wait3A_342 = arith.constant 0 : i32
        %dma_wait3A_343 = tpu.memref_slice %arg17[%run_scoped3A_288, %dma_wait3A_341, %dma_wait3A_342] : memref<2x80x80xf32, #tpu.memory_space<vmem>> -> memref<1x40x80xf32, #tpu.memory_space<vmem>>
        %dma_wait3A_344 = tpu.memref_squeeze %dma_wait3A_343 : memref<1x40x80xf32, #tpu.memory_space<vmem>> -> memref<40x80xf32, #tpu.memory_space<vmem>>
        %dma_wait3A_345 = arith.constant 0 : i32
        %dma_wait3A_346 = tpu.memref_slice %arg19[%add3A_287, %dma_wait3A_345] : memref<10000x80xf32, #tpu.memory_space<vmem_shared>> -> memref<40x80xf32, #tpu.memory_space<vmem_shared>>
        %dma_wait3A_347 = arith.constant 0 : i32
        %dma_wait3A_348 = tpu.memref_slice %arg19[%add3A_287, %dma_wait3A_347] : memref<10000x80xf32, #tpu.memory_space<vmem_shared>> -> memref<40x80xf32, #tpu.memory_space<vmem_shared>>
        %dma_wait3A_349 = arith.constant 0 : i32
        %dma_wait3A_350 = arith.constant 0 : i32
        %dma_wait3A_351 = tpu.memref_slice %arg17[%run_scoped3A_288, %dma_wait3A_349, %dma_wait3A_350] : memref<2x80x80xf32, #tpu.memory_space<vmem>> -> memref<1x40x80xf32, #tpu.memory_space<vmem>>
        %dma_wait3A_352 = tpu.memref_squeeze %dma_wait3A_351 : memref<1x40x80xf32, #tpu.memory_space<vmem>> -> memref<40x80xf32, #tpu.memory_space<vmem>>
        tpu.wait_dma2 semaphore(%run_scoped3A_328 : memref<!tpu.dma_semaphore, #tpu.memory_space<semaphore_mem>>) src(%dma_wait3A_352 : memref<40x80xf32, #tpu.memory_space<vmem>>) dst(%dma_wait3A_348 : memref<40x80xf32, #tpu.memory_space<vmem_shared>>)
        tpu.yield
      }) : () -> ()
      %add3A_289 = arith.constant 480 : i32
      %add3A_290 = arith.addi %mul3A_253, %add3A_289 : i32
      %run_scoped3A_291 = arith.constant 0 : i32
      "tpu.region"() ({
        %run_scoped3A_328 = tpu.sem_alloc : memref<!tpu.dma_semaphore, #tpu.memory_space<semaphore_mem>>
        %dma_start3A_329 = arith.constant 0 : i32
        %dma_start3A_330 = arith.constant 0 : i32
        %dma_start3A_331 = tpu.memref_slice %arg17[%run_scoped3A_291, %dma_start3A_329, %dma_start3A_330] : memref<2x80x80xf32, #tpu.memory_space<vmem>> -> memref<1x40x80xf32, #tpu.memory_space<vmem>>
        %dma_start3A_332 = tpu.memref_squeeze %dma_start3A_331 : memref<1x40x80xf32, #tpu.memory_space<vmem>> -> memref<40x80xf32, #tpu.memory_space<vmem>>
        %dma_start3A_333 = arith.constant 0 : i32
        %dma_start3A_334 = tpu.memref_slice %arg19[%add3A_290, %dma_start3A_333] : memref<10000x80xf32, #tpu.memory_space<vmem_shared>> -> memref<40x80xf32, #tpu.memory_space<vmem_shared>>
        %dma_start3A_335 = arith.constant 0 : i32
        %dma_start3A_336 = tpu.memref_slice %arg19[%add3A_290, %dma_start3A_335] : memref<10000x80xf32, #tpu.memory_space<vmem_shared>> -> memref<40x80xf32, #tpu.memory_space<vmem_shared>>
        %dma_start3A_337 = arith.constant 0 : i32
        %dma_start3A_338 = arith.constant 0 : i32
        %dma_start3A_339 = tpu.memref_slice %arg17[%run_scoped3A_291, %dma_start3A_337, %dma_start3A_338] : memref<2x80x80xf32, #tpu.memory_space<vmem>> -> memref<1x40x80xf32, #tpu.memory_space<vmem>>
        %dma_start3A_340 = tpu.memref_squeeze %dma_start3A_339 : memref<1x40x80xf32, #tpu.memory_space<vmem>> -> memref<40x80xf32, #tpu.memory_space<vmem>>
        tpu.enqueue_dma source(%dma_start3A_340 : memref<40x80xf32, #tpu.memory_space<vmem>>) target(%dma_start3A_336 : memref<40x80xf32, #tpu.memory_space<vmem_shared>>) target_semaphore(%run_scoped3A_328 : memref<!tpu.dma_semaphore, #tpu.memory_space<semaphore_mem>>)
        %dma_wait3A_341 = arith.constant 0 : i32
        %dma_wait3A_342 = arith.constant 0 : i32
        %dma_wait3A_343 = tpu.memref_slice %arg17[%run_scoped3A_291, %dma_wait3A_341, %dma_wait3A_342] : memref<2x80x80xf32, #tpu.memory_space<vmem>> -> memref<1x40x80xf32, #tpu.memory_space<vmem>>
        %dma_wait3A_344 = tpu.memref_squeeze %dma_wait3A_343 : memref<1x40x80xf32, #tpu.memory_space<vmem>> -> memref<40x80xf32, #tpu.memory_space<vmem>>
        %dma_wait3A_345 = arith.constant 0 : i32
        %dma_wait3A_346 = tpu.memref_slice %arg19[%add3A_290, %dma_wait3A_345] : memref<10000x80xf32, #tpu.memory_space<vmem_shared>> -> memref<40x80xf32, #tpu.memory_space<vmem_shared>>
        %dma_wait3A_347 = arith.constant 0 : i32
        %dma_wait3A_348 = tpu.memref_slice %arg19[%add3A_290, %dma_wait3A_347] : memref<10000x80xf32, #tpu.memory_space<vmem_shared>> -> memref<40x80xf32, #tpu.memory_space<vmem_shared>>
        %dma_wait3A_349 = arith.constant 0 : i32
        %dma_wait3A_350 = arith.constant 0 : i32
        %dma_wait3A_351 = tpu.memref_slice %arg17[%run_scoped3A_291, %dma_wait3A_349, %dma_wait3A_350] : memref<2x80x80xf32, #tpu.memory_space<vmem>> -> memref<1x40x80xf32, #tpu.memory_space<vmem>>
        %dma_wait3A_352 = tpu.memref_squeeze %dma_wait3A_351 : memref<1x40x80xf32, #tpu.memory_space<vmem>> -> memref<40x80xf32, #tpu.memory_space<vmem>>
        tpu.wait_dma2 semaphore(%run_scoped3A_328 : memref<!tpu.dma_semaphore, #tpu.memory_space<semaphore_mem>>) src(%dma_wait3A_352 : memref<40x80xf32, #tpu.memory_space<vmem>>) dst(%dma_wait3A_348 : memref<40x80xf32, #tpu.memory_space<vmem_shared>>)
        tpu.yield
      }) : () -> ()
      %add3A_292 = arith.constant 520 : i32
      %add3A_293 = arith.addi %mul3A_253, %add3A_292 : i32
      %run_scoped3A_294 = arith.constant 0 : i32
      "tpu.region"() ({
        %run_scoped3A_328 = tpu.sem_alloc : memref<!tpu.dma_semaphore, #tpu.memory_space<semaphore_mem>>
        %dma_start3A_329 = arith.constant 0 : i32
        %dma_start3A_330 = arith.constant 0 : i32
        %dma_start3A_331 = tpu.memref_slice %arg17[%run_scoped3A_294, %dma_start3A_329, %dma_start3A_330] : memref<2x80x80xf32, #tpu.memory_space<vmem>> -> memref<1x40x80xf32, #tpu.memory_space<vmem>>
        %dma_start3A_332 = tpu.memref_squeeze %dma_start3A_331 : memref<1x40x80xf32, #tpu.memory_space<vmem>> -> memref<40x80xf32, #tpu.memory_space<vmem>>
        %dma_start3A_333 = arith.constant 0 : i32
        %dma_start3A_334 = tpu.memref_slice %arg19[%add3A_293, %dma_start3A_333] : memref<10000x80xf32, #tpu.memory_space<vmem_shared>> -> memref<40x80xf32, #tpu.memory_space<vmem_shared>>
        %dma_start3A_335 = arith.constant 0 : i32
        %dma_start3A_336 = tpu.memref_slice %arg19[%add3A_293, %dma_start3A_335] : memref<10000x80xf32, #tpu.memory_space<vmem_shared>> -> memref<40x80xf32, #tpu.memory_space<vmem_shared>>
        %dma_start3A_337 = arith.constant 0 : i32
        %dma_start3A_338 = arith.constant 0 : i32
        %dma_start3A_339 = tpu.memref_slice %arg17[%run_scoped3A_294, %dma_start3A_337, %dma_start3A_338] : memref<2x80x80xf32, #tpu.memory_space<vmem>> -> memref<1x40x80xf32, #tpu.memory_space<vmem>>
        %dma_start3A_340 = tpu.memref_squeeze %dma_start3A_339 : memref<1x40x80xf32, #tpu.memory_space<vmem>> -> memref<40x80xf32, #tpu.memory_space<vmem>>
        tpu.enqueue_dma source(%dma_start3A_340 : memref<40x80xf32, #tpu.memory_space<vmem>>) target(%dma_start3A_336 : memref<40x80xf32, #tpu.memory_space<vmem_shared>>) target_semaphore(%run_scoped3A_328 : memref<!tpu.dma_semaphore, #tpu.memory_space<semaphore_mem>>)
        %dma_wait3A_341 = arith.constant 0 : i32
        %dma_wait3A_342 = arith.constant 0 : i32
        %dma_wait3A_343 = tpu.memref_slice %arg17[%run_scoped3A_294, %dma_wait3A_341, %dma_wait3A_342] : memref<2x80x80xf32, #tpu.memory_space<vmem>> -> memref<1x40x80xf32, #tpu.memory_space<vmem>>
        %dma_wait3A_344 = tpu.memref_squeeze %dma_wait3A_343 : memref<1x40x80xf32, #tpu.memory_space<vmem>> -> memref<40x80xf32, #tpu.memory_space<vmem>>
        %dma_wait3A_345 = arith.constant 0 : i32
        %dma_wait3A_346 = tpu.memref_slice %arg19[%add3A_293, %dma_wait3A_345] : memref<10000x80xf32, #tpu.memory_space<vmem_shared>> -> memref<40x80xf32, #tpu.memory_space<vmem_shared>>
        %dma_wait3A_347 = arith.constant 0 : i32
        %dma_wait3A_348 = tpu.memref_slice %arg19[%add3A_293, %dma_wait3A_347] : memref<10000x80xf32, #tpu.memory_space<vmem_shared>> -> memref<40x80xf32, #tpu.memory_space<vmem_shared>>
        %dma_wait3A_349 = arith.constant 0 : i32
        %dma_wait3A_350 = arith.constant 0 : i32
        %dma_wait3A_351 = tpu.memref_slice %arg17[%run_scoped3A_294, %dma_wait3A_349, %dma_wait3A_350] : memref<2x80x80xf32, #tpu.memory_space<vmem>> -> memref<1x40x80xf32, #tpu.memory_space<vmem>>
        %dma_wait3A_352 = tpu.memref_squeeze %dma_wait3A_351 : memref<1x40x80xf32, #tpu.memory_space<vmem>> -> memref<40x80xf32, #tpu.memory_space<vmem>>
        tpu.wait_dma2 semaphore(%run_scoped3A_328 : memref<!tpu.dma_semaphore, #tpu.memory_space<semaphore_mem>>) src(%dma_wait3A_352 : memref<40x80xf32, #tpu.memory_space<vmem>>) dst(%dma_wait3A_348 : memref<40x80xf32, #tpu.memory_space<vmem_shared>>)
        tpu.yield
      }) : () -> ()
      %add3A_295 = arith.constant 560 : i32
      %add3A_296 = arith.addi %mul3A_253, %add3A_295 : i32
      %run_scoped3A_297 = arith.constant 0 : i32
      "tpu.region"() ({
        %run_scoped3A_328 = tpu.sem_alloc : memref<!tpu.dma_semaphore, #tpu.memory_space<semaphore_mem>>
        %dma_start3A_329 = arith.constant 0 : i32
        %dma_start3A_330 = arith.constant 0 : i32
        %dma_start3A_331 = tpu.memref_slice %arg17[%run_scoped3A_297, %dma_start3A_329, %dma_start3A_330] : memref<2x80x80xf32, #tpu.memory_space<vmem>> -> memref<1x40x80xf32, #tpu.memory_space<vmem>>
        %dma_start3A_332 = tpu.memref_squeeze %dma_start3A_331 : memref<1x40x80xf32, #tpu.memory_space<vmem>> -> memref<40x80xf32, #tpu.memory_space<vmem>>
        %dma_start3A_333 = arith.constant 0 : i32
        %dma_start3A_334 = tpu.memref_slice %arg19[%add3A_296, %dma_start3A_333] : memref<10000x80xf32, #tpu.memory_space<vmem_shared>> -> memref<40x80xf32, #tpu.memory_space<vmem_shared>>
        %dma_start3A_335 = arith.constant 0 : i32
        %dma_start3A_336 = tpu.memref_slice %arg19[%add3A_296, %dma_start3A_335] : memref<10000x80xf32, #tpu.memory_space<vmem_shared>> -> memref<40x80xf32, #tpu.memory_space<vmem_shared>>
        %dma_start3A_337 = arith.constant 0 : i32
        %dma_start3A_338 = arith.constant 0 : i32
        %dma_start3A_339 = tpu.memref_slice %arg17[%run_scoped3A_297, %dma_start3A_337, %dma_start3A_338] : memref<2x80x80xf32, #tpu.memory_space<vmem>> -> memref<1x40x80xf32, #tpu.memory_space<vmem>>
        %dma_start3A_340 = tpu.memref_squeeze %dma_start3A_339 : memref<1x40x80xf32, #tpu.memory_space<vmem>> -> memref<40x80xf32, #tpu.memory_space<vmem>>
        tpu.enqueue_dma source(%dma_start3A_340 : memref<40x80xf32, #tpu.memory_space<vmem>>) target(%dma_start3A_336 : memref<40x80xf32, #tpu.memory_space<vmem_shared>>) target_semaphore(%run_scoped3A_328 : memref<!tpu.dma_semaphore, #tpu.memory_space<semaphore_mem>>)
        %dma_wait3A_341 = arith.constant 0 : i32
        %dma_wait3A_342 = arith.constant 0 : i32
        %dma_wait3A_343 = tpu.memref_slice %arg17[%run_scoped3A_297, %dma_wait3A_341, %dma_wait3A_342] : memref<2x80x80xf32, #tpu.memory_space<vmem>> -> memref<1x40x80xf32, #tpu.memory_space<vmem>>
        %dma_wait3A_344 = tpu.memref_squeeze %dma_wait3A_343 : memref<1x40x80xf32, #tpu.memory_space<vmem>> -> memref<40x80xf32, #tpu.memory_space<vmem>>
        %dma_wait3A_345 = arith.constant 0 : i32
        %dma_wait3A_346 = tpu.memref_slice %arg19[%add3A_296, %dma_wait3A_345] : memref<10000x80xf32, #tpu.memory_space<vmem_shared>> -> memref<40x80xf32, #tpu.memory_space<vmem_shared>>
        %dma_wait3A_347 = arith.constant 0 : i32
        %dma_wait3A_348 = tpu.memref_slice %arg19[%add3A_296, %dma_wait3A_347] : memref<10000x80xf32, #tpu.memory_space<vmem_shared>> -> memref<40x80xf32, #tpu.memory_space<vmem_shared>>
        %dma_wait3A_349 = arith.constant 0 : i32
        %dma_wait3A_350 = arith.constant 0 : i32
        %dma_wait3A_351 = tpu.memref_slice %arg17[%run_scoped3A_297, %dma_wait3A_349, %dma_wait3A_350] : memref<2x80x80xf32, #tpu.memory_space<vmem>> -> memref<1x40x80xf32, #tpu.memory_space<vmem>>
        %dma_wait3A_352 = tpu.memref_squeeze %dma_wait3A_351 : memref<1x40x80xf32, #tpu.memory_space<vmem>> -> memref<40x80xf32, #tpu.memory_space<vmem>>
        tpu.wait_dma2 semaphore(%run_scoped3A_328 : memref<!tpu.dma_semaphore, #tpu.memory_space<semaphore_mem>>) src(%dma_wait3A_352 : memref<40x80xf32, #tpu.memory_space<vmem>>) dst(%dma_wait3A_348 : memref<40x80xf32, #tpu.memory_space<vmem_shared>>)
        tpu.yield
      }) : () -> ()
      %add3A_298 = arith.constant 600 : i32
      %add3A_299 = arith.addi %mul3A_253, %add3A_298 : i32
      %run_scoped3A_300 = arith.constant 0 : i32
      "tpu.region"() ({
        %run_scoped3A_328 = tpu.sem_alloc : memref<!tpu.dma_semaphore, #tpu.memory_space<semaphore_mem>>
        %dma_start3A_329 = arith.constant 0 : i32
        %dma_start3A_330 = arith.constant 0 : i32
        %dma_start3A_331 = tpu.memref_slice %arg17[%run_scoped3A_300, %dma_start3A_329, %dma_start3A_330] : memref<2x80x80xf32, #tpu.memory_space<vmem>> -> memref<1x40x80xf32, #tpu.memory_space<vmem>>
        %dma_start3A_332 = tpu.memref_squeeze %dma_start3A_331 : memref<1x40x80xf32, #tpu.memory_space<vmem>> -> memref<40x80xf32, #tpu.memory_space<vmem>>
        %dma_start3A_333 = arith.constant 0 : i32
        %dma_start3A_334 = tpu.memref_slice %arg19[%add3A_299, %dma_start3A_333] : memref<10000x80xf32, #tpu.memory_space<vmem_shared>> -> memref<40x80xf32, #tpu.memory_space<vmem_shared>>
        %dma_start3A_335 = arith.constant 0 : i32
        %dma_start3A_336 = tpu.memref_slice %arg19[%add3A_299, %dma_start3A_335] : memref<10000x80xf32, #tpu.memory_space<vmem_shared>> -> memref<40x80xf32, #tpu.memory_space<vmem_shared>>
        %dma_start3A_337 = arith.constant 0 : i32
        %dma_start3A_338 = arith.constant 0 : i32
        %dma_start3A_339 = tpu.memref_slice %arg17[%run_scoped3A_300, %dma_start3A_337, %dma_start3A_338] : memref<2x80x80xf32, #tpu.memory_space<vmem>> -> memref<1x40x80xf32, #tpu.memory_space<vmem>>
        %dma_start3A_340 = tpu.memref_squeeze %dma_start3A_339 : memref<1x40x80xf32, #tpu.memory_space<vmem>> -> memref<40x80xf32, #tpu.memory_space<vmem>>
        tpu.enqueue_dma source(%dma_start3A_340 : memref<40x80xf32, #tpu.memory_space<vmem>>) target(%dma_start3A_336 : memref<40x80xf32, #tpu.memory_space<vmem_shared>>) target_semaphore(%run_scoped3A_328 : memref<!tpu.dma_semaphore, #tpu.memory_space<semaphore_mem>>)
        %dma_wait3A_341 = arith.constant 0 : i32
        %dma_wait3A_342 = arith.constant 0 : i32
        %dma_wait3A_343 = tpu.memref_slice %arg17[%run_scoped3A_300, %dma_wait3A_341, %dma_wait3A_342] : memref<2x80x80xf32, #tpu.memory_space<vmem>> -> memref<1x40x80xf32, #tpu.memory_space<vmem>>
        %dma_wait3A_344 = tpu.memref_squeeze %dma_wait3A_343 : memref<1x40x80xf32, #tpu.memory_space<vmem>> -> memref<40x80xf32, #tpu.memory_space<vmem>>
        %dma_wait3A_345 = arith.constant 0 : i32
        %dma_wait3A_346 = tpu.memref_slice %arg19[%add3A_299, %dma_wait3A_345] : memref<10000x80xf32, #tpu.memory_space<vmem_shared>> -> memref<40x80xf32, #tpu.memory_space<vmem_shared>>
        %dma_wait3A_347 = arith.constant 0 : i32
        %dma_wait3A_348 = tpu.memref_slice %arg19[%add3A_299, %dma_wait3A_347] : memref<10000x80xf32, #tpu.memory_space<vmem_shared>> -> memref<40x80xf32, #tpu.memory_space<vmem_shared>>
        %dma_wait3A_349 = arith.constant 0 : i32
        %dma_wait3A_350 = arith.constant 0 : i32
        %dma_wait3A_351 = tpu.memref_slice %arg17[%run_scoped3A_300, %dma_wait3A_349, %dma_wait3A_350] : memref<2x80x80xf32, #tpu.memory_space<vmem>> -> memref<1x40x80xf32, #tpu.memory_space<vmem>>
        %dma_wait3A_352 = tpu.memref_squeeze %dma_wait3A_351 : memref<1x40x80xf32, #tpu.memory_space<vmem>> -> memref<40x80xf32, #tpu.memory_space<vmem>>
        tpu.wait_dma2 semaphore(%run_scoped3A_328 : memref<!tpu.dma_semaphore, #tpu.memory_space<semaphore_mem>>) src(%dma_wait3A_352 : memref<40x80xf32, #tpu.memory_space<vmem>>) dst(%dma_wait3A_348 : memref<40x80xf32, #tpu.memory_space<vmem_shared>>)
        tpu.yield
      }) : () -> ()
      %add3A_301 = arith.constant 640 : i32
      %add3A_302 = arith.addi %mul3A_253, %add3A_301 : i32
      %run_scoped3A_303 = arith.constant 0 : i32
      "tpu.region"() ({
        %run_scoped3A_328 = tpu.sem_alloc : memref<!tpu.dma_semaphore, #tpu.memory_space<semaphore_mem>>
        %dma_start3A_329 = arith.constant 0 : i32
        %dma_start3A_330 = arith.constant 0 : i32
        %dma_start3A_331 = tpu.memref_slice %arg17[%run_scoped3A_303, %dma_start3A_329, %dma_start3A_330] : memref<2x80x80xf32, #tpu.memory_space<vmem>> -> memref<1x40x80xf32, #tpu.memory_space<vmem>>
        %dma_start3A_332 = tpu.memref_squeeze %dma_start3A_331 : memref<1x40x80xf32, #tpu.memory_space<vmem>> -> memref<40x80xf32, #tpu.memory_space<vmem>>
        %dma_start3A_333 = arith.constant 0 : i32
        %dma_start3A_334 = tpu.memref_slice %arg19[%add3A_302, %dma_start3A_333] : memref<10000x80xf32, #tpu.memory_space<vmem_shared>> -> memref<40x80xf32, #tpu.memory_space<vmem_shared>>
        %dma_start3A_335 = arith.constant 0 : i32
        %dma_start3A_336 = tpu.memref_slice %arg19[%add3A_302, %dma_start3A_335] : memref<10000x80xf32, #tpu.memory_space<vmem_shared>> -> memref<40x80xf32, #tpu.memory_space<vmem_shared>>
        %dma_start3A_337 = arith.constant 0 : i32
        %dma_start3A_338 = arith.constant 0 : i32
        %dma_start3A_339 = tpu.memref_slice %arg17[%run_scoped3A_303, %dma_start3A_337, %dma_start3A_338] : memref<2x80x80xf32, #tpu.memory_space<vmem>> -> memref<1x40x80xf32, #tpu.memory_space<vmem>>
        %dma_start3A_340 = tpu.memref_squeeze %dma_start3A_339 : memref<1x40x80xf32, #tpu.memory_space<vmem>> -> memref<40x80xf32, #tpu.memory_space<vmem>>
        tpu.enqueue_dma source(%dma_start3A_340 : memref<40x80xf32, #tpu.memory_space<vmem>>) target(%dma_start3A_336 : memref<40x80xf32, #tpu.memory_space<vmem_shared>>) target_semaphore(%run_scoped3A_328 : memref<!tpu.dma_semaphore, #tpu.memory_space<semaphore_mem>>)
        %dma_wait3A_341 = arith.constant 0 : i32
        %dma_wait3A_342 = arith.constant 0 : i32
        %dma_wait3A_343 = tpu.memref_slice %arg17[%run_scoped3A_303, %dma_wait3A_341, %dma_wait3A_342] : memref<2x80x80xf32, #tpu.memory_space<vmem>> -> memref<1x40x80xf32, #tpu.memory_space<vmem>>
        %dma_wait3A_344 = tpu.memref_squeeze %dma_wait3A_343 : memref<1x40x80xf32, #tpu.memory_space<vmem>> -> memref<40x80xf32, #tpu.memory_space<vmem>>
        %dma_wait3A_345 = arith.constant 0 : i32
        %dma_wait3A_346 = tpu.memref_slice %arg19[%add3A_302, %dma_wait3A_345] : memref<10000x80xf32, #tpu.memory_space<vmem_shared>> -> memref<40x80xf32, #tpu.memory_space<vmem_shared>>
        %dma_wait3A_347 = arith.constant 0 : i32
        %dma_wait3A_348 = tpu.memref_slice %arg19[%add3A_302, %dma_wait3A_347] : memref<10000x80xf32, #tpu.memory_space<vmem_shared>> -> memref<40x80xf32, #tpu.memory_space<vmem_shared>>
        %dma_wait3A_349 = arith.constant 0 : i32
        %dma_wait3A_350 = arith.constant 0 : i32
        %dma_wait3A_351 = tpu.memref_slice %arg17[%run_scoped3A_303, %dma_wait3A_349, %dma_wait3A_350] : memref<2x80x80xf32, #tpu.memory_space<vmem>> -> memref<1x40x80xf32, #tpu.memory_space<vmem>>
        %dma_wait3A_352 = tpu.memref_squeeze %dma_wait3A_351 : memref<1x40x80xf32, #tpu.memory_space<vmem>> -> memref<40x80xf32, #tpu.memory_space<vmem>>
        tpu.wait_dma2 semaphore(%run_scoped3A_328 : memref<!tpu.dma_semaphore, #tpu.memory_space<semaphore_mem>>) src(%dma_wait3A_352 : memref<40x80xf32, #tpu.memory_space<vmem>>) dst(%dma_wait3A_348 : memref<40x80xf32, #tpu.memory_space<vmem_shared>>)
        tpu.yield
      }) : () -> ()
      %add3A_304 = arith.constant 680 : i32
      %add3A_305 = arith.addi %mul3A_253, %add3A_304 : i32
      %run_scoped3A_306 = arith.constant 0 : i32
      "tpu.region"() ({
        %run_scoped3A_328 = tpu.sem_alloc : memref<!tpu.dma_semaphore, #tpu.memory_space<semaphore_mem>>
        %dma_start3A_329 = arith.constant 0 : i32
        %dma_start3A_330 = arith.constant 0 : i32
        %dma_start3A_331 = tpu.memref_slice %arg17[%run_scoped3A_306, %dma_start3A_329, %dma_start3A_330] : memref<2x80x80xf32, #tpu.memory_space<vmem>> -> memref<1x40x80xf32, #tpu.memory_space<vmem>>
        %dma_start3A_332 = tpu.memref_squeeze %dma_start3A_331 : memref<1x40x80xf32, #tpu.memory_space<vmem>> -> memref<40x80xf32, #tpu.memory_space<vmem>>
        %dma_start3A_333 = arith.constant 0 : i32
        %dma_start3A_334 = tpu.memref_slice %arg19[%add3A_305, %dma_start3A_333] : memref<10000x80xf32, #tpu.memory_space<vmem_shared>> -> memref<40x80xf32, #tpu.memory_space<vmem_shared>>
        %dma_start3A_335 = arith.constant 0 : i32
        %dma_start3A_336 = tpu.memref_slice %arg19[%add3A_305, %dma_start3A_335] : memref<10000x80xf32, #tpu.memory_space<vmem_shared>> -> memref<40x80xf32, #tpu.memory_space<vmem_shared>>
        %dma_start3A_337 = arith.constant 0 : i32
        %dma_start3A_338 = arith.constant 0 : i32
        %dma_start3A_339 = tpu.memref_slice %arg17[%run_scoped3A_306, %dma_start3A_337, %dma_start3A_338] : memref<2x80x80xf32, #tpu.memory_space<vmem>> -> memref<1x40x80xf32, #tpu.memory_space<vmem>>
        %dma_start3A_340 = tpu.memref_squeeze %dma_start3A_339 : memref<1x40x80xf32, #tpu.memory_space<vmem>> -> memref<40x80xf32, #tpu.memory_space<vmem>>
        tpu.enqueue_dma source(%dma_start3A_340 : memref<40x80xf32, #tpu.memory_space<vmem>>) target(%dma_start3A_336 : memref<40x80xf32, #tpu.memory_space<vmem_shared>>) target_semaphore(%run_scoped3A_328 : memref<!tpu.dma_semaphore, #tpu.memory_space<semaphore_mem>>)
        %dma_wait3A_341 = arith.constant 0 : i32
        %dma_wait3A_342 = arith.constant 0 : i32
        %dma_wait3A_343 = tpu.memref_slice %arg17[%run_scoped3A_306, %dma_wait3A_341, %dma_wait3A_342] : memref<2x80x80xf32, #tpu.memory_space<vmem>> -> memref<1x40x80xf32, #tpu.memory_space<vmem>>
        %dma_wait3A_344 = tpu.memref_squeeze %dma_wait3A_343 : memref<1x40x80xf32, #tpu.memory_space<vmem>> -> memref<40x80xf32, #tpu.memory_space<vmem>>
        %dma_wait3A_345 = arith.constant 0 : i32
        %dma_wait3A_346 = tpu.memref_slice %arg19[%add3A_305, %dma_wait3A_345] : memref<10000x80xf32, #tpu.memory_space<vmem_shared>> -> memref<40x80xf32, #tpu.memory_space<vmem_shared>>
        %dma_wait3A_347 = arith.constant 0 : i32
        %dma_wait3A_348 = tpu.memref_slice %arg19[%add3A_305, %dma_wait3A_347] : memref<10000x80xf32, #tpu.memory_space<vmem_shared>> -> memref<40x80xf32, #tpu.memory_space<vmem_shared>>
        %dma_wait3A_349 = arith.constant 0 : i32
        %dma_wait3A_350 = arith.constant 0 : i32
        %dma_wait3A_351 = tpu.memref_slice %arg17[%run_scoped3A_306, %dma_wait3A_349, %dma_wait3A_350] : memref<2x80x80xf32, #tpu.memory_space<vmem>> -> memref<1x40x80xf32, #tpu.memory_space<vmem>>
        %dma_wait3A_352 = tpu.memref_squeeze %dma_wait3A_351 : memref<1x40x80xf32, #tpu.memory_space<vmem>> -> memref<40x80xf32, #tpu.memory_space<vmem>>
        tpu.wait_dma2 semaphore(%run_scoped3A_328 : memref<!tpu.dma_semaphore, #tpu.memory_space<semaphore_mem>>) src(%dma_wait3A_352 : memref<40x80xf32, #tpu.memory_space<vmem>>) dst(%dma_wait3A_348 : memref<40x80xf32, #tpu.memory_space<vmem_shared>>)
        tpu.yield
      }) : () -> ()
      %add3A_307 = arith.constant 720 : i32
      %add3A_308 = arith.addi %mul3A_253, %add3A_307 : i32
      %run_scoped3A_309 = arith.constant 0 : i32
      "tpu.region"() ({
        %run_scoped3A_328 = tpu.sem_alloc : memref<!tpu.dma_semaphore, #tpu.memory_space<semaphore_mem>>
        %dma_start3A_329 = arith.constant 0 : i32
        %dma_start3A_330 = arith.constant 0 : i32
        %dma_start3A_331 = tpu.memref_slice %arg17[%run_scoped3A_309, %dma_start3A_329, %dma_start3A_330] : memref<2x80x80xf32, #tpu.memory_space<vmem>> -> memref<1x40x80xf32, #tpu.memory_space<vmem>>
        %dma_start3A_332 = tpu.memref_squeeze %dma_start3A_331 : memref<1x40x80xf32, #tpu.memory_space<vmem>> -> memref<40x80xf32, #tpu.memory_space<vmem>>
        %dma_start3A_333 = arith.constant 0 : i32
        %dma_start3A_334 = tpu.memref_slice %arg19[%add3A_308, %dma_start3A_333] : memref<10000x80xf32, #tpu.memory_space<vmem_shared>> -> memref<40x80xf32, #tpu.memory_space<vmem_shared>>
        %dma_start3A_335 = arith.constant 0 : i32
        %dma_start3A_336 = tpu.memref_slice %arg19[%add3A_308, %dma_start3A_335] : memref<10000x80xf32, #tpu.memory_space<vmem_shared>> -> memref<40x80xf32, #tpu.memory_space<vmem_shared>>
        %dma_start3A_337 = arith.constant 0 : i32
        %dma_start3A_338 = arith.constant 0 : i32
        %dma_start3A_339 = tpu.memref_slice %arg17[%run_scoped3A_309, %dma_start3A_337, %dma_start3A_338] : memref<2x80x80xf32, #tpu.memory_space<vmem>> -> memref<1x40x80xf32, #tpu.memory_space<vmem>>
        %dma_start3A_340 = tpu.memref_squeeze %dma_start3A_339 : memref<1x40x80xf32, #tpu.memory_space<vmem>> -> memref<40x80xf32, #tpu.memory_space<vmem>>
        tpu.enqueue_dma source(%dma_start3A_340 : memref<40x80xf32, #tpu.memory_space<vmem>>) target(%dma_start3A_336 : memref<40x80xf32, #tpu.memory_space<vmem_shared>>) target_semaphore(%run_scoped3A_328 : memref<!tpu.dma_semaphore, #tpu.memory_space<semaphore_mem>>)
        %dma_wait3A_341 = arith.constant 0 : i32
        %dma_wait3A_342 = arith.constant 0 : i32
        %dma_wait3A_343 = tpu.memref_slice %arg17[%run_scoped3A_309, %dma_wait3A_341, %dma_wait3A_342] : memref<2x80x80xf32, #tpu.memory_space<vmem>> -> memref<1x40x80xf32, #tpu.memory_space<vmem>>
        %dma_wait3A_344 = tpu.memref_squeeze %dma_wait3A_343 : memref<1x40x80xf32, #tpu.memory_space<vmem>> -> memref<40x80xf32, #tpu.memory_space<vmem>>
        %dma_wait3A_345 = arith.constant 0 : i32
        %dma_wait3A_346 = tpu.memref_slice %arg19[%add3A_308, %dma_wait3A_345] : memref<10000x80xf32, #tpu.memory_space<vmem_shared>> -> memref<40x80xf32, #tpu.memory_space<vmem_shared>>
        %dma_wait3A_347 = arith.constant 0 : i32
        %dma_wait3A_348 = tpu.memref_slice %arg19[%add3A_308, %dma_wait3A_347] : memref<10000x80xf32, #tpu.memory_space<vmem_shared>> -> memref<40x80xf32, #tpu.memory_space<vmem_shared>>
        %dma_wait3A_349 = arith.constant 0 : i32
        %dma_wait3A_350 = arith.constant 0 : i32
        %dma_wait3A_351 = tpu.memref_slice %arg17[%run_scoped3A_309, %dma_wait3A_349, %dma_wait3A_350] : memref<2x80x80xf32, #tpu.memory_space<vmem>> -> memref<1x40x80xf32, #tpu.memory_space<vmem>>
        %dma_wait3A_352 = tpu.memref_squeeze %dma_wait3A_351 : memref<1x40x80xf32, #tpu.memory_space<vmem>> -> memref<40x80xf32, #tpu.memory_space<vmem>>
        tpu.wait_dma2 semaphore(%run_scoped3A_328 : memref<!tpu.dma_semaphore, #tpu.memory_space<semaphore_mem>>) src(%dma_wait3A_352 : memref<40x80xf32, #tpu.memory_space<vmem>>) dst(%dma_wait3A_348 : memref<40x80xf32, #tpu.memory_space<vmem_shared>>)
        tpu.yield
      }) : () -> ()
      %add3A_310 = arith.constant 760 : i32
      %add3A_311 = arith.addi %mul3A_253, %add3A_310 : i32
      %run_scoped3A_312 = arith.constant 0 : i32
      "tpu.region"() ({
        %run_scoped3A_328 = tpu.sem_alloc : memref<!tpu.dma_semaphore, #tpu.memory_space<semaphore_mem>>
        %dma_start3A_329 = arith.constant 0 : i32
        %dma_start3A_330 = arith.constant 0 : i32
        %dma_start3A_331 = tpu.memref_slice %arg17[%run_scoped3A_312, %dma_start3A_329, %dma_start3A_330] : memref<2x80x80xf32, #tpu.memory_space<vmem>> -> memref<1x40x80xf32, #tpu.memory_space<vmem>>
        %dma_start3A_332 = tpu.memref_squeeze %dma_start3A_331 : memref<1x40x80xf32, #tpu.memory_space<vmem>> -> memref<40x80xf32, #tpu.memory_space<vmem>>
        %dma_start3A_333 = arith.constant 0 : i32
        %dma_start3A_334 = tpu.memref_slice %arg19[%add3A_311, %dma_start3A_333] : memref<10000x80xf32, #tpu.memory_space<vmem_shared>> -> memref<40x80xf32, #tpu.memory_space<vmem_shared>>
        %dma_start3A_335 = arith.constant 0 : i32
        %dma_start3A_336 = tpu.memref_slice %arg19[%add3A_311, %dma_start3A_335] : memref<10000x80xf32, #tpu.memory_space<vmem_shared>> -> memref<40x80xf32, #tpu.memory_space<vmem_shared>>
        %dma_start3A_337 = arith.constant 0 : i32
        %dma_start3A_338 = arith.constant 0 : i32
        %dma_start3A_339 = tpu.memref_slice %arg17[%run_scoped3A_312, %dma_start3A_337, %dma_start3A_338] : memref<2x80x80xf32, #tpu.memory_space<vmem>> -> memref<1x40x80xf32, #tpu.memory_space<vmem>>
        %dma_start3A_340 = tpu.memref_squeeze %dma_start3A_339 : memref<1x40x80xf32, #tpu.memory_space<vmem>> -> memref<40x80xf32, #tpu.memory_space<vmem>>
        tpu.enqueue_dma source(%dma_start3A_340 : memref<40x80xf32, #tpu.memory_space<vmem>>) target(%dma_start3A_336 : memref<40x80xf32, #tpu.memory_space<vmem_shared>>) target_semaphore(%run_scoped3A_328 : memref<!tpu.dma_semaphore, #tpu.memory_space<semaphore_mem>>)
        %dma_wait3A_341 = arith.constant 0 : i32
        %dma_wait3A_342 = arith.constant 0 : i32
        %dma_wait3A_343 = tpu.memref_slice %arg17[%run_scoped3A_312, %dma_wait3A_341, %dma_wait3A_342] : memref<2x80x80xf32, #tpu.memory_space<vmem>> -> memref<1x40x80xf32, #tpu.memory_space<vmem>>
        %dma_wait3A_344 = tpu.memref_squeeze %dma_wait3A_343 : memref<1x40x80xf32, #tpu.memory_space<vmem>> -> memref<40x80xf32, #tpu.memory_space<vmem>>
        %dma_wait3A_345 = arith.constant 0 : i32
        %dma_wait3A_346 = tpu.memref_slice %arg19[%add3A_311, %dma_wait3A_345] : memref<10000x80xf32, #tpu.memory_space<vmem_shared>> -> memref<40x80xf32, #tpu.memory_space<vmem_shared>>
        %dma_wait3A_347 = arith.constant 0 : i32
        %dma_wait3A_348 = tpu.memref_slice %arg19[%add3A_311, %dma_wait3A_347] : memref<10000x80xf32, #tpu.memory_space<vmem_shared>> -> memref<40x80xf32, #tpu.memory_space<vmem_shared>>
        %dma_wait3A_349 = arith.constant 0 : i32
        %dma_wait3A_350 = arith.constant 0 : i32
        %dma_wait3A_351 = tpu.memref_slice %arg17[%run_scoped3A_312, %dma_wait3A_349, %dma_wait3A_350] : memref<2x80x80xf32, #tpu.memory_space<vmem>> -> memref<1x40x80xf32, #tpu.memory_space<vmem>>
        %dma_wait3A_352 = tpu.memref_squeeze %dma_wait3A_351 : memref<1x40x80xf32, #tpu.memory_space<vmem>> -> memref<40x80xf32, #tpu.memory_space<vmem>>
        tpu.wait_dma2 semaphore(%run_scoped3A_328 : memref<!tpu.dma_semaphore, #tpu.memory_space<semaphore_mem>>) src(%dma_wait3A_352 : memref<40x80xf32, #tpu.memory_space<vmem>>) dst(%dma_wait3A_348 : memref<40x80xf32, #tpu.memory_space<vmem_shared>>)
        tpu.yield
      }) : () -> ()
      %add3A_313 = arith.constant 800 : i32
      %add3A_314 = arith.addi %mul3A_253, %add3A_313 : i32
      %run_scoped3A_315 = arith.constant 0 : i32
      "tpu.region"() ({
        %run_scoped3A_328 = tpu.sem_alloc : memref<!tpu.dma_semaphore, #tpu.memory_space<semaphore_mem>>
        %dma_start3A_329 = arith.constant 0 : i32
        %dma_start3A_330 = arith.constant 0 : i32
        %dma_start3A_331 = tpu.memref_slice %arg17[%run_scoped3A_315, %dma_start3A_329, %dma_start3A_330] : memref<2x80x80xf32, #tpu.memory_space<vmem>> -> memref<1x40x80xf32, #tpu.memory_space<vmem>>
        %dma_start3A_332 = tpu.memref_squeeze %dma_start3A_331 : memref<1x40x80xf32, #tpu.memory_space<vmem>> -> memref<40x80xf32, #tpu.memory_space<vmem>>
        %dma_start3A_333 = arith.constant 0 : i32
        %dma_start3A_334 = tpu.memref_slice %arg19[%add3A_314, %dma_start3A_333] : memref<10000x80xf32, #tpu.memory_space<vmem_shared>> -> memref<40x80xf32, #tpu.memory_space<vmem_shared>>
        %dma_start3A_335 = arith.constant 0 : i32
        %dma_start3A_336 = tpu.memref_slice %arg19[%add3A_314, %dma_start3A_335] : memref<10000x80xf32, #tpu.memory_space<vmem_shared>> -> memref<40x80xf32, #tpu.memory_space<vmem_shared>>
        %dma_start3A_337 = arith.constant 0 : i32
        %dma_start3A_338 = arith.constant 0 : i32
        %dma_start3A_339 = tpu.memref_slice %arg17[%run_scoped3A_315, %dma_start3A_337, %dma_start3A_338] : memref<2x80x80xf32, #tpu.memory_space<vmem>> -> memref<1x40x80xf32, #tpu.memory_space<vmem>>
        %dma_start3A_340 = tpu.memref_squeeze %dma_start3A_339 : memref<1x40x80xf32, #tpu.memory_space<vmem>> -> memref<40x80xf32, #tpu.memory_space<vmem>>
        tpu.enqueue_dma source(%dma_start3A_340 : memref<40x80xf32, #tpu.memory_space<vmem>>) target(%dma_start3A_336 : memref<40x80xf32, #tpu.memory_space<vmem_shared>>) target_semaphore(%run_scoped3A_328 : memref<!tpu.dma_semaphore, #tpu.memory_space<semaphore_mem>>)
        %dma_wait3A_341 = arith.constant 0 : i32
        %dma_wait3A_342 = arith.constant 0 : i32
        %dma_wait3A_343 = tpu.memref_slice %arg17[%run_scoped3A_315, %dma_wait3A_341, %dma_wait3A_342] : memref<2x80x80xf32, #tpu.memory_space<vmem>> -> memref<1x40x80xf32, #tpu.memory_space<vmem>>
        %dma_wait3A_344 = tpu.memref_squeeze %dma_wait3A_343 : memref<1x40x80xf32, #tpu.memory_space<vmem>> -> memref<40x80xf32, #tpu.memory_space<vmem>>
        %dma_wait3A_345 = arith.constant 0 : i32
        %dma_wait3A_346 = tpu.memref_slice %arg19[%add3A_314, %dma_wait3A_345] : memref<10000x80xf32, #tpu.memory_space<vmem_shared>> -> memref<40x80xf32, #tpu.memory_space<vmem_shared>>
        %dma_wait3A_347 = arith.constant 0 : i32
        %dma_wait3A_348 = tpu.memref_slice %arg19[%add3A_314, %dma_wait3A_347] : memref<10000x80xf32, #tpu.memory_space<vmem_shared>> -> memref<40x80xf32, #tpu.memory_space<vmem_shared>>
        %dma_wait3A_349 = arith.constant 0 : i32
        %dma_wait3A_350 = arith.constant 0 : i32
        %dma_wait3A_351 = tpu.memref_slice %arg17[%run_scoped3A_315, %dma_wait3A_349, %dma_wait3A_350] : memref<2x80x80xf32, #tpu.memory_space<vmem>> -> memref<1x40x80xf32, #tpu.memory_space<vmem>>
        %dma_wait3A_352 = tpu.memref_squeeze %dma_wait3A_351 : memref<1x40x80xf32, #tpu.memory_space<vmem>> -> memref<40x80xf32, #tpu.memory_space<vmem>>
        tpu.wait_dma2 semaphore(%run_scoped3A_328 : memref<!tpu.dma_semaphore, #tpu.memory_space<semaphore_mem>>) src(%dma_wait3A_352 : memref<40x80xf32, #tpu.memory_space<vmem>>) dst(%dma_wait3A_348 : memref<40x80xf32, #tpu.memory_space<vmem_shared>>)
        tpu.yield
      }) : () -> ()
      %add3A_316 = arith.constant 840 : i32
      %add3A_317 = arith.addi %mul3A_253, %add3A_316 : i32
      %run_scoped3A_318 = arith.constant 0 : i32
      "tpu.region"() ({
        %run_scoped3A_328 = tpu.sem_alloc : memref<!tpu.dma_semaphore, #tpu.memory_space<semaphore_mem>>
        %dma_start3A_329 = arith.constant 0 : i32
        %dma_start3A_330 = arith.constant 0 : i32
        %dma_start3A_331 = tpu.memref_slice %arg17[%run_scoped3A_318, %dma_start3A_329, %dma_start3A_330] : memref<2x80x80xf32, #tpu.memory_space<vmem>> -> memref<1x40x80xf32, #tpu.memory_space<vmem>>
        %dma_start3A_332 = tpu.memref_squeeze %dma_start3A_331 : memref<1x40x80xf32, #tpu.memory_space<vmem>> -> memref<40x80xf32, #tpu.memory_space<vmem>>
        %dma_start3A_333 = arith.constant 0 : i32
        %dma_start3A_334 = tpu.memref_slice %arg19[%add3A_317, %dma_start3A_333] : memref<10000x80xf32, #tpu.memory_space<vmem_shared>> -> memref<40x80xf32, #tpu.memory_space<vmem_shared>>
        %dma_start3A_335 = arith.constant 0 : i32
        %dma_start3A_336 = tpu.memref_slice %arg19[%add3A_317, %dma_start3A_335] : memref<10000x80xf32, #tpu.memory_space<vmem_shared>> -> memref<40x80xf32, #tpu.memory_space<vmem_shared>>
        %dma_start3A_337 = arith.constant 0 : i32
        %dma_start3A_338 = arith.constant 0 : i32
        %dma_start3A_339 = tpu.memref_slice %arg17[%run_scoped3A_318, %dma_start3A_337, %dma_start3A_338] : memref<2x80x80xf32, #tpu.memory_space<vmem>> -> memref<1x40x80xf32, #tpu.memory_space<vmem>>
        %dma_start3A_340 = tpu.memref_squeeze %dma_start3A_339 : memref<1x40x80xf32, #tpu.memory_space<vmem>> -> memref<40x80xf32, #tpu.memory_space<vmem>>
        tpu.enqueue_dma source(%dma_start3A_340 : memref<40x80xf32, #tpu.memory_space<vmem>>) target(%dma_start3A_336 : memref<40x80xf32, #tpu.memory_space<vmem_shared>>) target_semaphore(%run_scoped3A_328 : memref<!tpu.dma_semaphore, #tpu.memory_space<semaphore_mem>>)
        %dma_wait3A_341 = arith.constant 0 : i32
        %dma_wait3A_342 = arith.constant 0 : i32
        %dma_wait3A_343 = tpu.memref_slice %arg17[%run_scoped3A_318, %dma_wait3A_341, %dma_wait3A_342] : memref<2x80x80xf32, #tpu.memory_space<vmem>> -> memref<1x40x80xf32, #tpu.memory_space<vmem>>
        %dma_wait3A_344 = tpu.memref_squeeze %dma_wait3A_343 : memref<1x40x80xf32, #tpu.memory_space<vmem>> -> memref<40x80xf32, #tpu.memory_space<vmem>>
        %dma_wait3A_345 = arith.constant 0 : i32
        %dma_wait3A_346 = tpu.memref_slice %arg19[%add3A_317, %dma_wait3A_345] : memref<10000x80xf32, #tpu.memory_space<vmem_shared>> -> memref<40x80xf32, #tpu.memory_space<vmem_shared>>
        %dma_wait3A_347 = arith.constant 0 : i32
        %dma_wait3A_348 = tpu.memref_slice %arg19[%add3A_317, %dma_wait3A_347] : memref<10000x80xf32, #tpu.memory_space<vmem_shared>> -> memref<40x80xf32, #tpu.memory_space<vmem_shared>>
        %dma_wait3A_349 = arith.constant 0 : i32
        %dma_wait3A_350 = arith.constant 0 : i32
        %dma_wait3A_351 = tpu.memref_slice %arg17[%run_scoped3A_318, %dma_wait3A_349, %dma_wait3A_350] : memref<2x80x80xf32, #tpu.memory_space<vmem>> -> memref<1x40x80xf32, #tpu.memory_space<vmem>>
        %dma_wait3A_352 = tpu.memref_squeeze %dma_wait3A_351 : memref<1x40x80xf32, #tpu.memory_space<vmem>> -> memref<40x80xf32, #tpu.memory_space<vmem>>
        tpu.wait_dma2 semaphore(%run_scoped3A_328 : memref<!tpu.dma_semaphore, #tpu.memory_space<semaphore_mem>>) src(%dma_wait3A_352 : memref<40x80xf32, #tpu.memory_space<vmem>>) dst(%dma_wait3A_348 : memref<40x80xf32, #tpu.memory_space<vmem_shared>>)
        tpu.yield
      }) : () -> ()
      %add3A_319 = arith.constant 880 : i32
      %add3A_320 = arith.addi %mul3A_253, %add3A_319 : i32
      %run_scoped3A_321 = arith.constant 0 : i32
      "tpu.region"() ({
        %run_scoped3A_328 = tpu.sem_alloc : memref<!tpu.dma_semaphore, #tpu.memory_space<semaphore_mem>>
        %dma_start3A_329 = arith.constant 0 : i32
        %dma_start3A_330 = arith.constant 0 : i32
        %dma_start3A_331 = tpu.memref_slice %arg17[%run_scoped3A_321, %dma_start3A_329, %dma_start3A_330] : memref<2x80x80xf32, #tpu.memory_space<vmem>> -> memref<1x40x80xf32, #tpu.memory_space<vmem>>
        %dma_start3A_332 = tpu.memref_squeeze %dma_start3A_331 : memref<1x40x80xf32, #tpu.memory_space<vmem>> -> memref<40x80xf32, #tpu.memory_space<vmem>>
        %dma_start3A_333 = arith.constant 0 : i32
        %dma_start3A_334 = tpu.memref_slice %arg19[%add3A_320, %dma_start3A_333] : memref<10000x80xf32, #tpu.memory_space<vmem_shared>> -> memref<40x80xf32, #tpu.memory_space<vmem_shared>>
        %dma_start3A_335 = arith.constant 0 : i32
        %dma_start3A_336 = tpu.memref_slice %arg19[%add3A_320, %dma_start3A_335] : memref<10000x80xf32, #tpu.memory_space<vmem_shared>> -> memref<40x80xf32, #tpu.memory_space<vmem_shared>>
        %dma_start3A_337 = arith.constant 0 : i32
        %dma_start3A_338 = arith.constant 0 : i32
        %dma_start3A_339 = tpu.memref_slice %arg17[%run_scoped3A_321, %dma_start3A_337, %dma_start3A_338] : memref<2x80x80xf32, #tpu.memory_space<vmem>> -> memref<1x40x80xf32, #tpu.memory_space<vmem>>
        %dma_start3A_340 = tpu.memref_squeeze %dma_start3A_339 : memref<1x40x80xf32, #tpu.memory_space<vmem>> -> memref<40x80xf32, #tpu.memory_space<vmem>>
        tpu.enqueue_dma source(%dma_start3A_340 : memref<40x80xf32, #tpu.memory_space<vmem>>) target(%dma_start3A_336 : memref<40x80xf32, #tpu.memory_space<vmem_shared>>) target_semaphore(%run_scoped3A_328 : memref<!tpu.dma_semaphore, #tpu.memory_space<semaphore_mem>>)
        %dma_wait3A_341 = arith.constant 0 : i32
        %dma_wait3A_342 = arith.constant 0 : i32
        %dma_wait3A_343 = tpu.memref_slice %arg17[%run_scoped3A_321, %dma_wait3A_341, %dma_wait3A_342] : memref<2x80x80xf32, #tpu.memory_space<vmem>> -> memref<1x40x80xf32, #tpu.memory_space<vmem>>
        %dma_wait3A_344 = tpu.memref_squeeze %dma_wait3A_343 : memref<1x40x80xf32, #tpu.memory_space<vmem>> -> memref<40x80xf32, #tpu.memory_space<vmem>>
        %dma_wait3A_345 = arith.constant 0 : i32
        %dma_wait3A_346 = tpu.memref_slice %arg19[%add3A_320, %dma_wait3A_345] : memref<10000x80xf32, #tpu.memory_space<vmem_shared>> -> memref<40x80xf32, #tpu.memory_space<vmem_shared>>
        %dma_wait3A_347 = arith.constant 0 : i32
        %dma_wait3A_348 = tpu.memref_slice %arg19[%add3A_320, %dma_wait3A_347] : memref<10000x80xf32, #tpu.memory_space<vmem_shared>> -> memref<40x80xf32, #tpu.memory_space<vmem_shared>>
        %dma_wait3A_349 = arith.constant 0 : i32
        %dma_wait3A_350 = arith.constant 0 : i32
        %dma_wait3A_351 = tpu.memref_slice %arg17[%run_scoped3A_321, %dma_wait3A_349, %dma_wait3A_350] : memref<2x80x80xf32, #tpu.memory_space<vmem>> -> memref<1x40x80xf32, #tpu.memory_space<vmem>>
        %dma_wait3A_352 = tpu.memref_squeeze %dma_wait3A_351 : memref<1x40x80xf32, #tpu.memory_space<vmem>> -> memref<40x80xf32, #tpu.memory_space<vmem>>
        tpu.wait_dma2 semaphore(%run_scoped3A_328 : memref<!tpu.dma_semaphore, #tpu.memory_space<semaphore_mem>>) src(%dma_wait3A_352 : memref<40x80xf32, #tpu.memory_space<vmem>>) dst(%dma_wait3A_348 : memref<40x80xf32, #tpu.memory_space<vmem_shared>>)
        tpu.yield
      }) : () -> ()
      %add3A_322 = arith.constant 920 : i32
      %add3A_323 = arith.addi %mul3A_253, %add3A_322 : i32
      %run_scoped3A_324 = arith.constant 0 : i32
      "tpu.region"() ({
        %run_scoped3A_328 = tpu.sem_alloc : memref<!tpu.dma_semaphore, #tpu.memory_space<semaphore_mem>>
        %dma_start3A_329 = arith.constant 0 : i32
        %dma_start3A_330 = arith.constant 0 : i32
        %dma_start3A_331 = tpu.memref_slice %arg17[%run_scoped3A_324, %dma_start3A_329, %dma_start3A_330] : memref<2x80x80xf32, #tpu.memory_space<vmem>> -> memref<1x40x80xf32, #tpu.memory_space<vmem>>
        %dma_start3A_332 = tpu.memref_squeeze %dma_start3A_331 : memref<1x40x80xf32, #tpu.memory_space<vmem>> -> memref<40x80xf32, #tpu.memory_space<vmem>>
        %dma_start3A_333 = arith.constant 0 : i32
        %dma_start3A_334 = tpu.memref_slice %arg19[%add3A_323, %dma_start3A_333] : memref<10000x80xf32, #tpu.memory_space<vmem_shared>> -> memref<40x80xf32, #tpu.memory_space<vmem_shared>>
        %dma_start3A_335 = arith.constant 0 : i32
        %dma_start3A_336 = tpu.memref_slice %arg19[%add3A_323, %dma_start3A_335] : memref<10000x80xf32, #tpu.memory_space<vmem_shared>> -> memref<40x80xf32, #tpu.memory_space<vmem_shared>>
        %dma_start3A_337 = arith.constant 0 : i32
        %dma_start3A_338 = arith.constant 0 : i32
        %dma_start3A_339 = tpu.memref_slice %arg17[%run_scoped3A_324, %dma_start3A_337, %dma_start3A_338] : memref<2x80x80xf32, #tpu.memory_space<vmem>> -> memref<1x40x80xf32, #tpu.memory_space<vmem>>
        %dma_start3A_340 = tpu.memref_squeeze %dma_start3A_339 : memref<1x40x80xf32, #tpu.memory_space<vmem>> -> memref<40x80xf32, #tpu.memory_space<vmem>>
        tpu.enqueue_dma source(%dma_start3A_340 : memref<40x80xf32, #tpu.memory_space<vmem>>) target(%dma_start3A_336 : memref<40x80xf32, #tpu.memory_space<vmem_shared>>) target_semaphore(%run_scoped3A_328 : memref<!tpu.dma_semaphore, #tpu.memory_space<semaphore_mem>>)
        %dma_wait3A_341 = arith.constant 0 : i32
        %dma_wait3A_342 = arith.constant 0 : i32
        %dma_wait3A_343 = tpu.memref_slice %arg17[%run_scoped3A_324, %dma_wait3A_341, %dma_wait3A_342] : memref<2x80x80xf32, #tpu.memory_space<vmem>> -> memref<1x40x80xf32, #tpu.memory_space<vmem>>
        %dma_wait3A_344 = tpu.memref_squeeze %dma_wait3A_343 : memref<1x40x80xf32, #tpu.memory_space<vmem>> -> memref<40x80xf32, #tpu.memory_space<vmem>>
        %dma_wait3A_345 = arith.constant 0 : i32
        %dma_wait3A_346 = tpu.memref_slice %arg19[%add3A_323, %dma_wait3A_345] : memref<10000x80xf32, #tpu.memory_space<vmem_shared>> -> memref<40x80xf32, #tpu.memory_space<vmem_shared>>
        %dma_wait3A_347 = arith.constant 0 : i32
        %dma_wait3A_348 = tpu.memref_slice %arg19[%add3A_323, %dma_wait3A_347] : memref<10000x80xf32, #tpu.memory_space<vmem_shared>> -> memref<40x80xf32, #tpu.memory_space<vmem_shared>>
        %dma_wait3A_349 = arith.constant 0 : i32
        %dma_wait3A_350 = arith.constant 0 : i32
        %dma_wait3A_351 = tpu.memref_slice %arg17[%run_scoped3A_324, %dma_wait3A_349, %dma_wait3A_350] : memref<2x80x80xf32, #tpu.memory_space<vmem>> -> memref<1x40x80xf32, #tpu.memory_space<vmem>>
        %dma_wait3A_352 = tpu.memref_squeeze %dma_wait3A_351 : memref<1x40x80xf32, #tpu.memory_space<vmem>> -> memref<40x80xf32, #tpu.memory_space<vmem>>
        tpu.wait_dma2 semaphore(%run_scoped3A_328 : memref<!tpu.dma_semaphore, #tpu.memory_space<semaphore_mem>>) src(%dma_wait3A_352 : memref<40x80xf32, #tpu.memory_space<vmem>>) dst(%dma_wait3A_348 : memref<40x80xf32, #tpu.memory_space<vmem_shared>>)
        tpu.yield
      }) : () -> ()
      %add3A_325 = arith.constant 960 : i32
      %add3A_326 = arith.addi %mul3A_253, %add3A_325 : i32
      %run_scoped3A_327 = arith.constant 0 : i32
      "tpu.region"() ({
        %run_scoped3A_328 = tpu.sem_alloc : memref<!tpu.dma_semaphore, #tpu.memory_space<semaphore_mem>>
        %dma_start3A_329 = arith.constant 0 : i32
        %dma_start3A_330 = arith.constant 0 : i32
        %dma_start3A_331 = tpu.memref_slice %arg17[%run_scoped3A_327, %dma_start3A_329, %dma_start3A_330] : memref<2x80x80xf32, #tpu.memory_space<vmem>> -> memref<1x40x80xf32, #tpu.memory_space<vmem>>
        %dma_start3A_332 = tpu.memref_squeeze %dma_start3A_331 : memref<1x40x80xf32, #tpu.memory_space<vmem>> -> memref<40x80xf32, #tpu.memory_space<vmem>>
        %dma_start3A_333 = arith.constant 0 : i32
        %dma_start3A_334 = tpu.memref_slice %arg19[%add3A_326, %dma_start3A_333] : memref<10000x80xf32, #tpu.memory_space<vmem_shared>> -> memref<40x80xf32, #tpu.memory_space<vmem_shared>>
        %dma_start3A_335 = arith.constant 0 : i32
        %dma_start3A_336 = tpu.memref_slice %arg19[%add3A_326, %dma_start3A_335] : memref<10000x80xf32, #tpu.memory_space<vmem_shared>> -> memref<40x80xf32, #tpu.memory_space<vmem_shared>>
        %dma_start3A_337 = arith.constant 0 : i32
        %dma_start3A_338 = arith.constant 0 : i32
        %dma_start3A_339 = tpu.memref_slice %arg17[%run_scoped3A_327, %dma_start3A_337, %dma_start3A_338] : memref<2x80x80xf32, #tpu.memory_space<vmem>> -> memref<1x40x80xf32, #tpu.memory_space<vmem>>
        %dma_start3A_340 = tpu.memref_squeeze %dma_start3A_339 : memref<1x40x80xf32, #tpu.memory_space<vmem>> -> memref<40x80xf32, #tpu.memory_space<vmem>>
        tpu.enqueue_dma source(%dma_start3A_340 : memref<40x80xf32, #tpu.memory_space<vmem>>) target(%dma_start3A_336 : memref<40x80xf32, #tpu.memory_space<vmem_shared>>) target_semaphore(%run_scoped3A_328 : memref<!tpu.dma_semaphore, #tpu.memory_space<semaphore_mem>>)
        %dma_wait3A_341 = arith.constant 0 : i32
        %dma_wait3A_342 = arith.constant 0 : i32
        %dma_wait3A_343 = tpu.memref_slice %arg17[%run_scoped3A_327, %dma_wait3A_341, %dma_wait3A_342] : memref<2x80x80xf32, #tpu.memory_space<vmem>> -> memref<1x40x80xf32, #tpu.memory_space<vmem>>
        %dma_wait3A_344 = tpu.memref_squeeze %dma_wait3A_343 : memref<1x40x80xf32, #tpu.memory_space<vmem>> -> memref<40x80xf32, #tpu.memory_space<vmem>>
        %dma_wait3A_345 = arith.constant 0 : i32
        %dma_wait3A_346 = tpu.memref_slice %arg19[%add3A_326, %dma_wait3A_345] : memref<10000x80xf32, #tpu.memory_space<vmem_shared>> -> memref<40x80xf32, #tpu.memory_space<vmem_shared>>
        %dma_wait3A_347 = arith.constant 0 : i32
        %dma_wait3A_348 = tpu.memref_slice %arg19[%add3A_326, %dma_wait3A_347] : memref<10000x80xf32, #tpu.memory_space<vmem_shared>> -> memref<40x80xf32, #tpu.memory_space<vmem_shared>>
        %dma_wait3A_349 = arith.constant 0 : i32
        %dma_wait3A_350 = arith.constant 0 : i32
        %dma_wait3A_351 = tpu.memref_slice %arg17[%run_scoped3A_327, %dma_wait3A_349, %dma_wait3A_350] : memref<2x80x80xf32, #tpu.memory_space<vmem>> -> memref<1x40x80xf32, #tpu.memory_space<vmem>>
        %dma_wait3A_352 = tpu.memref_squeeze %dma_wait3A_351 : memref<1x40x80xf32, #tpu.memory_space<vmem>> -> memref<40x80xf32, #tpu.memory_space<vmem>>
        tpu.wait_dma2 semaphore(%run_scoped3A_328 : memref<!tpu.dma_semaphore, #tpu.memory_space<semaphore_mem>>) src(%dma_wait3A_352 : memref<40x80xf32, #tpu.memory_space<vmem>>) dst(%dma_wait3A_348 : memref<40x80xf32, #tpu.memory_space<vmem_shared>>)
        tpu.yield
      }) : () -> ()
    } else {
    }
    %ge3A = arith.constant 6 : i32
    %ge3A_9 = arith.cmpi sge, %arg1, %ge3A : i32
    %convert_element_type3A_10 = arith.extui %ge3A_9 : i1 to i32
    %cond3A_11 = arith.constant 0 : i32
    %cond3A_12 = arith.cmpi ne, %convert_element_type3A_10, %cond3A_11 : i32
    scf.if %cond3A_12 {
      %sub3A = arith.constant 6 : i32
      %sub3A_252 = arith.subi %arg1, %sub3A : i32
      %mul3A_253 = arith.constant 1000 : i32
      %mul3A_254 = arith.muli %sub3A_252, %mul3A_253 : i32
      %add3A_255 = arith.constant 0 : i32
      %add3A_256 = arith.addi %mul3A_254, %add3A_255 : i32
      "tpu.region"() ({
        %run_scoped3A = tpu.sem_alloc : memref<!tpu.dma_semaphore, #tpu.memory_space<semaphore_mem>>
        %dma_start3A_305 = arith.constant 0 : i32
        %dma_start3A_306 = arith.constant 0 : i32
        %dma_start3A_307 = tpu.memref_slice %arg18[%dma_start3A_305, %dma_start3A_306] : memref<80x64xf32, #tpu.memory_space<vmem>> -> memref<40x64xf32, #tpu.memory_space<vmem>>
        %dma_start3A_308 = arith.constant 0 : i32
        %dma_start3A_309 = tpu.memref_slice %arg20[%add3A_256, %dma_start3A_308] : memref<10000x64xf32, #tpu.memory_space<vmem_shared>> -> memref<40x64xf32, #tpu.memory_space<vmem_shared>>
        %dma_start3A_310 = arith.constant 0 : i32
        %dma_start3A_311 = tpu.memref_slice %arg20[%add3A_256, %dma_start3A_310] : memref<10000x64xf32, #tpu.memory_space<vmem_shared>> -> memref<40x64xf32, #tpu.memory_space<vmem_shared>>
        %dma_start3A_312 = arith.constant 0 : i32
        %dma_start3A_313 = arith.constant 0 : i32
        %dma_start3A_314 = tpu.memref_slice %arg18[%dma_start3A_312, %dma_start3A_313] : memref<80x64xf32, #tpu.memory_space<vmem>> -> memref<40x64xf32, #tpu.memory_space<vmem>>
        tpu.enqueue_dma source(%dma_start3A_314 : memref<40x64xf32, #tpu.memory_space<vmem>>) target(%dma_start3A_311 : memref<40x64xf32, #tpu.memory_space<vmem_shared>>) target_semaphore(%run_scoped3A : memref<!tpu.dma_semaphore, #tpu.memory_space<semaphore_mem>>)
        %dma_wait3A_315 = arith.constant 0 : i32
        %dma_wait3A_316 = arith.constant 0 : i32
        %dma_wait3A_317 = tpu.memref_slice %arg18[%dma_wait3A_315, %dma_wait3A_316] : memref<80x64xf32, #tpu.memory_space<vmem>> -> memref<40x64xf32, #tpu.memory_space<vmem>>
        %dma_wait3A_318 = arith.constant 0 : i32
        %dma_wait3A_319 = tpu.memref_slice %arg20[%add3A_256, %dma_wait3A_318] : memref<10000x64xf32, #tpu.memory_space<vmem_shared>> -> memref<40x64xf32, #tpu.memory_space<vmem_shared>>
        %dma_wait3A_320 = arith.constant 0 : i32
        %dma_wait3A_321 = tpu.memref_slice %arg20[%add3A_256, %dma_wait3A_320] : memref<10000x64xf32, #tpu.memory_space<vmem_shared>> -> memref<40x64xf32, #tpu.memory_space<vmem_shared>>
        %dma_wait3A_322 = arith.constant 0 : i32
        %dma_wait3A_323 = arith.constant 0 : i32
        %dma_wait3A_324 = tpu.memref_slice %arg18[%dma_wait3A_322, %dma_wait3A_323] : memref<80x64xf32, #tpu.memory_space<vmem>> -> memref<40x64xf32, #tpu.memory_space<vmem>>
        tpu.wait_dma2 semaphore(%run_scoped3A : memref<!tpu.dma_semaphore, #tpu.memory_space<semaphore_mem>>) src(%dma_wait3A_324 : memref<40x64xf32, #tpu.memory_space<vmem>>) dst(%dma_wait3A_321 : memref<40x64xf32, #tpu.memory_space<vmem_shared>>)
        tpu.yield
      }) : () -> ()
      %add3A_257 = arith.constant 40 : i32
      %add3A_258 = arith.addi %mul3A_254, %add3A_257 : i32
      "tpu.region"() ({
        %run_scoped3A = tpu.sem_alloc : memref<!tpu.dma_semaphore, #tpu.memory_space<semaphore_mem>>
        %dma_start3A_305 = arith.constant 0 : i32
        %dma_start3A_306 = arith.constant 0 : i32
        %dma_start3A_307 = tpu.memref_slice %arg18[%dma_start3A_305, %dma_start3A_306] : memref<80x64xf32, #tpu.memory_space<vmem>> -> memref<40x64xf32, #tpu.memory_space<vmem>>
        %dma_start3A_308 = arith.constant 0 : i32
        %dma_start3A_309 = tpu.memref_slice %arg20[%add3A_258, %dma_start3A_308] : memref<10000x64xf32, #tpu.memory_space<vmem_shared>> -> memref<40x64xf32, #tpu.memory_space<vmem_shared>>
        %dma_start3A_310 = arith.constant 0 : i32
        %dma_start3A_311 = tpu.memref_slice %arg20[%add3A_258, %dma_start3A_310] : memref<10000x64xf32, #tpu.memory_space<vmem_shared>> -> memref<40x64xf32, #tpu.memory_space<vmem_shared>>
        %dma_start3A_312 = arith.constant 0 : i32
        %dma_start3A_313 = arith.constant 0 : i32
        %dma_start3A_314 = tpu.memref_slice %arg18[%dma_start3A_312, %dma_start3A_313] : memref<80x64xf32, #tpu.memory_space<vmem>> -> memref<40x64xf32, #tpu.memory_space<vmem>>
        tpu.enqueue_dma source(%dma_start3A_314 : memref<40x64xf32, #tpu.memory_space<vmem>>) target(%dma_start3A_311 : memref<40x64xf32, #tpu.memory_space<vmem_shared>>) target_semaphore(%run_scoped3A : memref<!tpu.dma_semaphore, #tpu.memory_space<semaphore_mem>>)
        %dma_wait3A_315 = arith.constant 0 : i32
        %dma_wait3A_316 = arith.constant 0 : i32
        %dma_wait3A_317 = tpu.memref_slice %arg18[%dma_wait3A_315, %dma_wait3A_316] : memref<80x64xf32, #tpu.memory_space<vmem>> -> memref<40x64xf32, #tpu.memory_space<vmem>>
        %dma_wait3A_318 = arith.constant 0 : i32
        %dma_wait3A_319 = tpu.memref_slice %arg20[%add3A_258, %dma_wait3A_318] : memref<10000x64xf32, #tpu.memory_space<vmem_shared>> -> memref<40x64xf32, #tpu.memory_space<vmem_shared>>
        %dma_wait3A_320 = arith.constant 0 : i32
        %dma_wait3A_321 = tpu.memref_slice %arg20[%add3A_258, %dma_wait3A_320] : memref<10000x64xf32, #tpu.memory_space<vmem_shared>> -> memref<40x64xf32, #tpu.memory_space<vmem_shared>>
        %dma_wait3A_322 = arith.constant 0 : i32
        %dma_wait3A_323 = arith.constant 0 : i32
        %dma_wait3A_324 = tpu.memref_slice %arg18[%dma_wait3A_322, %dma_wait3A_323] : memref<80x64xf32, #tpu.memory_space<vmem>> -> memref<40x64xf32, #tpu.memory_space<vmem>>
        tpu.wait_dma2 semaphore(%run_scoped3A : memref<!tpu.dma_semaphore, #tpu.memory_space<semaphore_mem>>) src(%dma_wait3A_324 : memref<40x64xf32, #tpu.memory_space<vmem>>) dst(%dma_wait3A_321 : memref<40x64xf32, #tpu.memory_space<vmem_shared>>)
        tpu.yield
      }) : () -> ()
      %add3A_259 = arith.constant 80 : i32
      %add3A_260 = arith.addi %mul3A_254, %add3A_259 : i32
      "tpu.region"() ({
        %run_scoped3A = tpu.sem_alloc : memref<!tpu.dma_semaphore, #tpu.memory_space<semaphore_mem>>
        %dma_start3A_305 = arith.constant 0 : i32
        %dma_start3A_306 = arith.constant 0 : i32
        %dma_start3A_307 = tpu.memref_slice %arg18[%dma_start3A_305, %dma_start3A_306] : memref<80x64xf32, #tpu.memory_space<vmem>> -> memref<40x64xf32, #tpu.memory_space<vmem>>
        %dma_start3A_308 = arith.constant 0 : i32
        %dma_start3A_309 = tpu.memref_slice %arg20[%add3A_260, %dma_start3A_308] : memref<10000x64xf32, #tpu.memory_space<vmem_shared>> -> memref<40x64xf32, #tpu.memory_space<vmem_shared>>
        %dma_start3A_310 = arith.constant 0 : i32
        %dma_start3A_311 = tpu.memref_slice %arg20[%add3A_260, %dma_start3A_310] : memref<10000x64xf32, #tpu.memory_space<vmem_shared>> -> memref<40x64xf32, #tpu.memory_space<vmem_shared>>
        %dma_start3A_312 = arith.constant 0 : i32
        %dma_start3A_313 = arith.constant 0 : i32
        %dma_start3A_314 = tpu.memref_slice %arg18[%dma_start3A_312, %dma_start3A_313] : memref<80x64xf32, #tpu.memory_space<vmem>> -> memref<40x64xf32, #tpu.memory_space<vmem>>
        tpu.enqueue_dma source(%dma_start3A_314 : memref<40x64xf32, #tpu.memory_space<vmem>>) target(%dma_start3A_311 : memref<40x64xf32, #tpu.memory_space<vmem_shared>>) target_semaphore(%run_scoped3A : memref<!tpu.dma_semaphore, #tpu.memory_space<semaphore_mem>>)
        %dma_wait3A_315 = arith.constant 0 : i32
        %dma_wait3A_316 = arith.constant 0 : i32
        %dma_wait3A_317 = tpu.memref_slice %arg18[%dma_wait3A_315, %dma_wait3A_316] : memref<80x64xf32, #tpu.memory_space<vmem>> -> memref<40x64xf32, #tpu.memory_space<vmem>>
        %dma_wait3A_318 = arith.constant 0 : i32
        %dma_wait3A_319 = tpu.memref_slice %arg20[%add3A_260, %dma_wait3A_318] : memref<10000x64xf32, #tpu.memory_space<vmem_shared>> -> memref<40x64xf32, #tpu.memory_space<vmem_shared>>
        %dma_wait3A_320 = arith.constant 0 : i32
        %dma_wait3A_321 = tpu.memref_slice %arg20[%add3A_260, %dma_wait3A_320] : memref<10000x64xf32, #tpu.memory_space<vmem_shared>> -> memref<40x64xf32, #tpu.memory_space<vmem_shared>>
        %dma_wait3A_322 = arith.constant 0 : i32
        %dma_wait3A_323 = arith.constant 0 : i32
        %dma_wait3A_324 = tpu.memref_slice %arg18[%dma_wait3A_322, %dma_wait3A_323] : memref<80x64xf32, #tpu.memory_space<vmem>> -> memref<40x64xf32, #tpu.memory_space<vmem>>
        tpu.wait_dma2 semaphore(%run_scoped3A : memref<!tpu.dma_semaphore, #tpu.memory_space<semaphore_mem>>) src(%dma_wait3A_324 : memref<40x64xf32, #tpu.memory_space<vmem>>) dst(%dma_wait3A_321 : memref<40x64xf32, #tpu.memory_space<vmem_shared>>)
        tpu.yield
      }) : () -> ()
      %add3A_261 = arith.constant 120 : i32
      %add3A_262 = arith.addi %mul3A_254, %add3A_261 : i32
      "tpu.region"() ({
        %run_scoped3A = tpu.sem_alloc : memref<!tpu.dma_semaphore, #tpu.memory_space<semaphore_mem>>
        %dma_start3A_305 = arith.constant 0 : i32
        %dma_start3A_306 = arith.constant 0 : i32
        %dma_start3A_307 = tpu.memref_slice %arg18[%dma_start3A_305, %dma_start3A_306] : memref<80x64xf32, #tpu.memory_space<vmem>> -> memref<40x64xf32, #tpu.memory_space<vmem>>
        %dma_start3A_308 = arith.constant 0 : i32
        %dma_start3A_309 = tpu.memref_slice %arg20[%add3A_262, %dma_start3A_308] : memref<10000x64xf32, #tpu.memory_space<vmem_shared>> -> memref<40x64xf32, #tpu.memory_space<vmem_shared>>
        %dma_start3A_310 = arith.constant 0 : i32
        %dma_start3A_311 = tpu.memref_slice %arg20[%add3A_262, %dma_start3A_310] : memref<10000x64xf32, #tpu.memory_space<vmem_shared>> -> memref<40x64xf32, #tpu.memory_space<vmem_shared>>
        %dma_start3A_312 = arith.constant 0 : i32
        %dma_start3A_313 = arith.constant 0 : i32
        %dma_start3A_314 = tpu.memref_slice %arg18[%dma_start3A_312, %dma_start3A_313] : memref<80x64xf32, #tpu.memory_space<vmem>> -> memref<40x64xf32, #tpu.memory_space<vmem>>
        tpu.enqueue_dma source(%dma_start3A_314 : memref<40x64xf32, #tpu.memory_space<vmem>>) target(%dma_start3A_311 : memref<40x64xf32, #tpu.memory_space<vmem_shared>>) target_semaphore(%run_scoped3A : memref<!tpu.dma_semaphore, #tpu.memory_space<semaphore_mem>>)
        %dma_wait3A_315 = arith.constant 0 : i32
        %dma_wait3A_316 = arith.constant 0 : i32
        %dma_wait3A_317 = tpu.memref_slice %arg18[%dma_wait3A_315, %dma_wait3A_316] : memref<80x64xf32, #tpu.memory_space<vmem>> -> memref<40x64xf32, #tpu.memory_space<vmem>>
        %dma_wait3A_318 = arith.constant 0 : i32
        %dma_wait3A_319 = tpu.memref_slice %arg20[%add3A_262, %dma_wait3A_318] : memref<10000x64xf32, #tpu.memory_space<vmem_shared>> -> memref<40x64xf32, #tpu.memory_space<vmem_shared>>
        %dma_wait3A_320 = arith.constant 0 : i32
        %dma_wait3A_321 = tpu.memref_slice %arg20[%add3A_262, %dma_wait3A_320] : memref<10000x64xf32, #tpu.memory_space<vmem_shared>> -> memref<40x64xf32, #tpu.memory_space<vmem_shared>>
        %dma_wait3A_322 = arith.constant 0 : i32
        %dma_wait3A_323 = arith.constant 0 : i32
        %dma_wait3A_324 = tpu.memref_slice %arg18[%dma_wait3A_322, %dma_wait3A_323] : memref<80x64xf32, #tpu.memory_space<vmem>> -> memref<40x64xf32, #tpu.memory_space<vmem>>
        tpu.wait_dma2 semaphore(%run_scoped3A : memref<!tpu.dma_semaphore, #tpu.memory_space<semaphore_mem>>) src(%dma_wait3A_324 : memref<40x64xf32, #tpu.memory_space<vmem>>) dst(%dma_wait3A_321 : memref<40x64xf32, #tpu.memory_space<vmem_shared>>)
        tpu.yield
      }) : () -> ()
      %add3A_263 = arith.constant 160 : i32
      %add3A_264 = arith.addi %mul3A_254, %add3A_263 : i32
      "tpu.region"() ({
        %run_scoped3A = tpu.sem_alloc : memref<!tpu.dma_semaphore, #tpu.memory_space<semaphore_mem>>
        %dma_start3A_305 = arith.constant 0 : i32
        %dma_start3A_306 = arith.constant 0 : i32
        %dma_start3A_307 = tpu.memref_slice %arg18[%dma_start3A_305, %dma_start3A_306] : memref<80x64xf32, #tpu.memory_space<vmem>> -> memref<40x64xf32, #tpu.memory_space<vmem>>
        %dma_start3A_308 = arith.constant 0 : i32
        %dma_start3A_309 = tpu.memref_slice %arg20[%add3A_264, %dma_start3A_308] : memref<10000x64xf32, #tpu.memory_space<vmem_shared>> -> memref<40x64xf32, #tpu.memory_space<vmem_shared>>
        %dma_start3A_310 = arith.constant 0 : i32
        %dma_start3A_311 = tpu.memref_slice %arg20[%add3A_264, %dma_start3A_310] : memref<10000x64xf32, #tpu.memory_space<vmem_shared>> -> memref<40x64xf32, #tpu.memory_space<vmem_shared>>
        %dma_start3A_312 = arith.constant 0 : i32
        %dma_start3A_313 = arith.constant 0 : i32
        %dma_start3A_314 = tpu.memref_slice %arg18[%dma_start3A_312, %dma_start3A_313] : memref<80x64xf32, #tpu.memory_space<vmem>> -> memref<40x64xf32, #tpu.memory_space<vmem>>
        tpu.enqueue_dma source(%dma_start3A_314 : memref<40x64xf32, #tpu.memory_space<vmem>>) target(%dma_start3A_311 : memref<40x64xf32, #tpu.memory_space<vmem_shared>>) target_semaphore(%run_scoped3A : memref<!tpu.dma_semaphore, #tpu.memory_space<semaphore_mem>>)
        %dma_wait3A_315 = arith.constant 0 : i32
        %dma_wait3A_316 = arith.constant 0 : i32
        %dma_wait3A_317 = tpu.memref_slice %arg18[%dma_wait3A_315, %dma_wait3A_316] : memref<80x64xf32, #tpu.memory_space<vmem>> -> memref<40x64xf32, #tpu.memory_space<vmem>>
        %dma_wait3A_318 = arith.constant 0 : i32
        %dma_wait3A_319 = tpu.memref_slice %arg20[%add3A_264, %dma_wait3A_318] : memref<10000x64xf32, #tpu.memory_space<vmem_shared>> -> memref<40x64xf32, #tpu.memory_space<vmem_shared>>
        %dma_wait3A_320 = arith.constant 0 : i32
        %dma_wait3A_321 = tpu.memref_slice %arg20[%add3A_264, %dma_wait3A_320] : memref<10000x64xf32, #tpu.memory_space<vmem_shared>> -> memref<40x64xf32, #tpu.memory_space<vmem_shared>>
        %dma_wait3A_322 = arith.constant 0 : i32
        %dma_wait3A_323 = arith.constant 0 : i32
        %dma_wait3A_324 = tpu.memref_slice %arg18[%dma_wait3A_322, %dma_wait3A_323] : memref<80x64xf32, #tpu.memory_space<vmem>> -> memref<40x64xf32, #tpu.memory_space<vmem>>
        tpu.wait_dma2 semaphore(%run_scoped3A : memref<!tpu.dma_semaphore, #tpu.memory_space<semaphore_mem>>) src(%dma_wait3A_324 : memref<40x64xf32, #tpu.memory_space<vmem>>) dst(%dma_wait3A_321 : memref<40x64xf32, #tpu.memory_space<vmem_shared>>)
        tpu.yield
      }) : () -> ()
      %add3A_265 = arith.constant 200 : i32
      %add3A_266 = arith.addi %mul3A_254, %add3A_265 : i32
      "tpu.region"() ({
        %run_scoped3A = tpu.sem_alloc : memref<!tpu.dma_semaphore, #tpu.memory_space<semaphore_mem>>
        %dma_start3A_305 = arith.constant 0 : i32
        %dma_start3A_306 = arith.constant 0 : i32
        %dma_start3A_307 = tpu.memref_slice %arg18[%dma_start3A_305, %dma_start3A_306] : memref<80x64xf32, #tpu.memory_space<vmem>> -> memref<40x64xf32, #tpu.memory_space<vmem>>
        %dma_start3A_308 = arith.constant 0 : i32
        %dma_start3A_309 = tpu.memref_slice %arg20[%add3A_266, %dma_start3A_308] : memref<10000x64xf32, #tpu.memory_space<vmem_shared>> -> memref<40x64xf32, #tpu.memory_space<vmem_shared>>
        %dma_start3A_310 = arith.constant 0 : i32
        %dma_start3A_311 = tpu.memref_slice %arg20[%add3A_266, %dma_start3A_310] : memref<10000x64xf32, #tpu.memory_space<vmem_shared>> -> memref<40x64xf32, #tpu.memory_space<vmem_shared>>
        %dma_start3A_312 = arith.constant 0 : i32
        %dma_start3A_313 = arith.constant 0 : i32
        %dma_start3A_314 = tpu.memref_slice %arg18[%dma_start3A_312, %dma_start3A_313] : memref<80x64xf32, #tpu.memory_space<vmem>> -> memref<40x64xf32, #tpu.memory_space<vmem>>
        tpu.enqueue_dma source(%dma_start3A_314 : memref<40x64xf32, #tpu.memory_space<vmem>>) target(%dma_start3A_311 : memref<40x64xf32, #tpu.memory_space<vmem_shared>>) target_semaphore(%run_scoped3A : memref<!tpu.dma_semaphore, #tpu.memory_space<semaphore_mem>>)
        %dma_wait3A_315 = arith.constant 0 : i32
        %dma_wait3A_316 = arith.constant 0 : i32
        %dma_wait3A_317 = tpu.memref_slice %arg18[%dma_wait3A_315, %dma_wait3A_316] : memref<80x64xf32, #tpu.memory_space<vmem>> -> memref<40x64xf32, #tpu.memory_space<vmem>>
        %dma_wait3A_318 = arith.constant 0 : i32
        %dma_wait3A_319 = tpu.memref_slice %arg20[%add3A_266, %dma_wait3A_318] : memref<10000x64xf32, #tpu.memory_space<vmem_shared>> -> memref<40x64xf32, #tpu.memory_space<vmem_shared>>
        %dma_wait3A_320 = arith.constant 0 : i32
        %dma_wait3A_321 = tpu.memref_slice %arg20[%add3A_266, %dma_wait3A_320] : memref<10000x64xf32, #tpu.memory_space<vmem_shared>> -> memref<40x64xf32, #tpu.memory_space<vmem_shared>>
        %dma_wait3A_322 = arith.constant 0 : i32
        %dma_wait3A_323 = arith.constant 0 : i32
        %dma_wait3A_324 = tpu.memref_slice %arg18[%dma_wait3A_322, %dma_wait3A_323] : memref<80x64xf32, #tpu.memory_space<vmem>> -> memref<40x64xf32, #tpu.memory_space<vmem>>
        tpu.wait_dma2 semaphore(%run_scoped3A : memref<!tpu.dma_semaphore, #tpu.memory_space<semaphore_mem>>) src(%dma_wait3A_324 : memref<40x64xf32, #tpu.memory_space<vmem>>) dst(%dma_wait3A_321 : memref<40x64xf32, #tpu.memory_space<vmem_shared>>)
        tpu.yield
      }) : () -> ()
      %add3A_267 = arith.constant 240 : i32
      %add3A_268 = arith.addi %mul3A_254, %add3A_267 : i32
      "tpu.region"() ({
        %run_scoped3A = tpu.sem_alloc : memref<!tpu.dma_semaphore, #tpu.memory_space<semaphore_mem>>
        %dma_start3A_305 = arith.constant 0 : i32
        %dma_start3A_306 = arith.constant 0 : i32
        %dma_start3A_307 = tpu.memref_slice %arg18[%dma_start3A_305, %dma_start3A_306] : memref<80x64xf32, #tpu.memory_space<vmem>> -> memref<40x64xf32, #tpu.memory_space<vmem>>
        %dma_start3A_308 = arith.constant 0 : i32
        %dma_start3A_309 = tpu.memref_slice %arg20[%add3A_268, %dma_start3A_308] : memref<10000x64xf32, #tpu.memory_space<vmem_shared>> -> memref<40x64xf32, #tpu.memory_space<vmem_shared>>
        %dma_start3A_310 = arith.constant 0 : i32
        %dma_start3A_311 = tpu.memref_slice %arg20[%add3A_268, %dma_start3A_310] : memref<10000x64xf32, #tpu.memory_space<vmem_shared>> -> memref<40x64xf32, #tpu.memory_space<vmem_shared>>
        %dma_start3A_312 = arith.constant 0 : i32
        %dma_start3A_313 = arith.constant 0 : i32
        %dma_start3A_314 = tpu.memref_slice %arg18[%dma_start3A_312, %dma_start3A_313] : memref<80x64xf32, #tpu.memory_space<vmem>> -> memref<40x64xf32, #tpu.memory_space<vmem>>
        tpu.enqueue_dma source(%dma_start3A_314 : memref<40x64xf32, #tpu.memory_space<vmem>>) target(%dma_start3A_311 : memref<40x64xf32, #tpu.memory_space<vmem_shared>>) target_semaphore(%run_scoped3A : memref<!tpu.dma_semaphore, #tpu.memory_space<semaphore_mem>>)
        %dma_wait3A_315 = arith.constant 0 : i32
        %dma_wait3A_316 = arith.constant 0 : i32
        %dma_wait3A_317 = tpu.memref_slice %arg18[%dma_wait3A_315, %dma_wait3A_316] : memref<80x64xf32, #tpu.memory_space<vmem>> -> memref<40x64xf32, #tpu.memory_space<vmem>>
        %dma_wait3A_318 = arith.constant 0 : i32
        %dma_wait3A_319 = tpu.memref_slice %arg20[%add3A_268, %dma_wait3A_318] : memref<10000x64xf32, #tpu.memory_space<vmem_shared>> -> memref<40x64xf32, #tpu.memory_space<vmem_shared>>
        %dma_wait3A_320 = arith.constant 0 : i32
        %dma_wait3A_321 = tpu.memref_slice %arg20[%add3A_268, %dma_wait3A_320] : memref<10000x64xf32, #tpu.memory_space<vmem_shared>> -> memref<40x64xf32, #tpu.memory_space<vmem_shared>>
        %dma_wait3A_322 = arith.constant 0 : i32
        %dma_wait3A_323 = arith.constant 0 : i32
        %dma_wait3A_324 = tpu.memref_slice %arg18[%dma_wait3A_322, %dma_wait3A_323] : memref<80x64xf32, #tpu.memory_space<vmem>> -> memref<40x64xf32, #tpu.memory_space<vmem>>
        tpu.wait_dma2 semaphore(%run_scoped3A : memref<!tpu.dma_semaphore, #tpu.memory_space<semaphore_mem>>) src(%dma_wait3A_324 : memref<40x64xf32, #tpu.memory_space<vmem>>) dst(%dma_wait3A_321 : memref<40x64xf32, #tpu.memory_space<vmem_shared>>)
        tpu.yield
      }) : () -> ()
      %add3A_269 = arith.constant 280 : i32
      %add3A_270 = arith.addi %mul3A_254, %add3A_269 : i32
      "tpu.region"() ({
        %run_scoped3A = tpu.sem_alloc : memref<!tpu.dma_semaphore, #tpu.memory_space<semaphore_mem>>
        %dma_start3A_305 = arith.constant 0 : i32
        %dma_start3A_306 = arith.constant 0 : i32
        %dma_start3A_307 = tpu.memref_slice %arg18[%dma_start3A_305, %dma_start3A_306] : memref<80x64xf32, #tpu.memory_space<vmem>> -> memref<40x64xf32, #tpu.memory_space<vmem>>
        %dma_start3A_308 = arith.constant 0 : i32
        %dma_start3A_309 = tpu.memref_slice %arg20[%add3A_270, %dma_start3A_308] : memref<10000x64xf32, #tpu.memory_space<vmem_shared>> -> memref<40x64xf32, #tpu.memory_space<vmem_shared>>
        %dma_start3A_310 = arith.constant 0 : i32
        %dma_start3A_311 = tpu.memref_slice %arg20[%add3A_270, %dma_start3A_310] : memref<10000x64xf32, #tpu.memory_space<vmem_shared>> -> memref<40x64xf32, #tpu.memory_space<vmem_shared>>
        %dma_start3A_312 = arith.constant 0 : i32
        %dma_start3A_313 = arith.constant 0 : i32
        %dma_start3A_314 = tpu.memref_slice %arg18[%dma_start3A_312, %dma_start3A_313] : memref<80x64xf32, #tpu.memory_space<vmem>> -> memref<40x64xf32, #tpu.memory_space<vmem>>
        tpu.enqueue_dma source(%dma_start3A_314 : memref<40x64xf32, #tpu.memory_space<vmem>>) target(%dma_start3A_311 : memref<40x64xf32, #tpu.memory_space<vmem_shared>>) target_semaphore(%run_scoped3A : memref<!tpu.dma_semaphore, #tpu.memory_space<semaphore_mem>>)
        %dma_wait3A_315 = arith.constant 0 : i32
        %dma_wait3A_316 = arith.constant 0 : i32
        %dma_wait3A_317 = tpu.memref_slice %arg18[%dma_wait3A_315, %dma_wait3A_316] : memref<80x64xf32, #tpu.memory_space<vmem>> -> memref<40x64xf32, #tpu.memory_space<vmem>>
        %dma_wait3A_318 = arith.constant 0 : i32
        %dma_wait3A_319 = tpu.memref_slice %arg20[%add3A_270, %dma_wait3A_318] : memref<10000x64xf32, #tpu.memory_space<vmem_shared>> -> memref<40x64xf32, #tpu.memory_space<vmem_shared>>
        %dma_wait3A_320 = arith.constant 0 : i32
        %dma_wait3A_321 = tpu.memref_slice %arg20[%add3A_270, %dma_wait3A_320] : memref<10000x64xf32, #tpu.memory_space<vmem_shared>> -> memref<40x64xf32, #tpu.memory_space<vmem_shared>>
        %dma_wait3A_322 = arith.constant 0 : i32
        %dma_wait3A_323 = arith.constant 0 : i32
        %dma_wait3A_324 = tpu.memref_slice %arg18[%dma_wait3A_322, %dma_wait3A_323] : memref<80x64xf32, #tpu.memory_space<vmem>> -> memref<40x64xf32, #tpu.memory_space<vmem>>
        tpu.wait_dma2 semaphore(%run_scoped3A : memref<!tpu.dma_semaphore, #tpu.memory_space<semaphore_mem>>) src(%dma_wait3A_324 : memref<40x64xf32, #tpu.memory_space<vmem>>) dst(%dma_wait3A_321 : memref<40x64xf32, #tpu.memory_space<vmem_shared>>)
        tpu.yield
      }) : () -> ()
      %add3A_271 = arith.constant 320 : i32
      %add3A_272 = arith.addi %mul3A_254, %add3A_271 : i32
      "tpu.region"() ({
        %run_scoped3A = tpu.sem_alloc : memref<!tpu.dma_semaphore, #tpu.memory_space<semaphore_mem>>
        %dma_start3A_305 = arith.constant 0 : i32
        %dma_start3A_306 = arith.constant 0 : i32
        %dma_start3A_307 = tpu.memref_slice %arg18[%dma_start3A_305, %dma_start3A_306] : memref<80x64xf32, #tpu.memory_space<vmem>> -> memref<40x64xf32, #tpu.memory_space<vmem>>
        %dma_start3A_308 = arith.constant 0 : i32
        %dma_start3A_309 = tpu.memref_slice %arg20[%add3A_272, %dma_start3A_308] : memref<10000x64xf32, #tpu.memory_space<vmem_shared>> -> memref<40x64xf32, #tpu.memory_space<vmem_shared>>
        %dma_start3A_310 = arith.constant 0 : i32
        %dma_start3A_311 = tpu.memref_slice %arg20[%add3A_272, %dma_start3A_310] : memref<10000x64xf32, #tpu.memory_space<vmem_shared>> -> memref<40x64xf32, #tpu.memory_space<vmem_shared>>
        %dma_start3A_312 = arith.constant 0 : i32
        %dma_start3A_313 = arith.constant 0 : i32
        %dma_start3A_314 = tpu.memref_slice %arg18[%dma_start3A_312, %dma_start3A_313] : memref<80x64xf32, #tpu.memory_space<vmem>> -> memref<40x64xf32, #tpu.memory_space<vmem>>
        tpu.enqueue_dma source(%dma_start3A_314 : memref<40x64xf32, #tpu.memory_space<vmem>>) target(%dma_start3A_311 : memref<40x64xf32, #tpu.memory_space<vmem_shared>>) target_semaphore(%run_scoped3A : memref<!tpu.dma_semaphore, #tpu.memory_space<semaphore_mem>>)
        %dma_wait3A_315 = arith.constant 0 : i32
        %dma_wait3A_316 = arith.constant 0 : i32
        %dma_wait3A_317 = tpu.memref_slice %arg18[%dma_wait3A_315, %dma_wait3A_316] : memref<80x64xf32, #tpu.memory_space<vmem>> -> memref<40x64xf32, #tpu.memory_space<vmem>>
        %dma_wait3A_318 = arith.constant 0 : i32
        %dma_wait3A_319 = tpu.memref_slice %arg20[%add3A_272, %dma_wait3A_318] : memref<10000x64xf32, #tpu.memory_space<vmem_shared>> -> memref<40x64xf32, #tpu.memory_space<vmem_shared>>
        %dma_wait3A_320 = arith.constant 0 : i32
        %dma_wait3A_321 = tpu.memref_slice %arg20[%add3A_272, %dma_wait3A_320] : memref<10000x64xf32, #tpu.memory_space<vmem_shared>> -> memref<40x64xf32, #tpu.memory_space<vmem_shared>>
        %dma_wait3A_322 = arith.constant 0 : i32
        %dma_wait3A_323 = arith.constant 0 : i32
        %dma_wait3A_324 = tpu.memref_slice %arg18[%dma_wait3A_322, %dma_wait3A_323] : memref<80x64xf32, #tpu.memory_space<vmem>> -> memref<40x64xf32, #tpu.memory_space<vmem>>
        tpu.wait_dma2 semaphore(%run_scoped3A : memref<!tpu.dma_semaphore, #tpu.memory_space<semaphore_mem>>) src(%dma_wait3A_324 : memref<40x64xf32, #tpu.memory_space<vmem>>) dst(%dma_wait3A_321 : memref<40x64xf32, #tpu.memory_space<vmem_shared>>)
        tpu.yield
      }) : () -> ()
      %add3A_273 = arith.constant 360 : i32
      %add3A_274 = arith.addi %mul3A_254, %add3A_273 : i32
      "tpu.region"() ({
        %run_scoped3A = tpu.sem_alloc : memref<!tpu.dma_semaphore, #tpu.memory_space<semaphore_mem>>
        %dma_start3A_305 = arith.constant 0 : i32
        %dma_start3A_306 = arith.constant 0 : i32
        %dma_start3A_307 = tpu.memref_slice %arg18[%dma_start3A_305, %dma_start3A_306] : memref<80x64xf32, #tpu.memory_space<vmem>> -> memref<40x64xf32, #tpu.memory_space<vmem>>
        %dma_start3A_308 = arith.constant 0 : i32
        %dma_start3A_309 = tpu.memref_slice %arg20[%add3A_274, %dma_start3A_308] : memref<10000x64xf32, #tpu.memory_space<vmem_shared>> -> memref<40x64xf32, #tpu.memory_space<vmem_shared>>
        %dma_start3A_310 = arith.constant 0 : i32
        %dma_start3A_311 = tpu.memref_slice %arg20[%add3A_274, %dma_start3A_310] : memref<10000x64xf32, #tpu.memory_space<vmem_shared>> -> memref<40x64xf32, #tpu.memory_space<vmem_shared>>
        %dma_start3A_312 = arith.constant 0 : i32
        %dma_start3A_313 = arith.constant 0 : i32
        %dma_start3A_314 = tpu.memref_slice %arg18[%dma_start3A_312, %dma_start3A_313] : memref<80x64xf32, #tpu.memory_space<vmem>> -> memref<40x64xf32, #tpu.memory_space<vmem>>
        tpu.enqueue_dma source(%dma_start3A_314 : memref<40x64xf32, #tpu.memory_space<vmem>>) target(%dma_start3A_311 : memref<40x64xf32, #tpu.memory_space<vmem_shared>>) target_semaphore(%run_scoped3A : memref<!tpu.dma_semaphore, #tpu.memory_space<semaphore_mem>>)
        %dma_wait3A_315 = arith.constant 0 : i32
        %dma_wait3A_316 = arith.constant 0 : i32
        %dma_wait3A_317 = tpu.memref_slice %arg18[%dma_wait3A_315, %dma_wait3A_316] : memref<80x64xf32, #tpu.memory_space<vmem>> -> memref<40x64xf32, #tpu.memory_space<vmem>>
        %dma_wait3A_318 = arith.constant 0 : i32
        %dma_wait3A_319 = tpu.memref_slice %arg20[%add3A_274, %dma_wait3A_318] : memref<10000x64xf32, #tpu.memory_space<vmem_shared>> -> memref<40x64xf32, #tpu.memory_space<vmem_shared>>
        %dma_wait3A_320 = arith.constant 0 : i32
        %dma_wait3A_321 = tpu.memref_slice %arg20[%add3A_274, %dma_wait3A_320] : memref<10000x64xf32, #tpu.memory_space<vmem_shared>> -> memref<40x64xf32, #tpu.memory_space<vmem_shared>>
        %dma_wait3A_322 = arith.constant 0 : i32
        %dma_wait3A_323 = arith.constant 0 : i32
        %dma_wait3A_324 = tpu.memref_slice %arg18[%dma_wait3A_322, %dma_wait3A_323] : memref<80x64xf32, #tpu.memory_space<vmem>> -> memref<40x64xf32, #tpu.memory_space<vmem>>
        tpu.wait_dma2 semaphore(%run_scoped3A : memref<!tpu.dma_semaphore, #tpu.memory_space<semaphore_mem>>) src(%dma_wait3A_324 : memref<40x64xf32, #tpu.memory_space<vmem>>) dst(%dma_wait3A_321 : memref<40x64xf32, #tpu.memory_space<vmem_shared>>)
        tpu.yield
      }) : () -> ()
      %add3A_275 = arith.constant 400 : i32
      %add3A_276 = arith.addi %mul3A_254, %add3A_275 : i32
      "tpu.region"() ({
        %run_scoped3A = tpu.sem_alloc : memref<!tpu.dma_semaphore, #tpu.memory_space<semaphore_mem>>
        %dma_start3A_305 = arith.constant 0 : i32
        %dma_start3A_306 = arith.constant 0 : i32
        %dma_start3A_307 = tpu.memref_slice %arg18[%dma_start3A_305, %dma_start3A_306] : memref<80x64xf32, #tpu.memory_space<vmem>> -> memref<40x64xf32, #tpu.memory_space<vmem>>
        %dma_start3A_308 = arith.constant 0 : i32
        %dma_start3A_309 = tpu.memref_slice %arg20[%add3A_276, %dma_start3A_308] : memref<10000x64xf32, #tpu.memory_space<vmem_shared>> -> memref<40x64xf32, #tpu.memory_space<vmem_shared>>
        %dma_start3A_310 = arith.constant 0 : i32
        %dma_start3A_311 = tpu.memref_slice %arg20[%add3A_276, %dma_start3A_310] : memref<10000x64xf32, #tpu.memory_space<vmem_shared>> -> memref<40x64xf32, #tpu.memory_space<vmem_shared>>
        %dma_start3A_312 = arith.constant 0 : i32
        %dma_start3A_313 = arith.constant 0 : i32
        %dma_start3A_314 = tpu.memref_slice %arg18[%dma_start3A_312, %dma_start3A_313] : memref<80x64xf32, #tpu.memory_space<vmem>> -> memref<40x64xf32, #tpu.memory_space<vmem>>
        tpu.enqueue_dma source(%dma_start3A_314 : memref<40x64xf32, #tpu.memory_space<vmem>>) target(%dma_start3A_311 : memref<40x64xf32, #tpu.memory_space<vmem_shared>>) target_semaphore(%run_scoped3A : memref<!tpu.dma_semaphore, #tpu.memory_space<semaphore_mem>>)
        %dma_wait3A_315 = arith.constant 0 : i32
        %dma_wait3A_316 = arith.constant 0 : i32
        %dma_wait3A_317 = tpu.memref_slice %arg18[%dma_wait3A_315, %dma_wait3A_316] : memref<80x64xf32, #tpu.memory_space<vmem>> -> memref<40x64xf32, #tpu.memory_space<vmem>>
        %dma_wait3A_318 = arith.constant 0 : i32
        %dma_wait3A_319 = tpu.memref_slice %arg20[%add3A_276, %dma_wait3A_318] : memref<10000x64xf32, #tpu.memory_space<vmem_shared>> -> memref<40x64xf32, #tpu.memory_space<vmem_shared>>
        %dma_wait3A_320 = arith.constant 0 : i32
        %dma_wait3A_321 = tpu.memref_slice %arg20[%add3A_276, %dma_wait3A_320] : memref<10000x64xf32, #tpu.memory_space<vmem_shared>> -> memref<40x64xf32, #tpu.memory_space<vmem_shared>>
        %dma_wait3A_322 = arith.constant 0 : i32
        %dma_wait3A_323 = arith.constant 0 : i32
        %dma_wait3A_324 = tpu.memref_slice %arg18[%dma_wait3A_322, %dma_wait3A_323] : memref<80x64xf32, #tpu.memory_space<vmem>> -> memref<40x64xf32, #tpu.memory_space<vmem>>
        tpu.wait_dma2 semaphore(%run_scoped3A : memref<!tpu.dma_semaphore, #tpu.memory_space<semaphore_mem>>) src(%dma_wait3A_324 : memref<40x64xf32, #tpu.memory_space<vmem>>) dst(%dma_wait3A_321 : memref<40x64xf32, #tpu.memory_space<vmem_shared>>)
        tpu.yield
      }) : () -> ()
      %add3A_277 = arith.constant 440 : i32
      %add3A_278 = arith.addi %mul3A_254, %add3A_277 : i32
      "tpu.region"() ({
        %run_scoped3A = tpu.sem_alloc : memref<!tpu.dma_semaphore, #tpu.memory_space<semaphore_mem>>
        %dma_start3A_305 = arith.constant 0 : i32
        %dma_start3A_306 = arith.constant 0 : i32
        %dma_start3A_307 = tpu.memref_slice %arg18[%dma_start3A_305, %dma_start3A_306] : memref<80x64xf32, #tpu.memory_space<vmem>> -> memref<40x64xf32, #tpu.memory_space<vmem>>
        %dma_start3A_308 = arith.constant 0 : i32
        %dma_start3A_309 = tpu.memref_slice %arg20[%add3A_278, %dma_start3A_308] : memref<10000x64xf32, #tpu.memory_space<vmem_shared>> -> memref<40x64xf32, #tpu.memory_space<vmem_shared>>
        %dma_start3A_310 = arith.constant 0 : i32
        %dma_start3A_311 = tpu.memref_slice %arg20[%add3A_278, %dma_start3A_310] : memref<10000x64xf32, #tpu.memory_space<vmem_shared>> -> memref<40x64xf32, #tpu.memory_space<vmem_shared>>
        %dma_start3A_312 = arith.constant 0 : i32
        %dma_start3A_313 = arith.constant 0 : i32
        %dma_start3A_314 = tpu.memref_slice %arg18[%dma_start3A_312, %dma_start3A_313] : memref<80x64xf32, #tpu.memory_space<vmem>> -> memref<40x64xf32, #tpu.memory_space<vmem>>
        tpu.enqueue_dma source(%dma_start3A_314 : memref<40x64xf32, #tpu.memory_space<vmem>>) target(%dma_start3A_311 : memref<40x64xf32, #tpu.memory_space<vmem_shared>>) target_semaphore(%run_scoped3A : memref<!tpu.dma_semaphore, #tpu.memory_space<semaphore_mem>>)
        %dma_wait3A_315 = arith.constant 0 : i32
        %dma_wait3A_316 = arith.constant 0 : i32
        %dma_wait3A_317 = tpu.memref_slice %arg18[%dma_wait3A_315, %dma_wait3A_316] : memref<80x64xf32, #tpu.memory_space<vmem>> -> memref<40x64xf32, #tpu.memory_space<vmem>>
        %dma_wait3A_318 = arith.constant 0 : i32
        %dma_wait3A_319 = tpu.memref_slice %arg20[%add3A_278, %dma_wait3A_318] : memref<10000x64xf32, #tpu.memory_space<vmem_shared>> -> memref<40x64xf32, #tpu.memory_space<vmem_shared>>
        %dma_wait3A_320 = arith.constant 0 : i32
        %dma_wait3A_321 = tpu.memref_slice %arg20[%add3A_278, %dma_wait3A_320] : memref<10000x64xf32, #tpu.memory_space<vmem_shared>> -> memref<40x64xf32, #tpu.memory_space<vmem_shared>>
        %dma_wait3A_322 = arith.constant 0 : i32
        %dma_wait3A_323 = arith.constant 0 : i32
        %dma_wait3A_324 = tpu.memref_slice %arg18[%dma_wait3A_322, %dma_wait3A_323] : memref<80x64xf32, #tpu.memory_space<vmem>> -> memref<40x64xf32, #tpu.memory_space<vmem>>
        tpu.wait_dma2 semaphore(%run_scoped3A : memref<!tpu.dma_semaphore, #tpu.memory_space<semaphore_mem>>) src(%dma_wait3A_324 : memref<40x64xf32, #tpu.memory_space<vmem>>) dst(%dma_wait3A_321 : memref<40x64xf32, #tpu.memory_space<vmem_shared>>)
        tpu.yield
      }) : () -> ()
      %add3A_279 = arith.constant 480 : i32
      %add3A_280 = arith.addi %mul3A_254, %add3A_279 : i32
      "tpu.region"() ({
        %run_scoped3A = tpu.sem_alloc : memref<!tpu.dma_semaphore, #tpu.memory_space<semaphore_mem>>
        %dma_start3A_305 = arith.constant 0 : i32
        %dma_start3A_306 = arith.constant 0 : i32
        %dma_start3A_307 = tpu.memref_slice %arg18[%dma_start3A_305, %dma_start3A_306] : memref<80x64xf32, #tpu.memory_space<vmem>> -> memref<40x64xf32, #tpu.memory_space<vmem>>
        %dma_start3A_308 = arith.constant 0 : i32
        %dma_start3A_309 = tpu.memref_slice %arg20[%add3A_280, %dma_start3A_308] : memref<10000x64xf32, #tpu.memory_space<vmem_shared>> -> memref<40x64xf32, #tpu.memory_space<vmem_shared>>
        %dma_start3A_310 = arith.constant 0 : i32
        %dma_start3A_311 = tpu.memref_slice %arg20[%add3A_280, %dma_start3A_310] : memref<10000x64xf32, #tpu.memory_space<vmem_shared>> -> memref<40x64xf32, #tpu.memory_space<vmem_shared>>
        %dma_start3A_312 = arith.constant 0 : i32
        %dma_start3A_313 = arith.constant 0 : i32
        %dma_start3A_314 = tpu.memref_slice %arg18[%dma_start3A_312, %dma_start3A_313] : memref<80x64xf32, #tpu.memory_space<vmem>> -> memref<40x64xf32, #tpu.memory_space<vmem>>
        tpu.enqueue_dma source(%dma_start3A_314 : memref<40x64xf32, #tpu.memory_space<vmem>>) target(%dma_start3A_311 : memref<40x64xf32, #tpu.memory_space<vmem_shared>>) target_semaphore(%run_scoped3A : memref<!tpu.dma_semaphore, #tpu.memory_space<semaphore_mem>>)
        %dma_wait3A_315 = arith.constant 0 : i32
        %dma_wait3A_316 = arith.constant 0 : i32
        %dma_wait3A_317 = tpu.memref_slice %arg18[%dma_wait3A_315, %dma_wait3A_316] : memref<80x64xf32, #tpu.memory_space<vmem>> -> memref<40x64xf32, #tpu.memory_space<vmem>>
        %dma_wait3A_318 = arith.constant 0 : i32
        %dma_wait3A_319 = tpu.memref_slice %arg20[%add3A_280, %dma_wait3A_318] : memref<10000x64xf32, #tpu.memory_space<vmem_shared>> -> memref<40x64xf32, #tpu.memory_space<vmem_shared>>
        %dma_wait3A_320 = arith.constant 0 : i32
        %dma_wait3A_321 = tpu.memref_slice %arg20[%add3A_280, %dma_wait3A_320] : memref<10000x64xf32, #tpu.memory_space<vmem_shared>> -> memref<40x64xf32, #tpu.memory_space<vmem_shared>>
        %dma_wait3A_322 = arith.constant 0 : i32
        %dma_wait3A_323 = arith.constant 0 : i32
        %dma_wait3A_324 = tpu.memref_slice %arg18[%dma_wait3A_322, %dma_wait3A_323] : memref<80x64xf32, #tpu.memory_space<vmem>> -> memref<40x64xf32, #tpu.memory_space<vmem>>
        tpu.wait_dma2 semaphore(%run_scoped3A : memref<!tpu.dma_semaphore, #tpu.memory_space<semaphore_mem>>) src(%dma_wait3A_324 : memref<40x64xf32, #tpu.memory_space<vmem>>) dst(%dma_wait3A_321 : memref<40x64xf32, #tpu.memory_space<vmem_shared>>)
        tpu.yield
      }) : () -> ()
      %add3A_281 = arith.constant 520 : i32
      %add3A_282 = arith.addi %mul3A_254, %add3A_281 : i32
      "tpu.region"() ({
        %run_scoped3A = tpu.sem_alloc : memref<!tpu.dma_semaphore, #tpu.memory_space<semaphore_mem>>
        %dma_start3A_305 = arith.constant 0 : i32
        %dma_start3A_306 = arith.constant 0 : i32
        %dma_start3A_307 = tpu.memref_slice %arg18[%dma_start3A_305, %dma_start3A_306] : memref<80x64xf32, #tpu.memory_space<vmem>> -> memref<40x64xf32, #tpu.memory_space<vmem>>
        %dma_start3A_308 = arith.constant 0 : i32
        %dma_start3A_309 = tpu.memref_slice %arg20[%add3A_282, %dma_start3A_308] : memref<10000x64xf32, #tpu.memory_space<vmem_shared>> -> memref<40x64xf32, #tpu.memory_space<vmem_shared>>
        %dma_start3A_310 = arith.constant 0 : i32
        %dma_start3A_311 = tpu.memref_slice %arg20[%add3A_282, %dma_start3A_310] : memref<10000x64xf32, #tpu.memory_space<vmem_shared>> -> memref<40x64xf32, #tpu.memory_space<vmem_shared>>
        %dma_start3A_312 = arith.constant 0 : i32
        %dma_start3A_313 = arith.constant 0 : i32
        %dma_start3A_314 = tpu.memref_slice %arg18[%dma_start3A_312, %dma_start3A_313] : memref<80x64xf32, #tpu.memory_space<vmem>> -> memref<40x64xf32, #tpu.memory_space<vmem>>
        tpu.enqueue_dma source(%dma_start3A_314 : memref<40x64xf32, #tpu.memory_space<vmem>>) target(%dma_start3A_311 : memref<40x64xf32, #tpu.memory_space<vmem_shared>>) target_semaphore(%run_scoped3A : memref<!tpu.dma_semaphore, #tpu.memory_space<semaphore_mem>>)
        %dma_wait3A_315 = arith.constant 0 : i32
        %dma_wait3A_316 = arith.constant 0 : i32
        %dma_wait3A_317 = tpu.memref_slice %arg18[%dma_wait3A_315, %dma_wait3A_316] : memref<80x64xf32, #tpu.memory_space<vmem>> -> memref<40x64xf32, #tpu.memory_space<vmem>>
        %dma_wait3A_318 = arith.constant 0 : i32
        %dma_wait3A_319 = tpu.memref_slice %arg20[%add3A_282, %dma_wait3A_318] : memref<10000x64xf32, #tpu.memory_space<vmem_shared>> -> memref<40x64xf32, #tpu.memory_space<vmem_shared>>
        %dma_wait3A_320 = arith.constant 0 : i32
        %dma_wait3A_321 = tpu.memref_slice %arg20[%add3A_282, %dma_wait3A_320] : memref<10000x64xf32, #tpu.memory_space<vmem_shared>> -> memref<40x64xf32, #tpu.memory_space<vmem_shared>>
        %dma_wait3A_322 = arith.constant 0 : i32
        %dma_wait3A_323 = arith.constant 0 : i32
        %dma_wait3A_324 = tpu.memref_slice %arg18[%dma_wait3A_322, %dma_wait3A_323] : memref<80x64xf32, #tpu.memory_space<vmem>> -> memref<40x64xf32, #tpu.memory_space<vmem>>
        tpu.wait_dma2 semaphore(%run_scoped3A : memref<!tpu.dma_semaphore, #tpu.memory_space<semaphore_mem>>) src(%dma_wait3A_324 : memref<40x64xf32, #tpu.memory_space<vmem>>) dst(%dma_wait3A_321 : memref<40x64xf32, #tpu.memory_space<vmem_shared>>)
        tpu.yield
      }) : () -> ()
      %add3A_283 = arith.constant 560 : i32
      %add3A_284 = arith.addi %mul3A_254, %add3A_283 : i32
      "tpu.region"() ({
        %run_scoped3A = tpu.sem_alloc : memref<!tpu.dma_semaphore, #tpu.memory_space<semaphore_mem>>
        %dma_start3A_305 = arith.constant 0 : i32
        %dma_start3A_306 = arith.constant 0 : i32
        %dma_start3A_307 = tpu.memref_slice %arg18[%dma_start3A_305, %dma_start3A_306] : memref<80x64xf32, #tpu.memory_space<vmem>> -> memref<40x64xf32, #tpu.memory_space<vmem>>
        %dma_start3A_308 = arith.constant 0 : i32
        %dma_start3A_309 = tpu.memref_slice %arg20[%add3A_284, %dma_start3A_308] : memref<10000x64xf32, #tpu.memory_space<vmem_shared>> -> memref<40x64xf32, #tpu.memory_space<vmem_shared>>
        %dma_start3A_310 = arith.constant 0 : i32
        %dma_start3A_311 = tpu.memref_slice %arg20[%add3A_284, %dma_start3A_310] : memref<10000x64xf32, #tpu.memory_space<vmem_shared>> -> memref<40x64xf32, #tpu.memory_space<vmem_shared>>
        %dma_start3A_312 = arith.constant 0 : i32
        %dma_start3A_313 = arith.constant 0 : i32
        %dma_start3A_314 = tpu.memref_slice %arg18[%dma_start3A_312, %dma_start3A_313] : memref<80x64xf32, #tpu.memory_space<vmem>> -> memref<40x64xf32, #tpu.memory_space<vmem>>
        tpu.enqueue_dma source(%dma_start3A_314 : memref<40x64xf32, #tpu.memory_space<vmem>>) target(%dma_start3A_311 : memref<40x64xf32, #tpu.memory_space<vmem_shared>>) target_semaphore(%run_scoped3A : memref<!tpu.dma_semaphore, #tpu.memory_space<semaphore_mem>>)
        %dma_wait3A_315 = arith.constant 0 : i32
        %dma_wait3A_316 = arith.constant 0 : i32
        %dma_wait3A_317 = tpu.memref_slice %arg18[%dma_wait3A_315, %dma_wait3A_316] : memref<80x64xf32, #tpu.memory_space<vmem>> -> memref<40x64xf32, #tpu.memory_space<vmem>>
        %dma_wait3A_318 = arith.constant 0 : i32
        %dma_wait3A_319 = tpu.memref_slice %arg20[%add3A_284, %dma_wait3A_318] : memref<10000x64xf32, #tpu.memory_space<vmem_shared>> -> memref<40x64xf32, #tpu.memory_space<vmem_shared>>
        %dma_wait3A_320 = arith.constant 0 : i32
        %dma_wait3A_321 = tpu.memref_slice %arg20[%add3A_284, %dma_wait3A_320] : memref<10000x64xf32, #tpu.memory_space<vmem_shared>> -> memref<40x64xf32, #tpu.memory_space<vmem_shared>>
        %dma_wait3A_322 = arith.constant 0 : i32
        %dma_wait3A_323 = arith.constant 0 : i32
        %dma_wait3A_324 = tpu.memref_slice %arg18[%dma_wait3A_322, %dma_wait3A_323] : memref<80x64xf32, #tpu.memory_space<vmem>> -> memref<40x64xf32, #tpu.memory_space<vmem>>
        tpu.wait_dma2 semaphore(%run_scoped3A : memref<!tpu.dma_semaphore, #tpu.memory_space<semaphore_mem>>) src(%dma_wait3A_324 : memref<40x64xf32, #tpu.memory_space<vmem>>) dst(%dma_wait3A_321 : memref<40x64xf32, #tpu.memory_space<vmem_shared>>)
        tpu.yield
      }) : () -> ()
      %add3A_285 = arith.constant 600 : i32
      %add3A_286 = arith.addi %mul3A_254, %add3A_285 : i32
      "tpu.region"() ({
        %run_scoped3A = tpu.sem_alloc : memref<!tpu.dma_semaphore, #tpu.memory_space<semaphore_mem>>
        %dma_start3A_305 = arith.constant 0 : i32
        %dma_start3A_306 = arith.constant 0 : i32
        %dma_start3A_307 = tpu.memref_slice %arg18[%dma_start3A_305, %dma_start3A_306] : memref<80x64xf32, #tpu.memory_space<vmem>> -> memref<40x64xf32, #tpu.memory_space<vmem>>
        %dma_start3A_308 = arith.constant 0 : i32
        %dma_start3A_309 = tpu.memref_slice %arg20[%add3A_286, %dma_start3A_308] : memref<10000x64xf32, #tpu.memory_space<vmem_shared>> -> memref<40x64xf32, #tpu.memory_space<vmem_shared>>
        %dma_start3A_310 = arith.constant 0 : i32
        %dma_start3A_311 = tpu.memref_slice %arg20[%add3A_286, %dma_start3A_310] : memref<10000x64xf32, #tpu.memory_space<vmem_shared>> -> memref<40x64xf32, #tpu.memory_space<vmem_shared>>
        %dma_start3A_312 = arith.constant 0 : i32
        %dma_start3A_313 = arith.constant 0 : i32
        %dma_start3A_314 = tpu.memref_slice %arg18[%dma_start3A_312, %dma_start3A_313] : memref<80x64xf32, #tpu.memory_space<vmem>> -> memref<40x64xf32, #tpu.memory_space<vmem>>
        tpu.enqueue_dma source(%dma_start3A_314 : memref<40x64xf32, #tpu.memory_space<vmem>>) target(%dma_start3A_311 : memref<40x64xf32, #tpu.memory_space<vmem_shared>>) target_semaphore(%run_scoped3A : memref<!tpu.dma_semaphore, #tpu.memory_space<semaphore_mem>>)
        %dma_wait3A_315 = arith.constant 0 : i32
        %dma_wait3A_316 = arith.constant 0 : i32
        %dma_wait3A_317 = tpu.memref_slice %arg18[%dma_wait3A_315, %dma_wait3A_316] : memref<80x64xf32, #tpu.memory_space<vmem>> -> memref<40x64xf32, #tpu.memory_space<vmem>>
        %dma_wait3A_318 = arith.constant 0 : i32
        %dma_wait3A_319 = tpu.memref_slice %arg20[%add3A_286, %dma_wait3A_318] : memref<10000x64xf32, #tpu.memory_space<vmem_shared>> -> memref<40x64xf32, #tpu.memory_space<vmem_shared>>
        %dma_wait3A_320 = arith.constant 0 : i32
        %dma_wait3A_321 = tpu.memref_slice %arg20[%add3A_286, %dma_wait3A_320] : memref<10000x64xf32, #tpu.memory_space<vmem_shared>> -> memref<40x64xf32, #tpu.memory_space<vmem_shared>>
        %dma_wait3A_322 = arith.constant 0 : i32
        %dma_wait3A_323 = arith.constant 0 : i32
        %dma_wait3A_324 = tpu.memref_slice %arg18[%dma_wait3A_322, %dma_wait3A_323] : memref<80x64xf32, #tpu.memory_space<vmem>> -> memref<40x64xf32, #tpu.memory_space<vmem>>
        tpu.wait_dma2 semaphore(%run_scoped3A : memref<!tpu.dma_semaphore, #tpu.memory_space<semaphore_mem>>) src(%dma_wait3A_324 : memref<40x64xf32, #tpu.memory_space<vmem>>) dst(%dma_wait3A_321 : memref<40x64xf32, #tpu.memory_space<vmem_shared>>)
        tpu.yield
      }) : () -> ()
      %add3A_287 = arith.constant 640 : i32
      %add3A_288 = arith.addi %mul3A_254, %add3A_287 : i32
      "tpu.region"() ({
        %run_scoped3A = tpu.sem_alloc : memref<!tpu.dma_semaphore, #tpu.memory_space<semaphore_mem>>
        %dma_start3A_305 = arith.constant 0 : i32
        %dma_start3A_306 = arith.constant 0 : i32
        %dma_start3A_307 = tpu.memref_slice %arg18[%dma_start3A_305, %dma_start3A_306] : memref<80x64xf32, #tpu.memory_space<vmem>> -> memref<40x64xf32, #tpu.memory_space<vmem>>
        %dma_start3A_308 = arith.constant 0 : i32
        %dma_start3A_309 = tpu.memref_slice %arg20[%add3A_288, %dma_start3A_308] : memref<10000x64xf32, #tpu.memory_space<vmem_shared>> -> memref<40x64xf32, #tpu.memory_space<vmem_shared>>
        %dma_start3A_310 = arith.constant 0 : i32
        %dma_start3A_311 = tpu.memref_slice %arg20[%add3A_288, %dma_start3A_310] : memref<10000x64xf32, #tpu.memory_space<vmem_shared>> -> memref<40x64xf32, #tpu.memory_space<vmem_shared>>
        %dma_start3A_312 = arith.constant 0 : i32
        %dma_start3A_313 = arith.constant 0 : i32
        %dma_start3A_314 = tpu.memref_slice %arg18[%dma_start3A_312, %dma_start3A_313] : memref<80x64xf32, #tpu.memory_space<vmem>> -> memref<40x64xf32, #tpu.memory_space<vmem>>
        tpu.enqueue_dma source(%dma_start3A_314 : memref<40x64xf32, #tpu.memory_space<vmem>>) target(%dma_start3A_311 : memref<40x64xf32, #tpu.memory_space<vmem_shared>>) target_semaphore(%run_scoped3A : memref<!tpu.dma_semaphore, #tpu.memory_space<semaphore_mem>>)
        %dma_wait3A_315 = arith.constant 0 : i32
        %dma_wait3A_316 = arith.constant 0 : i32
        %dma_wait3A_317 = tpu.memref_slice %arg18[%dma_wait3A_315, %dma_wait3A_316] : memref<80x64xf32, #tpu.memory_space<vmem>> -> memref<40x64xf32, #tpu.memory_space<vmem>>
        %dma_wait3A_318 = arith.constant 0 : i32
        %dma_wait3A_319 = tpu.memref_slice %arg20[%add3A_288, %dma_wait3A_318] : memref<10000x64xf32, #tpu.memory_space<vmem_shared>> -> memref<40x64xf32, #tpu.memory_space<vmem_shared>>
        %dma_wait3A_320 = arith.constant 0 : i32
        %dma_wait3A_321 = tpu.memref_slice %arg20[%add3A_288, %dma_wait3A_320] : memref<10000x64xf32, #tpu.memory_space<vmem_shared>> -> memref<40x64xf32, #tpu.memory_space<vmem_shared>>
        %dma_wait3A_322 = arith.constant 0 : i32
        %dma_wait3A_323 = arith.constant 0 : i32
        %dma_wait3A_324 = tpu.memref_slice %arg18[%dma_wait3A_322, %dma_wait3A_323] : memref<80x64xf32, #tpu.memory_space<vmem>> -> memref<40x64xf32, #tpu.memory_space<vmem>>
        tpu.wait_dma2 semaphore(%run_scoped3A : memref<!tpu.dma_semaphore, #tpu.memory_space<semaphore_mem>>) src(%dma_wait3A_324 : memref<40x64xf32, #tpu.memory_space<vmem>>) dst(%dma_wait3A_321 : memref<40x64xf32, #tpu.memory_space<vmem_shared>>)
        tpu.yield
      }) : () -> ()
      %add3A_289 = arith.constant 680 : i32
      %add3A_290 = arith.addi %mul3A_254, %add3A_289 : i32
      "tpu.region"() ({
        %run_scoped3A = tpu.sem_alloc : memref<!tpu.dma_semaphore, #tpu.memory_space<semaphore_mem>>
        %dma_start3A_305 = arith.constant 0 : i32
        %dma_start3A_306 = arith.constant 0 : i32
        %dma_start3A_307 = tpu.memref_slice %arg18[%dma_start3A_305, %dma_start3A_306] : memref<80x64xf32, #tpu.memory_space<vmem>> -> memref<40x64xf32, #tpu.memory_space<vmem>>
        %dma_start3A_308 = arith.constant 0 : i32
        %dma_start3A_309 = tpu.memref_slice %arg20[%add3A_290, %dma_start3A_308] : memref<10000x64xf32, #tpu.memory_space<vmem_shared>> -> memref<40x64xf32, #tpu.memory_space<vmem_shared>>
        %dma_start3A_310 = arith.constant 0 : i32
        %dma_start3A_311 = tpu.memref_slice %arg20[%add3A_290, %dma_start3A_310] : memref<10000x64xf32, #tpu.memory_space<vmem_shared>> -> memref<40x64xf32, #tpu.memory_space<vmem_shared>>
        %dma_start3A_312 = arith.constant 0 : i32
        %dma_start3A_313 = arith.constant 0 : i32
        %dma_start3A_314 = tpu.memref_slice %arg18[%dma_start3A_312, %dma_start3A_313] : memref<80x64xf32, #tpu.memory_space<vmem>> -> memref<40x64xf32, #tpu.memory_space<vmem>>
        tpu.enqueue_dma source(%dma_start3A_314 : memref<40x64xf32, #tpu.memory_space<vmem>>) target(%dma_start3A_311 : memref<40x64xf32, #tpu.memory_space<vmem_shared>>) target_semaphore(%run_scoped3A : memref<!tpu.dma_semaphore, #tpu.memory_space<semaphore_mem>>)
        %dma_wait3A_315 = arith.constant 0 : i32
        %dma_wait3A_316 = arith.constant 0 : i32
        %dma_wait3A_317 = tpu.memref_slice %arg18[%dma_wait3A_315, %dma_wait3A_316] : memref<80x64xf32, #tpu.memory_space<vmem>> -> memref<40x64xf32, #tpu.memory_space<vmem>>
        %dma_wait3A_318 = arith.constant 0 : i32
        %dma_wait3A_319 = tpu.memref_slice %arg20[%add3A_290, %dma_wait3A_318] : memref<10000x64xf32, #tpu.memory_space<vmem_shared>> -> memref<40x64xf32, #tpu.memory_space<vmem_shared>>
        %dma_wait3A_320 = arith.constant 0 : i32
        %dma_wait3A_321 = tpu.memref_slice %arg20[%add3A_290, %dma_wait3A_320] : memref<10000x64xf32, #tpu.memory_space<vmem_shared>> -> memref<40x64xf32, #tpu.memory_space<vmem_shared>>
        %dma_wait3A_322 = arith.constant 0 : i32
        %dma_wait3A_323 = arith.constant 0 : i32
        %dma_wait3A_324 = tpu.memref_slice %arg18[%dma_wait3A_322, %dma_wait3A_323] : memref<80x64xf32, #tpu.memory_space<vmem>> -> memref<40x64xf32, #tpu.memory_space<vmem>>
        tpu.wait_dma2 semaphore(%run_scoped3A : memref<!tpu.dma_semaphore, #tpu.memory_space<semaphore_mem>>) src(%dma_wait3A_324 : memref<40x64xf32, #tpu.memory_space<vmem>>) dst(%dma_wait3A_321 : memref<40x64xf32, #tpu.memory_space<vmem_shared>>)
        tpu.yield
      }) : () -> ()
      %add3A_291 = arith.constant 720 : i32
      %add3A_292 = arith.addi %mul3A_254, %add3A_291 : i32
      "tpu.region"() ({
        %run_scoped3A = tpu.sem_alloc : memref<!tpu.dma_semaphore, #tpu.memory_space<semaphore_mem>>
        %dma_start3A_305 = arith.constant 0 : i32
        %dma_start3A_306 = arith.constant 0 : i32
        %dma_start3A_307 = tpu.memref_slice %arg18[%dma_start3A_305, %dma_start3A_306] : memref<80x64xf32, #tpu.memory_space<vmem>> -> memref<40x64xf32, #tpu.memory_space<vmem>>
        %dma_start3A_308 = arith.constant 0 : i32
        %dma_start3A_309 = tpu.memref_slice %arg20[%add3A_292, %dma_start3A_308] : memref<10000x64xf32, #tpu.memory_space<vmem_shared>> -> memref<40x64xf32, #tpu.memory_space<vmem_shared>>
        %dma_start3A_310 = arith.constant 0 : i32
        %dma_start3A_311 = tpu.memref_slice %arg20[%add3A_292, %dma_start3A_310] : memref<10000x64xf32, #tpu.memory_space<vmem_shared>> -> memref<40x64xf32, #tpu.memory_space<vmem_shared>>
        %dma_start3A_312 = arith.constant 0 : i32
        %dma_start3A_313 = arith.constant 0 : i32
        %dma_start3A_314 = tpu.memref_slice %arg18[%dma_start3A_312, %dma_start3A_313] : memref<80x64xf32, #tpu.memory_space<vmem>> -> memref<40x64xf32, #tpu.memory_space<vmem>>
        tpu.enqueue_dma source(%dma_start3A_314 : memref<40x64xf32, #tpu.memory_space<vmem>>) target(%dma_start3A_311 : memref<40x64xf32, #tpu.memory_space<vmem_shared>>) target_semaphore(%run_scoped3A : memref<!tpu.dma_semaphore, #tpu.memory_space<semaphore_mem>>)
        %dma_wait3A_315 = arith.constant 0 : i32
        %dma_wait3A_316 = arith.constant 0 : i32
        %dma_wait3A_317 = tpu.memref_slice %arg18[%dma_wait3A_315, %dma_wait3A_316] : memref<80x64xf32, #tpu.memory_space<vmem>> -> memref<40x64xf32, #tpu.memory_space<vmem>>
        %dma_wait3A_318 = arith.constant 0 : i32
        %dma_wait3A_319 = tpu.memref_slice %arg20[%add3A_292, %dma_wait3A_318] : memref<10000x64xf32, #tpu.memory_space<vmem_shared>> -> memref<40x64xf32, #tpu.memory_space<vmem_shared>>
        %dma_wait3A_320 = arith.constant 0 : i32
        %dma_wait3A_321 = tpu.memref_slice %arg20[%add3A_292, %dma_wait3A_320] : memref<10000x64xf32, #tpu.memory_space<vmem_shared>> -> memref<40x64xf32, #tpu.memory_space<vmem_shared>>
        %dma_wait3A_322 = arith.constant 0 : i32
        %dma_wait3A_323 = arith.constant 0 : i32
        %dma_wait3A_324 = tpu.memref_slice %arg18[%dma_wait3A_322, %dma_wait3A_323] : memref<80x64xf32, #tpu.memory_space<vmem>> -> memref<40x64xf32, #tpu.memory_space<vmem>>
        tpu.wait_dma2 semaphore(%run_scoped3A : memref<!tpu.dma_semaphore, #tpu.memory_space<semaphore_mem>>) src(%dma_wait3A_324 : memref<40x64xf32, #tpu.memory_space<vmem>>) dst(%dma_wait3A_321 : memref<40x64xf32, #tpu.memory_space<vmem_shared>>)
        tpu.yield
      }) : () -> ()
      %add3A_293 = arith.constant 760 : i32
      %add3A_294 = arith.addi %mul3A_254, %add3A_293 : i32
      "tpu.region"() ({
        %run_scoped3A = tpu.sem_alloc : memref<!tpu.dma_semaphore, #tpu.memory_space<semaphore_mem>>
        %dma_start3A_305 = arith.constant 0 : i32
        %dma_start3A_306 = arith.constant 0 : i32
        %dma_start3A_307 = tpu.memref_slice %arg18[%dma_start3A_305, %dma_start3A_306] : memref<80x64xf32, #tpu.memory_space<vmem>> -> memref<40x64xf32, #tpu.memory_space<vmem>>
        %dma_start3A_308 = arith.constant 0 : i32
        %dma_start3A_309 = tpu.memref_slice %arg20[%add3A_294, %dma_start3A_308] : memref<10000x64xf32, #tpu.memory_space<vmem_shared>> -> memref<40x64xf32, #tpu.memory_space<vmem_shared>>
        %dma_start3A_310 = arith.constant 0 : i32
        %dma_start3A_311 = tpu.memref_slice %arg20[%add3A_294, %dma_start3A_310] : memref<10000x64xf32, #tpu.memory_space<vmem_shared>> -> memref<40x64xf32, #tpu.memory_space<vmem_shared>>
        %dma_start3A_312 = arith.constant 0 : i32
        %dma_start3A_313 = arith.constant 0 : i32
        %dma_start3A_314 = tpu.memref_slice %arg18[%dma_start3A_312, %dma_start3A_313] : memref<80x64xf32, #tpu.memory_space<vmem>> -> memref<40x64xf32, #tpu.memory_space<vmem>>
        tpu.enqueue_dma source(%dma_start3A_314 : memref<40x64xf32, #tpu.memory_space<vmem>>) target(%dma_start3A_311 : memref<40x64xf32, #tpu.memory_space<vmem_shared>>) target_semaphore(%run_scoped3A : memref<!tpu.dma_semaphore, #tpu.memory_space<semaphore_mem>>)
        %dma_wait3A_315 = arith.constant 0 : i32
        %dma_wait3A_316 = arith.constant 0 : i32
        %dma_wait3A_317 = tpu.memref_slice %arg18[%dma_wait3A_315, %dma_wait3A_316] : memref<80x64xf32, #tpu.memory_space<vmem>> -> memref<40x64xf32, #tpu.memory_space<vmem>>
        %dma_wait3A_318 = arith.constant 0 : i32
        %dma_wait3A_319 = tpu.memref_slice %arg20[%add3A_294, %dma_wait3A_318] : memref<10000x64xf32, #tpu.memory_space<vmem_shared>> -> memref<40x64xf32, #tpu.memory_space<vmem_shared>>
        %dma_wait3A_320 = arith.constant 0 : i32
        %dma_wait3A_321 = tpu.memref_slice %arg20[%add3A_294, %dma_wait3A_320] : memref<10000x64xf32, #tpu.memory_space<vmem_shared>> -> memref<40x64xf32, #tpu.memory_space<vmem_shared>>
        %dma_wait3A_322 = arith.constant 0 : i32
        %dma_wait3A_323 = arith.constant 0 : i32
        %dma_wait3A_324 = tpu.memref_slice %arg18[%dma_wait3A_322, %dma_wait3A_323] : memref<80x64xf32, #tpu.memory_space<vmem>> -> memref<40x64xf32, #tpu.memory_space<vmem>>
        tpu.wait_dma2 semaphore(%run_scoped3A : memref<!tpu.dma_semaphore, #tpu.memory_space<semaphore_mem>>) src(%dma_wait3A_324 : memref<40x64xf32, #tpu.memory_space<vmem>>) dst(%dma_wait3A_321 : memref<40x64xf32, #tpu.memory_space<vmem_shared>>)
        tpu.yield
      }) : () -> ()
      %add3A_295 = arith.constant 800 : i32
      %add3A_296 = arith.addi %mul3A_254, %add3A_295 : i32
      "tpu.region"() ({
        %run_scoped3A = tpu.sem_alloc : memref<!tpu.dma_semaphore, #tpu.memory_space<semaphore_mem>>
        %dma_start3A_305 = arith.constant 0 : i32
        %dma_start3A_306 = arith.constant 0 : i32
        %dma_start3A_307 = tpu.memref_slice %arg18[%dma_start3A_305, %dma_start3A_306] : memref<80x64xf32, #tpu.memory_space<vmem>> -> memref<40x64xf32, #tpu.memory_space<vmem>>
        %dma_start3A_308 = arith.constant 0 : i32
        %dma_start3A_309 = tpu.memref_slice %arg20[%add3A_296, %dma_start3A_308] : memref<10000x64xf32, #tpu.memory_space<vmem_shared>> -> memref<40x64xf32, #tpu.memory_space<vmem_shared>>
        %dma_start3A_310 = arith.constant 0 : i32
        %dma_start3A_311 = tpu.memref_slice %arg20[%add3A_296, %dma_start3A_310] : memref<10000x64xf32, #tpu.memory_space<vmem_shared>> -> memref<40x64xf32, #tpu.memory_space<vmem_shared>>
        %dma_start3A_312 = arith.constant 0 : i32
        %dma_start3A_313 = arith.constant 0 : i32
        %dma_start3A_314 = tpu.memref_slice %arg18[%dma_start3A_312, %dma_start3A_313] : memref<80x64xf32, #tpu.memory_space<vmem>> -> memref<40x64xf32, #tpu.memory_space<vmem>>
        tpu.enqueue_dma source(%dma_start3A_314 : memref<40x64xf32, #tpu.memory_space<vmem>>) target(%dma_start3A_311 : memref<40x64xf32, #tpu.memory_space<vmem_shared>>) target_semaphore(%run_scoped3A : memref<!tpu.dma_semaphore, #tpu.memory_space<semaphore_mem>>)
        %dma_wait3A_315 = arith.constant 0 : i32
        %dma_wait3A_316 = arith.constant 0 : i32
        %dma_wait3A_317 = tpu.memref_slice %arg18[%dma_wait3A_315, %dma_wait3A_316] : memref<80x64xf32, #tpu.memory_space<vmem>> -> memref<40x64xf32, #tpu.memory_space<vmem>>
        %dma_wait3A_318 = arith.constant 0 : i32
        %dma_wait3A_319 = tpu.memref_slice %arg20[%add3A_296, %dma_wait3A_318] : memref<10000x64xf32, #tpu.memory_space<vmem_shared>> -> memref<40x64xf32, #tpu.memory_space<vmem_shared>>
        %dma_wait3A_320 = arith.constant 0 : i32
        %dma_wait3A_321 = tpu.memref_slice %arg20[%add3A_296, %dma_wait3A_320] : memref<10000x64xf32, #tpu.memory_space<vmem_shared>> -> memref<40x64xf32, #tpu.memory_space<vmem_shared>>
        %dma_wait3A_322 = arith.constant 0 : i32
        %dma_wait3A_323 = arith.constant 0 : i32
        %dma_wait3A_324 = tpu.memref_slice %arg18[%dma_wait3A_322, %dma_wait3A_323] : memref<80x64xf32, #tpu.memory_space<vmem>> -> memref<40x64xf32, #tpu.memory_space<vmem>>
        tpu.wait_dma2 semaphore(%run_scoped3A : memref<!tpu.dma_semaphore, #tpu.memory_space<semaphore_mem>>) src(%dma_wait3A_324 : memref<40x64xf32, #tpu.memory_space<vmem>>) dst(%dma_wait3A_321 : memref<40x64xf32, #tpu.memory_space<vmem_shared>>)
        tpu.yield
      }) : () -> ()
      %add3A_297 = arith.constant 840 : i32
      %add3A_298 = arith.addi %mul3A_254, %add3A_297 : i32
      "tpu.region"() ({
        %run_scoped3A = tpu.sem_alloc : memref<!tpu.dma_semaphore, #tpu.memory_space<semaphore_mem>>
        %dma_start3A_305 = arith.constant 0 : i32
        %dma_start3A_306 = arith.constant 0 : i32
        %dma_start3A_307 = tpu.memref_slice %arg18[%dma_start3A_305, %dma_start3A_306] : memref<80x64xf32, #tpu.memory_space<vmem>> -> memref<40x64xf32, #tpu.memory_space<vmem>>
        %dma_start3A_308 = arith.constant 0 : i32
        %dma_start3A_309 = tpu.memref_slice %arg20[%add3A_298, %dma_start3A_308] : memref<10000x64xf32, #tpu.memory_space<vmem_shared>> -> memref<40x64xf32, #tpu.memory_space<vmem_shared>>
        %dma_start3A_310 = arith.constant 0 : i32
        %dma_start3A_311 = tpu.memref_slice %arg20[%add3A_298, %dma_start3A_310] : memref<10000x64xf32, #tpu.memory_space<vmem_shared>> -> memref<40x64xf32, #tpu.memory_space<vmem_shared>>
        %dma_start3A_312 = arith.constant 0 : i32
        %dma_start3A_313 = arith.constant 0 : i32
        %dma_start3A_314 = tpu.memref_slice %arg18[%dma_start3A_312, %dma_start3A_313] : memref<80x64xf32, #tpu.memory_space<vmem>> -> memref<40x64xf32, #tpu.memory_space<vmem>>
        tpu.enqueue_dma source(%dma_start3A_314 : memref<40x64xf32, #tpu.memory_space<vmem>>) target(%dma_start3A_311 : memref<40x64xf32, #tpu.memory_space<vmem_shared>>) target_semaphore(%run_scoped3A : memref<!tpu.dma_semaphore, #tpu.memory_space<semaphore_mem>>)
        %dma_wait3A_315 = arith.constant 0 : i32
        %dma_wait3A_316 = arith.constant 0 : i32
        %dma_wait3A_317 = tpu.memref_slice %arg18[%dma_wait3A_315, %dma_wait3A_316] : memref<80x64xf32, #tpu.memory_space<vmem>> -> memref<40x64xf32, #tpu.memory_space<vmem>>
        %dma_wait3A_318 = arith.constant 0 : i32
        %dma_wait3A_319 = tpu.memref_slice %arg20[%add3A_298, %dma_wait3A_318] : memref<10000x64xf32, #tpu.memory_space<vmem_shared>> -> memref<40x64xf32, #tpu.memory_space<vmem_shared>>
        %dma_wait3A_320 = arith.constant 0 : i32
        %dma_wait3A_321 = tpu.memref_slice %arg20[%add3A_298, %dma_wait3A_320] : memref<10000x64xf32, #tpu.memory_space<vmem_shared>> -> memref<40x64xf32, #tpu.memory_space<vmem_shared>>
        %dma_wait3A_322 = arith.constant 0 : i32
        %dma_wait3A_323 = arith.constant 0 : i32
        %dma_wait3A_324 = tpu.memref_slice %arg18[%dma_wait3A_322, %dma_wait3A_323] : memref<80x64xf32, #tpu.memory_space<vmem>> -> memref<40x64xf32, #tpu.memory_space<vmem>>
        tpu.wait_dma2 semaphore(%run_scoped3A : memref<!tpu.dma_semaphore, #tpu.memory_space<semaphore_mem>>) src(%dma_wait3A_324 : memref<40x64xf32, #tpu.memory_space<vmem>>) dst(%dma_wait3A_321 : memref<40x64xf32, #tpu.memory_space<vmem_shared>>)
        tpu.yield
      }) : () -> ()
      %add3A_299 = arith.constant 880 : i32
      %add3A_300 = arith.addi %mul3A_254, %add3A_299 : i32
      "tpu.region"() ({
        %run_scoped3A = tpu.sem_alloc : memref<!tpu.dma_semaphore, #tpu.memory_space<semaphore_mem>>
        %dma_start3A_305 = arith.constant 0 : i32
        %dma_start3A_306 = arith.constant 0 : i32
        %dma_start3A_307 = tpu.memref_slice %arg18[%dma_start3A_305, %dma_start3A_306] : memref<80x64xf32, #tpu.memory_space<vmem>> -> memref<40x64xf32, #tpu.memory_space<vmem>>
        %dma_start3A_308 = arith.constant 0 : i32
        %dma_start3A_309 = tpu.memref_slice %arg20[%add3A_300, %dma_start3A_308] : memref<10000x64xf32, #tpu.memory_space<vmem_shared>> -> memref<40x64xf32, #tpu.memory_space<vmem_shared>>
        %dma_start3A_310 = arith.constant 0 : i32
        %dma_start3A_311 = tpu.memref_slice %arg20[%add3A_300, %dma_start3A_310] : memref<10000x64xf32, #tpu.memory_space<vmem_shared>> -> memref<40x64xf32, #tpu.memory_space<vmem_shared>>
        %dma_start3A_312 = arith.constant 0 : i32
        %dma_start3A_313 = arith.constant 0 : i32
        %dma_start3A_314 = tpu.memref_slice %arg18[%dma_start3A_312, %dma_start3A_313] : memref<80x64xf32, #tpu.memory_space<vmem>> -> memref<40x64xf32, #tpu.memory_space<vmem>>
        tpu.enqueue_dma source(%dma_start3A_314 : memref<40x64xf32, #tpu.memory_space<vmem>>) target(%dma_start3A_311 : memref<40x64xf32, #tpu.memory_space<vmem_shared>>) target_semaphore(%run_scoped3A : memref<!tpu.dma_semaphore, #tpu.memory_space<semaphore_mem>>)
        %dma_wait3A_315 = arith.constant 0 : i32
        %dma_wait3A_316 = arith.constant 0 : i32
        %dma_wait3A_317 = tpu.memref_slice %arg18[%dma_wait3A_315, %dma_wait3A_316] : memref<80x64xf32, #tpu.memory_space<vmem>> -> memref<40x64xf32, #tpu.memory_space<vmem>>
        %dma_wait3A_318 = arith.constant 0 : i32
        %dma_wait3A_319 = tpu.memref_slice %arg20[%add3A_300, %dma_wait3A_318] : memref<10000x64xf32, #tpu.memory_space<vmem_shared>> -> memref<40x64xf32, #tpu.memory_space<vmem_shared>>
        %dma_wait3A_320 = arith.constant 0 : i32
        %dma_wait3A_321 = tpu.memref_slice %arg20[%add3A_300, %dma_wait3A_320] : memref<10000x64xf32, #tpu.memory_space<vmem_shared>> -> memref<40x64xf32, #tpu.memory_space<vmem_shared>>
        %dma_wait3A_322 = arith.constant 0 : i32
        %dma_wait3A_323 = arith.constant 0 : i32
        %dma_wait3A_324 = tpu.memref_slice %arg18[%dma_wait3A_322, %dma_wait3A_323] : memref<80x64xf32, #tpu.memory_space<vmem>> -> memref<40x64xf32, #tpu.memory_space<vmem>>
        tpu.wait_dma2 semaphore(%run_scoped3A : memref<!tpu.dma_semaphore, #tpu.memory_space<semaphore_mem>>) src(%dma_wait3A_324 : memref<40x64xf32, #tpu.memory_space<vmem>>) dst(%dma_wait3A_321 : memref<40x64xf32, #tpu.memory_space<vmem_shared>>)
        tpu.yield
      }) : () -> ()
      %add3A_301 = arith.constant 920 : i32
      %add3A_302 = arith.addi %mul3A_254, %add3A_301 : i32
      "tpu.region"() ({
        %run_scoped3A = tpu.sem_alloc : memref<!tpu.dma_semaphore, #tpu.memory_space<semaphore_mem>>
        %dma_start3A_305 = arith.constant 0 : i32
        %dma_start3A_306 = arith.constant 0 : i32
        %dma_start3A_307 = tpu.memref_slice %arg18[%dma_start3A_305, %dma_start3A_306] : memref<80x64xf32, #tpu.memory_space<vmem>> -> memref<40x64xf32, #tpu.memory_space<vmem>>
        %dma_start3A_308 = arith.constant 0 : i32
        %dma_start3A_309 = tpu.memref_slice %arg20[%add3A_302, %dma_start3A_308] : memref<10000x64xf32, #tpu.memory_space<vmem_shared>> -> memref<40x64xf32, #tpu.memory_space<vmem_shared>>
        %dma_start3A_310 = arith.constant 0 : i32
        %dma_start3A_311 = tpu.memref_slice %arg20[%add3A_302, %dma_start3A_310] : memref<10000x64xf32, #tpu.memory_space<vmem_shared>> -> memref<40x64xf32, #tpu.memory_space<vmem_shared>>
        %dma_start3A_312 = arith.constant 0 : i32
        %dma_start3A_313 = arith.constant 0 : i32
        %dma_start3A_314 = tpu.memref_slice %arg18[%dma_start3A_312, %dma_start3A_313] : memref<80x64xf32, #tpu.memory_space<vmem>> -> memref<40x64xf32, #tpu.memory_space<vmem>>
        tpu.enqueue_dma source(%dma_start3A_314 : memref<40x64xf32, #tpu.memory_space<vmem>>) target(%dma_start3A_311 : memref<40x64xf32, #tpu.memory_space<vmem_shared>>) target_semaphore(%run_scoped3A : memref<!tpu.dma_semaphore, #tpu.memory_space<semaphore_mem>>)
        %dma_wait3A_315 = arith.constant 0 : i32
        %dma_wait3A_316 = arith.constant 0 : i32
        %dma_wait3A_317 = tpu.memref_slice %arg18[%dma_wait3A_315, %dma_wait3A_316] : memref<80x64xf32, #tpu.memory_space<vmem>> -> memref<40x64xf32, #tpu.memory_space<vmem>>
        %dma_wait3A_318 = arith.constant 0 : i32
        %dma_wait3A_319 = tpu.memref_slice %arg20[%add3A_302, %dma_wait3A_318] : memref<10000x64xf32, #tpu.memory_space<vmem_shared>> -> memref<40x64xf32, #tpu.memory_space<vmem_shared>>
        %dma_wait3A_320 = arith.constant 0 : i32
        %dma_wait3A_321 = tpu.memref_slice %arg20[%add3A_302, %dma_wait3A_320] : memref<10000x64xf32, #tpu.memory_space<vmem_shared>> -> memref<40x64xf32, #tpu.memory_space<vmem_shared>>
        %dma_wait3A_322 = arith.constant 0 : i32
        %dma_wait3A_323 = arith.constant 0 : i32
        %dma_wait3A_324 = tpu.memref_slice %arg18[%dma_wait3A_322, %dma_wait3A_323] : memref<80x64xf32, #tpu.memory_space<vmem>> -> memref<40x64xf32, #tpu.memory_space<vmem>>
        tpu.wait_dma2 semaphore(%run_scoped3A : memref<!tpu.dma_semaphore, #tpu.memory_space<semaphore_mem>>) src(%dma_wait3A_324 : memref<40x64xf32, #tpu.memory_space<vmem>>) dst(%dma_wait3A_321 : memref<40x64xf32, #tpu.memory_space<vmem_shared>>)
        tpu.yield
      }) : () -> ()
      %add3A_303 = arith.constant 960 : i32
      %add3A_304 = arith.addi %mul3A_254, %add3A_303 : i32
      "tpu.region"() ({
        %run_scoped3A = tpu.sem_alloc : memref<!tpu.dma_semaphore, #tpu.memory_space<semaphore_mem>>
        %dma_start3A_305 = arith.constant 0 : i32
        %dma_start3A_306 = arith.constant 0 : i32
        %dma_start3A_307 = tpu.memref_slice %arg18[%dma_start3A_305, %dma_start3A_306] : memref<80x64xf32, #tpu.memory_space<vmem>> -> memref<40x64xf32, #tpu.memory_space<vmem>>
        %dma_start3A_308 = arith.constant 0 : i32
        %dma_start3A_309 = tpu.memref_slice %arg20[%add3A_304, %dma_start3A_308] : memref<10000x64xf32, #tpu.memory_space<vmem_shared>> -> memref<40x64xf32, #tpu.memory_space<vmem_shared>>
        %dma_start3A_310 = arith.constant 0 : i32
        %dma_start3A_311 = tpu.memref_slice %arg20[%add3A_304, %dma_start3A_310] : memref<10000x64xf32, #tpu.memory_space<vmem_shared>> -> memref<40x64xf32, #tpu.memory_space<vmem_shared>>
        %dma_start3A_312 = arith.constant 0 : i32
        %dma_start3A_313 = arith.constant 0 : i32
        %dma_start3A_314 = tpu.memref_slice %arg18[%dma_start3A_312, %dma_start3A_313] : memref<80x64xf32, #tpu.memory_space<vmem>> -> memref<40x64xf32, #tpu.memory_space<vmem>>
        tpu.enqueue_dma source(%dma_start3A_314 : memref<40x64xf32, #tpu.memory_space<vmem>>) target(%dma_start3A_311 : memref<40x64xf32, #tpu.memory_space<vmem_shared>>) target_semaphore(%run_scoped3A : memref<!tpu.dma_semaphore, #tpu.memory_space<semaphore_mem>>)
        %dma_wait3A_315 = arith.constant 0 : i32
        %dma_wait3A_316 = arith.constant 0 : i32
        %dma_wait3A_317 = tpu.memref_slice %arg18[%dma_wait3A_315, %dma_wait3A_316] : memref<80x64xf32, #tpu.memory_space<vmem>> -> memref<40x64xf32, #tpu.memory_space<vmem>>
        %dma_wait3A_318 = arith.constant 0 : i32
        %dma_wait3A_319 = tpu.memref_slice %arg20[%add3A_304, %dma_wait3A_318] : memref<10000x64xf32, #tpu.memory_space<vmem_shared>> -> memref<40x64xf32, #tpu.memory_space<vmem_shared>>
        %dma_wait3A_320 = arith.constant 0 : i32
        %dma_wait3A_321 = tpu.memref_slice %arg20[%add3A_304, %dma_wait3A_320] : memref<10000x64xf32, #tpu.memory_space<vmem_shared>> -> memref<40x64xf32, #tpu.memory_space<vmem_shared>>
        %dma_wait3A_322 = arith.constant 0 : i32
        %dma_wait3A_323 = arith.constant 0 : i32
        %dma_wait3A_324 = tpu.memref_slice %arg18[%dma_wait3A_322, %dma_wait3A_323] : memref<80x64xf32, #tpu.memory_space<vmem>> -> memref<40x64xf32, #tpu.memory_space<vmem>>
        tpu.wait_dma2 semaphore(%run_scoped3A : memref<!tpu.dma_semaphore, #tpu.memory_space<semaphore_mem>>) src(%dma_wait3A_324 : memref<40x64xf32, #tpu.memory_space<vmem>>) dst(%dma_wait3A_321 : memref<40x64xf32, #tpu.memory_space<vmem_shared>>)
        tpu.yield
      }) : () -> ()
    } else {
    }
    %barrier3A = arith.constant 0 : index
    tpu.barrier barrier_id(%barrier3A)
    %mul3A = arith.constant 10000 : i32
    %mul3A_13 = arith.muli %arg0, %mul3A : i32
    %mul3A_14 = arith.constant 20000 : i32
    %mul3A_15 = arith.muli %arg1, %mul3A_14 : i32
    %add3A = arith.constant 0 : i32
    %add3A_16 = arith.addi %mul3A_15, %add3A : i32
    %dma_start3A = arith.constant 0 : i32
    %dma_start3A_17 = arith.constant 0 : i32
    %dma_start3A_18 = tpu.memref_slice %arg10[%dma_start3A, %dma_start3A_17] : memref<2x80xi32, #tpu.memory_space<vmem>> -> memref<1x80xi32, #tpu.memory_space<vmem>>
    %dma_start3A_19 = tpu.memref_squeeze %dma_start3A_18 : memref<1x80xi32, #tpu.memory_space<vmem>> -> memref<80xi32, #tpu.memory_space<vmem>>
    %dma_start3A_20 = tpu.memref_slice %arg5[%add3A_16] : memref<320000xi32, #tpu.memory_space<hbm>> -> memref<80xi32, #tpu.memory_space<hbm>>
    %dma_start3A_21 = arith.constant 0 : i32
    %dma_start3A_22 = tpu.memref_slice %arg10[%dma_start3A, %dma_start3A_21] : memref<2x80xi32, #tpu.memory_space<vmem>> -> memref<1x80xi32, #tpu.memory_space<vmem>>
    %dma_start3A_23 = tpu.memref_squeeze %dma_start3A_22 : memref<1x80xi32, #tpu.memory_space<vmem>> -> memref<80xi32, #tpu.memory_space<vmem>>
    %dma_start3A_24 = tpu.memref_slice %arg5[%add3A_16] : memref<320000xi32, #tpu.memory_space<hbm>> -> memref<80xi32, #tpu.memory_space<hbm>>
    tpu.enqueue_dma source(%dma_start3A_24 : memref<80xi32, #tpu.memory_space<hbm>>) target(%dma_start3A_23 : memref<80xi32, #tpu.memory_space<vmem>>) target_semaphore(%arg27 : memref<!tpu.dma_semaphore, #tpu.memory_space<semaphore_mem>>)
    %dma_start3A_25 = arith.constant 0 : i32
    %dma_start3A_26 = arith.constant 0 : i32
    %dma_start3A_27 = tpu.memref_slice %arg11[%dma_start3A_25, %dma_start3A_26] : memref<2x80xi32, #tpu.memory_space<vmem>> -> memref<1x80xi32, #tpu.memory_space<vmem>>
    %dma_start3A_28 = tpu.memref_squeeze %dma_start3A_27 : memref<1x80xi32, #tpu.memory_space<vmem>> -> memref<80xi32, #tpu.memory_space<vmem>>
    %dma_start3A_29 = tpu.memref_slice %arg6[%add3A_16] : memref<320000xi32, #tpu.memory_space<hbm>> -> memref<80xi32, #tpu.memory_space<hbm>>
    %dma_start3A_30 = arith.constant 0 : i32
    %dma_start3A_31 = tpu.memref_slice %arg11[%dma_start3A_25, %dma_start3A_30] : memref<2x80xi32, #tpu.memory_space<vmem>> -> memref<1x80xi32, #tpu.memory_space<vmem>>
    %dma_start3A_32 = tpu.memref_squeeze %dma_start3A_31 : memref<1x80xi32, #tpu.memory_space<vmem>> -> memref<80xi32, #tpu.memory_space<vmem>>
    %dma_start3A_33 = tpu.memref_slice %arg6[%add3A_16] : memref<320000xi32, #tpu.memory_space<hbm>> -> memref<80xi32, #tpu.memory_space<hbm>>
    tpu.enqueue_dma source(%dma_start3A_33 : memref<80xi32, #tpu.memory_space<hbm>>) target(%dma_start3A_32 : memref<80xi32, #tpu.memory_space<vmem>>) target_semaphore(%arg27 : memref<!tpu.dma_semaphore, #tpu.memory_space<semaphore_mem>>)
    %dma_start3A_34 = arith.constant 0 : i32
    %dma_start3A_35 = arith.constant 0 : i32
    %dma_start3A_36 = tpu.memref_slice %arg12[%dma_start3A_34, %dma_start3A_35] : memref<2x80xi32, #tpu.memory_space<vmem>> -> memref<1x80xi32, #tpu.memory_space<vmem>>
    %dma_start3A_37 = tpu.memref_squeeze %dma_start3A_36 : memref<1x80xi32, #tpu.memory_space<vmem>> -> memref<80xi32, #tpu.memory_space<vmem>>
    %dma_start3A_38 = tpu.memref_slice %arg7[%add3A_16] : memref<320000xi32, #tpu.memory_space<hbm>> -> memref<80xi32, #tpu.memory_space<hbm>>
    %dma_start3A_39 = arith.constant 0 : i32
    %dma_start3A_40 = tpu.memref_slice %arg12[%dma_start3A_34, %dma_start3A_39] : memref<2x80xi32, #tpu.memory_space<vmem>> -> memref<1x80xi32, #tpu.memory_space<vmem>>
    %dma_start3A_41 = tpu.memref_squeeze %dma_start3A_40 : memref<1x80xi32, #tpu.memory_space<vmem>> -> memref<80xi32, #tpu.memory_space<vmem>>
    %dma_start3A_42 = tpu.memref_slice %arg7[%add3A_16] : memref<320000xi32, #tpu.memory_space<hbm>> -> memref<80xi32, #tpu.memory_space<hbm>>
    tpu.enqueue_dma source(%dma_start3A_42 : memref<80xi32, #tpu.memory_space<hbm>>) target(%dma_start3A_41 : memref<80xi32, #tpu.memory_space<vmem>>) target_semaphore(%arg27 : memref<!tpu.dma_semaphore, #tpu.memory_space<semaphore_mem>>)
    %mul3A_43 = arith.constant 20000 : i32
    %mul3A_44 = arith.muli %arg1, %mul3A_43 : i32
    %add3A_45 = arith.constant 0 : i32
    %add3A_46 = arith.addi %mul3A_44, %add3A_45 : i32
    %dma_wait3A = arith.constant 0 : i32
    %dma_wait3A_47 = arith.constant 0 : i32
    %dma_wait3A_48 = tpu.memref_slice %arg10[%dma_wait3A, %dma_wait3A_47] : memref<2x80xi32, #tpu.memory_space<vmem>> -> memref<1x80xi32, #tpu.memory_space<vmem>>
    %dma_wait3A_49 = tpu.memref_squeeze %dma_wait3A_48 : memref<1x80xi32, #tpu.memory_space<vmem>> -> memref<80xi32, #tpu.memory_space<vmem>>
    %dma_wait3A_50 = tpu.memref_slice %arg5[%add3A_46] : memref<320000xi32, #tpu.memory_space<hbm>> -> memref<80xi32, #tpu.memory_space<hbm>>
    %dma_wait3A_51 = arith.constant 0 : i32
    %dma_wait3A_52 = tpu.memref_slice %arg10[%dma_wait3A, %dma_wait3A_51] : memref<2x80xi32, #tpu.memory_space<vmem>> -> memref<1x80xi32, #tpu.memory_space<vmem>>
    %dma_wait3A_53 = tpu.memref_squeeze %dma_wait3A_52 : memref<1x80xi32, #tpu.memory_space<vmem>> -> memref<80xi32, #tpu.memory_space<vmem>>
    %dma_wait3A_54 = tpu.memref_slice %arg5[%add3A_46] : memref<320000xi32, #tpu.memory_space<hbm>> -> memref<80xi32, #tpu.memory_space<hbm>>
    tpu.wait_dma2 semaphore(%arg27 : memref<!tpu.dma_semaphore, #tpu.memory_space<semaphore_mem>>) src(%dma_wait3A_54 : memref<80xi32, #tpu.memory_space<hbm>>) dst(%dma_wait3A_53 : memref<80xi32, #tpu.memory_space<vmem>>)
    %dma_wait3A_55 = arith.constant 0 : i32
    %dma_wait3A_56 = arith.constant 0 : i32
    %dma_wait3A_57 = tpu.memref_slice %arg11[%dma_wait3A_55, %dma_wait3A_56] : memref<2x80xi32, #tpu.memory_space<vmem>> -> memref<1x80xi32, #tpu.memory_space<vmem>>
    %dma_wait3A_58 = tpu.memref_squeeze %dma_wait3A_57 : memref<1x80xi32, #tpu.memory_space<vmem>> -> memref<80xi32, #tpu.memory_space<vmem>>
    %dma_wait3A_59 = tpu.memref_slice %arg6[%add3A_46] : memref<320000xi32, #tpu.memory_space<hbm>> -> memref<80xi32, #tpu.memory_space<hbm>>
    %dma_wait3A_60 = arith.constant 0 : i32
    %dma_wait3A_61 = tpu.memref_slice %arg11[%dma_wait3A_55, %dma_wait3A_60] : memref<2x80xi32, #tpu.memory_space<vmem>> -> memref<1x80xi32, #tpu.memory_space<vmem>>
    %dma_wait3A_62 = tpu.memref_squeeze %dma_wait3A_61 : memref<1x80xi32, #tpu.memory_space<vmem>> -> memref<80xi32, #tpu.memory_space<vmem>>
    %dma_wait3A_63 = tpu.memref_slice %arg6[%add3A_46] : memref<320000xi32, #tpu.memory_space<hbm>> -> memref<80xi32, #tpu.memory_space<hbm>>
    tpu.wait_dma2 semaphore(%arg27 : memref<!tpu.dma_semaphore, #tpu.memory_space<semaphore_mem>>) src(%dma_wait3A_63 : memref<80xi32, #tpu.memory_space<hbm>>) dst(%dma_wait3A_62 : memref<80xi32, #tpu.memory_space<vmem>>)
    %dma_wait3A_64 = arith.constant 0 : i32
    %dma_wait3A_65 = arith.constant 0 : i32
    %dma_wait3A_66 = tpu.memref_slice %arg12[%dma_wait3A_64, %dma_wait3A_65] : memref<2x80xi32, #tpu.memory_space<vmem>> -> memref<1x80xi32, #tpu.memory_space<vmem>>
    %dma_wait3A_67 = tpu.memref_squeeze %dma_wait3A_66 : memref<1x80xi32, #tpu.memory_space<vmem>> -> memref<80xi32, #tpu.memory_space<vmem>>
    %dma_wait3A_68 = tpu.memref_slice %arg7[%add3A_46] : memref<320000xi32, #tpu.memory_space<hbm>> -> memref<80xi32, #tpu.memory_space<hbm>>
    %dma_wait3A_69 = arith.constant 0 : i32
    %dma_wait3A_70 = tpu.memref_slice %arg12[%dma_wait3A_64, %dma_wait3A_69] : memref<2x80xi32, #tpu.memory_space<vmem>> -> memref<1x80xi32, #tpu.memory_space<vmem>>
    %dma_wait3A_71 = tpu.memref_squeeze %dma_wait3A_70 : memref<1x80xi32, #tpu.memory_space<vmem>> -> memref<80xi32, #tpu.memory_space<vmem>>
    %dma_wait3A_72 = tpu.memref_slice %arg7[%add3A_46] : memref<320000xi32, #tpu.memory_space<hbm>> -> memref<80xi32, #tpu.memory_space<hbm>>
    tpu.wait_dma2 semaphore(%arg27 : memref<!tpu.dma_semaphore, #tpu.memory_space<semaphore_mem>>) src(%dma_wait3A_72 : memref<80xi32, #tpu.memory_space<hbm>>) dst(%dma_wait3A_71 : memref<80xi32, #tpu.memory_space<vmem>>)
    %get3A = arith.constant 0 : i32
    %get3A_73 = arith.index_cast %get3A : i32 to index
    %get3A_74 = arith.constant 0 : index
    %get3A_75 = tpu.vector_load %arg11[%get3A_73, %get3A_74] {strides = array<i32>} : memref<2x80xi32, #tpu.memory_space<vmem>>, vector<1x16xi32>,
    %get3A_76 = vector.shape_cast %get3A_75 : vector<1x16xi32> to vector<16xi32>
    %add3A_77 = vector.broadcast %mul3A_13 : i32 to vector<16xi32>
    %add3A_78 = arith.addi %get3A_76, %add3A_77 : vector<16xi32>
    %swap3A = arith.constant 0 : i32
    %swap3A_79 = arith.index_cast %swap3A : i32 to index
    %swap3A_80 = arith.constant 0 : index
    %swap3A_81 = tpu.vector_load %arg11[%swap3A_79, %swap3A_80] {strides = array<i32>} : memref<2x80xi32, #tpu.memory_space<vmem>>, vector<1x16xi32>,
    %swap3A_82 = vector.shape_cast %swap3A_81 : vector<1x16xi32> to vector<16xi32>
    %swap3A_83 = vector.shape_cast %add3A_78 : vector<16xi32> to vector<1x16xi32>
    tpu.vector_store %arg11[%swap3A_79, %swap3A_80], %swap3A_83 {strides = array<i32>} : memref<2x80xi32, #tpu.memory_space<vmem>>, vector<1x16xi32>,
    %get3A_84 = arith.constant 0 : i32
    %get3A_85 = arith.index_cast %get3A_84 : i32 to index
    %get3A_86 = arith.constant 16 : index
    %get3A_87 = tpu.vector_load %arg11[%get3A_85, %get3A_86] {strides = array<i32>} : memref<2x80xi32, #tpu.memory_space<vmem>>, vector<1x16xi32>,
    %get3A_88 = vector.shape_cast %get3A_87 : vector<1x16xi32> to vector<16xi32>
    %add3A_89 = vector.broadcast %mul3A_13 : i32 to vector<16xi32>
    %add3A_90 = arith.addi %get3A_88, %add3A_89 : vector<16xi32>
    %swap3A_91 = arith.constant 0 : i32
    %swap3A_92 = arith.index_cast %swap3A_91 : i32 to index
    %swap3A_93 = arith.constant 16 : index
    %swap3A_94 = tpu.vector_load %arg11[%swap3A_92, %swap3A_93] {strides = array<i32>} : memref<2x80xi32, #tpu.memory_space<vmem>>, vector<1x16xi32>,
    %swap3A_95 = vector.shape_cast %swap3A_94 : vector<1x16xi32> to vector<16xi32>
    %swap3A_96 = vector.shape_cast %add3A_90 : vector<16xi32> to vector<1x16xi32>
    tpu.vector_store %arg11[%swap3A_92, %swap3A_93], %swap3A_96 {strides = array<i32>} : memref<2x80xi32, #tpu.memory_space<vmem>>, vector<1x16xi32>,
    %get3A_97 = arith.constant 0 : i32
    %get3A_98 = arith.index_cast %get3A_97 : i32 to index
    %get3A_99 = arith.constant 32 : index
    %get3A_100 = tpu.vector_load %arg11[%get3A_98, %get3A_99] {strides = array<i32>} : memref<2x80xi32, #tpu.memory_space<vmem>>, vector<1x16xi32>,
    %get3A_101 = vector.shape_cast %get3A_100 : vector<1x16xi32> to vector<16xi32>
    %add3A_102 = vector.broadcast %mul3A_13 : i32 to vector<16xi32>
    %add3A_103 = arith.addi %get3A_101, %add3A_102 : vector<16xi32>
    %swap3A_104 = arith.constant 0 : i32
    %swap3A_105 = arith.index_cast %swap3A_104 : i32 to index
    %swap3A_106 = arith.constant 32 : index
    %swap3A_107 = tpu.vector_load %arg11[%swap3A_105, %swap3A_106] {strides = array<i32>} : memref<2x80xi32, #tpu.memory_space<vmem>>, vector<1x16xi32>,
    %swap3A_108 = vector.shape_cast %swap3A_107 : vector<1x16xi32> to vector<16xi32>
    %swap3A_109 = vector.shape_cast %add3A_103 : vector<16xi32> to vector<1x16xi32>
    tpu.vector_store %arg11[%swap3A_105, %swap3A_106], %swap3A_109 {strides = array<i32>} : memref<2x80xi32, #tpu.memory_space<vmem>>, vector<1x16xi32>,
    %get3A_110 = arith.constant 0 : i32
    %get3A_111 = arith.index_cast %get3A_110 : i32 to index
    %get3A_112 = arith.constant 48 : index
    %get3A_113 = tpu.vector_load %arg11[%get3A_111, %get3A_112] {strides = array<i32>} : memref<2x80xi32, #tpu.memory_space<vmem>>, vector<1x16xi32>,
    %get3A_114 = vector.shape_cast %get3A_113 : vector<1x16xi32> to vector<16xi32>
    %add3A_115 = vector.broadcast %mul3A_13 : i32 to vector<16xi32>
    %add3A_116 = arith.addi %get3A_114, %add3A_115 : vector<16xi32>
    %swap3A_117 = arith.constant 0 : i32
    %swap3A_118 = arith.index_cast %swap3A_117 : i32 to index
    %swap3A_119 = arith.constant 48 : index
    %swap3A_120 = tpu.vector_load %arg11[%swap3A_118, %swap3A_119] {strides = array<i32>} : memref<2x80xi32, #tpu.memory_space<vmem>>, vector<1x16xi32>,
    %swap3A_121 = vector.shape_cast %swap3A_120 : vector<1x16xi32> to vector<16xi32>
    %swap3A_122 = vector.shape_cast %add3A_116 : vector<16xi32> to vector<1x16xi32>
    tpu.vector_store %arg11[%swap3A_118, %swap3A_119], %swap3A_122 {strides = array<i32>} : memref<2x80xi32, #tpu.memory_space<vmem>>, vector<1x16xi32>,
    %get3A_123 = arith.constant 0 : i32
    %get3A_124 = arith.index_cast %get3A_123 : i32 to index
    %get3A_125 = arith.constant 64 : index
    %get3A_126 = tpu.vector_load %arg11[%get3A_124, %get3A_125] {strides = array<i32>} : memref<2x80xi32, #tpu.memory_space<vmem>>, vector<1x16xi32>,
    %get3A_127 = vector.shape_cast %get3A_126 : vector<1x16xi32> to vector<16xi32>
    %add3A_128 = vector.broadcast %mul3A_13 : i32 to vector<16xi32>
    %add3A_129 = arith.addi %get3A_127, %add3A_128 : vector<16xi32>
    %swap3A_130 = arith.constant 0 : i32
    %swap3A_131 = arith.index_cast %swap3A_130 : i32 to index
    %swap3A_132 = arith.constant 64 : index
    %swap3A_133 = tpu.vector_load %arg11[%swap3A_131, %swap3A_132] {strides = array<i32>} : memref<2x80xi32, #tpu.memory_space<vmem>>, vector<1x16xi32>,
    %swap3A_134 = vector.shape_cast %swap3A_133 : vector<1x16xi32> to vector<16xi32>
    %swap3A_135 = vector.shape_cast %add3A_129 : vector<16xi32> to vector<1x16xi32>
    tpu.vector_store %arg11[%swap3A_131, %swap3A_132], %swap3A_135 {strides = array<i32>} : memref<2x80xi32, #tpu.memory_space<vmem>>, vector<1x16xi32>,
    %dma_start3A_136 = arith.constant 0 : i32
    %dma_start3A_137 = arith.constant 0 : i32
    %dma_start3A_138 = arith.constant 0 : i32
    %dma_start3A_139 = arith.constant 0 : i32
    %dma_start3A_140 = tpu.memref_slice %arg14[%dma_start3A_137, %dma_start3A_138, %dma_start3A_139] : memref<2x80x80xf32, #tpu.memory_space<vmem>> -> memref<1x80x80xf32, #tpu.memory_space<vmem>>
    %dma_start3A_141 = tpu.memref_squeeze %dma_start3A_140 : memref<1x80x80xf32, #tpu.memory_space<vmem>> -> memref<80x80xf32, #tpu.memory_space<vmem>>
    %dma_start3A_142 = arith.constant 0 : i32
    %dma_start3A_143 = tpu.memref_slice %arg11[%dma_start3A_136, %dma_start3A_142] : memref<2x80xi32, #tpu.memory_space<vmem>> -> memref<1x80xi32, #tpu.memory_space<vmem>>
    %dma_start3A_144 = tpu.memref_squeeze %dma_start3A_143 : memref<1x80xi32, #tpu.memory_space<vmem>> -> memref<80xi32, #tpu.memory_space<vmem>>
    %dma_start3A_145 = arith.constant 0 : i32
    %dma_start3A_146 = arith.constant 0 : i32
    %dma_start3A_147 = tpu.memref_slice %arg2[%dma_start3A_145, %dma_start3A_146] : memref<20000x80xf32, #tpu.memory_space<hbm>> -> memref<20000x80xf32, #tpu.memory_space<hbm>>
    tpu.enqueue_indirect_dma source(%dma_start3A_147 : memref<20000x80xf32, #tpu.memory_space<hbm>>) target(%dma_start3A_141 : memref<80x80xf32, #tpu.memory_space<vmem>>) offsets(%dma_start3A_144 : memref<80xi32, #tpu.memory_space<vmem>>) semaphore(%arg21 : memref<!tpu.dma_semaphore, #tpu.memory_space<semaphore_mem>>)
    %dma_start3A_148 = arith.constant 0 : i32
    %dma_start3A_149 = arith.constant 0 : i32
    %dma_start3A_150 = arith.constant 0 : i32
    %dma_start3A_151 = arith.constant 0 : i32
    %dma_start3A_152 = tpu.memref_slice %arg15[%dma_start3A_149, %dma_start3A_150, %dma_start3A_151] : memref<2x80x16xf32, #tpu.memory_space<vmem>> -> memref<1x80x16xf32, #tpu.memory_space<vmem>>
    %dma_start3A_153 = tpu.memref_squeeze %dma_start3A_152 : memref<1x80x16xf32, #tpu.memory_space<vmem>> -> memref<80x16xf32, #tpu.memory_space<vmem>>
    %dma_start3A_154 = arith.constant 0 : i32
    %dma_start3A_155 = tpu.memref_slice %arg10[%dma_start3A_148, %dma_start3A_154] : memref<2x80xi32, #tpu.memory_space<vmem>> -> memref<1x80xi32, #tpu.memory_space<vmem>>
    %dma_start3A_156 = tpu.memref_squeeze %dma_start3A_155 : memref<1x80xi32, #tpu.memory_space<vmem>> -> memref<80xi32, #tpu.memory_space<vmem>>
    %dma_start3A_157 = arith.constant 0 : i32
    %dma_start3A_158 = arith.constant 0 : i32
    %dma_start3A_159 = tpu.memref_slice %arg3[%dma_start3A_157, %dma_start3A_158] : memref<10000x16xf32, #tpu.memory_space<hbm>> -> memref<10000x16xf32, #tpu.memory_space<hbm>>
    tpu.enqueue_indirect_dma source(%dma_start3A_159 : memref<10000x16xf32, #tpu.memory_space<hbm>>) target(%dma_start3A_153 : memref<80x16xf32, #tpu.memory_space<vmem>>) offsets(%dma_start3A_156 : memref<80xi32, #tpu.memory_space<vmem>>) semaphore(%arg22 : memref<!tpu.dma_semaphore, #tpu.memory_space<semaphore_mem>>)
    %dma_start3A_160 = arith.constant 0 : i32
    %dma_start3A_161 = arith.constant 0 : i32
    %dma_start3A_162 = arith.constant 0 : i32
    %dma_start3A_163 = arith.constant 0 : i32
    %dma_start3A_164 = tpu.memref_slice %arg16[%dma_start3A_161, %dma_start3A_162, %dma_start3A_163] : memref<2x80x16xf32, #tpu.memory_space<vmem>> -> memref<1x80x16xf32, #tpu.memory_space<vmem>>
    %dma_start3A_165 = tpu.memref_squeeze %dma_start3A_164 : memref<1x80x16xf32, #tpu.memory_space<vmem>> -> memref<80x16xf32, #tpu.memory_space<vmem>>
    %dma_start3A_166 = arith.constant 0 : i32
    %dma_start3A_167 = tpu.memref_slice %arg12[%dma_start3A_160, %dma_start3A_166] : memref<2x80xi32, #tpu.memory_space<vmem>> -> memref<1x80xi32, #tpu.memory_space<vmem>>
    %dma_start3A_168 = tpu.memref_squeeze %dma_start3A_167 : memref<1x80xi32, #tpu.memory_space<vmem>> -> memref<80xi32, #tpu.memory_space<vmem>>
    %dma_start3A_169 = arith.constant 0 : i32
    %dma_start3A_170 = arith.constant 0 : i32
    %dma_start3A_171 = tpu.memref_slice %arg4[%dma_start3A_169, %dma_start3A_170] : memref<10000x16xf32, #tpu.memory_space<hbm>> -> memref<10000x16xf32, #tpu.memory_space<hbm>>
    tpu.enqueue_indirect_dma source(%dma_start3A_171 : memref<10000x16xf32, #tpu.memory_space<hbm>>) target(%dma_start3A_165 : memref<80x16xf32, #tpu.memory_space<vmem>>) offsets(%dma_start3A_168 : memref<80xi32, #tpu.memory_space<vmem>>) semaphore(%arg23 : memref<!tpu.dma_semaphore, #tpu.memory_space<semaphore_mem>>)
    %mul3A_172 = arith.constant 20000 : i32
    %mul3A_173 = arith.muli %arg1, %mul3A_172 : i32
    %add3A_174 = arith.constant 80 : i32
    %add3A_175 = arith.addi %mul3A_173, %add3A_174 : i32
    %dma_start3A_176 = arith.constant 1 : i32
    %dma_start3A_177 = arith.constant 0 : i32
    %dma_start3A_178 = tpu.memref_slice %arg10[%dma_start3A_176, %dma_start3A_177] : memref<2x80xi32, #tpu.memory_space<vmem>> -> memref<1x80xi32, #tpu.memory_space<vmem>>
    %dma_start3A_179 = tpu.memref_squeeze %dma_start3A_178 : memref<1x80xi32, #tpu.memory_space<vmem>> -> memref<80xi32, #tpu.memory_space<vmem>>
    %dma_start3A_180 = tpu.memref_slice %arg5[%add3A_175] : memref<320000xi32, #tpu.memory_space<hbm>> -> memref<80xi32, #tpu.memory_space<hbm>>
    %dma_start3A_181 = arith.constant 0 : i32
    %dma_start3A_182 = tpu.memref_slice %arg10[%dma_start3A_176, %dma_start3A_181] : memref<2x80xi32, #tpu.memory_space<vmem>> -> memref<1x80xi32, #tpu.memory_space<vmem>>
    %dma_start3A_183 = tpu.memref_squeeze %dma_start3A_182 : memref<1x80xi32, #tpu.memory_space<vmem>> -> memref<80xi32, #tpu.memory_space<vmem>>
    %dma_start3A_184 = tpu.memref_slice %arg5[%add3A_175] : memref<320000xi32, #tpu.memory_space<hbm>> -> memref<80xi32, #tpu.memory_space<hbm>>
    tpu.enqueue_dma source(%dma_start3A_184 : memref<80xi32, #tpu.memory_space<hbm>>) target(%dma_start3A_183 : memref<80xi32, #tpu.memory_space<vmem>>) target_semaphore(%arg28 : memref<!tpu.dma_semaphore, #tpu.memory_space<semaphore_mem>>)
    %dma_start3A_185 = arith.constant 1 : i32
    %dma_start3A_186 = arith.constant 0 : i32
    %dma_start3A_187 = tpu.memref_slice %arg11[%dma_start3A_185, %dma_start3A_186] : memref<2x80xi32, #tpu.memory_space<vmem>> -> memref<1x80xi32, #tpu.memory_space<vmem>>
    %dma_start3A_188 = tpu.memref_squeeze %dma_start3A_187 : memref<1x80xi32, #tpu.memory_space<vmem>> -> memref<80xi32, #tpu.memory_space<vmem>>
    %dma_start3A_189 = tpu.memref_slice %arg6[%add3A_175] : memref<320000xi32, #tpu.memory_space<hbm>> -> memref<80xi32, #tpu.memory_space<hbm>>
    %dma_start3A_190 = arith.constant 0 : i32
    %dma_start3A_191 = tpu.memref_slice %arg11[%dma_start3A_185, %dma_start3A_190] : memref<2x80xi32, #tpu.memory_space<vmem>> -> memref<1x80xi32, #tpu.memory_space<vmem>>
    %dma_start3A_192 = tpu.memref_squeeze %dma_start3A_191 : memref<1x80xi32, #tpu.memory_space<vmem>> -> memref<80xi32, #tpu.memory_space<vmem>>
    %dma_start3A_193 = tpu.memref_slice %arg6[%add3A_175] : memref<320000xi32, #tpu.memory_space<hbm>> -> memref<80xi32, #tpu.memory_space<hbm>>
    tpu.enqueue_dma source(%dma_start3A_193 : memref<80xi32, #tpu.memory_space<hbm>>) target(%dma_start3A_192 : memref<80xi32, #tpu.memory_space<vmem>>) target_semaphore(%arg28 : memref<!tpu.dma_semaphore, #tpu.memory_space<semaphore_mem>>)
    %dma_start3A_194 = arith.constant 1 : i32
    %dma_start3A_195 = arith.constant 0 : i32
    %dma_start3A_196 = tpu.memref_slice %arg12[%dma_start3A_194, %dma_start3A_195] : memref<2x80xi32, #tpu.memory_space<vmem>> -> memref<1x80xi32, #tpu.memory_space<vmem>>
    %dma_start3A_197 = tpu.memref_squeeze %dma_start3A_196 : memref<1x80xi32, #tpu.memory_space<vmem>> -> memref<80xi32, #tpu.memory_space<vmem>>
    %dma_start3A_198 = tpu.memref_slice %arg7[%add3A_175] : memref<320000xi32, #tpu.memory_space<hbm>> -> memref<80xi32, #tpu.memory_space<hbm>>
    %dma_start3A_199 = arith.constant 0 : i32
    %dma_start3A_200 = tpu.memref_slice %arg12[%dma_start3A_194, %dma_start3A_199] : memref<2x80xi32, #tpu.memory_space<vmem>> -> memref<1x80xi32, #tpu.memory_space<vmem>>
    %dma_start3A_201 = tpu.memref_squeeze %dma_start3A_200 : memref<1x80xi32, #tpu.memory_space<vmem>> -> memref<80xi32, #tpu.memory_space<vmem>>
    %dma_start3A_202 = tpu.memref_slice %arg7[%add3A_175] : memref<320000xi32, #tpu.memory_space<hbm>> -> memref<80xi32, #tpu.memory_space<hbm>>
    tpu.enqueue_dma source(%dma_start3A_202 : memref<80xi32, #tpu.memory_space<hbm>>) target(%dma_start3A_201 : memref<80xi32, #tpu.memory_space<vmem>>) target_semaphore(%arg28 : memref<!tpu.dma_semaphore, #tpu.memory_space<semaphore_mem>>)
    %scan3A_203 = arith.constant 0 : i32
    %scan3A_204 = arith.constant 0 : i32
    %scan3A_205 = arith.constant 125 : i32
    %scan3A_206 = arith.addi %scan3A_204, %scan3A_205 : i32
    %scan3A_207 = arith.constant 1 : i32
    %scan3A_208 = scf.for %scan3A_252 = %scan3A_204 to %scan3A_206 step %scan3A_207 iter_args(%scan3A_253 = %scan3A_203) -> (i32)  : i32 {
      %mul3A_254 = arith.constant 2 : i32
      %mul3A_255 = arith.muli %scan3A_252, %mul3A_254 : i32
      %add3A_256 = arith.constant 1 : i32
      %add3A_257 = arith.addi %mul3A_255, %add3A_256 : i32
      %lt3A_258 = arith.constant 250 : i32
      %lt3A_259 = arith.cmpi slt, %add3A_257, %lt3A_258 : i32
      %convert_element_type3A_260 = arith.extui %lt3A_259 : i1 to i32
      %cond3A_261 = arith.constant 0 : i32
      %cond3A_262 = arith.cmpi ne, %convert_element_type3A_260, %cond3A_261 : i32
      scf.if %cond3A_262 {
        %add3A_532 = arith.constant 1 : i32
        %add3A_533 = arith.addi %mul3A_255, %add3A_532 : i32
        %mul3A_534 = arith.constant 20000 : i32
        %mul3A_535 = arith.muli %arg1, %mul3A_534 : i32
        %mul3A_536 = arith.constant 80 : i32
        %mul3A_537 = arith.muli %add3A_533, %mul3A_536 : i32
        %add3A_538 = arith.addi %mul3A_535, %mul3A_537 : i32
        %dma_wait3A_539 = arith.constant 1 : i32
        %dma_wait3A_540 = arith.constant 0 : i32
        %dma_wait3A_541 = tpu.memref_slice %arg10[%dma_wait3A_539, %dma_wait3A_540] : memref<2x80xi32, #tpu.memory_space<vmem>> -> memref<1x80xi32, #tpu.memory_space<vmem>>
        %dma_wait3A_542 = tpu.memref_squeeze %dma_wait3A_541 : memref<1x80xi32, #tpu.memory_space<vmem>> -> memref<80xi32, #tpu.memory_space<vmem>>
        %dma_wait3A_543 = tpu.memref_slice %arg5[%add3A_538] : memref<320000xi32, #tpu.memory_space<hbm>> -> memref<80xi32, #tpu.memory_space<hbm>>
        %dma_wait3A_544 = arith.constant 0 : i32
        %dma_wait3A_545 = tpu.memref_slice %arg10[%dma_wait3A_539, %dma_wait3A_544] : memref<2x80xi32, #tpu.memory_space<vmem>> -> memref<1x80xi32, #tpu.memory_space<vmem>>
        %dma_wait3A_546 = tpu.memref_squeeze %dma_wait3A_545 : memref<1x80xi32, #tpu.memory_space<vmem>> -> memref<80xi32, #tpu.memory_space<vmem>>
        %dma_wait3A_547 = tpu.memref_slice %arg5[%add3A_538] : memref<320000xi32, #tpu.memory_space<hbm>> -> memref<80xi32, #tpu.memory_space<hbm>>
        tpu.wait_dma2 semaphore(%arg28 : memref<!tpu.dma_semaphore, #tpu.memory_space<semaphore_mem>>) src(%dma_wait3A_547 : memref<80xi32, #tpu.memory_space<hbm>>) dst(%dma_wait3A_546 : memref<80xi32, #tpu.memory_space<vmem>>)
        %dma_wait3A_548 = arith.constant 1 : i32
        %dma_wait3A_549 = arith.constant 0 : i32
        %dma_wait3A_550 = tpu.memref_slice %arg11[%dma_wait3A_548, %dma_wait3A_549] : memref<2x80xi32, #tpu.memory_space<vmem>> -> memref<1x80xi32, #tpu.memory_space<vmem>>
        %dma_wait3A_551 = tpu.memref_squeeze %dma_wait3A_550 : memref<1x80xi32, #tpu.memory_space<vmem>> -> memref<80xi32, #tpu.memory_space<vmem>>
        %dma_wait3A_552 = tpu.memref_slice %arg6[%add3A_538] : memref<320000xi32, #tpu.memory_space<hbm>> -> memref<80xi32, #tpu.memory_space<hbm>>
        %dma_wait3A_553 = arith.constant 0 : i32
        %dma_wait3A_554 = tpu.memref_slice %arg11[%dma_wait3A_548, %dma_wait3A_553] : memref<2x80xi32, #tpu.memory_space<vmem>> -> memref<1x80xi32, #tpu.memory_space<vmem>>
        %dma_wait3A_555 = tpu.memref_squeeze %dma_wait3A_554 : memref<1x80xi32, #tpu.memory_space<vmem>> -> memref<80xi32, #tpu.memory_space<vmem>>
        %dma_wait3A_556 = tpu.memref_slice %arg6[%add3A_538] : memref<320000xi32, #tpu.memory_space<hbm>> -> memref<80xi32, #tpu.memory_space<hbm>>
        tpu.wait_dma2 semaphore(%arg28 : memref<!tpu.dma_semaphore, #tpu.memory_space<semaphore_mem>>) src(%dma_wait3A_556 : memref<80xi32, #tpu.memory_space<hbm>>) dst(%dma_wait3A_555 : memref<80xi32, #tpu.memory_space<vmem>>)
        %dma_wait3A_557 = arith.constant 1 : i32
        %dma_wait3A_558 = arith.constant 0 : i32
        %dma_wait3A_559 = tpu.memref_slice %arg12[%dma_wait3A_557, %dma_wait3A_558] : memref<2x80xi32, #tpu.memory_space<vmem>> -> memref<1x80xi32, #tpu.memory_space<vmem>>
        %dma_wait3A_560 = tpu.memref_squeeze %dma_wait3A_559 : memref<1x80xi32, #tpu.memory_space<vmem>> -> memref<80xi32, #tpu.memory_space<vmem>>
        %dma_wait3A_561 = tpu.memref_slice %arg7[%add3A_538] : memref<320000xi32, #tpu.memory_space<hbm>> -> memref<80xi32, #tpu.memory_space<hbm>>
        %dma_wait3A_562 = arith.constant 0 : i32
        %dma_wait3A_563 = tpu.memref_slice %arg12[%dma_wait3A_557, %dma_wait3A_562] : memref<2x80xi32, #tpu.memory_space<vmem>> -> memref<1x80xi32, #tpu.memory_space<vmem>>
        %dma_wait3A_564 = tpu.memref_squeeze %dma_wait3A_563 : memref<1x80xi32, #tpu.memory_space<vmem>> -> memref<80xi32, #tpu.memory_space<vmem>>
        %dma_wait3A_565 = tpu.memref_slice %arg7[%add3A_538] : memref<320000xi32, #tpu.memory_space<hbm>> -> memref<80xi32, #tpu.memory_space<hbm>>
        tpu.wait_dma2 semaphore(%arg28 : memref<!tpu.dma_semaphore, #tpu.memory_space<semaphore_mem>>) src(%dma_wait3A_565 : memref<80xi32, #tpu.memory_space<hbm>>) dst(%dma_wait3A_564 : memref<80xi32, #tpu.memory_space<vmem>>)
        %get3A_566 = arith.constant 1 : i32
        %get3A_567 = arith.index_cast %get3A_566 : i32 to index
        %get3A_568 = arith.constant 0 : index
        %get3A_569 = tpu.vector_load %arg11[%get3A_567, %get3A_568] {strides = array<i32>} : memref<2x80xi32, #tpu.memory_space<vmem>>, vector<1x16xi32>,
        %get3A_570 = vector.shape_cast %get3A_569 : vector<1x16xi32> to vector<16xi32>
        %add3A_571 = vector.broadcast %mul3A_13 : i32 to vector<16xi32>
        %add3A_572 = arith.addi %get3A_570, %add3A_571 : vector<16xi32>
        %swap3A_573 = arith.constant 1 : i32
        %swap3A_574 = arith.index_cast %swap3A_573 : i32 to index
        %swap3A_575 = arith.constant 0 : index
        %swap3A_576 = tpu.vector_load %arg11[%swap3A_574, %swap3A_575] {strides = array<i32>} : memref<2x80xi32, #tpu.memory_space<vmem>>, vector<1x16xi32>,
        %swap3A_577 = vector.shape_cast %swap3A_576 : vector<1x16xi32> to vector<16xi32>
        %swap3A_578 = vector.shape_cast %add3A_572 : vector<16xi32> to vector<1x16xi32>
        tpu.vector_store %arg11[%swap3A_574, %swap3A_575], %swap3A_578 {strides = array<i32>} : memref<2x80xi32, #tpu.memory_space<vmem>>, vector<1x16xi32>,
        %get3A_579 = arith.constant 1 : i32
        %get3A_580 = arith.index_cast %get3A_579 : i32 to index
        %get3A_581 = arith.constant 16 : index
        %get3A_582 = tpu.vector_load %arg11[%get3A_580, %get3A_581] {strides = array<i32>} : memref<2x80xi32, #tpu.memory_space<vmem>>, vector<1x16xi32>,
        %get3A_583 = vector.shape_cast %get3A_582 : vector<1x16xi32> to vector<16xi32>
        %add3A_584 = vector.broadcast %mul3A_13 : i32 to vector<16xi32>
        %add3A_585 = arith.addi %get3A_583, %add3A_584 : vector<16xi32>
        %swap3A_586 = arith.constant 1 : i32
        %swap3A_587 = arith.index_cast %swap3A_586 : i32 to index
        %swap3A_588 = arith.constant 16 : index
        %swap3A_589 = tpu.vector_load %arg11[%swap3A_587, %swap3A_588] {strides = array<i32>} : memref<2x80xi32, #tpu.memory_space<vmem>>, vector<1x16xi32>,
        %swap3A_590 = vector.shape_cast %swap3A_589 : vector<1x16xi32> to vector<16xi32>
        %swap3A_591 = vector.shape_cast %add3A_585 : vector<16xi32> to vector<1x16xi32>
        tpu.vector_store %arg11[%swap3A_587, %swap3A_588], %swap3A_591 {strides = array<i32>} : memref<2x80xi32, #tpu.memory_space<vmem>>, vector<1x16xi32>,
        %get3A_592 = arith.constant 1 : i32
        %get3A_593 = arith.index_cast %get3A_592 : i32 to index
        %get3A_594 = arith.constant 32 : index
        %get3A_595 = tpu.vector_load %arg11[%get3A_593, %get3A_594] {strides = array<i32>} : memref<2x80xi32, #tpu.memory_space<vmem>>, vector<1x16xi32>,
        %get3A_596 = vector.shape_cast %get3A_595 : vector<1x16xi32> to vector<16xi32>
        %add3A_597 = vector.broadcast %mul3A_13 : i32 to vector<16xi32>
        %add3A_598 = arith.addi %get3A_596, %add3A_597 : vector<16xi32>
        %swap3A_599 = arith.constant 1 : i32
        %swap3A_600 = arith.index_cast %swap3A_599 : i32 to index
        %swap3A_601 = arith.constant 32 : index
        %swap3A_602 = tpu.vector_load %arg11[%swap3A_600, %swap3A_601] {strides = array<i32>} : memref<2x80xi32, #tpu.memory_space<vmem>>, vector<1x16xi32>,
        %swap3A_603 = vector.shape_cast %swap3A_602 : vector<1x16xi32> to vector<16xi32>
        %swap3A_604 = vector.shape_cast %add3A_598 : vector<16xi32> to vector<1x16xi32>
        tpu.vector_store %arg11[%swap3A_600, %swap3A_601], %swap3A_604 {strides = array<i32>} : memref<2x80xi32, #tpu.memory_space<vmem>>, vector<1x16xi32>,
        %get3A_605 = arith.constant 1 : i32
        %get3A_606 = arith.index_cast %get3A_605 : i32 to index
        %get3A_607 = arith.constant 48 : index
        %get3A_608 = tpu.vector_load %arg11[%get3A_606, %get3A_607] {strides = array<i32>} : memref<2x80xi32, #tpu.memory_space<vmem>>, vector<1x16xi32>,
        %get3A_609 = vector.shape_cast %get3A_608 : vector<1x16xi32> to vector<16xi32>
        %add3A_610 = vector.broadcast %mul3A_13 : i32 to vector<16xi32>
        %add3A_611 = arith.addi %get3A_609, %add3A_610 : vector<16xi32>
        %swap3A_612 = arith.constant 1 : i32
        %swap3A_613 = arith.index_cast %swap3A_612 : i32 to index
        %swap3A_614 = arith.constant 48 : index
        %swap3A_615 = tpu.vector_load %arg11[%swap3A_613, %swap3A_614] {strides = array<i32>} : memref<2x80xi32, #tpu.memory_space<vmem>>, vector<1x16xi32>,
        %swap3A_616 = vector.shape_cast %swap3A_615 : vector<1x16xi32> to vector<16xi32>
        %swap3A_617 = vector.shape_cast %add3A_611 : vector<16xi32> to vector<1x16xi32>
        tpu.vector_store %arg11[%swap3A_613, %swap3A_614], %swap3A_617 {strides = array<i32>} : memref<2x80xi32, #tpu.memory_space<vmem>>, vector<1x16xi32>,
        %get3A_618 = arith.constant 1 : i32
        %get3A_619 = arith.index_cast %get3A_618 : i32 to index
        %get3A_620 = arith.constant 64 : index
        %get3A_621 = tpu.vector_load %arg11[%get3A_619, %get3A_620] {strides = array<i32>} : memref<2x80xi32, #tpu.memory_space<vmem>>, vector<1x16xi32>,
        %get3A_622 = vector.shape_cast %get3A_621 : vector<1x16xi32> to vector<16xi32>
        %add3A_623 = vector.broadcast %mul3A_13 : i32 to vector<16xi32>
        %add3A_624 = arith.addi %get3A_622, %add3A_623 : vector<16xi32>
        %swap3A_625 = arith.constant 1 : i32
        %swap3A_626 = arith.index_cast %swap3A_625 : i32 to index
        %swap3A_627 = arith.constant 64 : index
        %swap3A_628 = tpu.vector_load %arg11[%swap3A_626, %swap3A_627] {strides = array<i32>} : memref<2x80xi32, #tpu.memory_space<vmem>>, vector<1x16xi32>,
        %swap3A_629 = vector.shape_cast %swap3A_628 : vector<1x16xi32> to vector<16xi32>
        %swap3A_630 = vector.shape_cast %add3A_624 : vector<16xi32> to vector<1x16xi32>
        tpu.vector_store %arg11[%swap3A_626, %swap3A_627], %swap3A_630 {strides = array<i32>} : memref<2x80xi32, #tpu.memory_space<vmem>>, vector<1x16xi32>,
        %dma_start3A_631 = arith.constant 1 : i32
        %dma_start3A_632 = arith.constant 1 : i32
        %dma_start3A_633 = arith.constant 0 : i32
        %dma_start3A_634 = arith.constant 0 : i32
        %dma_start3A_635 = tpu.memref_slice %arg14[%dma_start3A_632, %dma_start3A_633, %dma_start3A_634] : memref<2x80x80xf32, #tpu.memory_space<vmem>> -> memref<1x80x80xf32, #tpu.memory_space<vmem>>
        %dma_start3A_636 = tpu.memref_squeeze %dma_start3A_635 : memref<1x80x80xf32, #tpu.memory_space<vmem>> -> memref<80x80xf32, #tpu.memory_space<vmem>>
        %dma_start3A_637 = arith.constant 0 : i32
        %dma_start3A_638 = tpu.memref_slice %arg11[%dma_start3A_631, %dma_start3A_637] : memref<2x80xi32, #tpu.memory_space<vmem>> -> memref<1x80xi32, #tpu.memory_space<vmem>>
        %dma_start3A_639 = tpu.memref_squeeze %dma_start3A_638 : memref<1x80xi32, #tpu.memory_space<vmem>> -> memref<80xi32, #tpu.memory_space<vmem>>
        %dma_start3A_640 = arith.constant 0 : i32
        %dma_start3A_641 = arith.constant 0 : i32
        %dma_start3A_642 = tpu.memref_slice %arg2[%dma_start3A_640, %dma_start3A_641] : memref<20000x80xf32, #tpu.memory_space<hbm>> -> memref<20000x80xf32, #tpu.memory_space<hbm>>
        tpu.enqueue_indirect_dma source(%dma_start3A_642 : memref<20000x80xf32, #tpu.memory_space<hbm>>) target(%dma_start3A_636 : memref<80x80xf32, #tpu.memory_space<vmem>>) offsets(%dma_start3A_639 : memref<80xi32, #tpu.memory_space<vmem>>) semaphore(%arg24 : memref<!tpu.dma_semaphore, #tpu.memory_space<semaphore_mem>>)
        %dma_start3A_643 = arith.constant 1 : i32
        %dma_start3A_644 = arith.constant 1 : i32
        %dma_start3A_645 = arith.constant 0 : i32
        %dma_start3A_646 = arith.constant 0 : i32
        %dma_start3A_647 = tpu.memref_slice %arg15[%dma_start3A_644, %dma_start3A_645, %dma_start3A_646] : memref<2x80x16xf32, #tpu.memory_space<vmem>> -> memref<1x80x16xf32, #tpu.memory_space<vmem>>
        %dma_start3A_648 = tpu.memref_squeeze %dma_start3A_647 : memref<1x80x16xf32, #tpu.memory_space<vmem>> -> memref<80x16xf32, #tpu.memory_space<vmem>>
        %dma_start3A_649 = arith.constant 0 : i32
        %dma_start3A_650 = tpu.memref_slice %arg10[%dma_start3A_643, %dma_start3A_649] : memref<2x80xi32, #tpu.memory_space<vmem>> -> memref<1x80xi32, #tpu.memory_space<vmem>>
        %dma_start3A_651 = tpu.memref_squeeze %dma_start3A_650 : memref<1x80xi32, #tpu.memory_space<vmem>> -> memref<80xi32, #tpu.memory_space<vmem>>
        %dma_start3A_652 = arith.constant 0 : i32
        %dma_start3A_653 = arith.constant 0 : i32
        %dma_start3A_654 = tpu.memref_slice %arg3[%dma_start3A_652, %dma_start3A_653] : memref<10000x16xf32, #tpu.memory_space<hbm>> -> memref<10000x16xf32, #tpu.memory_space<hbm>>
        tpu.enqueue_indirect_dma source(%dma_start3A_654 : memref<10000x16xf32, #tpu.memory_space<hbm>>) target(%dma_start3A_648 : memref<80x16xf32, #tpu.memory_space<vmem>>) offsets(%dma_start3A_651 : memref<80xi32, #tpu.memory_space<vmem>>) semaphore(%arg25 : memref<!tpu.dma_semaphore, #tpu.memory_space<semaphore_mem>>)
        %dma_start3A_655 = arith.constant 1 : i32
        %dma_start3A_656 = arith.constant 1 : i32
        %dma_start3A_657 = arith.constant 0 : i32
        %dma_start3A_658 = arith.constant 0 : i32
        %dma_start3A_659 = tpu.memref_slice %arg16[%dma_start3A_656, %dma_start3A_657, %dma_start3A_658] : memref<2x80x16xf32, #tpu.memory_space<vmem>> -> memref<1x80x16xf32, #tpu.memory_space<vmem>>
        %dma_start3A_660 = tpu.memref_squeeze %dma_start3A_659 : memref<1x80x16xf32, #tpu.memory_space<vmem>> -> memref<80x16xf32, #tpu.memory_space<vmem>>
        %dma_start3A_661 = arith.constant 0 : i32
        %dma_start3A_662 = tpu.memref_slice %arg12[%dma_start3A_655, %dma_start3A_661] : memref<2x80xi32, #tpu.memory_space<vmem>> -> memref<1x80xi32, #tpu.memory_space<vmem>>
        %dma_start3A_663 = tpu.memref_squeeze %dma_start3A_662 : memref<1x80xi32, #tpu.memory_space<vmem>> -> memref<80xi32, #tpu.memory_space<vmem>>
        %dma_start3A_664 = arith.constant 0 : i32
        %dma_start3A_665 = arith.constant 0 : i32
        %dma_start3A_666 = tpu.memref_slice %arg4[%dma_start3A_664, %dma_start3A_665] : memref<10000x16xf32, #tpu.memory_space<hbm>> -> memref<10000x16xf32, #tpu.memory_space<hbm>>
        tpu.enqueue_indirect_dma source(%dma_start3A_666 : memref<10000x16xf32, #tpu.memory_space<hbm>>) target(%dma_start3A_660 : memref<80x16xf32, #tpu.memory_space<vmem>>) offsets(%dma_start3A_663 : memref<80xi32, #tpu.memory_space<vmem>>) semaphore(%arg26 : memref<!tpu.dma_semaphore, #tpu.memory_space<semaphore_mem>>)
      } else {
      }
      %dma_wait3A_263 = arith.constant 0 : i32
      %dma_wait3A_264 = arith.constant 0 : i32
      %dma_wait3A_265 = arith.constant 0 : i32
      %dma_wait3A_266 = arith.constant 0 : i32
      %dma_wait3A_267 = tpu.memref_slice %arg14[%dma_wait3A_264, %dma_wait3A_265, %dma_wait3A_266] : memref<2x80x80xf32, #tpu.memory_space<vmem>> -> memref<1x80x80xf32, #tpu.memory_space<vmem>>
      %dma_wait3A_268 = tpu.memref_squeeze %dma_wait3A_267 : memref<1x80x80xf32, #tpu.memory_space<vmem>> -> memref<80x80xf32, #tpu.memory_space<vmem>>
      %dma_wait3A_269 = arith.constant 0 : i32
      %dma_wait3A_270 = tpu.memref_slice %arg11[%dma_wait3A_263, %dma_wait3A_269] : memref<2x80xi32, #tpu.memory_space<vmem>> -> memref<1x80xi32, #tpu.memory_space<vmem>>
      %dma_wait3A_271 = tpu.memref_squeeze %dma_wait3A_270 : memref<1x80xi32, #tpu.memory_space<vmem>> -> memref<80xi32, #tpu.memory_space<vmem>>
      %dma_wait3A_272 = arith.constant 0 : i32
      %dma_wait3A_273 = arith.constant 0 : i32
      %dma_wait3A_274 = tpu.memref_slice %arg2[%dma_wait3A_272, %dma_wait3A_273] : memref<20000x80xf32, #tpu.memory_space<hbm>> -> memref<20000x80xf32, #tpu.memory_space<hbm>>
      tpu.wait_indirect_dma semaphore(%arg21 : memref<!tpu.dma_semaphore, #tpu.memory_space<semaphore_mem>>) src(%dma_wait3A_274 : memref<20000x80xf32, #tpu.memory_space<hbm>>) dst(%dma_wait3A_268 : memref<80x80xf32, #tpu.memory_space<vmem>>)
      %dma_wait3A_275 = arith.constant 0 : i32
      %dma_wait3A_276 = arith.constant 0 : i32
      %dma_wait3A_277 = arith.constant 0 : i32
      %dma_wait3A_278 = arith.constant 0 : i32
      %dma_wait3A_279 = tpu.memref_slice %arg15[%dma_wait3A_276, %dma_wait3A_277, %dma_wait3A_278] : memref<2x80x16xf32, #tpu.memory_space<vmem>> -> memref<1x80x16xf32, #tpu.memory_space<vmem>>
      %dma_wait3A_280 = tpu.memref_squeeze %dma_wait3A_279 : memref<1x80x16xf32, #tpu.memory_space<vmem>> -> memref<80x16xf32, #tpu.memory_space<vmem>>
      %dma_wait3A_281 = arith.constant 0 : i32
      %dma_wait3A_282 = tpu.memref_slice %arg10[%dma_wait3A_275, %dma_wait3A_281] : memref<2x80xi32, #tpu.memory_space<vmem>> -> memref<1x80xi32, #tpu.memory_space<vmem>>
      %dma_wait3A_283 = tpu.memref_squeeze %dma_wait3A_282 : memref<1x80xi32, #tpu.memory_space<vmem>> -> memref<80xi32, #tpu.memory_space<vmem>>
      %dma_wait3A_284 = arith.constant 0 : i32
      %dma_wait3A_285 = arith.constant 0 : i32
      %dma_wait3A_286 = tpu.memref_slice %arg3[%dma_wait3A_284, %dma_wait3A_285] : memref<10000x16xf32, #tpu.memory_space<hbm>> -> memref<10000x16xf32, #tpu.memory_space<hbm>>
      tpu.wait_indirect_dma semaphore(%arg22 : memref<!tpu.dma_semaphore, #tpu.memory_space<semaphore_mem>>) src(%dma_wait3A_286 : memref<10000x16xf32, #tpu.memory_space<hbm>>) dst(%dma_wait3A_280 : memref<80x16xf32, #tpu.memory_space<vmem>>)
      %dma_wait3A_287 = arith.constant 0 : i32
      %dma_wait3A_288 = arith.constant 0 : i32
      %dma_wait3A_289 = arith.constant 0 : i32
      %dma_wait3A_290 = arith.constant 0 : i32
      %dma_wait3A_291 = tpu.memref_slice %arg16[%dma_wait3A_288, %dma_wait3A_289, %dma_wait3A_290] : memref<2x80x16xf32, #tpu.memory_space<vmem>> -> memref<1x80x16xf32, #tpu.memory_space<vmem>>
      %dma_wait3A_292 = tpu.memref_squeeze %dma_wait3A_291 : memref<1x80x16xf32, #tpu.memory_space<vmem>> -> memref<80x16xf32, #tpu.memory_space<vmem>>
      %dma_wait3A_293 = arith.constant 0 : i32
      %dma_wait3A_294 = tpu.memref_slice %arg12[%dma_wait3A_287, %dma_wait3A_293] : memref<2x80xi32, #tpu.memory_space<vmem>> -> memref<1x80xi32, #tpu.memory_space<vmem>>
      %dma_wait3A_295 = tpu.memref_squeeze %dma_wait3A_294 : memref<1x80xi32, #tpu.memory_space<vmem>> -> memref<80xi32, #tpu.memory_space<vmem>>
      %dma_wait3A_296 = arith.constant 0 : i32
      %dma_wait3A_297 = arith.constant 0 : i32
      %dma_wait3A_298 = tpu.memref_slice %arg4[%dma_wait3A_296, %dma_wait3A_297] : memref<10000x16xf32, #tpu.memory_space<hbm>> -> memref<10000x16xf32, #tpu.memory_space<hbm>>
      tpu.wait_indirect_dma semaphore(%arg23 : memref<!tpu.dma_semaphore, #tpu.memory_space<semaphore_mem>>) src(%dma_wait3A_298 : memref<10000x16xf32, #tpu.memory_space<hbm>>) dst(%dma_wait3A_292 : memref<80x16xf32, #tpu.memory_space<vmem>>)
      %ge3A_299 = arith.constant 2 : i32
      %ge3A_300 = arith.cmpi sge, %mul3A_255, %ge3A_299 : i32
      %convert_element_type3A_301 = arith.extui %ge3A_300 : i1 to i32
      %cond3A_302 = arith.constant 0 : i32
      %cond3A_303 = arith.cmpi ne, %convert_element_type3A_301, %cond3A_302 : i32
      scf.if %cond3A_303 {
        %dma_wait3A_532 = arith.constant 0 : i32
        %dma_wait3A_533 = arith.constant 0 : i32
        %dma_wait3A_534 = arith.constant 0 : i32
        %dma_wait3A_535 = arith.constant 0 : i32
        %dma_wait3A_536 = tpu.memref_slice %arg17[%dma_wait3A_532, %dma_wait3A_534, %dma_wait3A_535] : memref<2x80x80xf32, #tpu.memory_space<vmem>> -> memref<1x80x80xf32, #tpu.memory_space<vmem>>
        %dma_wait3A_537 = tpu.memref_squeeze %dma_wait3A_536 : memref<1x80x80xf32, #tpu.memory_space<vmem>> -> memref<80x80xf32, #tpu.memory_space<vmem>>
        %dma_wait3A_538 = arith.constant 0 : i32
        %dma_wait3A_539 = tpu.memref_slice %arg13[%dma_wait3A_533, %dma_wait3A_538] : memref<2x80xi32, #tpu.memory_space<vmem>> -> memref<1x80xi32, #tpu.memory_space<vmem>>
        %dma_wait3A_540 = tpu.memref_squeeze %dma_wait3A_539 : memref<1x80xi32, #tpu.memory_space<vmem>> -> memref<80xi32, #tpu.memory_space<vmem>>
        %dma_wait3A_541 = arith.constant 0 : i32
        %dma_wait3A_542 = arith.constant 0 : i32
        %dma_wait3A_543 = tpu.memref_slice %arg19[%dma_wait3A_541, %dma_wait3A_542] : memref<10000x80xf32, #tpu.memory_space<vmem_shared>> -> memref<10000x80xf32, #tpu.memory_space<vmem_shared>>
        tpu.wait_indirect_dma semaphore(%arg29 : memref<!tpu.dma_semaphore, #tpu.memory_space<semaphore_mem>>) src(%dma_wait3A_537 : memref<80x80xf32, #tpu.memory_space<vmem>>) dst(%dma_wait3A_543 : memref<10000x80xf32, #tpu.memory_space<vmem_shared>>)
      } else {
      }
      %ge3A_304 = arith.constant 1 : i32
      %ge3A_305 = arith.cmpi sge, %mul3A_255, %ge3A_304 : i32
      %convert_element_type3A_306 = arith.extui %ge3A_305 : i1 to i32
      %cond3A_307 = arith.constant 0 : i32
      %cond3A_308 = arith.cmpi ne, %convert_element_type3A_306, %cond3A_307 : i32
      scf.if %cond3A_308 {
        %dma_wait3A_532 = arith.constant 1 : i32
        %dma_wait3A_533 = arith.constant 0 : i32
        %dma_wait3A_534 = tpu.memref_slice %arg13[%dma_wait3A_532, %dma_wait3A_533] : memref<2x80xi32, #tpu.memory_space<vmem>> -> memref<1x80xi32, #tpu.memory_space<vmem>>
        %dma_wait3A_535 = tpu.memref_squeeze %dma_wait3A_534 : memref<1x80xi32, #tpu.memory_space<vmem>> -> memref<80xi32, #tpu.memory_space<vmem>>
        %dma_wait3A_536 = arith.constant 0 : i32
        %dma_wait3A_537 = arith.constant 0 : i32
        %dma_wait3A_538 = tpu.memref_slice %arg20[%dma_wait3A_536, %dma_wait3A_537] : memref<10000x64xf32, #tpu.memory_space<vmem_shared>> -> memref<10000x64xf32, #tpu.memory_space<vmem_shared>>
        tpu.wait_indirect_dma semaphore(%arg31 : memref<!tpu.dma_semaphore, #tpu.memory_space<semaphore_mem>>) src(%arg18 : memref<80x64xf32, #tpu.memory_space<vmem>>) dst(%dma_wait3A_538 : memref<10000x64xf32, #tpu.memory_space<vmem_shared>>)
      } else {
      }
      %parallel_loop3A = arith.constant 0 : i32
      %parallel_loop3A_309 = arith.constant 80 : i32
      %parallel_loop3A_310 = arith.constant 1 : i32
      scf.for %parallel_loop3A_532 = %parallel_loop3A to %parallel_loop3A_309 step %parallel_loop3A_310  : i32 {
        %parallel_loop3A_533 = arith.constant 0 : i32
        %parallel_loop3A_534 = arith.index_cast %parallel_loop3A_533 : i32 to index
        %parallel_loop3A_535 = arith.index_cast %parallel_loop3A_532 : i32 to index
        %parallel_loop3A_536 = arith.constant 0 : index
        %parallel_loop3A_537 = tpu.vector_load %arg15[%parallel_loop3A_534, %parallel_loop3A_535, %parallel_loop3A_536] {strides = array<i32>} : memref<2x80x16xf32, #tpu.memory_space<vmem>>, vector<1x1x16xf32>,
        %parallel_loop3A_538 = vector.shape_cast %parallel_loop3A_537 : vector<1x1x16xf32> to vector<16xf32>
        %parallel_loop3A_539 = arith.constant 0 : i32
        %parallel_loop3A_540 = arith.index_cast %parallel_loop3A_539 : i32 to index
        %parallel_loop3A_541 = arith.index_cast %parallel_loop3A_532 : i32 to index
        %parallel_loop3A_542 = arith.constant 64 : index
        %parallel_loop3A_543 = tpu.vector_load %arg14[%parallel_loop3A_540, %parallel_loop3A_541, %parallel_loop3A_542] {strides = array<i32>} : memref<2x80x80xf32, #tpu.memory_space<vmem>>, vector<1x1x16xf32>,
        %parallel_loop3A_544 = vector.shape_cast %parallel_loop3A_543 : vector<1x1x16xf32> to vector<16xf32>
        %parallel_loop3A_545 = arith.addf %parallel_loop3A_538, %parallel_loop3A_544 : vector<16xf32>
        %parallel_loop3A_546 = arith.constant 0 : i32
        %parallel_loop3A_547 = arith.index_cast %parallel_loop3A_546 : i32 to index
        %parallel_loop3A_548 = arith.index_cast %parallel_loop3A_532 : i32 to index
        %parallel_loop3A_549 = arith.constant 0 : index
        %parallel_loop3A_550 = tpu.vector_load %arg16[%parallel_loop3A_547, %parallel_loop3A_548, %parallel_loop3A_549] {strides = array<i32>} : memref<2x80x16xf32, #tpu.memory_space<vmem>>, vector<1x1x16xf32>,
        %parallel_loop3A_551 = vector.shape_cast %parallel_loop3A_550 : vector<1x1x16xf32> to vector<16xf32>
        %parallel_loop3A_552 = arith.addf %parallel_loop3A_545, %parallel_loop3A_551 : vector<16xf32>
        %parallel_loop3A_553 = arith.constant 0.000000e+00 : f32
        %parallel_loop3A_554 = vector.broadcast %parallel_loop3A_553 : f32 to vector<16xf32>
        %parallel_loop3A_555 = arith.cmpf oge, %parallel_loop3A_552, %parallel_loop3A_554 : vector<16xf32>
        %parallel_loop3A_556 = arith.constant 2.000000e-01 : f32
        %parallel_loop3A_557 = vector.broadcast %parallel_loop3A_556 : f32 to vector<16xf32>
        %parallel_loop3A_558 = arith.mulf %parallel_loop3A_557, %parallel_loop3A_552 : vector<16xf32>
        %parallel_loop3A_559 = arith.select %parallel_loop3A_555, %parallel_loop3A_552, %parallel_loop3A_558 : vector<16xi1>, vector<16xf32>
        %parallel_loop3A_560 = arith.constant 0.000000e+00 : f32
        %parallel_loop3A_561 = vector.broadcast %parallel_loop3A_560 : f32 to vector<16xf32>
        %parallel_loop3A_562 = arith.subf %parallel_loop3A_561, %parallel_loop3A_559 : vector<16xf32>
        %parallel_loop3A_563 = math.exp %parallel_loop3A_562 : vector<16xf32>
        %parallel_loop3A_564 = vector.extract_strided_slice %parallel_loop3A_563 {offsets = [0], sizes = [1], strides = [1]} : vector<16xf32> to vector<1xf32>
        %parallel_loop3A_565 = vector.extract %parallel_loop3A_564[0] : f32 from vector<1xf32>
        %parallel_loop3A_566 = vector.broadcast %parallel_loop3A_565 : f32 to vector<16xf32>
        %parallel_loop3A_567 = vector.extract_strided_slice %parallel_loop3A_563 {offsets = [1], sizes = [1], strides = [1]} : vector<16xf32> to vector<1xf32>
        %parallel_loop3A_568 = vector.extract %parallel_loop3A_567[0] : f32 from vector<1xf32>
        %parallel_loop3A_569 = vector.broadcast %parallel_loop3A_568 : f32 to vector<16xf32>
        %parallel_loop3A_570 = arith.constant 0 : i32
        %parallel_loop3A_571 = arith.index_cast %parallel_loop3A_570 : i32 to index
        %parallel_loop3A_572 = arith.index_cast %parallel_loop3A_532 : i32 to index
        %parallel_loop3A_573 = arith.constant 0 : index
        %parallel_loop3A_574 = tpu.vector_load %arg14[%parallel_loop3A_571, %parallel_loop3A_572, %parallel_loop3A_573] {strides = array<i32>} : memref<2x80x80xf32, #tpu.memory_space<vmem>>, vector<1x1x16xf32>,
        %parallel_loop3A_575 = vector.shape_cast %parallel_loop3A_574 : vector<1x1x16xf32> to vector<16xf32>
        %parallel_loop3A_576 = arith.mulf %parallel_loop3A_575, %parallel_loop3A_566 : vector<16xf32>
        %parallel_loop3A_577 = arith.constant 0 : i32
        %parallel_loop3A_578 = arith.index_cast %parallel_loop3A_577 : i32 to index
        %parallel_loop3A_579 = arith.index_cast %parallel_loop3A_532 : i32 to index
        %parallel_loop3A_580 = arith.constant 0 : index
        %parallel_loop3A_581 = tpu.vector_load %arg17[%parallel_loop3A_578, %parallel_loop3A_579, %parallel_loop3A_580] {strides = array<i32>} : memref<2x80x80xf32, #tpu.memory_space<vmem>>, vector<1x1x16xf32>,
        %parallel_loop3A_582 = vector.shape_cast %parallel_loop3A_581 : vector<1x1x16xf32> to vector<16xf32>
        %parallel_loop3A_583 = vector.shape_cast %parallel_loop3A_576 : vector<16xf32> to vector<1x1x16xf32>
        tpu.vector_store %arg17[%parallel_loop3A_578, %parallel_loop3A_579, %parallel_loop3A_580], %parallel_loop3A_583 {strides = array<i32>} : memref<2x80x80xf32, #tpu.memory_space<vmem>>, vector<1x1x16xf32>,
        %parallel_loop3A_584 = arith.mulf %parallel_loop3A_575, %parallel_loop3A_569 : vector<16xf32>
        %parallel_loop3A_585 = arith.index_cast %parallel_loop3A_532 : i32 to index
        %parallel_loop3A_586 = arith.constant 0 : index
        %parallel_loop3A_587 = tpu.vector_load %arg18[%parallel_loop3A_585, %parallel_loop3A_586] {strides = array<i32>} : memref<80x64xf32, #tpu.memory_space<vmem>>, vector<1x16xf32>,
        %parallel_loop3A_588 = vector.shape_cast %parallel_loop3A_587 : vector<1x16xf32> to vector<16xf32>
        %parallel_loop3A_589 = vector.shape_cast %parallel_loop3A_584 : vector<16xf32> to vector<1x16xf32>
        tpu.vector_store %arg18[%parallel_loop3A_585, %parallel_loop3A_586], %parallel_loop3A_589 {strides = array<i32>} : memref<80x64xf32, #tpu.memory_space<vmem>>, vector<1x16xf32>,
        %parallel_loop3A_590 = arith.constant 0 : i32
        %parallel_loop3A_591 = arith.index_cast %parallel_loop3A_590 : i32 to index
        %parallel_loop3A_592 = arith.index_cast %parallel_loop3A_532 : i32 to index
        %parallel_loop3A_593 = arith.constant 16 : index
        %parallel_loop3A_594 = tpu.vector_load %arg14[%parallel_loop3A_591, %parallel_loop3A_592, %parallel_loop3A_593] {strides = array<i32>} : memref<2x80x80xf32, #tpu.memory_space<vmem>>, vector<1x1x16xf32>,
        %parallel_loop3A_595 = vector.shape_cast %parallel_loop3A_594 : vector<1x1x16xf32> to vector<16xf32>
        %parallel_loop3A_596 = arith.mulf %parallel_loop3A_595, %parallel_loop3A_566 : vector<16xf32>
        %parallel_loop3A_597 = arith.constant 0 : i32
        %parallel_loop3A_598 = arith.index_cast %parallel_loop3A_597 : i32 to index
        %parallel_loop3A_599 = arith.index_cast %parallel_loop3A_532 : i32 to index
        %parallel_loop3A_600 = arith.constant 16 : index
        %parallel_loop3A_601 = tpu.vector_load %arg17[%parallel_loop3A_598, %parallel_loop3A_599, %parallel_loop3A_600] {strides = array<i32>} : memref<2x80x80xf32, #tpu.memory_space<vmem>>, vector<1x1x16xf32>,
        %parallel_loop3A_602 = vector.shape_cast %parallel_loop3A_601 : vector<1x1x16xf32> to vector<16xf32>
        %parallel_loop3A_603 = vector.shape_cast %parallel_loop3A_596 : vector<16xf32> to vector<1x1x16xf32>
        tpu.vector_store %arg17[%parallel_loop3A_598, %parallel_loop3A_599, %parallel_loop3A_600], %parallel_loop3A_603 {strides = array<i32>} : memref<2x80x80xf32, #tpu.memory_space<vmem>>, vector<1x1x16xf32>,
        %parallel_loop3A_604 = arith.mulf %parallel_loop3A_595, %parallel_loop3A_569 : vector<16xf32>
        %parallel_loop3A_605 = arith.index_cast %parallel_loop3A_532 : i32 to index
        %parallel_loop3A_606 = arith.constant 16 : index
        %parallel_loop3A_607 = tpu.vector_load %arg18[%parallel_loop3A_605, %parallel_loop3A_606] {strides = array<i32>} : memref<80x64xf32, #tpu.memory_space<vmem>>, vector<1x16xf32>,
        %parallel_loop3A_608 = vector.shape_cast %parallel_loop3A_607 : vector<1x16xf32> to vector<16xf32>
        %parallel_loop3A_609 = vector.shape_cast %parallel_loop3A_604 : vector<16xf32> to vector<1x16xf32>
        tpu.vector_store %arg18[%parallel_loop3A_605, %parallel_loop3A_606], %parallel_loop3A_609 {strides = array<i32>} : memref<80x64xf32, #tpu.memory_space<vmem>>, vector<1x16xf32>,
        %parallel_loop3A_610 = arith.constant 0 : i32
        %parallel_loop3A_611 = arith.index_cast %parallel_loop3A_610 : i32 to index
        %parallel_loop3A_612 = arith.index_cast %parallel_loop3A_532 : i32 to index
        %parallel_loop3A_613 = arith.constant 32 : index
        %parallel_loop3A_614 = tpu.vector_load %arg14[%parallel_loop3A_611, %parallel_loop3A_612, %parallel_loop3A_613] {strides = array<i32>} : memref<2x80x80xf32, #tpu.memory_space<vmem>>, vector<1x1x16xf32>,
        %parallel_loop3A_615 = vector.shape_cast %parallel_loop3A_614 : vector<1x1x16xf32> to vector<16xf32>
        %parallel_loop3A_616 = arith.mulf %parallel_loop3A_615, %parallel_loop3A_566 : vector<16xf32>
        %parallel_loop3A_617 = arith.constant 0 : i32
        %parallel_loop3A_618 = arith.index_cast %parallel_loop3A_617 : i32 to index
        %parallel_loop3A_619 = arith.index_cast %parallel_loop3A_532 : i32 to index
        %parallel_loop3A_620 = arith.constant 32 : index
        %parallel_loop3A_621 = tpu.vector_load %arg17[%parallel_loop3A_618, %parallel_loop3A_619, %parallel_loop3A_620] {strides = array<i32>} : memref<2x80x80xf32, #tpu.memory_space<vmem>>, vector<1x1x16xf32>,
        %parallel_loop3A_622 = vector.shape_cast %parallel_loop3A_621 : vector<1x1x16xf32> to vector<16xf32>
        %parallel_loop3A_623 = vector.shape_cast %parallel_loop3A_616 : vector<16xf32> to vector<1x1x16xf32>
        tpu.vector_store %arg17[%parallel_loop3A_618, %parallel_loop3A_619, %parallel_loop3A_620], %parallel_loop3A_623 {strides = array<i32>} : memref<2x80x80xf32, #tpu.memory_space<vmem>>, vector<1x1x16xf32>,
        %parallel_loop3A_624 = arith.mulf %parallel_loop3A_615, %parallel_loop3A_569 : vector<16xf32>
        %parallel_loop3A_625 = arith.index_cast %parallel_loop3A_532 : i32 to index
        %parallel_loop3A_626 = arith.constant 32 : index
        %parallel_loop3A_627 = tpu.vector_load %arg18[%parallel_loop3A_625, %parallel_loop3A_626] {strides = array<i32>} : memref<80x64xf32, #tpu.memory_space<vmem>>, vector<1x16xf32>,
        %parallel_loop3A_628 = vector.shape_cast %parallel_loop3A_627 : vector<1x16xf32> to vector<16xf32>
        %parallel_loop3A_629 = vector.shape_cast %parallel_loop3A_624 : vector<16xf32> to vector<1x16xf32>
        tpu.vector_store %arg18[%parallel_loop3A_625, %parallel_loop3A_626], %parallel_loop3A_629 {strides = array<i32>} : memref<80x64xf32, #tpu.memory_space<vmem>>, vector<1x16xf32>,
        %parallel_loop3A_630 = arith.constant 0 : i32
        %parallel_loop3A_631 = arith.index_cast %parallel_loop3A_630 : i32 to index
        %parallel_loop3A_632 = arith.index_cast %parallel_loop3A_532 : i32 to index
        %parallel_loop3A_633 = arith.constant 48 : index
        %parallel_loop3A_634 = tpu.vector_load %arg14[%parallel_loop3A_631, %parallel_loop3A_632, %parallel_loop3A_633] {strides = array<i32>} : memref<2x80x80xf32, #tpu.memory_space<vmem>>, vector<1x1x16xf32>,
        %parallel_loop3A_635 = vector.shape_cast %parallel_loop3A_634 : vector<1x1x16xf32> to vector<16xf32>
        %parallel_loop3A_636 = arith.mulf %parallel_loop3A_635, %parallel_loop3A_566 : vector<16xf32>
        %parallel_loop3A_637 = arith.constant 0 : i32
        %parallel_loop3A_638 = arith.index_cast %parallel_loop3A_637 : i32 to index
        %parallel_loop3A_639 = arith.index_cast %parallel_loop3A_532 : i32 to index
        %parallel_loop3A_640 = arith.constant 48 : index
        %parallel_loop3A_641 = tpu.vector_load %arg17[%parallel_loop3A_638, %parallel_loop3A_639, %parallel_loop3A_640] {strides = array<i32>} : memref<2x80x80xf32, #tpu.memory_space<vmem>>, vector<1x1x16xf32>,
        %parallel_loop3A_642 = vector.shape_cast %parallel_loop3A_641 : vector<1x1x16xf32> to vector<16xf32>
        %parallel_loop3A_643 = vector.shape_cast %parallel_loop3A_636 : vector<16xf32> to vector<1x1x16xf32>
        tpu.vector_store %arg17[%parallel_loop3A_638, %parallel_loop3A_639, %parallel_loop3A_640], %parallel_loop3A_643 {strides = array<i32>} : memref<2x80x80xf32, #tpu.memory_space<vmem>>, vector<1x1x16xf32>,
        %parallel_loop3A_644 = arith.mulf %parallel_loop3A_635, %parallel_loop3A_569 : vector<16xf32>
        %parallel_loop3A_645 = arith.index_cast %parallel_loop3A_532 : i32 to index
        %parallel_loop3A_646 = arith.constant 48 : index
        %parallel_loop3A_647 = tpu.vector_load %arg18[%parallel_loop3A_645, %parallel_loop3A_646] {strides = array<i32>} : memref<80x64xf32, #tpu.memory_space<vmem>>, vector<1x16xf32>,
        %parallel_loop3A_648 = vector.shape_cast %parallel_loop3A_647 : vector<1x16xf32> to vector<16xf32>
        %parallel_loop3A_649 = vector.shape_cast %parallel_loop3A_644 : vector<16xf32> to vector<1x16xf32>
        tpu.vector_store %arg18[%parallel_loop3A_645, %parallel_loop3A_646], %parallel_loop3A_649 {strides = array<i32>} : memref<80x64xf32, #tpu.memory_space<vmem>>, vector<1x16xf32>,
        %parallel_loop3A_650 = arith.constant 2 : i32
        %parallel_loop3A_651 = vector.broadcast %parallel_loop3A_650 : i32 to vector<16xi32>
        %parallel_loop3A_652 = arith.cmpi slt, %iota3A, %parallel_loop3A_651 : vector<16xi32>
        %parallel_loop3A_653 = arith.constant 0.000000e+00 : f32
        %parallel_loop3A_654 = vector.broadcast %parallel_loop3A_653 : f32 to vector<16xf32>
        %parallel_loop3A_655 = arith.select %parallel_loop3A_652, %parallel_loop3A_563, %parallel_loop3A_654 : vector<16xi1>, vector<16xf32>
        %parallel_loop3A_656 = arith.constant 0 : i32
        %parallel_loop3A_657 = arith.index_cast %parallel_loop3A_656 : i32 to index
        %parallel_loop3A_658 = arith.index_cast %parallel_loop3A_532 : i32 to index
        %parallel_loop3A_659 = arith.constant 64 : index
        %parallel_loop3A_660 = tpu.vector_load %arg17[%parallel_loop3A_657, %parallel_loop3A_658, %parallel_loop3A_659] {strides = array<i32>} : memref<2x80x80xf32, #tpu.memory_space<vmem>>, vector<1x1x16xf32>,
        %parallel_loop3A_661 = vector.shape_cast %parallel_loop3A_660 : vector<1x1x16xf32> to vector<16xf32>
        %parallel_loop3A_662 = vector.shape_cast %parallel_loop3A_655 : vector<16xf32> to vector<1x1x16xf32>
        tpu.vector_store %arg17[%parallel_loop3A_657, %parallel_loop3A_658, %parallel_loop3A_659], %parallel_loop3A_662 {strides = array<i32>} : memref<2x80x80xf32, #tpu.memory_space<vmem>>, vector<1x1x16xf32>,
      } {sc.loop_unroll_factor = 40 : i64, sc.parallel_access}
      %get3A_311 = arith.constant 0 : i32
      %get3A_312 = arith.index_cast %get3A_311 : i32 to index
      %get3A_313 = arith.constant 0 : index
      %get3A_314 = tpu.vector_load %arg10[%get3A_312, %get3A_313] {strides = array<i32>} : memref<2x80xi32, #tpu.memory_space<vmem>>, vector<1x16xi32>,
      %get3A_315 = vector.shape_cast %get3A_314 : vector<1x16xi32> to vector<16xi32>
      %swap3A_316 = arith.constant 0 : i32
      %swap3A_317 = arith.index_cast %swap3A_316 : i32 to index
      %swap3A_318 = arith.constant 0 : index
      %swap3A_319 = tpu.vector_load %arg13[%swap3A_317, %swap3A_318] {strides = array<i32>} : memref<2x80xi32, #tpu.memory_space<vmem>>, vector<1x16xi32>,
      %swap3A_320 = vector.shape_cast %swap3A_319 : vector<1x16xi32> to vector<16xi32>
      %swap3A_321 = vector.shape_cast %get3A_315 : vector<16xi32> to vector<1x16xi32>
      tpu.vector_store %arg13[%swap3A_317, %swap3A_318], %swap3A_321 {strides = array<i32>} : memref<2x80xi32, #tpu.memory_space<vmem>>, vector<1x16xi32>,
      %get3A_322 = arith.constant 0 : i32
      %get3A_323 = arith.index_cast %get3A_322 : i32 to index
      %get3A_324 = arith.constant 16 : index
      %get3A_325 = tpu.vector_load %arg10[%get3A_323, %get3A_324] {strides = array<i32>} : memref<2x80xi32, #tpu.memory_space<vmem>>, vector<1x16xi32>,
      %get3A_326 = vector.shape_cast %get3A_325 : vector<1x16xi32> to vector<16xi32>
      %swap3A_327 = arith.constant 0 : i32
      %swap3A_328 = arith.index_cast %swap3A_327 : i32 to index
      %swap3A_329 = arith.constant 16 : index
      %swap3A_330 = tpu.vector_load %arg13[%swap3A_328, %swap3A_329] {strides = array<i32>} : memref<2x80xi32, #tpu.memory_space<vmem>>, vector<1x16xi32>,
      %swap3A_331 = vector.shape_cast %swap3A_330 : vector<1x16xi32> to vector<16xi32>
      %swap3A_332 = vector.shape_cast %get3A_326 : vector<16xi32> to vector<1x16xi32>
      tpu.vector_store %arg13[%swap3A_328, %swap3A_329], %swap3A_332 {strides = array<i32>} : memref<2x80xi32, #tpu.memory_space<vmem>>, vector<1x16xi32>,
      %get3A_333 = arith.constant 0 : i32
      %get3A_334 = arith.index_cast %get3A_333 : i32 to index
      %get3A_335 = arith.constant 32 : index
      %get3A_336 = tpu.vector_load %arg10[%get3A_334, %get3A_335] {strides = array<i32>} : memref<2x80xi32, #tpu.memory_space<vmem>>, vector<1x16xi32>,
      %get3A_337 = vector.shape_cast %get3A_336 : vector<1x16xi32> to vector<16xi32>
      %swap3A_338 = arith.constant 0 : i32
      %swap3A_339 = arith.index_cast %swap3A_338 : i32 to index
      %swap3A_340 = arith.constant 32 : index
      %swap3A_341 = tpu.vector_load %arg13[%swap3A_339, %swap3A_340] {strides = array<i32>} : memref<2x80xi32, #tpu.memory_space<vmem>>, vector<1x16xi32>,
      %swap3A_342 = vector.shape_cast %swap3A_341 : vector<1x16xi32> to vector<16xi32>
      %swap3A_343 = vector.shape_cast %get3A_337 : vector<16xi32> to vector<1x16xi32>
      tpu.vector_store %arg13[%swap3A_339, %swap3A_340], %swap3A_343 {strides = array<i32>} : memref<2x80xi32, #tpu.memory_space<vmem>>, vector<1x16xi32>,
      %get3A_344 = arith.constant 0 : i32
      %get3A_345 = arith.index_cast %get3A_344 : i32 to index
      %get3A_346 = arith.constant 48 : index
      %get3A_347 = tpu.vector_load %arg10[%get3A_345, %get3A_346] {strides = array<i32>} : memref<2x80xi32, #tpu.memory_space<vmem>>, vector<1x16xi32>,
      %get3A_348 = vector.shape_cast %get3A_347 : vector<1x16xi32> to vector<16xi32>
      %swap3A_349 = arith.constant 0 : i32
      %swap3A_350 = arith.index_cast %swap3A_349 : i32 to index
      %swap3A_351 = arith.constant 48 : index
      %swap3A_352 = tpu.vector_load %arg13[%swap3A_350, %swap3A_351] {strides = array<i32>} : memref<2x80xi32, #tpu.memory_space<vmem>>, vector<1x16xi32>,
      %swap3A_353 = vector.shape_cast %swap3A_352 : vector<1x16xi32> to vector<16xi32>
      %swap3A_354 = vector.shape_cast %get3A_348 : vector<16xi32> to vector<1x16xi32>
      tpu.vector_store %arg13[%swap3A_350, %swap3A_351], %swap3A_354 {strides = array<i32>} : memref<2x80xi32, #tpu.memory_space<vmem>>, vector<1x16xi32>,
      %get3A_355 = arith.constant 0 : i32
      %get3A_356 = arith.index_cast %get3A_355 : i32 to index
      %get3A_357 = arith.constant 64 : index
      %get3A_358 = tpu.vector_load %arg10[%get3A_356, %get3A_357] {strides = array<i32>} : memref<2x80xi32, #tpu.memory_space<vmem>>, vector<1x16xi32>,
      %get3A_359 = vector.shape_cast %get3A_358 : vector<1x16xi32> to vector<16xi32>
      %swap3A_360 = arith.constant 0 : i32
      %swap3A_361 = arith.index_cast %swap3A_360 : i32 to index
      %swap3A_362 = arith.constant 64 : index
      %swap3A_363 = tpu.vector_load %arg13[%swap3A_361, %swap3A_362] {strides = array<i32>} : memref<2x80xi32, #tpu.memory_space<vmem>>, vector<1x16xi32>,
      %swap3A_364 = vector.shape_cast %swap3A_363 : vector<1x16xi32> to vector<16xi32>
      %swap3A_365 = vector.shape_cast %get3A_359 : vector<16xi32> to vector<1x16xi32>
      tpu.vector_store %arg13[%swap3A_361, %swap3A_362], %swap3A_365 {strides = array<i32>} : memref<2x80xi32, #tpu.memory_space<vmem>>, vector<1x16xi32>,
      %dma_start3A_366 = arith.constant 0 : i32
      %dma_start3A_367 = arith.constant 0 : i32
      %dma_start3A_368 = arith.constant 0 : i32
      %dma_start3A_369 = arith.constant 0 : i32
      %dma_start3A_370 = tpu.memref_slice %arg17[%dma_start3A_366, %dma_start3A_368, %dma_start3A_369] : memref<2x80x80xf32, #tpu.memory_space<vmem>> -> memref<1x80x80xf32, #tpu.memory_space<vmem>>
      %dma_start3A_371 = tpu.memref_squeeze %dma_start3A_370 : memref<1x80x80xf32, #tpu.memory_space<vmem>> -> memref<80x80xf32, #tpu.memory_space<vmem>>
      %dma_start3A_372 = arith.constant 0 : i32
      %dma_start3A_373 = tpu.memref_slice %arg13[%dma_start3A_367, %dma_start3A_372] : memref<2x80xi32, #tpu.memory_space<vmem>> -> memref<1x80xi32, #tpu.memory_space<vmem>>
      %dma_start3A_374 = tpu.memref_squeeze %dma_start3A_373 : memref<1x80xi32, #tpu.memory_space<vmem>> -> memref<80xi32, #tpu.memory_space<vmem>>
      %dma_start3A_375 = arith.constant 0 : i32
      %dma_start3A_376 = arith.constant 0 : i32
      %dma_start3A_377 = tpu.memref_slice %arg19[%dma_start3A_375, %dma_start3A_376] : memref<10000x80xf32, #tpu.memory_space<vmem_shared>> -> memref<10000x80xf32, #tpu.memory_space<vmem_shared>>
      tpu.enqueue_indirect_dma source(%dma_start3A_371 : memref<80x80xf32, #tpu.memory_space<vmem>>) target(%dma_start3A_377 : memref<10000x80xf32, #tpu.memory_space<vmem_shared>>) offsets(%dma_start3A_374 : memref<80xi32, #tpu.memory_space<vmem>>) semaphore(%arg29 : memref<!tpu.dma_semaphore, #tpu.memory_space<semaphore_mem>>) {add = true}
      %dma_start3A_378 = arith.constant 0 : i32
      %dma_start3A_379 = arith.constant 0 : i32
      %dma_start3A_380 = tpu.memref_slice %arg13[%dma_start3A_378, %dma_start3A_379] : memref<2x80xi32, #tpu.memory_space<vmem>> -> memref<1x80xi32, #tpu.memory_space<vmem>>
      %dma_start3A_381 = tpu.memref_squeeze %dma_start3A_380 : memref<1x80xi32, #tpu.memory_space<vmem>> -> memref<80xi32, #tpu.memory_space<vmem>>
      %dma_start3A_382 = arith.constant 0 : i32
      %dma_start3A_383 = arith.constant 0 : i32
      %dma_start3A_384 = tpu.memref_slice %arg20[%dma_start3A_382, %dma_start3A_383] : memref<10000x64xf32, #tpu.memory_space<vmem_shared>> -> memref<10000x64xf32, #tpu.memory_space<vmem_shared>>
      tpu.enqueue_indirect_dma source(%arg18 : memref<80x64xf32, #tpu.memory_space<vmem>>) target(%dma_start3A_384 : memref<10000x64xf32, #tpu.memory_space<vmem_shared>>) offsets(%dma_start3A_381 : memref<80xi32, #tpu.memory_space<vmem>>) semaphore(%arg31 : memref<!tpu.dma_semaphore, #tpu.memory_space<semaphore_mem>>) {add = true}
      %add3A_385 = arith.constant 2 : i32
      %add3A_386 = arith.addi %mul3A_255, %add3A_385 : i32
      %lt3A_387 = arith.constant 250 : i32
      %lt3A_388 = arith.cmpi slt, %add3A_386, %lt3A_387 : i32
      %convert_element_type3A_389 = arith.extui %lt3A_388 : i1 to i32
      %cond3A_390 = arith.constant 0 : i32
      %cond3A_391 = arith.cmpi ne, %convert_element_type3A_389, %cond3A_390 : i32
      scf.if %cond3A_391 {
        %add3A_532 = arith.constant 2 : i32
        %add3A_533 = arith.addi %mul3A_255, %add3A_532 : i32
        %mul3A_534 = arith.constant 20000 : i32
        %mul3A_535 = arith.muli %arg1, %mul3A_534 : i32
        %mul3A_536 = arith.constant 80 : i32
        %mul3A_537 = arith.muli %add3A_533, %mul3A_536 : i32
        %add3A_538 = arith.addi %mul3A_535, %mul3A_537 : i32
        %dma_start3A_539 = arith.constant 0 : i32
        %dma_start3A_540 = arith.constant 0 : i32
        %dma_start3A_541 = tpu.memref_slice %arg10[%dma_start3A_539, %dma_start3A_540] : memref<2x80xi32, #tpu.memory_space<vmem>> -> memref<1x80xi32, #tpu.memory_space<vmem>>
        %dma_start3A_542 = tpu.memref_squeeze %dma_start3A_541 : memref<1x80xi32, #tpu.memory_space<vmem>> -> memref<80xi32, #tpu.memory_space<vmem>>
        %dma_start3A_543 = tpu.memref_slice %arg5[%add3A_538] : memref<320000xi32, #tpu.memory_space<hbm>> -> memref<80xi32, #tpu.memory_space<hbm>>
        %dma_start3A_544 = arith.constant 0 : i32
        %dma_start3A_545 = tpu.memref_slice %arg10[%dma_start3A_539, %dma_start3A_544] : memref<2x80xi32, #tpu.memory_space<vmem>> -> memref<1x80xi32, #tpu.memory_space<vmem>>
        %dma_start3A_546 = tpu.memref_squeeze %dma_start3A_545 : memref<1x80xi32, #tpu.memory_space<vmem>> -> memref<80xi32, #tpu.memory_space<vmem>>
        %dma_start3A_547 = tpu.memref_slice %arg5[%add3A_538] : memref<320000xi32, #tpu.memory_space<hbm>> -> memref<80xi32, #tpu.memory_space<hbm>>
        tpu.enqueue_dma source(%dma_start3A_547 : memref<80xi32, #tpu.memory_space<hbm>>) target(%dma_start3A_546 : memref<80xi32, #tpu.memory_space<vmem>>) target_semaphore(%arg27 : memref<!tpu.dma_semaphore, #tpu.memory_space<semaphore_mem>>)
        %dma_start3A_548 = arith.constant 0 : i32
        %dma_start3A_549 = arith.constant 0 : i32
        %dma_start3A_550 = tpu.memref_slice %arg11[%dma_start3A_548, %dma_start3A_549] : memref<2x80xi32, #tpu.memory_space<vmem>> -> memref<1x80xi32, #tpu.memory_space<vmem>>
        %dma_start3A_551 = tpu.memref_squeeze %dma_start3A_550 : memref<1x80xi32, #tpu.memory_space<vmem>> -> memref<80xi32, #tpu.memory_space<vmem>>
        %dma_start3A_552 = tpu.memref_slice %arg6[%add3A_538] : memref<320000xi32, #tpu.memory_space<hbm>> -> memref<80xi32, #tpu.memory_space<hbm>>
        %dma_start3A_553 = arith.constant 0 : i32
        %dma_start3A_554 = tpu.memref_slice %arg11[%dma_start3A_548, %dma_start3A_553] : memref<2x80xi32, #tpu.memory_space<vmem>> -> memref<1x80xi32, #tpu.memory_space<vmem>>
        %dma_start3A_555 = tpu.memref_squeeze %dma_start3A_554 : memref<1x80xi32, #tpu.memory_space<vmem>> -> memref<80xi32, #tpu.memory_space<vmem>>
        %dma_start3A_556 = tpu.memref_slice %arg6[%add3A_538] : memref<320000xi32, #tpu.memory_space<hbm>> -> memref<80xi32, #tpu.memory_space<hbm>>
        tpu.enqueue_dma source(%dma_start3A_556 : memref<80xi32, #tpu.memory_space<hbm>>) target(%dma_start3A_555 : memref<80xi32, #tpu.memory_space<vmem>>) target_semaphore(%arg27 : memref<!tpu.dma_semaphore, #tpu.memory_space<semaphore_mem>>)
        %dma_start3A_557 = arith.constant 0 : i32
        %dma_start3A_558 = arith.constant 0 : i32
        %dma_start3A_559 = tpu.memref_slice %arg12[%dma_start3A_557, %dma_start3A_558] : memref<2x80xi32, #tpu.memory_space<vmem>> -> memref<1x80xi32, #tpu.memory_space<vmem>>
        %dma_start3A_560 = tpu.memref_squeeze %dma_start3A_559 : memref<1x80xi32, #tpu.memory_space<vmem>> -> memref<80xi32, #tpu.memory_space<vmem>>
        %dma_start3A_561 = tpu.memref_slice %arg7[%add3A_538] : memref<320000xi32, #tpu.memory_space<hbm>> -> memref<80xi32, #tpu.memory_space<hbm>>
        %dma_start3A_562 = arith.constant 0 : i32
        %dma_start3A_563 = tpu.memref_slice %arg12[%dma_start3A_557, %dma_start3A_562] : memref<2x80xi32, #tpu.memory_space<vmem>> -> memref<1x80xi32, #tpu.memory_space<vmem>>
        %dma_start3A_564 = tpu.memref_squeeze %dma_start3A_563 : memref<1x80xi32, #tpu.memory_space<vmem>> -> memref<80xi32, #tpu.memory_space<vmem>>
        %dma_start3A_565 = tpu.memref_slice %arg7[%add3A_538] : memref<320000xi32, #tpu.memory_space<hbm>> -> memref<80xi32, #tpu.memory_space<hbm>>
        tpu.enqueue_dma source(%dma_start3A_565 : memref<80xi32, #tpu.memory_space<hbm>>) target(%dma_start3A_564 : memref<80xi32, #tpu.memory_space<vmem>>) target_semaphore(%arg27 : memref<!tpu.dma_semaphore, #tpu.memory_space<semaphore_mem>>)
      } else {
      }
      %add3A_392 = arith.constant 1 : i32
      %add3A_393 = arith.addi %mul3A_255, %add3A_392 : i32
      %add3A_394 = arith.constant 1 : i32
      %add3A_395 = arith.addi %add3A_393, %add3A_394 : i32
      %lt3A_396 = arith.constant 250 : i32
      %lt3A_397 = arith.cmpi slt, %add3A_395, %lt3A_396 : i32
      %convert_element_type3A_398 = arith.extui %lt3A_397 : i1 to i32
      %cond3A_399 = arith.constant 0 : i32
      %cond3A_400 = arith.cmpi ne, %convert_element_type3A_398, %cond3A_399 : i32
      scf.if %cond3A_400 {
        %add3A_532 = arith.constant 1 : i32
        %add3A_533 = arith.addi %add3A_393, %add3A_532 : i32
        %mul3A_534 = arith.constant 20000 : i32
        %mul3A_535 = arith.muli %arg1, %mul3A_534 : i32
        %mul3A_536 = arith.constant 80 : i32
        %mul3A_537 = arith.muli %add3A_533, %mul3A_536 : i32
        %add3A_538 = arith.addi %mul3A_535, %mul3A_537 : i32
        %dma_wait3A_539 = arith.constant 0 : i32
        %dma_wait3A_540 = arith.constant 0 : i32
        %dma_wait3A_541 = tpu.memref_slice %arg10[%dma_wait3A_539, %dma_wait3A_540] : memref<2x80xi32, #tpu.memory_space<vmem>> -> memref<1x80xi32, #tpu.memory_space<vmem>>
        %dma_wait3A_542 = tpu.memref_squeeze %dma_wait3A_541 : memref<1x80xi32, #tpu.memory_space<vmem>> -> memref<80xi32, #tpu.memory_space<vmem>>
        %dma_wait3A_543 = tpu.memref_slice %arg5[%add3A_538] : memref<320000xi32, #tpu.memory_space<hbm>> -> memref<80xi32, #tpu.memory_space<hbm>>
        %dma_wait3A_544 = arith.constant 0 : i32
        %dma_wait3A_545 = tpu.memref_slice %arg10[%dma_wait3A_539, %dma_wait3A_544] : memref<2x80xi32, #tpu.memory_space<vmem>> -> memref<1x80xi32, #tpu.memory_space<vmem>>
        %dma_wait3A_546 = tpu.memref_squeeze %dma_wait3A_545 : memref<1x80xi32, #tpu.memory_space<vmem>> -> memref<80xi32, #tpu.memory_space<vmem>>
        %dma_wait3A_547 = tpu.memref_slice %arg5[%add3A_538] : memref<320000xi32, #tpu.memory_space<hbm>> -> memref<80xi32, #tpu.memory_space<hbm>>
        tpu.wait_dma2 semaphore(%arg27 : memref<!tpu.dma_semaphore, #tpu.memory_space<semaphore_mem>>) src(%dma_wait3A_547 : memref<80xi32, #tpu.memory_space<hbm>>) dst(%dma_wait3A_546 : memref<80xi32, #tpu.memory_space<vmem>>)
        %dma_wait3A_548 = arith.constant 0 : i32
        %dma_wait3A_549 = arith.constant 0 : i32
        %dma_wait3A_550 = tpu.memref_slice %arg11[%dma_wait3A_548, %dma_wait3A_549] : memref<2x80xi32, #tpu.memory_space<vmem>> -> memref<1x80xi32, #tpu.memory_space<vmem>>
        %dma_wait3A_551 = tpu.memref_squeeze %dma_wait3A_550 : memref<1x80xi32, #tpu.memory_space<vmem>> -> memref<80xi32, #tpu.memory_space<vmem>>
        %dma_wait3A_552 = tpu.memref_slice %arg6[%add3A_538] : memref<320000xi32, #tpu.memory_space<hbm>> -> memref<80xi32, #tpu.memory_space<hbm>>
        %dma_wait3A_553 = arith.constant 0 : i32
        %dma_wait3A_554 = tpu.memref_slice %arg11[%dma_wait3A_548, %dma_wait3A_553] : memref<2x80xi32, #tpu.memory_space<vmem>> -> memref<1x80xi32, #tpu.memory_space<vmem>>
        %dma_wait3A_555 = tpu.memref_squeeze %dma_wait3A_554 : memref<1x80xi32, #tpu.memory_space<vmem>> -> memref<80xi32, #tpu.memory_space<vmem>>
        %dma_wait3A_556 = tpu.memref_slice %arg6[%add3A_538] : memref<320000xi32, #tpu.memory_space<hbm>> -> memref<80xi32, #tpu.memory_space<hbm>>
        tpu.wait_dma2 semaphore(%arg27 : memref<!tpu.dma_semaphore, #tpu.memory_space<semaphore_mem>>) src(%dma_wait3A_556 : memref<80xi32, #tpu.memory_space<hbm>>) dst(%dma_wait3A_555 : memref<80xi32, #tpu.memory_space<vmem>>)
        %dma_wait3A_557 = arith.constant 0 : i32
        %dma_wait3A_558 = arith.constant 0 : i32
        %dma_wait3A_559 = tpu.memref_slice %arg12[%dma_wait3A_557, %dma_wait3A_558] : memref<2x80xi32, #tpu.memory_space<vmem>> -> memref<1x80xi32, #tpu.memory_space<vmem>>
        %dma_wait3A_560 = tpu.memref_squeeze %dma_wait3A_559 : memref<1x80xi32, #tpu.memory_space<vmem>> -> memref<80xi32, #tpu.memory_space<vmem>>
        %dma_wait3A_561 = tpu.memref_slice %arg7[%add3A_538] : memref<320000xi32, #tpu.memory_space<hbm>> -> memref<80xi32, #tpu.memory_space<hbm>>
        %dma_wait3A_562 = arith.constant 0 : i32
        %dma_wait3A_563 = tpu.memref_slice %arg12[%dma_wait3A_557, %dma_wait3A_562] : memref<2x80xi32, #tpu.memory_space<vmem>> -> memref<1x80xi32, #tpu.memory_space<vmem>>
        %dma_wait3A_564 = tpu.memref_squeeze %dma_wait3A_563 : memref<1x80xi32, #tpu.memory_space<vmem>> -> memref<80xi32, #tpu.memory_space<vmem>>
        %dma_wait3A_565 = tpu.memref_slice %arg7[%add3A_538] : memref<320000xi32, #tpu.memory_space<hbm>> -> memref<80xi32, #tpu.memory_space<hbm>>
        tpu.wait_dma2 semaphore(%arg27 : memref<!tpu.dma_semaphore, #tpu.memory_space<semaphore_mem>>) src(%dma_wait3A_565 : memref<80xi32, #tpu.memory_space<hbm>>) dst(%dma_wait3A_564 : memref<80xi32, #tpu.memory_space<vmem>>)
        %get3A_566 = arith.constant 0 : i32
        %get3A_567 = arith.index_cast %get3A_566 : i32 to index
        %get3A_568 = arith.constant 0 : index
        %get3A_569 = tpu.vector_load %arg11[%get3A_567, %get3A_568] {strides = array<i32>} : memref<2x80xi32, #tpu.memory_space<vmem>>, vector<1x16xi32>,
        %get3A_570 = vector.shape_cast %get3A_569 : vector<1x16xi32> to vector<16xi32>
        %add3A_571 = vector.broadcast %mul3A_13 : i32 to vector<16xi32>
        %add3A_572 = arith.addi %get3A_570, %add3A_571 : vector<16xi32>
        %swap3A_573 = arith.constant 0 : i32
        %swap3A_574 = arith.index_cast %swap3A_573 : i32 to index
        %swap3A_575 = arith.constant 0 : index
        %swap3A_576 = tpu.vector_load %arg11[%swap3A_574, %swap3A_575] {strides = array<i32>} : memref<2x80xi32, #tpu.memory_space<vmem>>, vector<1x16xi32>,
        %swap3A_577 = vector.shape_cast %swap3A_576 : vector<1x16xi32> to vector<16xi32>
        %swap3A_578 = vector.shape_cast %add3A_572 : vector<16xi32> to vector<1x16xi32>
        tpu.vector_store %arg11[%swap3A_574, %swap3A_575], %swap3A_578 {strides = array<i32>} : memref<2x80xi32, #tpu.memory_space<vmem>>, vector<1x16xi32>,
        %get3A_579 = arith.constant 0 : i32
        %get3A_580 = arith.index_cast %get3A_579 : i32 to index
        %get3A_581 = arith.constant 16 : index
        %get3A_582 = tpu.vector_load %arg11[%get3A_580, %get3A_581] {strides = array<i32>} : memref<2x80xi32, #tpu.memory_space<vmem>>, vector<1x16xi32>,
        %get3A_583 = vector.shape_cast %get3A_582 : vector<1x16xi32> to vector<16xi32>
        %add3A_584 = vector.broadcast %mul3A_13 : i32 to vector<16xi32>
        %add3A_585 = arith.addi %get3A_583, %add3A_584 : vector<16xi32>
        %swap3A_586 = arith.constant 0 : i32
        %swap3A_587 = arith.index_cast %swap3A_586 : i32 to index
        %swap3A_588 = arith.constant 16 : index
        %swap3A_589 = tpu.vector_load %arg11[%swap3A_587, %swap3A_588] {strides = array<i32>} : memref<2x80xi32, #tpu.memory_space<vmem>>, vector<1x16xi32>,
        %swap3A_590 = vector.shape_cast %swap3A_589 : vector<1x16xi32> to vector<16xi32>
        %swap3A_591 = vector.shape_cast %add3A_585 : vector<16xi32> to vector<1x16xi32>
        tpu.vector_store %arg11[%swap3A_587, %swap3A_588], %swap3A_591 {strides = array<i32>} : memref<2x80xi32, #tpu.memory_space<vmem>>, vector<1x16xi32>,
        %get3A_592 = arith.constant 0 : i32
        %get3A_593 = arith.index_cast %get3A_592 : i32 to index
        %get3A_594 = arith.constant 32 : index
        %get3A_595 = tpu.vector_load %arg11[%get3A_593, %get3A_594] {strides = array<i32>} : memref<2x80xi32, #tpu.memory_space<vmem>>, vector<1x16xi32>,
        %get3A_596 = vector.shape_cast %get3A_595 : vector<1x16xi32> to vector<16xi32>
        %add3A_597 = vector.broadcast %mul3A_13 : i32 to vector<16xi32>
        %add3A_598 = arith.addi %get3A_596, %add3A_597 : vector<16xi32>
        %swap3A_599 = arith.constant 0 : i32
        %swap3A_600 = arith.index_cast %swap3A_599 : i32 to index
        %swap3A_601 = arith.constant 32 : index
        %swap3A_602 = tpu.vector_load %arg11[%swap3A_600, %swap3A_601] {strides = array<i32>} : memref<2x80xi32, #tpu.memory_space<vmem>>, vector<1x16xi32>,
        %swap3A_603 = vector.shape_cast %swap3A_602 : vector<1x16xi32> to vector<16xi32>
        %swap3A_604 = vector.shape_cast %add3A_598 : vector<16xi32> to vector<1x16xi32>
        tpu.vector_store %arg11[%swap3A_600, %swap3A_601], %swap3A_604 {strides = array<i32>} : memref<2x80xi32, #tpu.memory_space<vmem>>, vector<1x16xi32>,
        %get3A_605 = arith.constant 0 : i32
        %get3A_606 = arith.index_cast %get3A_605 : i32 to index
        %get3A_607 = arith.constant 48 : index
        %get3A_608 = tpu.vector_load %arg11[%get3A_606, %get3A_607] {strides = array<i32>} : memref<2x80xi32, #tpu.memory_space<vmem>>, vector<1x16xi32>,
        %get3A_609 = vector.shape_cast %get3A_608 : vector<1x16xi32> to vector<16xi32>
        %add3A_610 = vector.broadcast %mul3A_13 : i32 to vector<16xi32>
        %add3A_611 = arith.addi %get3A_609, %add3A_610 : vector<16xi32>
        %swap3A_612 = arith.constant 0 : i32
        %swap3A_613 = arith.index_cast %swap3A_612 : i32 to index
        %swap3A_614 = arith.constant 48 : index
        %swap3A_615 = tpu.vector_load %arg11[%swap3A_613, %swap3A_614] {strides = array<i32>} : memref<2x80xi32, #tpu.memory_space<vmem>>, vector<1x16xi32>,
        %swap3A_616 = vector.shape_cast %swap3A_615 : vector<1x16xi32> to vector<16xi32>
        %swap3A_617 = vector.shape_cast %add3A_611 : vector<16xi32> to vector<1x16xi32>
        tpu.vector_store %arg11[%swap3A_613, %swap3A_614], %swap3A_617 {strides = array<i32>} : memref<2x80xi32, #tpu.memory_space<vmem>>, vector<1x16xi32>,
        %get3A_618 = arith.constant 0 : i32
        %get3A_619 = arith.index_cast %get3A_618 : i32 to index
        %get3A_620 = arith.constant 64 : index
        %get3A_621 = tpu.vector_load %arg11[%get3A_619, %get3A_620] {strides = array<i32>} : memref<2x80xi32, #tpu.memory_space<vmem>>, vector<1x16xi32>,
        %get3A_622 = vector.shape_cast %get3A_621 : vector<1x16xi32> to vector<16xi32>
        %add3A_623 = vector.broadcast %mul3A_13 : i32 to vector<16xi32>
        %add3A_624 = arith.addi %get3A_622, %add3A_623 : vector<16xi32>
        %swap3A_625 = arith.constant 0 : i32
        %swap3A_626 = arith.index_cast %swap3A_625 : i32 to index
        %swap3A_627 = arith.constant 64 : index
        %swap3A_628 = tpu.vector_load %arg11[%swap3A_626, %swap3A_627] {strides = array<i32>} : memref<2x80xi32, #tpu.memory_space<vmem>>, vector<1x16xi32>,
        %swap3A_629 = vector.shape_cast %swap3A_628 : vector<1x16xi32> to vector<16xi32>
        %swap3A_630 = vector.shape_cast %add3A_624 : vector<16xi32> to vector<1x16xi32>
        tpu.vector_store %arg11[%swap3A_626, %swap3A_627], %swap3A_630 {strides = array<i32>} : memref<2x80xi32, #tpu.memory_space<vmem>>, vector<1x16xi32>,
        %dma_start3A_631 = arith.constant 0 : i32
        %dma_start3A_632 = arith.constant 0 : i32
        %dma_start3A_633 = arith.constant 0 : i32
        %dma_start3A_634 = arith.constant 0 : i32
        %dma_start3A_635 = tpu.memref_slice %arg14[%dma_start3A_632, %dma_start3A_633, %dma_start3A_634] : memref<2x80x80xf32, #tpu.memory_space<vmem>> -> memref<1x80x80xf32, #tpu.memory_space<vmem>>
        %dma_start3A_636 = tpu.memref_squeeze %dma_start3A_635 : memref<1x80x80xf32, #tpu.memory_space<vmem>> -> memref<80x80xf32, #tpu.memory_space<vmem>>
        %dma_start3A_637 = arith.constant 0 : i32
        %dma_start3A_638 = tpu.memref_slice %arg11[%dma_start3A_631, %dma_start3A_637] : memref<2x80xi32, #tpu.memory_space<vmem>> -> memref<1x80xi32, #tpu.memory_space<vmem>>
        %dma_start3A_639 = tpu.memref_squeeze %dma_start3A_638 : memref<1x80xi32, #tpu.memory_space<vmem>> -> memref<80xi32, #tpu.memory_space<vmem>>
        %dma_start3A_640 = arith.constant 0 : i32
        %dma_start3A_641 = arith.constant 0 : i32
        %dma_start3A_642 = tpu.memref_slice %arg2[%dma_start3A_640, %dma_start3A_641] : memref<20000x80xf32, #tpu.memory_space<hbm>> -> memref<20000x80xf32, #tpu.memory_space<hbm>>
        tpu.enqueue_indirect_dma source(%dma_start3A_642 : memref<20000x80xf32, #tpu.memory_space<hbm>>) target(%dma_start3A_636 : memref<80x80xf32, #tpu.memory_space<vmem>>) offsets(%dma_start3A_639 : memref<80xi32, #tpu.memory_space<vmem>>) semaphore(%arg21 : memref<!tpu.dma_semaphore, #tpu.memory_space<semaphore_mem>>)
        %dma_start3A_643 = arith.constant 0 : i32
        %dma_start3A_644 = arith.constant 0 : i32
        %dma_start3A_645 = arith.constant 0 : i32
        %dma_start3A_646 = arith.constant 0 : i32
        %dma_start3A_647 = tpu.memref_slice %arg15[%dma_start3A_644, %dma_start3A_645, %dma_start3A_646] : memref<2x80x16xf32, #tpu.memory_space<vmem>> -> memref<1x80x16xf32, #tpu.memory_space<vmem>>
        %dma_start3A_648 = tpu.memref_squeeze %dma_start3A_647 : memref<1x80x16xf32, #tpu.memory_space<vmem>> -> memref<80x16xf32, #tpu.memory_space<vmem>>
        %dma_start3A_649 = arith.constant 0 : i32
        %dma_start3A_650 = tpu.memref_slice %arg10[%dma_start3A_643, %dma_start3A_649] : memref<2x80xi32, #tpu.memory_space<vmem>> -> memref<1x80xi32, #tpu.memory_space<vmem>>
        %dma_start3A_651 = tpu.memref_squeeze %dma_start3A_650 : memref<1x80xi32, #tpu.memory_space<vmem>> -> memref<80xi32, #tpu.memory_space<vmem>>
        %dma_start3A_652 = arith.constant 0 : i32
        %dma_start3A_653 = arith.constant 0 : i32
        %dma_start3A_654 = tpu.memref_slice %arg3[%dma_start3A_652, %dma_start3A_653] : memref<10000x16xf32, #tpu.memory_space<hbm>> -> memref<10000x16xf32, #tpu.memory_space<hbm>>
        tpu.enqueue_indirect_dma source(%dma_start3A_654 : memref<10000x16xf32, #tpu.memory_space<hbm>>) target(%dma_start3A_648 : memref<80x16xf32, #tpu.memory_space<vmem>>) offsets(%dma_start3A_651 : memref<80xi32, #tpu.memory_space<vmem>>) semaphore(%arg22 : memref<!tpu.dma_semaphore, #tpu.memory_space<semaphore_mem>>)
        %dma_start3A_655 = arith.constant 0 : i32
        %dma_start3A_656 = arith.constant 0 : i32
        %dma_start3A_657 = arith.constant 0 : i32
        %dma_start3A_658 = arith.constant 0 : i32
        %dma_start3A_659 = tpu.memref_slice %arg16[%dma_start3A_656, %dma_start3A_657, %dma_start3A_658] : memref<2x80x16xf32, #tpu.memory_space<vmem>> -> memref<1x80x16xf32, #tpu.memory_space<vmem>>
        %dma_start3A_660 = tpu.memref_squeeze %dma_start3A_659 : memref<1x80x16xf32, #tpu.memory_space<vmem>> -> memref<80x16xf32, #tpu.memory_space<vmem>>
        %dma_start3A_661 = arith.constant 0 : i32
        %dma_start3A_662 = tpu.memref_slice %arg12[%dma_start3A_655, %dma_start3A_661] : memref<2x80xi32, #tpu.memory_space<vmem>> -> memref<1x80xi32, #tpu.memory_space<vmem>>
        %dma_start3A_663 = tpu.memref_squeeze %dma_start3A_662 : memref<1x80xi32, #tpu.memory_space<vmem>> -> memref<80xi32, #tpu.memory_space<vmem>>
        %dma_start3A_664 = arith.constant 0 : i32
        %dma_start3A_665 = arith.constant 0 : i32
        %dma_start3A_666 = tpu.memref_slice %arg4[%dma_start3A_664, %dma_start3A_665] : memref<10000x16xf32, #tpu.memory_space<hbm>> -> memref<10000x16xf32, #tpu.memory_space<hbm>>
        tpu.enqueue_indirect_dma source(%dma_start3A_666 : memref<10000x16xf32, #tpu.memory_space<hbm>>) target(%dma_start3A_660 : memref<80x16xf32, #tpu.memory_space<vmem>>) offsets(%dma_start3A_663 : memref<80xi32, #tpu.memory_space<vmem>>) semaphore(%arg23 : memref<!tpu.dma_semaphore, #tpu.memory_space<semaphore_mem>>)
      } else {
      }
      %dma_wait3A_401 = arith.constant 1 : i32
      %dma_wait3A_402 = arith.constant 1 : i32
      %dma_wait3A_403 = arith.constant 0 : i32
      %dma_wait3A_404 = arith.constant 0 : i32
      %dma_wait3A_405 = tpu.memref_slice %arg14[%dma_wait3A_402, %dma_wait3A_403, %dma_wait3A_404] : memref<2x80x80xf32, #tpu.memory_space<vmem>> -> memref<1x80x80xf32, #tpu.memory_space<vmem>>
      %dma_wait3A_406 = tpu.memref_squeeze %dma_wait3A_405 : memref<1x80x80xf32, #tpu.memory_space<vmem>> -> memref<80x80xf32, #tpu.memory_space<vmem>>
      %dma_wait3A_407 = arith.constant 0 : i32
      %dma_wait3A_408 = tpu.memref_slice %arg11[%dma_wait3A_401, %dma_wait3A_407] : memref<2x80xi32, #tpu.memory_space<vmem>> -> memref<1x80xi32, #tpu.memory_space<vmem>>
      %dma_wait3A_409 = tpu.memref_squeeze %dma_wait3A_408 : memref<1x80xi32, #tpu.memory_space<vmem>> -> memref<80xi32, #tpu.memory_space<vmem>>
      %dma_wait3A_410 = arith.constant 0 : i32
      %dma_wait3A_411 = arith.constant 0 : i32
      %dma_wait3A_412 = tpu.memref_slice %arg2[%dma_wait3A_410, %dma_wait3A_411] : memref<20000x80xf32, #tpu.memory_space<hbm>> -> memref<20000x80xf32, #tpu.memory_space<hbm>>
      tpu.wait_indirect_dma semaphore(%arg24 : memref<!tpu.dma_semaphore, #tpu.memory_space<semaphore_mem>>) src(%dma_wait3A_412 : memref<20000x80xf32, #tpu.memory_space<hbm>>) dst(%dma_wait3A_406 : memref<80x80xf32, #tpu.memory_space<vmem>>)
      %dma_wait3A_413 = arith.constant 1 : i32
      %dma_wait3A_414 = arith.constant 1 : i32
      %dma_wait3A_415 = arith.constant 0 : i32
      %dma_wait3A_416 = arith.constant 0 : i32
      %dma_wait3A_417 = tpu.memref_slice %arg15[%dma_wait3A_414, %dma_wait3A_415, %dma_wait3A_416] : memref<2x80x16xf32, #tpu.memory_space<vmem>> -> memref<1x80x16xf32, #tpu.memory_space<vmem>>
      %dma_wait3A_418 = tpu.memref_squeeze %dma_wait3A_417 : memref<1x80x16xf32, #tpu.memory_space<vmem>> -> memref<80x16xf32, #tpu.memory_space<vmem>>
      %dma_wait3A_419 = arith.constant 0 : i32
      %dma_wait3A_420 = tpu.memref_slice %arg10[%dma_wait3A_413, %dma_wait3A_419] : memref<2x80xi32, #tpu.memory_space<vmem>> -> memref<1x80xi32, #tpu.memory_space<vmem>>
      %dma_wait3A_421 = tpu.memref_squeeze %dma_wait3A_420 : memref<1x80xi32, #tpu.memory_space<vmem>> -> memref<80xi32, #tpu.memory_space<vmem>>
      %dma_wait3A_422 = arith.constant 0 : i32
      %dma_wait3A_423 = arith.constant 0 : i32
      %dma_wait3A_424 = tpu.memref_slice %arg3[%dma_wait3A_422, %dma_wait3A_423] : memref<10000x16xf32, #tpu.memory_space<hbm>> -> memref<10000x16xf32, #tpu.memory_space<hbm>>
      tpu.wait_indirect_dma semaphore(%arg25 : memref<!tpu.dma_semaphore, #tpu.memory_space<semaphore_mem>>) src(%dma_wait3A_424 : memref<10000x16xf32, #tpu.memory_space<hbm>>) dst(%dma_wait3A_418 : memref<80x16xf32, #tpu.memory_space<vmem>>)
      %dma_wait3A_425 = arith.constant 1 : i32
      %dma_wait3A_426 = arith.constant 1 : i32
      %dma_wait3A_427 = arith.constant 0 : i32
      %dma_wait3A_428 = arith.constant 0 : i32
      %dma_wait3A_429 = tpu.memref_slice %arg16[%dma_wait3A_426, %dma_wait3A_427, %dma_wait3A_428] : memref<2x80x16xf32, #tpu.memory_space<vmem>> -> memref<1x80x16xf32, #tpu.memory_space<vmem>>
      %dma_wait3A_430 = tpu.memref_squeeze %dma_wait3A_429 : memref<1x80x16xf32, #tpu.memory_space<vmem>> -> memref<80x16xf32, #tpu.memory_space<vmem>>
      %dma_wait3A_431 = arith.constant 0 : i32
      %dma_wait3A_432 = tpu.memref_slice %arg12[%dma_wait3A_425, %dma_wait3A_431] : memref<2x80xi32, #tpu.memory_space<vmem>> -> memref<1x80xi32, #tpu.memory_space<vmem>>
      %dma_wait3A_433 = tpu.memref_squeeze %dma_wait3A_432 : memref<1x80xi32, #tpu.memory_space<vmem>> -> memref<80xi32, #tpu.memory_space<vmem>>
      %dma_wait3A_434 = arith.constant 0 : i32
      %dma_wait3A_435 = arith.constant 0 : i32
      %dma_wait3A_436 = tpu.memref_slice %arg4[%dma_wait3A_434, %dma_wait3A_435] : memref<10000x16xf32, #tpu.memory_space<hbm>> -> memref<10000x16xf32, #tpu.memory_space<hbm>>
      tpu.wait_indirect_dma semaphore(%arg26 : memref<!tpu.dma_semaphore, #tpu.memory_space<semaphore_mem>>) src(%dma_wait3A_436 : memref<10000x16xf32, #tpu.memory_space<hbm>>) dst(%dma_wait3A_430 : memref<80x16xf32, #tpu.memory_space<vmem>>)
      %ge3A_437 = arith.constant 2 : i32
      %ge3A_438 = arith.cmpi sge, %add3A_393, %ge3A_437 : i32
      %convert_element_type3A_439 = arith.extui %ge3A_438 : i1 to i32
      %cond3A_440 = arith.constant 0 : i32
      %cond3A_441 = arith.cmpi ne, %convert_element_type3A_439, %cond3A_440 : i32
      scf.if %cond3A_441 {
        %dma_wait3A_532 = arith.constant 1 : i32
        %dma_wait3A_533 = arith.constant 1 : i32
        %dma_wait3A_534 = arith.constant 0 : i32
        %dma_wait3A_535 = arith.constant 0 : i32
        %dma_wait3A_536 = tpu.memref_slice %arg17[%dma_wait3A_532, %dma_wait3A_534, %dma_wait3A_535] : memref<2x80x80xf32, #tpu.memory_space<vmem>> -> memref<1x80x80xf32, #tpu.memory_space<vmem>>
        %dma_wait3A_537 = tpu.memref_squeeze %dma_wait3A_536 : memref<1x80x80xf32, #tpu.memory_space<vmem>> -> memref<80x80xf32, #tpu.memory_space<vmem>>
        %dma_wait3A_538 = arith.constant 0 : i32
        %dma_wait3A_539 = tpu.memref_slice %arg13[%dma_wait3A_533, %dma_wait3A_538] : memref<2x80xi32, #tpu.memory_space<vmem>> -> memref<1x80xi32, #tpu.memory_space<vmem>>
        %dma_wait3A_540 = tpu.memref_squeeze %dma_wait3A_539 : memref<1x80xi32, #tpu.memory_space<vmem>> -> memref<80xi32, #tpu.memory_space<vmem>>
        %dma_wait3A_541 = arith.constant 0 : i32
        %dma_wait3A_542 = arith.constant 0 : i32
        %dma_wait3A_543 = tpu.memref_slice %arg19[%dma_wait3A_541, %dma_wait3A_542] : memref<10000x80xf32, #tpu.memory_space<vmem_shared>> -> memref<10000x80xf32, #tpu.memory_space<vmem_shared>>
        tpu.wait_indirect_dma semaphore(%arg30 : memref<!tpu.dma_semaphore, #tpu.memory_space<semaphore_mem>>) src(%dma_wait3A_537 : memref<80x80xf32, #tpu.memory_space<vmem>>) dst(%dma_wait3A_543 : memref<10000x80xf32, #tpu.memory_space<vmem_shared>>)
      } else {
      }
      %ge3A_442 = arith.constant 1 : i32
      %ge3A_443 = arith.cmpi sge, %add3A_393, %ge3A_442 : i32
      %convert_element_type3A_444 = arith.extui %ge3A_443 : i1 to i32
      %cond3A_445 = arith.constant 0 : i32
      %cond3A_446 = arith.cmpi ne, %convert_element_type3A_444, %cond3A_445 : i32
      scf.if %cond3A_446 {
        %dma_wait3A_532 = arith.constant 0 : i32
        %dma_wait3A_533 = arith.constant 0 : i32
        %dma_wait3A_534 = tpu.memref_slice %arg13[%dma_wait3A_532, %dma_wait3A_533] : memref<2x80xi32, #tpu.memory_space<vmem>> -> memref<1x80xi32, #tpu.memory_space<vmem>>
        %dma_wait3A_535 = tpu.memref_squeeze %dma_wait3A_534 : memref<1x80xi32, #tpu.memory_space<vmem>> -> memref<80xi32, #tpu.memory_space<vmem>>
        %dma_wait3A_536 = arith.constant 0 : i32
        %dma_wait3A_537 = arith.constant 0 : i32
        %dma_wait3A_538 = tpu.memref_slice %arg20[%dma_wait3A_536, %dma_wait3A_537] : memref<10000x64xf32, #tpu.memory_space<vmem_shared>> -> memref<10000x64xf32, #tpu.memory_space<vmem_shared>>
        tpu.wait_indirect_dma semaphore(%arg31 : memref<!tpu.dma_semaphore, #tpu.memory_space<semaphore_mem>>) src(%arg18 : memref<80x64xf32, #tpu.memory_space<vmem>>) dst(%dma_wait3A_538 : memref<10000x64xf32, #tpu.memory_space<vmem_shared>>)
      } else {
      }
      %parallel_loop3A_447 = arith.constant 0 : i32
      %parallel_loop3A_448 = arith.constant 80 : i32
      %parallel_loop3A_449 = arith.constant 1 : i32
      scf.for %parallel_loop3A_532 = %parallel_loop3A_447 to %parallel_loop3A_448 step %parallel_loop3A_449  : i32 {
        %parallel_loop3A_533 = arith.constant 1 : i32
        %parallel_loop3A_534 = arith.index_cast %parallel_loop3A_533 : i32 to index
        %parallel_loop3A_535 = arith.index_cast %parallel_loop3A_532 : i32 to index
        %parallel_loop3A_536 = arith.constant 0 : index
        %parallel_loop3A_537 = tpu.vector_load %arg15[%parallel_loop3A_534, %parallel_loop3A_535, %parallel_loop3A_536] {strides = array<i32>} : memref<2x80x16xf32, #tpu.memory_space<vmem>>, vector<1x1x16xf32>,
        %parallel_loop3A_538 = vector.shape_cast %parallel_loop3A_537 : vector<1x1x16xf32> to vector<16xf32>
        %parallel_loop3A_539 = arith.constant 1 : i32
        %parallel_loop3A_540 = arith.index_cast %parallel_loop3A_539 : i32 to index
        %parallel_loop3A_541 = arith.index_cast %parallel_loop3A_532 : i32 to index
        %parallel_loop3A_542 = arith.constant 64 : index
        %parallel_loop3A_543 = tpu.vector_load %arg14[%parallel_loop3A_540, %parallel_loop3A_541, %parallel_loop3A_542] {strides = array<i32>} : memref<2x80x80xf32, #tpu.memory_space<vmem>>, vector<1x1x16xf32>,
        %parallel_loop3A_544 = vector.shape_cast %parallel_loop3A_543 : vector<1x1x16xf32> to vector<16xf32>
        %parallel_loop3A_545 = arith.addf %parallel_loop3A_538, %parallel_loop3A_544 : vector<16xf32>
        %parallel_loop3A_546 = arith.constant 1 : i32
        %parallel_loop3A_547 = arith.index_cast %parallel_loop3A_546 : i32 to index
        %parallel_loop3A_548 = arith.index_cast %parallel_loop3A_532 : i32 to index
        %parallel_loop3A_549 = arith.constant 0 : index
        %parallel_loop3A_550 = tpu.vector_load %arg16[%parallel_loop3A_547, %parallel_loop3A_548, %parallel_loop3A_549] {strides = array<i32>} : memref<2x80x16xf32, #tpu.memory_space<vmem>>, vector<1x1x16xf32>,
        %parallel_loop3A_551 = vector.shape_cast %parallel_loop3A_550 : vector<1x1x16xf32> to vector<16xf32>
        %parallel_loop3A_552 = arith.addf %parallel_loop3A_545, %parallel_loop3A_551 : vector<16xf32>
        %parallel_loop3A_553 = arith.constant 0.000000e+00 : f32
        %parallel_loop3A_554 = vector.broadcast %parallel_loop3A_553 : f32 to vector<16xf32>
        %parallel_loop3A_555 = arith.cmpf oge, %parallel_loop3A_552, %parallel_loop3A_554 : vector<16xf32>
        %parallel_loop3A_556 = arith.constant 2.000000e-01 : f32
        %parallel_loop3A_557 = vector.broadcast %parallel_loop3A_556 : f32 to vector<16xf32>
        %parallel_loop3A_558 = arith.mulf %parallel_loop3A_557, %parallel_loop3A_552 : vector<16xf32>
        %parallel_loop3A_559 = arith.select %parallel_loop3A_555, %parallel_loop3A_552, %parallel_loop3A_558 : vector<16xi1>, vector<16xf32>
        %parallel_loop3A_560 = arith.constant 0.000000e+00 : f32
        %parallel_loop3A_561 = vector.broadcast %parallel_loop3A_560 : f32 to vector<16xf32>
        %parallel_loop3A_562 = arith.subf %parallel_loop3A_561, %parallel_loop3A_559 : vector<16xf32>
        %parallel_loop3A_563 = math.exp %parallel_loop3A_562 : vector<16xf32>
        %parallel_loop3A_564 = vector.extract_strided_slice %parallel_loop3A_563 {offsets = [0], sizes = [1], strides = [1]} : vector<16xf32> to vector<1xf32>
        %parallel_loop3A_565 = vector.extract %parallel_loop3A_564[0] : f32 from vector<1xf32>
        %parallel_loop3A_566 = vector.broadcast %parallel_loop3A_565 : f32 to vector<16xf32>
        %parallel_loop3A_567 = vector.extract_strided_slice %parallel_loop3A_563 {offsets = [1], sizes = [1], strides = [1]} : vector<16xf32> to vector<1xf32>
        %parallel_loop3A_568 = vector.extract %parallel_loop3A_567[0] : f32 from vector<1xf32>
        %parallel_loop3A_569 = vector.broadcast %parallel_loop3A_568 : f32 to vector<16xf32>
        %parallel_loop3A_570 = arith.constant 1 : i32
        %parallel_loop3A_571 = arith.index_cast %parallel_loop3A_570 : i32 to index
        %parallel_loop3A_572 = arith.index_cast %parallel_loop3A_532 : i32 to index
        %parallel_loop3A_573 = arith.constant 0 : index
        %parallel_loop3A_574 = tpu.vector_load %arg14[%parallel_loop3A_571, %parallel_loop3A_572, %parallel_loop3A_573] {strides = array<i32>} : memref<2x80x80xf32, #tpu.memory_space<vmem>>, vector<1x1x16xf32>,
        %parallel_loop3A_575 = vector.shape_cast %parallel_loop3A_574 : vector<1x1x16xf32> to vector<16xf32>
        %parallel_loop3A_576 = arith.mulf %parallel_loop3A_575, %parallel_loop3A_566 : vector<16xf32>
        %parallel_loop3A_577 = arith.constant 1 : i32
        %parallel_loop3A_578 = arith.index_cast %parallel_loop3A_577 : i32 to index
        %parallel_loop3A_579 = arith.index_cast %parallel_loop3A_532 : i32 to index
        %parallel_loop3A_580 = arith.constant 0 : index
        %parallel_loop3A_581 = tpu.vector_load %arg17[%parallel_loop3A_578, %parallel_loop3A_579, %parallel_loop3A_580] {strides = array<i32>} : memref<2x80x80xf32, #tpu.memory_space<vmem>>, vector<1x1x16xf32>,
        %parallel_loop3A_582 = vector.shape_cast %parallel_loop3A_581 : vector<1x1x16xf32> to vector<16xf32>
        %parallel_loop3A_583 = vector.shape_cast %parallel_loop3A_576 : vector<16xf32> to vector<1x1x16xf32>
        tpu.vector_store %arg17[%parallel_loop3A_578, %parallel_loop3A_579, %parallel_loop3A_580], %parallel_loop3A_583 {strides = array<i32>} : memref<2x80x80xf32, #tpu.memory_space<vmem>>, vector<1x1x16xf32>,
        %parallel_loop3A_584 = arith.mulf %parallel_loop3A_575, %parallel_loop3A_569 : vector<16xf32>
        %parallel_loop3A_585 = arith.index_cast %parallel_loop3A_532 : i32 to index
        %parallel_loop3A_586 = arith.constant 0 : index
        %parallel_loop3A_587 = tpu.vector_load %arg18[%parallel_loop3A_585, %parallel_loop3A_586] {strides = array<i32>} : memref<80x64xf32, #tpu.memory_space<vmem>>, vector<1x16xf32>,
        %parallel_loop3A_588 = vector.shape_cast %parallel_loop3A_587 : vector<1x16xf32> to vector<16xf32>
        %parallel_loop3A_589 = vector.shape_cast %parallel_loop3A_584 : vector<16xf32> to vector<1x16xf32>
        tpu.vector_store %arg18[%parallel_loop3A_585, %parallel_loop3A_586], %parallel_loop3A_589 {strides = array<i32>} : memref<80x64xf32, #tpu.memory_space<vmem>>, vector<1x16xf32>,
        %parallel_loop3A_590 = arith.constant 1 : i32
        %parallel_loop3A_591 = arith.index_cast %parallel_loop3A_590 : i32 to index
        %parallel_loop3A_592 = arith.index_cast %parallel_loop3A_532 : i32 to index
        %parallel_loop3A_593 = arith.constant 16 : index
        %parallel_loop3A_594 = tpu.vector_load %arg14[%parallel_loop3A_591, %parallel_loop3A_592, %parallel_loop3A_593] {strides = array<i32>} : memref<2x80x80xf32, #tpu.memory_space<vmem>>, vector<1x1x16xf32>,
        %parallel_loop3A_595 = vector.shape_cast %parallel_loop3A_594 : vector<1x1x16xf32> to vector<16xf32>
        %parallel_loop3A_596 = arith.mulf %parallel_loop3A_595, %parallel_loop3A_566 : vector<16xf32>
        %parallel_loop3A_597 = arith.constant 1 : i32
        %parallel_loop3A_598 = arith.index_cast %parallel_loop3A_597 : i32 to index
        %parallel_loop3A_599 = arith.index_cast %parallel_loop3A_532 : i32 to index
        %parallel_loop3A_600 = arith.constant 16 : index
        %parallel_loop3A_601 = tpu.vector_load %arg17[%parallel_loop3A_598, %parallel_loop3A_599, %parallel_loop3A_600] {strides = array<i32>} : memref<2x80x80xf32, #tpu.memory_space<vmem>>, vector<1x1x16xf32>,
        %parallel_loop3A_602 = vector.shape_cast %parallel_loop3A_601 : vector<1x1x16xf32> to vector<16xf32>
        %parallel_loop3A_603 = vector.shape_cast %parallel_loop3A_596 : vector<16xf32> to vector<1x1x16xf32>
        tpu.vector_store %arg17[%parallel_loop3A_598, %parallel_loop3A_599, %parallel_loop3A_600], %parallel_loop3A_603 {strides = array<i32>} : memref<2x80x80xf32, #tpu.memory_space<vmem>>, vector<1x1x16xf32>,
        %parallel_loop3A_604 = arith.mulf %parallel_loop3A_595, %parallel_loop3A_569 : vector<16xf32>
        %parallel_loop3A_605 = arith.index_cast %parallel_loop3A_532 : i32 to index
        %parallel_loop3A_606 = arith.constant 16 : index
        %parallel_loop3A_607 = tpu.vector_load %arg18[%parallel_loop3A_605, %parallel_loop3A_606] {strides = array<i32>} : memref<80x64xf32, #tpu.memory_space<vmem>>, vector<1x16xf32>,
        %parallel_loop3A_608 = vector.shape_cast %parallel_loop3A_607 : vector<1x16xf32> to vector<16xf32>
        %parallel_loop3A_609 = vector.shape_cast %parallel_loop3A_604 : vector<16xf32> to vector<1x16xf32>
        tpu.vector_store %arg18[%parallel_loop3A_605, %parallel_loop3A_606], %parallel_loop3A_609 {strides = array<i32>} : memref<80x64xf32, #tpu.memory_space<vmem>>, vector<1x16xf32>,
        %parallel_loop3A_610 = arith.constant 1 : i32
        %parallel_loop3A_611 = arith.index_cast %parallel_loop3A_610 : i32 to index
        %parallel_loop3A_612 = arith.index_cast %parallel_loop3A_532 : i32 to index
        %parallel_loop3A_613 = arith.constant 32 : index
        %parallel_loop3A_614 = tpu.vector_load %arg14[%parallel_loop3A_611, %parallel_loop3A_612, %parallel_loop3A_613] {strides = array<i32>} : memref<2x80x80xf32, #tpu.memory_space<vmem>>, vector<1x1x16xf32>,
        %parallel_loop3A_615 = vector.shape_cast %parallel_loop3A_614 : vector<1x1x16xf32> to vector<16xf32>
        %parallel_loop3A_616 = arith.mulf %parallel_loop3A_615, %parallel_loop3A_566 : vector<16xf32>
        %parallel_loop3A_617 = arith.constant 1 : i32
        %parallel_loop3A_618 = arith.index_cast %parallel_loop3A_617 : i32 to index
        %parallel_loop3A_619 = arith.index_cast %parallel_loop3A_532 : i32 to index
        %parallel_loop3A_620 = arith.constant 32 : index
        %parallel_loop3A_621 = tpu.vector_load %arg17[%parallel_loop3A_618, %parallel_loop3A_619, %parallel_loop3A_620] {strides = array<i32>} : memref<2x80x80xf32, #tpu.memory_space<vmem>>, vector<1x1x16xf32>,
        %parallel_loop3A_622 = vector.shape_cast %parallel_loop3A_621 : vector<1x1x16xf32> to vector<16xf32>
        %parallel_loop3A_623 = vector.shape_cast %parallel_loop3A_616 : vector<16xf32> to vector<1x1x16xf32>
        tpu.vector_store %arg17[%parallel_loop3A_618, %parallel_loop3A_619, %parallel_loop3A_620], %parallel_loop3A_623 {strides = array<i32>} : memref<2x80x80xf32, #tpu.memory_space<vmem>>, vector<1x1x16xf32>,
        %parallel_loop3A_624 = arith.mulf %parallel_loop3A_615, %parallel_loop3A_569 : vector<16xf32>
        %parallel_loop3A_625 = arith.index_cast %parallel_loop3A_532 : i32 to index
        %parallel_loop3A_626 = arith.constant 32 : index
        %parallel_loop3A_627 = tpu.vector_load %arg18[%parallel_loop3A_625, %parallel_loop3A_626] {strides = array<i32>} : memref<80x64xf32, #tpu.memory_space<vmem>>, vector<1x16xf32>,
        %parallel_loop3A_628 = vector.shape_cast %parallel_loop3A_627 : vector<1x16xf32> to vector<16xf32>
        %parallel_loop3A_629 = vector.shape_cast %parallel_loop3A_624 : vector<16xf32> to vector<1x16xf32>
        tpu.vector_store %arg18[%parallel_loop3A_625, %parallel_loop3A_626], %parallel_loop3A_629 {strides = array<i32>} : memref<80x64xf32, #tpu.memory_space<vmem>>, vector<1x16xf32>,
        %parallel_loop3A_630 = arith.constant 1 : i32
        %parallel_loop3A_631 = arith.index_cast %parallel_loop3A_630 : i32 to index
        %parallel_loop3A_632 = arith.index_cast %parallel_loop3A_532 : i32 to index
        %parallel_loop3A_633 = arith.constant 48 : index
        %parallel_loop3A_634 = tpu.vector_load %arg14[%parallel_loop3A_631, %parallel_loop3A_632, %parallel_loop3A_633] {strides = array<i32>} : memref<2x80x80xf32, #tpu.memory_space<vmem>>, vector<1x1x16xf32>,
        %parallel_loop3A_635 = vector.shape_cast %parallel_loop3A_634 : vector<1x1x16xf32> to vector<16xf32>
        %parallel_loop3A_636 = arith.mulf %parallel_loop3A_635, %parallel_loop3A_566 : vector<16xf32>
        %parallel_loop3A_637 = arith.constant 1 : i32
        %parallel_loop3A_638 = arith.index_cast %parallel_loop3A_637 : i32 to index
        %parallel_loop3A_639 = arith.index_cast %parallel_loop3A_532 : i32 to index
        %parallel_loop3A_640 = arith.constant 48 : index
        %parallel_loop3A_641 = tpu.vector_load %arg17[%parallel_loop3A_638, %parallel_loop3A_639, %parallel_loop3A_640] {strides = array<i32>} : memref<2x80x80xf32, #tpu.memory_space<vmem>>, vector<1x1x16xf32>,
        %parallel_loop3A_642 = vector.shape_cast %parallel_loop3A_641 : vector<1x1x16xf32> to vector<16xf32>
        %parallel_loop3A_643 = vector.shape_cast %parallel_loop3A_636 : vector<16xf32> to vector<1x1x16xf32>
        tpu.vector_store %arg17[%parallel_loop3A_638, %parallel_loop3A_639, %parallel_loop3A_640], %parallel_loop3A_643 {strides = array<i32>} : memref<2x80x80xf32, #tpu.memory_space<vmem>>, vector<1x1x16xf32>,
        %parallel_loop3A_644 = arith.mulf %parallel_loop3A_635, %parallel_loop3A_569 : vector<16xf32>
        %parallel_loop3A_645 = arith.index_cast %parallel_loop3A_532 : i32 to index
        %parallel_loop3A_646 = arith.constant 48 : index
        %parallel_loop3A_647 = tpu.vector_load %arg18[%parallel_loop3A_645, %parallel_loop3A_646] {strides = array<i32>} : memref<80x64xf32, #tpu.memory_space<vmem>>, vector<1x16xf32>,
        %parallel_loop3A_648 = vector.shape_cast %parallel_loop3A_647 : vector<1x16xf32> to vector<16xf32>
        %parallel_loop3A_649 = vector.shape_cast %parallel_loop3A_644 : vector<16xf32> to vector<1x16xf32>
        tpu.vector_store %arg18[%parallel_loop3A_645, %parallel_loop3A_646], %parallel_loop3A_649 {strides = array<i32>} : memref<80x64xf32, #tpu.memory_space<vmem>>, vector<1x16xf32>,
        %parallel_loop3A_650 = arith.constant 2 : i32
        %parallel_loop3A_651 = vector.broadcast %parallel_loop3A_650 : i32 to vector<16xi32>
        %parallel_loop3A_652 = arith.cmpi slt, %iota3A, %parallel_loop3A_651 : vector<16xi32>
        %parallel_loop3A_653 = arith.constant 0.000000e+00 : f32
        %parallel_loop3A_654 = vector.broadcast %parallel_loop3A_653 : f32 to vector<16xf32>
        %parallel_loop3A_655 = arith.select %parallel_loop3A_652, %parallel_loop3A_563, %parallel_loop3A_654 : vector<16xi1>, vector<16xf32>
        %parallel_loop3A_656 = arith.constant 1 : i32
        %parallel_loop3A_657 = arith.index_cast %parallel_loop3A_656 : i32 to index
        %parallel_loop3A_658 = arith.index_cast %parallel_loop3A_532 : i32 to index
        %parallel_loop3A_659 = arith.constant 64 : index
        %parallel_loop3A_660 = tpu.vector_load %arg17[%parallel_loop3A_657, %parallel_loop3A_658, %parallel_loop3A_659] {strides = array<i32>} : memref<2x80x80xf32, #tpu.memory_space<vmem>>, vector<1x1x16xf32>,
        %parallel_loop3A_661 = vector.shape_cast %parallel_loop3A_660 : vector<1x1x16xf32> to vector<16xf32>
        %parallel_loop3A_662 = vector.shape_cast %parallel_loop3A_655 : vector<16xf32> to vector<1x1x16xf32>
        tpu.vector_store %arg17[%parallel_loop3A_657, %parallel_loop3A_658, %parallel_loop3A_659], %parallel_loop3A_662 {strides = array<i32>} : memref<2x80x80xf32, #tpu.memory_space<vmem>>, vector<1x1x16xf32>,
      } {sc.loop_unroll_factor = 40 : i64, sc.parallel_access}
      %get3A_450 = arith.constant 1 : i32
      %get3A_451 = arith.index_cast %get3A_450 : i32 to index
      %get3A_452 = arith.constant 0 : index
      %get3A_453 = tpu.vector_load %arg10[%get3A_451, %get3A_452] {strides = array<i32>} : memref<2x80xi32, #tpu.memory_space<vmem>>, vector<1x16xi32>,
      %get3A_454 = vector.shape_cast %get3A_453 : vector<1x16xi32> to vector<16xi32>
      %swap3A_455 = arith.constant 1 : i32
      %swap3A_456 = arith.index_cast %swap3A_455 : i32 to index
      %swap3A_457 = arith.constant 0 : index
      %swap3A_458 = tpu.vector_load %arg13[%swap3A_456, %swap3A_457] {strides = array<i32>} : memref<2x80xi32, #tpu.memory_space<vmem>>, vector<1x16xi32>,
      %swap3A_459 = vector.shape_cast %swap3A_458 : vector<1x16xi32> to vector<16xi32>
      %swap3A_460 = vector.shape_cast %get3A_454 : vector<16xi32> to vector<1x16xi32>
      tpu.vector_store %arg13[%swap3A_456, %swap3A_457], %swap3A_460 {strides = array<i32>} : memref<2x80xi32, #tpu.memory_space<vmem>>, vector<1x16xi32>,
      %get3A_461 = arith.constant 1 : i32
      %get3A_462 = arith.index_cast %get3A_461 : i32 to index
      %get3A_463 = arith.constant 16 : index
      %get3A_464 = tpu.vector_load %arg10[%get3A_462, %get3A_463] {strides = array<i32>} : memref<2x80xi32, #tpu.memory_space<vmem>>, vector<1x16xi32>,
      %get3A_465 = vector.shape_cast %get3A_464 : vector<1x16xi32> to vector<16xi32>
      %swap3A_466 = arith.constant 1 : i32
      %swap3A_467 = arith.index_cast %swap3A_466 : i32 to index
      %swap3A_468 = arith.constant 16 : index
      %swap3A_469 = tpu.vector_load %arg13[%swap3A_467, %swap3A_468] {strides = array<i32>} : memref<2x80xi32, #tpu.memory_space<vmem>>, vector<1x16xi32>,
      %swap3A_470 = vector.shape_cast %swap3A_469 : vector<1x16xi32> to vector<16xi32>
      %swap3A_471 = vector.shape_cast %get3A_465 : vector<16xi32> to vector<1x16xi32>
      tpu.vector_store %arg13[%swap3A_467, %swap3A_468], %swap3A_471 {strides = array<i32>} : memref<2x80xi32, #tpu.memory_space<vmem>>, vector<1x16xi32>,
      %get3A_472 = arith.constant 1 : i32
      %get3A_473 = arith.index_cast %get3A_472 : i32 to index
      %get3A_474 = arith.constant 32 : index
      %get3A_475 = tpu.vector_load %arg10[%get3A_473, %get3A_474] {strides = array<i32>} : memref<2x80xi32, #tpu.memory_space<vmem>>, vector<1x16xi32>,
      %get3A_476 = vector.shape_cast %get3A_475 : vector<1x16xi32> to vector<16xi32>
      %swap3A_477 = arith.constant 1 : i32
      %swap3A_478 = arith.index_cast %swap3A_477 : i32 to index
      %swap3A_479 = arith.constant 32 : index
      %swap3A_480 = tpu.vector_load %arg13[%swap3A_478, %swap3A_479] {strides = array<i32>} : memref<2x80xi32, #tpu.memory_space<vmem>>, vector<1x16xi32>,
      %swap3A_481 = vector.shape_cast %swap3A_480 : vector<1x16xi32> to vector<16xi32>
      %swap3A_482 = vector.shape_cast %get3A_476 : vector<16xi32> to vector<1x16xi32>
      tpu.vector_store %arg13[%swap3A_478, %swap3A_479], %swap3A_482 {strides = array<i32>} : memref<2x80xi32, #tpu.memory_space<vmem>>, vector<1x16xi32>,
      %get3A_483 = arith.constant 1 : i32
      %get3A_484 = arith.index_cast %get3A_483 : i32 to index
      %get3A_485 = arith.constant 48 : index
      %get3A_486 = tpu.vector_load %arg10[%get3A_484, %get3A_485] {strides = array<i32>} : memref<2x80xi32, #tpu.memory_space<vmem>>, vector<1x16xi32>,
      %get3A_487 = vector.shape_cast %get3A_486 : vector<1x16xi32> to vector<16xi32>
      %swap3A_488 = arith.constant 1 : i32
      %swap3A_489 = arith.index_cast %swap3A_488 : i32 to index
      %swap3A_490 = arith.constant 48 : index
      %swap3A_491 = tpu.vector_load %arg13[%swap3A_489, %swap3A_490] {strides = array<i32>} : memref<2x80xi32, #tpu.memory_space<vmem>>, vector<1x16xi32>,
      %swap3A_492 = vector.shape_cast %swap3A_491 : vector<1x16xi32> to vector<16xi32>
      %swap3A_493 = vector.shape_cast %get3A_487 : vector<16xi32> to vector<1x16xi32>
      tpu.vector_store %arg13[%swap3A_489, %swap3A_490], %swap3A_493 {strides = array<i32>} : memref<2x80xi32, #tpu.memory_space<vmem>>, vector<1x16xi32>,
      %get3A_494 = arith.constant 1 : i32
      %get3A_495 = arith.index_cast %get3A_494 : i32 to index
      %get3A_496 = arith.constant 64 : index
      %get3A_497 = tpu.vector_load %arg10[%get3A_495, %get3A_496] {strides = array<i32>} : memref<2x80xi32, #tpu.memory_space<vmem>>, vector<1x16xi32>,
      %get3A_498 = vector.shape_cast %get3A_497 : vector<1x16xi32> to vector<16xi32>
      %swap3A_499 = arith.constant 1 : i32
      %swap3A_500 = arith.index_cast %swap3A_499 : i32 to index
      %swap3A_501 = arith.constant 64 : index
      %swap3A_502 = tpu.vector_load %arg13[%swap3A_500, %swap3A_501] {strides = array<i32>} : memref<2x80xi32, #tpu.memory_space<vmem>>, vector<1x16xi32>,
      %swap3A_503 = vector.shape_cast %swap3A_502 : vector<1x16xi32> to vector<16xi32>
      %swap3A_504 = vector.shape_cast %get3A_498 : vector<16xi32> to vector<1x16xi32>
      tpu.vector_store %arg13[%swap3A_500, %swap3A_501], %swap3A_504 {strides = array<i32>} : memref<2x80xi32, #tpu.memory_space<vmem>>, vector<1x16xi32>,
      %dma_start3A_505 = arith.constant 1 : i32
      %dma_start3A_506 = arith.constant 1 : i32
      %dma_start3A_507 = arith.constant 0 : i32
      %dma_start3A_508 = arith.constant 0 : i32
      %dma_start3A_509 = tpu.memref_slice %arg17[%dma_start3A_505, %dma_start3A_507, %dma_start3A_508] : memref<2x80x80xf32, #tpu.memory_space<vmem>> -> memref<1x80x80xf32, #tpu.memory_space<vmem>>
      %dma_start3A_510 = tpu.memref_squeeze %dma_start3A_509 : memref<1x80x80xf32, #tpu.memory_space<vmem>> -> memref<80x80xf32, #tpu.memory_space<vmem>>
      %dma_start3A_511 = arith.constant 0 : i32
      %dma_start3A_512 = tpu.memref_slice %arg13[%dma_start3A_506, %dma_start3A_511] : memref<2x80xi32, #tpu.memory_space<vmem>> -> memref<1x80xi32, #tpu.memory_space<vmem>>
      %dma_start3A_513 = tpu.memref_squeeze %dma_start3A_512 : memref<1x80xi32, #tpu.memory_space<vmem>> -> memref<80xi32, #tpu.memory_space<vmem>>
      %dma_start3A_514 = arith.constant 0 : i32
      %dma_start3A_515 = arith.constant 0 : i32
      %dma_start3A_516 = tpu.memref_slice %arg19[%dma_start3A_514, %dma_start3A_515] : memref<10000x80xf32, #tpu.memory_space<vmem_shared>> -> memref<10000x80xf32, #tpu.memory_space<vmem_shared>>
      tpu.enqueue_indirect_dma source(%dma_start3A_510 : memref<80x80xf32, #tpu.memory_space<vmem>>) target(%dma_start3A_516 : memref<10000x80xf32, #tpu.memory_space<vmem_shared>>) offsets(%dma_start3A_513 : memref<80xi32, #tpu.memory_space<vmem>>) semaphore(%arg30 : memref<!tpu.dma_semaphore, #tpu.memory_space<semaphore_mem>>) {add = true}
      %dma_start3A_517 = arith.constant 1 : i32
      %dma_start3A_518 = arith.constant 0 : i32
      %dma_start3A_519 = tpu.memref_slice %arg13[%dma_start3A_517, %dma_start3A_518] : memref<2x80xi32, #tpu.memory_space<vmem>> -> memref<1x80xi32, #tpu.memory_space<vmem>>
      %dma_start3A_520 = tpu.memref_squeeze %dma_start3A_519 : memref<1x80xi32, #tpu.memory_space<vmem>> -> memref<80xi32, #tpu.memory_space<vmem>>
      %dma_start3A_521 = arith.constant 0 : i32
      %dma_start3A_522 = arith.constant 0 : i32
      %dma_start3A_523 = tpu.memref_slice %arg20[%dma_start3A_521, %dma_start3A_522] : memref<10000x64xf32, #tpu.memory_space<vmem_shared>> -> memref<10000x64xf32, #tpu.memory_space<vmem_shared>>
      tpu.enqueue_indirect_dma source(%arg18 : memref<80x64xf32, #tpu.memory_space<vmem>>) target(%dma_start3A_523 : memref<10000x64xf32, #tpu.memory_space<vmem_shared>>) offsets(%dma_start3A_520 : memref<80xi32, #tpu.memory_space<vmem>>) semaphore(%arg31 : memref<!tpu.dma_semaphore, #tpu.memory_space<semaphore_mem>>) {add = true}
      %add3A_524 = arith.constant 2 : i32
      %add3A_525 = arith.addi %add3A_393, %add3A_524 : i32
      %lt3A_526 = arith.constant 250 : i32
      %lt3A_527 = arith.cmpi slt, %add3A_525, %lt3A_526 : i32
      %convert_element_type3A_528 = arith.extui %lt3A_527 : i1 to i32
      %cond3A_529 = arith.constant 0 : i32
      %cond3A_530 = arith.cmpi ne, %convert_element_type3A_528, %cond3A_529 : i32
      scf.if %cond3A_530 {
        %add3A_532 = arith.constant 2 : i32
        %add3A_533 = arith.addi %add3A_393, %add3A_532 : i32
        %mul3A_534 = arith.constant 20000 : i32
        %mul3A_535 = arith.muli %arg1, %mul3A_534 : i32
        %mul3A_536 = arith.constant 80 : i32
        %mul3A_537 = arith.muli %add3A_533, %mul3A_536 : i32
        %add3A_538 = arith.addi %mul3A_535, %mul3A_537 : i32
        %dma_start3A_539 = arith.constant 1 : i32
        %dma_start3A_540 = arith.constant 0 : i32
        %dma_start3A_541 = tpu.memref_slice %arg10[%dma_start3A_539, %dma_start3A_540] : memref<2x80xi32, #tpu.memory_space<vmem>> -> memref<1x80xi32, #tpu.memory_space<vmem>>
        %dma_start3A_542 = tpu.memref_squeeze %dma_start3A_541 : memref<1x80xi32, #tpu.memory_space<vmem>> -> memref<80xi32, #tpu.memory_space<vmem>>
        %dma_start3A_543 = tpu.memref_slice %arg5[%add3A_538] : memref<320000xi32, #tpu.memory_space<hbm>> -> memref<80xi32, #tpu.memory_space<hbm>>
        %dma_start3A_544 = arith.constant 0 : i32
        %dma_start3A_545 = tpu.memref_slice %arg10[%dma_start3A_539, %dma_start3A_544] : memref<2x80xi32, #tpu.memory_space<vmem>> -> memref<1x80xi32, #tpu.memory_space<vmem>>
        %dma_start3A_546 = tpu.memref_squeeze %dma_start3A_545 : memref<1x80xi32, #tpu.memory_space<vmem>> -> memref<80xi32, #tpu.memory_space<vmem>>
        %dma_start3A_547 = tpu.memref_slice %arg5[%add3A_538] : memref<320000xi32, #tpu.memory_space<hbm>> -> memref<80xi32, #tpu.memory_space<hbm>>
        tpu.enqueue_dma source(%dma_start3A_547 : memref<80xi32, #tpu.memory_space<hbm>>) target(%dma_start3A_546 : memref<80xi32, #tpu.memory_space<vmem>>) target_semaphore(%arg28 : memref<!tpu.dma_semaphore, #tpu.memory_space<semaphore_mem>>)
        %dma_start3A_548 = arith.constant 1 : i32
        %dma_start3A_549 = arith.constant 0 : i32
        %dma_start3A_550 = tpu.memref_slice %arg11[%dma_start3A_548, %dma_start3A_549] : memref<2x80xi32, #tpu.memory_space<vmem>> -> memref<1x80xi32, #tpu.memory_space<vmem>>
        %dma_start3A_551 = tpu.memref_squeeze %dma_start3A_550 : memref<1x80xi32, #tpu.memory_space<vmem>> -> memref<80xi32, #tpu.memory_space<vmem>>
        %dma_start3A_552 = tpu.memref_slice %arg6[%add3A_538] : memref<320000xi32, #tpu.memory_space<hbm>> -> memref<80xi32, #tpu.memory_space<hbm>>
        %dma_start3A_553 = arith.constant 0 : i32
        %dma_start3A_554 = tpu.memref_slice %arg11[%dma_start3A_548, %dma_start3A_553] : memref<2x80xi32, #tpu.memory_space<vmem>> -> memref<1x80xi32, #tpu.memory_space<vmem>>
        %dma_start3A_555 = tpu.memref_squeeze %dma_start3A_554 : memref<1x80xi32, #tpu.memory_space<vmem>> -> memref<80xi32, #tpu.memory_space<vmem>>
        %dma_start3A_556 = tpu.memref_slice %arg6[%add3A_538] : memref<320000xi32, #tpu.memory_space<hbm>> -> memref<80xi32, #tpu.memory_space<hbm>>
        tpu.enqueue_dma source(%dma_start3A_556 : memref<80xi32, #tpu.memory_space<hbm>>) target(%dma_start3A_555 : memref<80xi32, #tpu.memory_space<vmem>>) target_semaphore(%arg28 : memref<!tpu.dma_semaphore, #tpu.memory_space<semaphore_mem>>)
        %dma_start3A_557 = arith.constant 1 : i32
        %dma_start3A_558 = arith.constant 0 : i32
        %dma_start3A_559 = tpu.memref_slice %arg12[%dma_start3A_557, %dma_start3A_558] : memref<2x80xi32, #tpu.memory_space<vmem>> -> memref<1x80xi32, #tpu.memory_space<vmem>>
        %dma_start3A_560 = tpu.memref_squeeze %dma_start3A_559 : memref<1x80xi32, #tpu.memory_space<vmem>> -> memref<80xi32, #tpu.memory_space<vmem>>
        %dma_start3A_561 = tpu.memref_slice %arg7[%add3A_538] : memref<320000xi32, #tpu.memory_space<hbm>> -> memref<80xi32, #tpu.memory_space<hbm>>
        %dma_start3A_562 = arith.constant 0 : i32
        %dma_start3A_563 = tpu.memref_slice %arg12[%dma_start3A_557, %dma_start3A_562] : memref<2x80xi32, #tpu.memory_space<vmem>> -> memref<1x80xi32, #tpu.memory_space<vmem>>
        %dma_start3A_564 = tpu.memref_squeeze %dma_start3A_563 : memref<1x80xi32, #tpu.memory_space<vmem>> -> memref<80xi32, #tpu.memory_space<vmem>>
        %dma_start3A_565 = tpu.memref_slice %arg7[%add3A_538] : memref<320000xi32, #tpu.memory_space<hbm>> -> memref<80xi32, #tpu.memory_space<hbm>>
        tpu.enqueue_dma source(%dma_start3A_565 : memref<80xi32, #tpu.memory_space<hbm>>) target(%dma_start3A_564 : memref<80xi32, #tpu.memory_space<vmem>>) target_semaphore(%arg28 : memref<!tpu.dma_semaphore, #tpu.memory_space<semaphore_mem>>)
      } else {
      }
      %scan3A_531 = arith.constant 0 : i32
      scf.yield %scan3A_531 : i32
    }
    %scan3A_209 = arith.constant 125 : i32
    %dma_wait3A_210 = arith.constant 0 : i32
    %dma_wait3A_211 = arith.constant 0 : i32
    %dma_wait3A_212 = arith.constant 0 : i32
    %dma_wait3A_213 = arith.constant 0 : i32
    %dma_wait3A_214 = tpu.memref_slice %arg17[%dma_wait3A_210, %dma_wait3A_212, %dma_wait3A_213] : memref<2x80x80xf32, #tpu.memory_space<vmem>> -> memref<1x80x80xf32, #tpu.memory_space<vmem>>
    %dma_wait3A_215 = tpu.memref_squeeze %dma_wait3A_214 : memref<1x80x80xf32, #tpu.memory_space<vmem>> -> memref<80x80xf32, #tpu.memory_space<vmem>>
    %dma_wait3A_216 = arith.constant 0 : i32
    %dma_wait3A_217 = tpu.memref_slice %arg13[%dma_wait3A_211, %dma_wait3A_216] : memref<2x80xi32, #tpu.memory_space<vmem>> -> memref<1x80xi32, #tpu.memory_space<vmem>>
    %dma_wait3A_218 = tpu.memref_squeeze %dma_wait3A_217 : memref<1x80xi32, #tpu.memory_space<vmem>> -> memref<80xi32, #tpu.memory_space<vmem>>
    %dma_wait3A_219 = arith.constant 0 : i32
    %dma_wait3A_220 = arith.constant 0 : i32
    %dma_wait3A_221 = tpu.memref_slice %arg19[%dma_wait3A_219, %dma_wait3A_220] : memref<10000x80xf32, #tpu.memory_space<vmem_shared>> -> memref<10000x80xf32, #tpu.memory_space<vmem_shared>>
    tpu.wait_indirect_dma semaphore(%arg29 : memref<!tpu.dma_semaphore, #tpu.memory_space<semaphore_mem>>) src(%dma_wait3A_215 : memref<80x80xf32, #tpu.memory_space<vmem>>) dst(%dma_wait3A_221 : memref<10000x80xf32, #tpu.memory_space<vmem_shared>>)
    %dma_wait3A_222 = arith.constant 1 : i32
    %dma_wait3A_223 = arith.constant 1 : i32
    %dma_wait3A_224 = arith.constant 0 : i32
    %dma_wait3A_225 = arith.constant 0 : i32
    %dma_wait3A_226 = tpu.memref_slice %arg17[%dma_wait3A_222, %dma_wait3A_224, %dma_wait3A_225] : memref<2x80x80xf32, #tpu.memory_space<vmem>> -> memref<1x80x80xf32, #tpu.memory_space<vmem>>
    %dma_wait3A_227 = tpu.memref_squeeze %dma_wait3A_226 : memref<1x80x80xf32, #tpu.memory_space<vmem>> -> memref<80x80xf32, #tpu.memory_space<vmem>>
    %dma_wait3A_228 = arith.constant 0 : i32
    %dma_wait3A_229 = tpu.memref_slice %arg13[%dma_wait3A_223, %dma_wait3A_228] : memref<2x80xi32, #tpu.memory_space<vmem>> -> memref<1x80xi32, #tpu.memory_space<vmem>>
    %dma_wait3A_230 = tpu.memref_squeeze %dma_wait3A_229 : memref<1x80xi32, #tpu.memory_space<vmem>> -> memref<80xi32, #tpu.memory_space<vmem>>
    %dma_wait3A_231 = arith.constant 0 : i32
    %dma_wait3A_232 = arith.constant 0 : i32
    %dma_wait3A_233 = tpu.memref_slice %arg19[%dma_wait3A_231, %dma_wait3A_232] : memref<10000x80xf32, #tpu.memory_space<vmem_shared>> -> memref<10000x80xf32, #tpu.memory_space<vmem_shared>>
    tpu.wait_indirect_dma semaphore(%arg30 : memref<!tpu.dma_semaphore, #tpu.memory_space<semaphore_mem>>) src(%dma_wait3A_227 : memref<80x80xf32, #tpu.memory_space<vmem>>) dst(%dma_wait3A_233 : memref<10000x80xf32, #tpu.memory_space<vmem_shared>>)
    %dma_wait3A_234 = arith.constant 1 : i32
    %dma_wait3A_235 = arith.constant 0 : i32
    %dma_wait3A_236 = tpu.memref_slice %arg13[%dma_wait3A_234, %dma_wait3A_235] : memref<2x80xi32, #tpu.memory_space<vmem>> -> memref<1x80xi32, #tpu.memory_space<vmem>>
    %dma_wait3A_237 = tpu.memref_squeeze %dma_wait3A_236 : memref<1x80xi32, #tpu.memory_space<vmem>> -> memref<80xi32, #tpu.memory_space<vmem>>
    %dma_wait3A_238 = arith.constant 0 : i32
    %dma_wait3A_239 = arith.constant 0 : i32
    %dma_wait3A_240 = tpu.memref_slice %arg20[%dma_wait3A_238, %dma_wait3A_239] : memref<10000x64xf32, #tpu.memory_space<vmem_shared>> -> memref<10000x64xf32, #tpu.memory_space<vmem_shared>>
    tpu.wait_indirect_dma semaphore(%arg31 : memref<!tpu.dma_semaphore, #tpu.memory_space<semaphore_mem>>) src(%arg18 : memref<80x64xf32, #tpu.memory_space<vmem>>) dst(%dma_wait3A_240 : memref<10000x64xf32, #tpu.memory_space<vmem_shared>>)
    %barrier3A_241 = arith.constant 0 : index
    tpu.barrier barrier_id(%barrier3A_241)
    %lt3A_242 = arith.constant 10 : i32
    %lt3A_243 = arith.cmpi slt, %arg1, %lt3A_242 : i32
    %convert_element_type3A_244 = arith.extui %lt3A_243 : i1 to i32
    %cond3A_245 = arith.constant 0 : i32
    %cond3A_246 = arith.cmpi ne, %convert_element_type3A_244, %cond3A_245 : i32
    scf.if %cond3A_246 {
      %mul3A_252 = arith.constant 1000 : i32
      %mul3A_253 = arith.muli %arg1, %mul3A_252 : i32
      %mul3A_254 = arith.constant 10000 : i32
      %mul3A_255 = arith.muli %arg0, %mul3A_254 : i32
      %add3A_256 = arith.addi %mul3A_255, %mul3A_253 : i32
      "tpu.region"() ({
        %run_scoped3A = tpu.sem_alloc : memref<!tpu.dma_semaphore, #tpu.memory_space<semaphore_mem>>
        %dma_start3A_257 = arith.constant 0 : i32
        %dma_start3A_258 = tpu.memref_slice %arg8[%add3A_256, %dma_start3A_257] : memref<20000x80xf32, #tpu.memory_space<hbm>> -> memref<1000x80xf32, #tpu.memory_space<hbm>>
        %dma_start3A_259 = arith.constant 0 : i32
        %dma_start3A_260 = tpu.memref_slice %arg19[%mul3A_253, %dma_start3A_259] : memref<10000x80xf32, #tpu.memory_space<vmem_shared>> -> memref<1000x80xf32, #tpu.memory_space<vmem_shared>>
        tpu.enqueue_dma source(%dma_start3A_260 : memref<1000x80xf32, #tpu.memory_space<vmem_shared>>) target(%dma_start3A_258 : memref<1000x80xf32, #tpu.memory_space<hbm>>) target_semaphore(%run_scoped3A : memref<!tpu.dma_semaphore, #tpu.memory_space<semaphore_mem>>)
        %dma_wait3A_261 = arith.constant 0 : i32
        %dma_wait3A_262 = tpu.memref_slice %arg8[%add3A_256, %dma_wait3A_261] : memref<20000x80xf32, #tpu.memory_space<hbm>> -> memref<1000x80xf32, #tpu.memory_space<hbm>>
        %dma_wait3A_263 = arith.constant 0 : i32
        %dma_wait3A_264 = tpu.memref_slice %arg19[%mul3A_253, %dma_wait3A_263] : memref<10000x80xf32, #tpu.memory_space<vmem_shared>> -> memref<1000x80xf32, #tpu.memory_space<vmem_shared>>
        tpu.wait_dma2 semaphore(%run_scoped3A : memref<!tpu.dma_semaphore, #tpu.memory_space<semaphore_mem>>) src(%dma_wait3A_264 : memref<1000x80xf32, #tpu.memory_space<vmem_shared>>) dst(%dma_wait3A_262 : memref<1000x80xf32, #tpu.memory_space<hbm>>)
        tpu.yield
      }) : () -> ()
    } else {
    }
    %ge3A_247 = arith.constant 6 : i32
    %ge3A_248 = arith.cmpi sge, %arg1, %ge3A_247 : i32
    %convert_element_type3A_249 = arith.extui %ge3A_248 : i1 to i32
    %cond3A_250 = arith.constant 0 : i32
    %cond3A_251 = arith.cmpi ne, %convert_element_type3A_249, %cond3A_250 : i32
    scf.if %cond3A_251 {
      %sub3A = arith.constant 6 : i32
      %sub3A_252 = arith.subi %arg1, %sub3A : i32
      %mul3A_253 = arith.constant 1000 : i32
      %mul3A_254 = arith.muli %sub3A_252, %mul3A_253 : i32
      %mul3A_255 = arith.constant 10000 : i32
      %mul3A_256 = arith.muli %arg0, %mul3A_255 : i32
      %add3A_257 = arith.addi %mul3A_256, %mul3A_254 : i32
      "tpu.region"() ({
        %run_scoped3A = tpu.sem_alloc : memref<!tpu.dma_semaphore, #tpu.memory_space<semaphore_mem>>
        %dma_start3A_258 = arith.constant 0 : i32
        %dma_start3A_259 = tpu.memref_slice %arg9[%add3A_257, %dma_start3A_258] : memref<20000x64xf32, #tpu.memory_space<hbm>> -> memref<1000x64xf32, #tpu.memory_space<hbm>>
        %dma_start3A_260 = arith.constant 0 : i32
        %dma_start3A_261 = tpu.memref_slice %arg20[%mul3A_254, %dma_start3A_260] : memref<10000x64xf32, #tpu.memory_space<vmem_shared>> -> memref<1000x64xf32, #tpu.memory_space<vmem_shared>>
        tpu.enqueue_dma source(%dma_start3A_261 : memref<1000x64xf32, #tpu.memory_space<vmem_shared>>) target(%dma_start3A_259 : memref<1000x64xf32, #tpu.memory_space<hbm>>) target_semaphore(%run_scoped3A : memref<!tpu.dma_semaphore, #tpu.memory_space<semaphore_mem>>)
        %dma_wait3A_262 = arith.constant 0 : i32
        %dma_wait3A_263 = tpu.memref_slice %arg9[%add3A_257, %dma_wait3A_262] : memref<20000x64xf32, #tpu.memory_space<hbm>> -> memref<1000x64xf32, #tpu.memory_space<hbm>>
        %dma_wait3A_264 = arith.constant 0 : i32
        %dma_wait3A_265 = tpu.memref_slice %arg20[%mul3A_254, %dma_wait3A_264] : memref<10000x64xf32, #tpu.memory_space<vmem_shared>> -> memref<1000x64xf32, #tpu.memory_space<vmem_shared>>
        tpu.wait_dma2 semaphore(%run_scoped3A : memref<!tpu.dma_semaphore, #tpu.memory_space<semaphore_mem>>) src(%dma_wait3A_265 : memref<1000x64xf32, #tpu.memory_space<vmem_shared>>) dst(%dma_wait3A_263 : memref<1000x64xf32, #tpu.memory_space<hbm>>)
        tpu.yield
      }) : () -> ()
    } else {
    }
    return
  }
}

module attributes {stable_mosaic.version = 14 : i64} {
  func.func @_prep_body(%arg0: i32, %arg1: memref<1000x128xf32, #tpu.memory_space<vmem>>, %arg2: memref<1x128xf32, #tpu.memory_space<vmem>>, %arg3: memref<128x16xf32, #tpu.memory_space<vmem>>, %arg4: memref<128x16xf32, #tpu.memory_space<vmem>>, %arg5: memref<128x16xf32, #tpu.memory_space<vmem>>, %arg6: memref<2x1000x80xf32, #tpu.memory_space<vmem>>, %arg7: memref<1000x16xf32, #tpu.memory_space<vmem>>, %arg8: memref<1000x16xf32, #tpu.memory_space<vmem>>) attributes {dimension_semantics = [#tpu.dimension_semantics<arbitrary>], iteration_bounds = array<i64: 10>, scalar_prefetch = 0 : i64, scratch_operands = 0 : i64, tpu.core_type = #tpu.core_type<tc>, window_params = [{transform_indices = @transform_0, window_bounds = array<i64: 1000, 128>}, {pipeline_mode = #tpu.pipeline_mode<synchronous>, transform_indices = @transform_1, window_bounds = array<i64: 1, 128>}, {pipeline_mode = #tpu.pipeline_mode<synchronous>, transform_indices = @transform_2, window_bounds = array<i64: 128, 16>}, {pipeline_mode = #tpu.pipeline_mode<synchronous>, transform_indices = @transform_3, window_bounds = array<i64: 128, 16>}, {pipeline_mode = #tpu.pipeline_mode<synchronous>, transform_indices = @transform_4, window_bounds = array<i64: 128, 16>}, {transform_indices = @transform_5, window_bounds = array<i64: 2, 1000, 80>}, {transform_indices = @transform_6, window_bounds = array<i64: 1000, 16>}, {transform_indices = @transform_7, window_bounds = array<i64: 1000, 16>}]} {
    %get3A = arith.constant 0 : index
    %get3A_0 = arith.constant 0 : index
    %get3A_1 = vector.load %arg1[%get3A, %get3A_0] : memref<1000x128xf32, #tpu.memory_space<vmem>>, vector<1000x128xf32>
    %get3A_2 = arith.constant 0 : index
    %get3A_3 = arith.constant 0 : index
    %get3A_4 = vector.load %arg2[%get3A_2, %get3A_3] : memref<1x128xf32, #tpu.memory_space<vmem>>, vector<1x128xf32>
    %mul3A = vector.broadcast %get3A_4 : vector<1x128xf32> to vector<1000x128xf32>
    %mul3A_5 = arith.mulf %get3A_1, %mul3A : vector<1000x128xf32>
    %get3A_6 = arith.constant 0 : index
    %get3A_7 = arith.constant 0 : index
    %get3A_8 = vector.load %arg3[%get3A_6, %get3A_7] : memref<128x16xf32, #tpu.memory_space<vmem>>, vector<128x16xf32>
    %dot_general3A = arith.constant dense<0.000000e+00> : vector<1000x16xf32>
    %dot_general3A_9 = tpu.matmul %mul3A_5, %get3A_8, %dot_general3A {dimension_numbers = #tpu.dot_dimension_numbers<[1], [0], [0], [1], [0, 0, 1, 1], [], []>, transpose_lhs_hint = false} : vector<1000x128xf32>, vector<128x16xf32>, vector<1000x16xf32> -> vector<1000x16xf32>
    %get3A_10 = arith.constant 0 : index
    %get3A_11 = arith.constant 0 : index
    %get3A_12 = vector.load %arg4[%get3A_10, %get3A_11] : memref<128x16xf32, #tpu.memory_space<vmem>>, vector<128x16xf32>
    %dot_general3A_13 = arith.constant dense<0.000000e+00> : vector<1000x16xf32>
    %dot_general3A_14 = tpu.matmul %mul3A_5, %get3A_12, %dot_general3A_13 {dimension_numbers = #tpu.dot_dimension_numbers<[1], [0], [0], [1], [0, 0, 1, 1], [], []>, transpose_lhs_hint = false} : vector<1000x128xf32>, vector<128x16xf32>, vector<1000x16xf32> -> vector<1000x16xf32>
    %get3A_15 = arith.constant 0 : index
    %get3A_16 = arith.constant 0 : index
    %get3A_17 = vector.load %arg5[%get3A_15, %get3A_16] : memref<128x16xf32, #tpu.memory_space<vmem>>, vector<128x16xf32>
    %dot_general3A_18 = arith.constant dense<0.000000e+00> : vector<1000x16xf32>
    %dot_general3A_19 = tpu.matmul %mul3A_5, %get3A_17, %dot_general3A_18 {dimension_numbers = #tpu.dot_dimension_numbers<[1], [0], [0], [1], [0, 0, 1, 1], [], []>, transpose_lhs_hint = false} : vector<1000x128xf32>, vector<128x16xf32>, vector<1000x16xf32> -> vector<1000x16xf32>
    %slice3A = vector.extract_strided_slice %mul3A_5 {offsets = [0, 0], sizes = [1000, 64], strides = [1, 1]} : vector<1000x128xf32> to vector<1000x64xf32>
    %concatenate3A = tpu.concatenate %slice3A, %dot_general3A_14 in 1 : vector<1000x64xf32>, vector<1000x16xf32> -> vector<1000x80xf32>
    %swap3A = arith.constant 0 : index
    %swap3A_20 = arith.constant 0 : index
    %swap3A_21 = arith.constant 0 : index
    %swap3A_22 = vector.load %arg6[%swap3A, %swap3A_20, %swap3A_21] : memref<2x1000x80xf32, #tpu.memory_space<vmem>>, vector<1x1000x80xf32>
    %swap3A_23 = vector.shape_cast %swap3A_22 : vector<1x1000x80xf32> to vector<1000x80xf32>
    %swap3A_24 = vector.shape_cast %concatenate3A : vector<1000x80xf32> to vector<1x1000x80xf32>
    tpu.vector_store %arg6[%swap3A, %swap3A_20, %swap3A_21], %swap3A_24 {strides = array<i32>} : memref<2x1000x80xf32, #tpu.memory_space<vmem>>, vector<1x1000x80xf32>,
    %slice3A_25 = vector.extract_strided_slice %mul3A_5 {offsets = [0, 64], sizes = [1000, 64], strides = [1, 1]} : vector<1000x128xf32> to vector<1000x64xf32>
    %concatenate3A_26 = tpu.concatenate %slice3A_25, %dot_general3A_14 in 1 : vector<1000x64xf32>, vector<1000x16xf32> -> vector<1000x80xf32>
    %swap3A_27 = arith.constant 1 : index
    %swap3A_28 = arith.constant 0 : index
    %swap3A_29 = arith.constant 0 : index
    %swap3A_30 = vector.load %arg6[%swap3A_27, %swap3A_28, %swap3A_29] : memref<2x1000x80xf32, #tpu.memory_space<vmem>>, vector<1x1000x80xf32>
    %swap3A_31 = vector.shape_cast %swap3A_30 : vector<1x1000x80xf32> to vector<1000x80xf32>
    %swap3A_32 = vector.shape_cast %concatenate3A_26 : vector<1000x80xf32> to vector<1x1000x80xf32>
    tpu.vector_store %arg6[%swap3A_27, %swap3A_28, %swap3A_29], %swap3A_32 {strides = array<i32>} : memref<2x1000x80xf32, #tpu.memory_space<vmem>>, vector<1x1000x80xf32>,
    %swap3A_33 = arith.constant 0 : index
    %swap3A_34 = arith.constant 0 : index
    %swap3A_35 = vector.load %arg7[%swap3A_33, %swap3A_34] : memref<1000x16xf32, #tpu.memory_space<vmem>>, vector<1000x16xf32>
    tpu.vector_store %arg7[%swap3A_33, %swap3A_34], %dot_general3A_9 {strides = array<i32>} : memref<1000x16xf32, #tpu.memory_space<vmem>>, vector<1000x16xf32>,
    %swap3A_36 = arith.constant 0 : index
    %swap3A_37 = arith.constant 0 : index
    %swap3A_38 = vector.load %arg8[%swap3A_36, %swap3A_37] : memref<1000x16xf32, #tpu.memory_space<vmem>>, vector<1000x16xf32>
    tpu.vector_store %arg8[%swap3A_36, %swap3A_37], %dot_general3A_19 {strides = array<i32>} : memref<1000x16xf32, #tpu.memory_space<vmem>>, vector<1000x16xf32>,
    return
  }
  func.func @transform_0(%arg0: i32) -> (i32, i32) {
    %c0_i32 = arith.constant 0 : i32
    %c0_i32_0 = arith.constant 0 : i32
    return %arg0, %c0_i32 : i32, i32
  }
  func.func @transform_1(%arg0: i32) -> (i32, i32) {
    %c0_i32 = arith.constant 0 : i32
    %c0_i32_0 = arith.constant 0 : i32
    %c0_i32_1 = arith.constant 0 : i32
    return %c0_i32, %c0_i32_0 : i32, i32
  }
  func.func @transform_2(%arg0: i32) -> (i32, i32) {
    %c0_i32 = arith.constant 0 : i32
    %c0_i32_0 = arith.constant 0 : i32
    %c0_i32_1 = arith.constant 0 : i32
    return %c0_i32, %c0_i32_0 : i32, i32
  }
  func.func @transform_3(%arg0: i32) -> (i32, i32) {
    %c0_i32 = arith.constant 0 : i32
    %c0_i32_0 = arith.constant 0 : i32
    %c0_i32_1 = arith.constant 0 : i32
    return %c0_i32, %c0_i32_0 : i32, i32
  }
  func.func @transform_4(%arg0: i32) -> (i32, i32) {
    %c0_i32 = arith.constant 0 : i32
    %c0_i32_0 = arith.constant 0 : i32
    %c0_i32_1 = arith.constant 0 : i32
    return %c0_i32, %c0_i32_0 : i32, i32
  }
  func.func @transform_5(%arg0: i32) -> (i32, i32, i32) {
    %c0_i32 = arith.constant 0 : i32
    %c0_i32_0 = arith.constant 0 : i32
    %c0_i32_1 = arith.constant 0 : i32
    return %c0_i32, %arg0, %c0_i32_0 : i32, i32, i32
  }
  func.func @transform_6(%arg0: i32) -> (i32, i32) {
    %c0_i32 = arith.constant 0 : i32
    %c0_i32_0 = arith.constant 0 : i32
    return %arg0, %c0_i32 : i32, i32
  }
  func.func @transform_7(%arg0: i32) -> (i32, i32) {
    %c0_i32 = arith.constant 0 : i32
    %c0_i32_0 = arith.constant 0 : i32
    return %arg0, %c0_i32 : i32, i32
  }
}

module attributes {stable_mosaic.version = 14 : i64} {
  func.func @_fin_body(%arg0: i32, %arg1: memref<1000x80xf32, #tpu.memory_space<vmem>>, %arg2: memref<1000x80xf32, #tpu.memory_space<vmem>>, %arg3: memref<1000x64xf32, #tpu.memory_space<vmem>>, %arg4: memref<1000x64xf32, #tpu.memory_space<vmem>>, %arg5: memref<2x1000x128xf32, #tpu.memory_space<vmem>>) attributes {dimension_semantics = [#tpu.dimension_semantics<arbitrary>], iteration_bounds = array<i64: 10>, scalar_prefetch = 0 : i64, scratch_operands = 0 : i64, tpu.core_type = #tpu.core_type<tc>, window_params = [{transform_indices = @transform_0, window_bounds = array<i64: 1000, 80>}, {transform_indices = @transform_1, window_bounds = array<i64: 1000, 80>}, {transform_indices = @transform_2, window_bounds = array<i64: 1000, 64>}, {transform_indices = @transform_3, window_bounds = array<i64: 1000, 64>}, {transform_indices = @transform_4, window_bounds = array<i64: 2, 1000, 128>}]} {
    %get3A = arith.constant 0 : index
    %get3A_0 = arith.constant 0 : index
    %get3A_1 = vector.load %arg1[%get3A, %get3A_0] : memref<1000x80xf32, #tpu.memory_space<vmem>>, vector<1000x80xf32>
    %get3A_2 = arith.constant 0 : index
    %get3A_3 = arith.constant 0 : index
    %get3A_4 = vector.load %arg2[%get3A_2, %get3A_3] : memref<1000x80xf32, #tpu.memory_space<vmem>>, vector<1000x80xf32>
    %slice3A = vector.extract_strided_slice %get3A_1 {offsets = [0, 0], sizes = [1000, 64], strides = [1, 1]} : vector<1000x80xf32> to vector<1000x64xf32>
    %slice3A_5 = vector.extract_strided_slice %get3A_4 {offsets = [0, 0], sizes = [1000, 64], strides = [1, 1]} : vector<1000x80xf32> to vector<1000x64xf32>
    %concatenate3A = tpu.concatenate %slice3A, %slice3A_5 in 1 : vector<1000x64xf32>, vector<1000x64xf32> -> vector<1000x128xf32>
    %slice3A_6 = vector.extract_strided_slice %get3A_1 {offsets = [0, 64], sizes = [1000, 1], strides = [1, 1]} : vector<1000x80xf32> to vector<1000x1xf32>
    %div3A = vector.broadcast %slice3A_6 : vector<1000x1xf32> to vector<1000x128xf32>
    %div3A_7 = arith.divf %concatenate3A, %div3A : vector<1000x128xf32>
    %swap3A = arith.constant 0 : index
    %swap3A_8 = arith.constant 0 : index
    %swap3A_9 = arith.constant 0 : index
    %swap3A_10 = vector.load %arg5[%swap3A, %swap3A_8, %swap3A_9] : memref<2x1000x128xf32, #tpu.memory_space<vmem>>, vector<1x1000x128xf32>
    %swap3A_11 = vector.shape_cast %swap3A_10 : vector<1x1000x128xf32> to vector<1000x128xf32>
    %swap3A_12 = vector.shape_cast %div3A_7 : vector<1000x128xf32> to vector<1x1000x128xf32>
    tpu.vector_store %arg5[%swap3A, %swap3A_8, %swap3A_9], %swap3A_12 {strides = array<i32>} : memref<2x1000x128xf32, #tpu.memory_space<vmem>>, vector<1x1000x128xf32>,
    %get3A_13 = arith.constant 0 : index
    %get3A_14 = arith.constant 0 : index
    %get3A_15 = vector.load %arg3[%get3A_13, %get3A_14] : memref<1000x64xf32, #tpu.memory_space<vmem>>, vector<1000x64xf32>
    %get3A_16 = arith.constant 0 : index
    %get3A_17 = arith.constant 0 : index
    %get3A_18 = vector.load %arg4[%get3A_16, %get3A_17] : memref<1000x64xf32, #tpu.memory_space<vmem>>, vector<1000x64xf32>
    %concatenate3A_19 = tpu.concatenate %get3A_15, %get3A_18 in 1 : vector<1000x64xf32>, vector<1000x64xf32> -> vector<1000x128xf32>
    %slice3A_20 = vector.extract_strided_slice %get3A_1 {offsets = [0, 65], sizes = [1000, 1], strides = [1, 1]} : vector<1000x80xf32> to vector<1000x1xf32>
    %div3A_21 = vector.broadcast %slice3A_20 : vector<1000x1xf32> to vector<1000x128xf32>
    %div3A_22 = arith.divf %concatenate3A_19, %div3A_21 : vector<1000x128xf32>
    %swap3A_23 = arith.constant 1 : index
    %swap3A_24 = arith.constant 0 : index
    %swap3A_25 = arith.constant 0 : index
    %swap3A_26 = vector.load %arg5[%swap3A_23, %swap3A_24, %swap3A_25] : memref<2x1000x128xf32, #tpu.memory_space<vmem>>, vector<1x1000x128xf32>
    %swap3A_27 = vector.shape_cast %swap3A_26 : vector<1x1000x128xf32> to vector<1000x128xf32>
    %swap3A_28 = vector.shape_cast %div3A_22 : vector<1000x128xf32> to vector<1x1000x128xf32>
    tpu.vector_store %arg5[%swap3A_23, %swap3A_24, %swap3A_25], %swap3A_28 {strides = array<i32>} : memref<2x1000x128xf32, #tpu.memory_space<vmem>>, vector<1x1000x128xf32>,
    return
  }
  func.func @transform_0(%arg0: i32) -> (i32, i32) {
    %c0_i32 = arith.constant 0 : i32
    %c0_i32_0 = arith.constant 0 : i32
    return %arg0, %c0_i32 : i32, i32
  }
  func.func @transform_1(%arg0: i32) -> (i32, i32) {
    %add3A = arith.constant 10 : i32
    %add3A_0 = arith.addi %add3A, %arg0 : i32
    %c0_i32 = arith.constant 0 : i32
    %c0_i32_1 = arith.constant 0 : i32
    return %add3A_0, %c0_i32 : i32, i32
  }
  func.func @transform_2(%arg0: i32) -> (i32, i32) {
    %c0_i32 = arith.constant 0 : i32
    %c0_i32_0 = arith.constant 0 : i32
    return %arg0, %c0_i32 : i32, i32
  }
  func.func @transform_3(%arg0: i32) -> (i32, i32) {
    %add3A = arith.constant 10 : i32
    %add3A_0 = arith.addi %add3A, %arg0 : i32
    %c0_i32 = arith.constant 0 : i32
    %c0_i32_1 = arith.constant 0 : i32
    return %add3A_0, %c0_i32 : i32, i32
  }
  func.func @transform_4(%arg0: i32) -> (i32, i32, i32) {
    %c0_i32 = arith.constant 0 : i32
    %c0_i32_0 = arith.constant 0 : i32
    %c0_i32_1 = arith.constant 0 : i32
    return %c0_i32, %arg0, %c0_i32_0 : i32, i32, i32
  }
}

</mosaic_0001>

<sc_bundles>
// kernel: kernel.5.cloned.1.call-start
scs
__scs_entry_jumppad:
0x0: {  	(pc) =	sbr.rel $0x88, $3  }
0x1: {  	(tag) =	ssettag $0x0;
	lr =	simm.s32 $0x1  }
0x2: {  	[smem:$0x3F9C] =	sst lr;
	_ =	strace $0xD0000000  }
0x3: {  	_ = 	snop  }
0x4: {  	_ = 	snop  }
0x5: {  	_ = 	snop  }
0x6: {  	_ = 	snop  }
0x7: {  	_ = 	snop  }
__scs_overlays_trampoline_lowered:
0x8: {  	[smem:$0x3FAB] =	sst s0  }
0x9: {  	[smem:$0x3FAC] =	sst s1  }
0xa: {  	[smem:$0x3FAD] =	sst s2  }
0xb: {  	[smem:$0x3FAE] =	sst s3  }
0xc: {  	[smem:$0x3FAF] =	sst s4  }
0xd: {  	[smem:$0x3FB0] =	sst s5  }
0xe: {  	[smem:$0x3FB1] =	sst s6  }
0xf: {  	[smem:$0x3FB2] =	sst s7  }
0x10: {  	[smem:$0x3FB3] =	sst s8  }
0x11: {  	[smem:$0x3FB4] =	sst s9;
	s0 =	simm.s32 @!p0 $0x0  }
0x12: {  	s1 =	sld [smem:$0x3F9A];
	s0 =	simm.s32 @p0 $0x1  }
0x13: {  	[smem:$0x3FB5] =	sst s0;
	s0 =	simm.s32 @!p1 $0x0  }
0x14: {  	s2 =	sld [smem:$0x3F99];
	s0 =	simm.s32 @p1 $0x1  }
0x15: {  	[smem:$0x3FB6] =	sst s0;
	s0 =	simm.s32 @!p2 $0x0  }
0x16: {  	s3 =	sld [smem:$0x3FDB];
	s0 =	simm.s32 @p2 $0x1  }
0x17: {  	s4 =	simm.s32 $0x1BF5;
	[smem:$0x3FB8] =	sst s0  }
0x18: {  	s0 =	sld [smem:$0x3F9B];
	_ =	swait.ge [sflag:s4], $0x0  }
0x19: {  	s7 =	sld [smem:$0x3F9C]  }
0x1a: {  	s8 =	sadd.s32 $0xFFFFE003, lr  }
0x1b: {  	s9 =	sadd.s32 $0xFFFFFEF7, lr;
	s5 =	simm.s32 $0xFFFFFFFF;
	p2 =	slt.u32 s8, $0xFFFFF086  }
0x1c: {  	p1 =	slt.u32 s9, $0xF7A;
	s5 =	simm.s32 @!p2 $0x0  }
0x1d: {  	s5 =	simm.s32 @p1 $0x1;
	p0 =	seq.s32 s7, s2  }
0x1e: {  	s7 =	smul.u32 @!p0 $0xF7A, s2;
	p2 =	seq.s32 @!p0 s5, $0x0  }
0x1f: {  	s9 =	smul.u32 $0xF7A, s1;
	s8 =	simm.s32 @!p0 $0x1BF5;
	p2 =	por !p2, p0  }
0x20: {  	[sflag:s8] =	ssyncset.s32 @!p0 $0xFFFFF086;
	s6 =	sadd.s32 @!p0 s3, s7;
	s7 =	simm.s32 @!p0 $0x108  }
0x21: {  	s3 =	sadd.s32 s3, s9;
	s6 =	sadd.s32 @!p0 $0x88, s6;
	s7 =	simm.s32 @p2 $0x1082  }
0x22: {  	[simem:s7], [sflag:s8] =	dma.local @!p0 [hbm:s6], $0xF7A  }
0x23: {  	s9 =	sor.u32 $0xD0000000, s2;
	s6 =	simm.s32 $0x108;
	_ =	swait.ge @!p0 [sflag:s8], $0x0  }
0x24: {  	s3 =	sadd.s32 $0x88, s3;
	s6 =	simm.s32 @!p1 $0x1082;
	[sflag:s4] =	ssyncset.s32 $0xFFFFF086  }
0x25: {  	[simem:s6], [sflag:s4] =	dma.local [hbm:s3], $0xF7A  }
0x26: {  	[smem:$0x3F9C] =	sst s1;
	(tag) =	ssettag s2;
	_ =	strace s9  }
0x27: {  	s1 =	sld [smem:$0x3FAC]  }
0x28: {  	s2 =	sld [smem:$0x3FAD]  }
0x29: {  	s4 =	sld [smem:$0x3FAF]  }
0x2a: {  	p0 =	seq.s32 s5, $0x0;
	s5 =	sld [smem:$0x3FB0]  }
0x2b: {  	s6 =	sld [smem:$0x3FB1]  }
0x2c: {  	s7 =	sld [smem:$0x3FB2]  }
0x2d: {  	s3 =	simm.s32 $0x108;
	s8 =	sld [smem:$0x3FB3]  }
0x2e: {  	s3 =	simm.s32 @!p0 $0x1082;
	s9 =	sld [smem:$0x3FB4]  }
0x2f: {  	lr =	sadd.s32 s0, s3;
	s0 =	sld [smem:$0x3FAB]  }
0x30: {  	s3 =	sld [smem:$0x3FAE]  }
0x31: {  	[smem:$0x3FB7] =	sst s10  }
0x32: {  	s10 =	sld [smem:$0x3FB5];
	_ =	sdelay $0x3  }
0x33: {  	p0 =	seq.s32 s10, $0x1;
	s10 =	sld [smem:$0x3FB7];
	_ =	sdelay $0x3  }
0x34: {  	[smem:$0x3FB7] =	sst s10  }
0x35: {  	s10 =	sld [smem:$0x3FB6];
	_ =	sdelay $0x3  }
0x36: {  	p1 =	seq.s32 s10, $0x1;
	s10 =	sld [smem:$0x3FB7];
	_ =	sdelay $0x3  }
0x37: {  	[smem:$0x3FB7] =	sst s10  }
0x38: {  	s10 =	sld [smem:$0x3FB8]  }
0x39: {  	_ = 	snop;
	(pc) =	sbr.ind lr, $3  }
0x3a: {  	_ = 	snop  }
0x3b: {  	_ = 	snop  }
0x3c: {  	p2 =	seq.s32 s10, $0x1;
	s10 =	sld [smem:$0x3FB7]  }
0x3d: {  	_ =	shalt  }
0x3e: {  	_ =	shalt  }
0x3f: {  	_ =	shalt  }
0x40: {  	_ =	shalt  }
0x41: {  	_ =	shalt  }
0x42: {  	_ =	shalt  }
0x43: {  	_ =	shalt  }
0x44: {  	_ =	shalt  }
0x45: {  	_ =	shalt  }
0x46: {  	_ =	shalt  }
0x47: {  	_ =	shalt  }
0x48: {  	_ =	shalt  }
0x49: {  	_ =	shalt  }
0x4a: {  	_ =	shalt  }
0x4b: {  	_ =	shalt  }
0x4c: {  	_ =	shalt  }
0x4d: {  	_ =	shalt  }
0x4e: {  	_ =	shalt  }
0x4f: {  	_ =	shalt  }
0x50: {  	_ =	shalt  }
0x51: {  	_ =	shalt  }
0x52: {  	_ =	shalt  }
0x53: {  	_ =	shalt  }
0x54: {  	_ =	shalt  }
0x55: {  	_ =	shalt  }
0x56: {  	_ =	shalt  }
0x57: {  	_ =	shalt  }
0x58: {  	_ =	shalt  }
0x59: {  	_ =	shalt  }
0x5a: {  	_ =	shalt  }
0x5b: {  	_ =	shalt  }
0x5c: {  	_ =	shalt  }
0x5d: {  	_ =	shalt  }
0x5e: {  	_ =	shalt  }
0x5f: {  	_ =	shalt  }
0x60: {  	_ =	shalt  }
0x61: {  	_ =	shalt  }
0x62: {  	_ =	shalt  }
0x63: {  	_ =	shalt  }
0x64: {  	_ =	shalt  }
0x65: {  	_ =	shalt  }
0x66: {  	_ =	shalt  }
0x67: {  	_ =	shalt  }
0x68: {  	_ =	shalt  }
0x69: {  	_ =	shalt  }
0x6a: {  	_ =	shalt  }
0x6b: {  	_ =	shalt  }
0x6c: {  	_ =	shalt  }
0x6d: {  	_ =	shalt  }
0x6e: {  	_ =	shalt  }
0x6f: {  	_ =	shalt  }
0x70: {  	_ =	shalt  }
0x71: {  	_ =	shalt  }
0x72: {  	_ =	shalt  }
0x73: {  	_ =	shalt  }
0x74: {  	_ =	shalt  }
0x75: {  	_ =	shalt  }
0x76: {  	_ =	shalt  }
0x77: {  	_ =	shalt  }
0x78: {  	_ =	shalt  }
0x79: {  	_ =	shalt  }
0x7a: {  	_ =	shalt  }
0x7b: {  	_ =	shalt  }
0x7c: {  	_ =	shalt  }
0x7d: {  	_ =	shalt  }
0x7e: {  	_ =	shalt  }
0x7f: {  	_ =	shalt  }
0x80: {  	_ =	shalt  }
0x81: {  	_ =	shalt  }
0x82: {  	_ =	shalt  }
0x83: {  	_ =	shalt  }
0x84: {  	_ =	shalt  }
0x85: {  	_ =	shalt  }
0x86: {  	_ =	shalt  }
0x87: {  	_ =	shalt  }
.Lfunc_end0:
.L_simem_size_0:
called_computation_lowered:
.L_overlay_start_0:
0x88: {  	s2 =	sld [smem:$0x3FD9]  }
0x89: {  	s3 =	sld [smem:$0x3FFE];
	_ =	sdelay $0x1  }
0x8a: {  	s1 =	srdreg.scid  }
0x8b: {  	s0 =	sand.u32 $0x1, s1  }
0x8c: {  	s17 =	sshll.u32 s0, $0xA;
	s2 =	sadd.s32 s3, s2  }
0x8d: {  	s2 =	sadd.s32 s2, s17  }
0x8e: {  	[smem:$0x3FC3] =	sst s2  }
0x8f: {  	_ = 	snop  }
0x90: {  	s2 =	sld [smem:$0x3FD0];
	(tm) =	ssettm $0x1  }
0x91: {  	s18 =	sld [smem:$0x3FFB];
	_ =	sdelay $0x3  }
0x92: {  	_ =	strace s18  }
0x93: {  	s3 =	sld [smem:$0x3FFC];
	_ =	sdelay $0x3  }
0x94: {  	_ =	strace s3  }
0x95: {  	s3 =	sld [smem:$0x3FFD];
	_ =	sdelay $0x3  }
0x96: {  	_ =	strace s3  }
0x97: {  	_ =	strace $0x8FFFFFFF  }
0x98: {  	s19 =	sld [smem:$0x3FDB];
	_ =	sdelay $0x1  }
0x99: {  	s4 =	simm.s32 $_scs_section_size  }
0x9a: {  	s5 =	simm.s32 $_size__tile_overlayer_lowered;
	s6 =	simm.s32 $_tile_overlayer_lowered  }
0x9b: {  	s22 =	simm.s32 $0x1BFF;
	s21 =	sshll.u32 s6, $0x1;
	s3 =	sadd.s32 s4, s19  }
0x9c: {  	s7 =	simm.s32 $0x0;
	s20 =	sshll.u32 s5, $0x1;
	s5 =	sadd.s32 s21, s3  }
0x9d: {  	[timem:s7], [sflag:s22] =	dma.local [hbm:s5], s20  }
0x9e: {  	_ =	swait.ge [sflag:s22], s20  }
0x9f: {  	s4 =	ssub.s32 $0x0, s20;
	[sflag:s22] =	ssyncset.done $0x0  }
0xa0: {  	[sflag:s22] =	ssyncadd.s32 s4;
	_ =	sdelay $0x1  }
0xa1: {  	s23 =	simm.s32 $0x1B8B  }
0xa2: {  	_ =	swait.ge [sflag:s23], $0x1  }
0xa3: {  	[sflag:s23] =	ssyncset.done $0x0  }
0xa4: {  	s25 =	simm.s32 $0x1B8E;
	s24 =	sld [smem:$0x3FFE];
	[sflag:s23] =	ssyncadd.s32 $0xFFFFFFFF  }
0xa5: {  	s26 =	simm.s32 $execute0_lowered;
	[smem:$0x3FD2] =	sst s25  }
0xa6: {  	s5 =	sshll.u32 s26, $0x1;
	_ =	strace $0x80000046;
	[dreg:$0x1] =	wrdreg $0xFFFFFFFF  }
0xa7: {  	s28 =	simm.s32 $_size_execute0_lowered;
	s3 =	sadd.s32 s3, s5;
	[dreg:$0x0] =	wrdreg $0x0  }
0xa8: {  	s5 =	sshll.u32 s28, $0x1;
	[dreg:$0x2] =	wrdreg s3  }
0xa9: {  	[dreg:$0x3] =	wrdreg s5  }
0xaa: {  	[dreg:$0x4] =	wrdreg $0xC0  }
0xab: {  	_ =	task [dreg:s7], $0x5FFFF  }
0xac: {  	[dreg:$0x1] =	wrdreg $0xFFFFFFFF  }
0xad: {  	[dreg:$0x0] =	wrdreg $0x60  }
0xae: {  	[dreg:$0x2] =	wrdreg s24  }
0xaf: {  	[dreg:$0x3] =	wrdreg s2  }
0xb0: {  	[dreg:$0x4] =	wrdreg $0x8E800  }
0xb1: {  	[dreg:$0x5] =	wrdreg $0x151D00  }
0xb2: {  	[dreg:$0x6] =	wrdreg $0x9  }
0xb3: {  	_ =	task.clear_ibuf [dreg:s7], $0x7FFFF;
	_ =	strace $0x90000046  }
0xb4: {  	s29 =	simm.s32 $0x9;
	_ =	strace $0x80000048  }
0xb5: {  	_ =	swait.ge [sflag:s29], $0x1  }
0xb6: {  	[sflag:s29] =	ssyncadd.s32 $0xFFFFFFFF  }
0xb7: {  	_ =	strace $0x90000048  }
0xb8: {  	_ =	sfence  }
0xb9: {  	s30 =	sld [smem:$0x0];
	_ =	sdelay $0x2  }
0xba: {  	s31 =	sshll.u32 s1, $0xD;
	s1 =	sshrl.u32 s1, $0x2  }
0xbb: {  	s3 =	sand.u32 $0x4000, s31;
	s1 =	sadd.s32 s1, s30  }
0xbc: {  	s0 =	sor.u32 s3, s0;
	s1 =	sshll.u32 s1, $0x11  }
0xbd: {  	s0 =	sor.u32 s1, s0  }
0xbe: {  	s0 =	sadd.s32 $0x8F2B, s0  }
0xbf: {  	[sflag:s0] =	ssyncadd.remote.s32 $0x1  }
0xc0: {  	_ =	sfence.sel $0xFFFF  }
0xc1: {  	[dreg:$0x0] =	wrdreg $0xFFFFFFFF;
	(pc) =	sbr.abs _section_cstart, $3  }
0xc2: {  	[dreg:$0x1] =	wrdreg $0xFFFFFFFF  }
0xc3: {  	_ =	task.clear_ibuf [dreg:s7], $0x2FFFF;
	_ =	strace $0x9FFFFFFF  }
0xc4: {  	(tm) =	ssettm $0x7FFFFFFF  }
0xc5: {  	_ =	shalt  }
tec
execute0_lowered:
.L_overlay_start_1:
0x0: {  	(tag) =	ssettag $0x1  }
0x1: {  	s1 =	rddreg [dreg:$0x0];
	s16 =	stileid.u32  }
0x2: {  	s2 =	rddreg [dreg:$0x1];
	s12 =	smul.u32 $0x4E200, s16  }
0x3: {  	s15 =	rddreg [dreg:$0x2];
	s14 =	smul.u32 $0x3E800, s16  }
0x4: {  	s17 =	rddreg [dreg:$0x3];
	s3 =	simm.s32 $0x0  }
0x5: {  	s0 =	srdreg.scid;
	s12 =	sshrl.u32 s12, $0x2;
	s24 =	sshrl.u32 s14, $0x2  }
0x6: {  	[smem:$0x7FF] =	sst s3;
	s19 =	sadd.s32 s12, s15;
	s12 =	sadd.s32 s24, s17  }
0x7: {  	_ =	strace $0x80000047;
	s25 =	sadd.s32 $0xFFFA2E00, s12;
	[dreg:$0x5] =	wrdreg s19  }
0x8: {  	s22 =	sand.u32 $0x1, s0;
	s26 =	sadd.s32 $0xFFFA3800, s12;
	[dreg:$0x7] =	wrdreg s25  }
0x9: {  	s4 =	smul.u32 $0x3E8, s16;
	s28 =	sadd.s32 $0xFFFA4200, s12;
	[dreg:$0x8] =	wrdreg s26  }
0xa: {  	s5 =	sadd.s32 $0xE00, s1;
	s29 =	sadd.s32 $0xFFFA4C00, s12;
	[dreg:$0x9] =	wrdreg s28  }
0xb: {  	s6 =	sadd.s32 $0x36C00, s1;
	s30 =	sadd.s32 $0xFFFA5600, s12;
	[dreg:$0xa] =	wrdreg s29  }
0xc: {  	s7 =	sadd.s32 $0x31C00, s1;
	s31 =	sadd.s32 $0xFFFA6000, s12;
	[dreg:$0xb] =	wrdreg s30  }
0xd: {  	s8 =	sadd.s32 $0x45A00, s1;
	s14 =	sadd.s32 $0xFFFA7400, s12;
	[dreg:$0xc] =	wrdreg s31  }
0xe: {  	s9 =	sadd.s32 $0x3BC00, s1;
	s15 =	sadd.s32 $0xFFFA7E00, s12;
	[dreg:$0xf] =	wrdreg s14  }
0xf: {  	p0 =	sgt.u32 s16, $0x9;
	s18 =	sadd.s32 $0xFFFA8800, s12;
	[dreg:$0x10] =	wrdreg s15  }
0x10: {  	s0 =	smul.u32 $0x2710, s22;
	s20 =	sadd.s32 $0xFFFA9200, s12;
	[dreg:$0x11] =	wrdreg s18  }
0x11: {  	s3 =	ssub.s32 $0x2, s22;
	s21 =	sadd.s32 $0xFFFA9C00, s12;
	[dreg:$0x12] =	wrdreg s20  }
0x12: {  	s23 =	sshrl.u32 s3, $0x1;
	s22 =	sadd.s32 $0xFFFAA600, s12;
	[dreg:$0x13] =	wrdreg s21  }
0x13: {  	s3 =	ssub.s32 s3, s23;
	s23 =	sadd.s32 $0xFFFAB000, s12;
	[dreg:$0x14] =	wrdreg s22  }
0x14: {  	p1 =	slt.u32 @!p0 s16, $0x6;
	s24 =	sadd.s32 $0xFFFABA00, s12;
	[dreg:$0x15] =	wrdreg s23  }
0x15: {  	s11 =	sadd.s32 $0xFFFFE890, s4;
	[dreg:$0x16] =	wrdreg s24;
	s25 =	sadd.s32 $0xFFFAC400, s12  }
0x16: {  	s10 =	sadd.s32 s0, s11;
	s26 =	sadd.s32 $0xFFFACE00, s12;
	[dreg:$0x17] =	wrdreg s25  }
0x17: {  	s4 =	sadd.s32 s4, s0;
	s29 =	sadd.s32 $0xFFFAD800, s12;
	[dreg:$0x18] =	wrdreg s26  }
0x18: {  	s10 =	sshll.u32 s10, $0x3;
	s30 =	sadd.s32 $0xFFFAE200, s12;
	[dreg:$0x19] =	wrdreg s29  }
0x19: {  	s4 =	smul.u32 $0xA, s4;
	s31 =	sadd.s32 $0xFFFAEC00, s12;
	[dreg:$0x1a] =	wrdreg s30  }
0x1a: {  	s13 =	sand.u32 $0x1FFFFFC0, s10;
	s14 =	sadd.s32 $0xFFFB0000, s12;
	[dreg:$0x1b] =	wrdreg s31  }
0x1b: {  	s10 =	sadd.s32 $0x4F800, s1;
	s18 =	sadd.s32 $0xFFFB0A00, s12;
	[dreg:$0x1d] =	wrdreg s14  }
0x1c: {  	s28 =	smul.u32 $0x4E20, s16;
	s16 =	sadd.s32 $0x8980, s19;
	[dreg:$0x1e] =	wrdreg s18  }
0x1d: {  	s1 =	sadd.s32 s13, s1;
	s13 =	sadd.s32 $0xFFFA2400, s12;
	[smem:$0x7F0] =	sst s16  }
0x1e: {  	s2 =	sadd.s32 s2, s4;
	[dreg:$0x6] =	wrdreg s13  }
0x1f: {  	s29 =	smax.u32 s3, $0x1;
	[dreg:$0xd] =	wrdreg s2  }
0x20: {  	s30 =	sadd.s32 $0xC80, s19;
	[smem:$0x7E5] =	sst s29  }
0x21: {  	s31 =	sadd.s32 $0x1900, s19;
	[smem:$0x7E6] =	sst s30  }
0x22: {  	s3 =	sadd.s32 $0x3200, s19;
	[smem:$0x7E7] =	sst s31  }
0x23: {  	s26 =	sshll.u32 s11, $0x6;
	s11 =	sadd.s32 $0x4B00, s19;
	[smem:$0x7E9] =	sst s3  }
0x24: {  	s14 =	sadd.s32 $0x7080, s19;
	[smem:$0x7EB] =	sst s11  }
0x25: {  	s18 =	sadd.s32 $0xA280, s19;
	[smem:$0x7EE] =	sst s14  }
0x26: {  	s13 =	sadd.s32 $0xFFFA6A00, s12;
	[smem:$0x7F2] =	sst s18  }
0x27: {  	s25 =	sadd.s32 $0xA0, s28;
	[dreg:$0xe] =	wrdreg s13  }
0x28: {  	s2 =	sadd.s32 $0xF0, s28;
	[smem:$0x7E1] =	sst s25  }
0x29: {  	s15 =	sshrl.u32 s28, $0x3;
	s1 =	sadd.s32 $0x59600, s1;
	[smem:$0x7E2] =	sst s2  }
0x2a: {  	s28 =	sand.u32 $0x3FFFFE00, s26;
	s26 =	sadd.s32 $0xFA00, s19;
	[smem:$0x7E3] =	sst s1  }
0x2b: {  	s29 =	sadd.s32 $0x11300, s19;
	[smem:$0x7F9] =	sst s26  }
0x2c: {  	s30 =	sadd.s32 $0x11F80, s19;
	[smem:$0x7FB] =	sst s29  }
0x2d: {  	s31 =	sadd.s32 $0x12C00, s19;
	[smem:$0x7FC] =	sst s30  }
0x2e: {  	s13 =	sadd.s32 $0xFFFAF600, s12;
	[smem:$0x7FD] =	sst s31  }
0x2f: {  	s12 =	sadd.s32 $0xFFFB1400, s12;
	[dreg:$0x1c] =	wrdreg s13  }
0x30: {  	s20 =	sadd.s32 s8, s15;
	[dreg:$0x1f] =	wrdreg s12  }
0x31: {  	s21 =	sadd.s32 s9, s15;
	[smem:$0x7DB] =	sst s20  }
0x32: {  	s22 =	sadd.s32 s10, s15;
	[smem:$0x7DC] =	sst s21  }
0x33: {  	s1 =	sadd.s32 s28, s17;
	[smem:$0x7DD] =	sst s22  }
0x34: {  	s2 =	sadd.s32 $0x2580, s19;
	[smem:$0x7E4] =	sst s1  }
0x35: {  	s4 =	sadd.s32 $0xA, s15;
	s15 =	sadd.s32 $0x7D00, s19;
	[smem:$0x7E8] =	sst s2  }
0x36: {  	s17 =	sadd.s32 $0x9600, s19;
	[smem:$0x7EF] =	sst s15  }
0x37: {  	s25 =	sadd.s32 $0xED80, s19;
	[smem:$0x7F1] =	sst s17  }
0x38: {  	s28 =	sadd.s32 $0x10680, s19;
	[smem:$0x7F8] =	sst s25  }
0x39: {  	s23 =	sadd.s32 s8, s4;
	[smem:$0x7FA] =	sst s28  }
0x3a: {  	s24 =	sadd.s32 s9, s4;
	[smem:$0x7DE] =	sst s23  }
0x3b: {  	p1 =	por p0, !p1;
	s4 =	sadd.s32 s10, s4;
	[smem:$0x7DF] =	sst s24  }
0x3c: {  	s18 =	simm.s32 $0x50;
	s12 =	sadd.s32 $0x5780, s19;
	[smem:$0x7E0] =	sst s4  }
0x3d: {  	s11 =	simm.s32 $0xF0;
	s13 =	sadd.s32 $0x6400, s19;
	[smem:$0x7EC] =	sst s12  }
0x3e: {  	s14 =	simm.s32 $0x5;
	s20 =	sadd.s32 $0xAF00, s19;
	[smem:$0x7ED] =	sst s13  }
0x3f: {  	s21 =	sadd.s32 $0xBB80, s19;
	s22 =	sadd.s32 $0xC800, s19;
	[smem:$0x7F3] =	sst s20  }
.Ltmp0:
0x40: {  	s15 =	simm.s32 $0x6;
	[smem:$0x7F4] =	sst s21;
	(pc) =	sbr.rel .LBB2_1-.Ltmp0, $4  }
0x41: {  	s2 =	simm.s32 $0xB;
	s4 =	sadd.s32 $0x3E80, s19;
	[smem:$0x7F5] =	sst s22  }
0x42: {  	s23 =	sadd.s32 $0xD480, s19;
	s24 =	sadd.s32 $0xE100, s19;
	[smem:$0x7EA] =	sst s4  }
0x43: {  	s13 =	simm.s32 $0x7A80;
	s12 =	simm.s32 $0x190;
	[smem:$0x7F6] =	sst s23  }
0x44: {  	v1 =	vimm.f32 $0.0e+00;
	vm0 =	vmmov $0x3;
	v0 =	vmov s0;
	s22 =	simm.s32 $0x8;
	[smem:$0x7F7] =	sst s24;
	s4 =	simm.s32 $0x0  }
.LBB2_12:
0x45: {  	s0 =	simm.s32 $0x9  }
0x46: {  	_ =	swait.ge [sflag:s0], $0x1900  }
0x47: {  	[sflag:s0] =	ssyncset.done $0x0  }
0x48: {  	s29 =	simm.s32 $0xA;
	[sflag:s0] =	ssyncadd.s32 $0xFFFFE700  }
0x49: {  	_ =	swait.ge [sflag:s29], $0x1900  }
0x4a: {  	[sflag:s29] =	ssyncset.done $0x0  }
0x4b: {  	[sflag:s29] =	ssyncadd.s32 $0xFFFFE700  }
0x4c: {  	_ =	swait.ge [sflag:s2], $0x1400  }
0x4d: {  	[sflag:s2] =	ssyncset.done $0x0  }
0x4e: {  	[sflag:s2] =	ssyncadd.s32 $0xFFFFEC00  }
0x4f: {  	s4 =	stileid.u32;
	[bflag:$0x0] =	sbarrier.arrive $0xFFFF  }
0x50: {  	s0 =	sshll.u32 @!p0 s4, $0x6;
	s19 =	rddreg [dreg:$0x5]  }
0x51: {  	s0 =	sor.u32 @!p0 $0x1C0C, s0;
	s3 =	rddreg [dreg:$0xd];
	s1 =	sshrl.u32 @!p0 s19, $0x3  }
0x52: {  	[hbm:s3], [sflag:s0] =	dma.local @!p0 [spmem:s1], $0x2710  }
0x53: {  	s0 =	simm.s32 @!p0 $0xC  }
0x54: {  	_ =	swait.ge @!p0 [sflag:s0], $0x2710  }
0x55: {  	s1 =	sshll.u32 @p2 s4, $0x6;
	[sflag:s0] =	ssyncset.done @!p0 $0x0  }
0x56: {  	[sflag:s0] =	ssyncadd.s32 @!p0 $0xFFFFD8F0;
	s0 =	sor.u32 @p2 $0x1C0C, s1;
	s1 =	sld [smem:$0x7E4]  }
0x57: {  	s4 =	sld [smem:$0x7E3];
	_ =	sdelay $0x1  }
0x58: {  	s1 =	sshrl.u32 @p2 s1, $0x3  }
0x59: {  	[hbm:s4], [sflag:s0] =	dma.local @p2 [spmem:s1], $0x1F40  }
0x5a: {  	s0 =	simm.s32 @p2 $0xC  }
0x5b: {  	_ =	swait.ge @p2 [sflag:s0], $0x1F40  }
0x5c: {  	s30 =	sld [smem:$0x7DA]  }
0x5d: {  	s31 =	sld [smem:$0x7E5];
	_ =	sdelay $0x1  }
0x5e: {  	s4 =	sadd.s32 $0x1, s30  }
0x5f: {  	p3 =	sne.s32 s4, s31  }
.Ltmp1:
0x60: {  	_ = 	snop;
	(pc) =	sbr.rel @!p3 .LBB2_13-.Ltmp1, $3  }
0x61: {  	_ =	sdelay $0x1  }
0x62: {  	[sflag:s0] =	ssyncset.done @p2 $0x0  }
0x63: {  	s3 =	stileid.u32;
	[sflag:s0] =	ssyncadd.s32 @p2 $0xFFFFE0C0  }
.LBB2_1:
0x64: {  	s0 =	simm.s32 $0x48A0  }
0x65: {  	[tilespmem:s0+$0x20] =	vst v1  }
0x66: {  	[tilespmem:s0+$0xFFFFFFE0] =	vst v1  }
0x67: {  	[tilespmem:s0+$0xFFFFFFF0] =	vst v1  }
0x68: {  	[tilespmem:s0+$0x0] =	vst v1  }
0x69: {  	s3 =	simm.s32 $0x0;
	s1 =	simm.s32 $0x100;
	[tilespmem:s0+$0x10] =	vst v1  }
.LBB2_2:
0x6a: {  	p2 =	sne.s32 s1, $0x4F00;
	[tilespmem:s3+$0x7AB0] =	vst v1  }
0x6b: {  	[tilespmem:s3+$0x7A80] =	vst v1  }
0x6c: {  	[tilespmem:s3+$0x7A90] =	vst v1  }
0x6d: {  	s0 =	sadd.s32 $0x50, s0;
	[tilespmem:s3+$0x7AA0] =	vst v1  }
.Ltmp2:
0x6e: {  	[tilespmem:s0+$0x20] =	vst v1;
	(pc) =	sbr.rel @p2 .LBB2_2-.Ltmp2, $4  }
0x6f: {  	[tilespmem:s0+$0xFFFFFFE0] =	vst v1  }
0x70: {  	[tilespmem:s0+$0xFFFFFFF0] =	vst v1  }
0x71: {  	[tilespmem:s0+$0x0] =	vst v1  }
0x72: {  	s3 =	sshra.s32 s1, $0x2;
	s1 =	sadd.s32 $0x100, s1;
	[tilespmem:s0+$0x10] =	vst v1  }
0x73: {  	[tilespmem:s3+$0x7AB0] =	vst v1  }
0x74: {  	[tilespmem:s3+$0x7A80] =	vst v1  }
0x75: {  	[tilespmem:s3+$0x7A90] =	vst v1  }
0x76: {  	[smem:$0x7DA] =	sst s4;
	[tilespmem:s3+$0x7AA0] =	vst v1;
	s1 =	simm.s32 @!p0 $0x4880;
	s0 =	simm.s32 @!p0 $0xC  }
0x77: {  	[spmem:s19] =	stream.linear.scatter @!p0 [tilespmem:s1], [sflag:$0xC], $0xC80, $0x38;
	[tilespmem:$0x1EE10] =	vst v63  }
0x78: {  	_ =	swait.ge @!p0 [sflag:s0], $0xC80  }
0x79: {  	s3 =	sld [smem:$0x7E6]  }
0x7a: {  	[sflag:s0] =	ssyncset.done @!p0 $0x0  }
0x7b: {  	[sflag:s0] =	ssyncadd.s32 @!p0 $0xFFFFF380  }
0x7c: {  	[spmem:s3] =	stream.linear.scatter @!p0 [tilespmem:s1], [sflag:$0xC], $0xC80, $0x38;
	[tilespmem:$0x1EE10] =	vst v63  }
0x7d: {  	_ =	swait.ge @!p0 [sflag:s0], $0xC80  }
0x7e: {  	s3 =	sld [smem:$0x7E7]  }
0x7f: {  	[sflag:s0] =	ssyncset.done @!p0 $0x0  }
0x80: {  	[sflag:s0] =	ssyncadd.s32 @!p0 $0xFFFFF380  }
0x81: {  	[spmem:s3] =	stream.linear.scatter @!p0 [tilespmem:s1], [sflag:$0xC], $0xC80, $0x38;
	[tilespmem:$0x1EE10] =	vst v63  }
0x82: {  	_ =	swait.ge @!p0 [sflag:s0], $0xC80  }
0x83: {  	s3 =	sld [smem:$0x7E8]  }
0x84: {  	[sflag:s0] =	ssyncset.done @!p0 $0x0  }
0x85: {  	[sflag:s0] =	ssyncadd.s32 @!p0 $0xFFFFF380  }
0x86: {  	[spmem:s3] =	stream.linear.scatter @!p0 [tilespmem:s1], [sflag:$0xC], $0xC80, $0x38;
	[tilespmem:$0x1EE10] =	vst v63  }
0x87: {  	_ =	swait.ge @!p0 [sflag:s0], $0xC80  }
0x88: {  	s3 =	sld [smem:$0x7E9]  }
0x89: {  	[sflag:s0] =	ssyncset.done @!p0 $0x0  }
0x8a: {  	[sflag:s0] =	ssyncadd.s32 @!p0 $0xFFFFF380  }
0x8b: {  	[spmem:s3] =	stream.linear.scatter @!p0 [tilespmem:s1], [sflag:$0xC], $0xC80, $0x38;
	[tilespmem:$0x1EE10] =	vst v63  }
0x8c: {  	_ =	swait.ge @!p0 [sflag:s0], $0xC80  }
0x8d: {  	s3 =	sld [smem:$0x7EA]  }
0x8e: {  	[sflag:s0] =	ssyncset.done @!p0 $0x0  }
0x8f: {  	[sflag:s0] =	ssyncadd.s32 @!p0 $0xFFFFF380  }
0x90: {  	[spmem:s3] =	stream.linear.scatter @!p0 [tilespmem:s1], [sflag:$0xC], $0xC80, $0x38;
	[tilespmem:$0x1EE10] =	vst v63  }
0x91: {  	_ =	swait.ge @!p0 [sflag:s0], $0xC80  }
0x92: {  	s3 =	sld [smem:$0x7EB]  }
0x93: {  	[sflag:s0] =	ssyncset.done @!p0 $0x0  }
0x94: {  	[sflag:s0] =	ssyncadd.s32 @!p0 $0xFFFFF380  }
0x95: {  	[spmem:s3] =	stream.linear.scatter @!p0 [tilespmem:s1], [sflag:$0xC], $0xC80, $0x38;
	[tilespmem:$0x1EE10] =	vst v63  }
0x96: {  	_ =	swait.ge @!p0 [sflag:s0], $0xC80  }
0x97: {  	s3 =	sld [smem:$0x7EC]  }
0x98: {  	[sflag:s0] =	ssyncset.done @!p0 $0x0  }
0x99: {  	[sflag:s0] =	ssyncadd.s32 @!p0 $0xFFFFF380  }
0x9a: {  	[spmem:s3] =	stream.linear.scatter @!p0 [tilespmem:s1], [sflag:$0xC], $0xC80, $0x38;
	[tilespmem:$0x1EE10] =	vst v63  }
0x9b: {  	_ =	swait.ge @!p0 [sflag:s0], $0xC80  }
0x9c: {  	s3 =	sld [smem:$0x7ED]  }
0x9d: {  	[sflag:s0] =	ssyncset.done @!p0 $0x0  }
0x9e: {  	[sflag:s0] =	ssyncadd.s32 @!p0 $0xFFFFF380  }
0x9f: {  	[spmem:s3] =	stream.linear.scatter @!p0 [tilespmem:s1], [sflag:$0xC], $0xC80, $0x38;
	[tilespmem:$0x1EE10] =	vst v63  }
0xa0: {  	_ =	swait.ge @!p0 [sflag:s0], $0xC80  }
0xa1: {  	s3 =	sld [smem:$0x7EE]  }
0xa2: {  	[sflag:s0] =	ssyncset.done @!p0 $0x0  }
0xa3: {  	[sflag:s0] =	ssyncadd.s32 @!p0 $0xFFFFF380  }
0xa4: {  	[spmem:s3] =	stream.linear.scatter @!p0 [tilespmem:s1], [sflag:$0xC], $0xC80, $0x38;
	[tilespmem:$0x1EE10] =	vst v63  }
0xa5: {  	_ =	swait.ge @!p0 [sflag:s0], $0xC80  }
0xa6: {  	s3 =	sld [smem:$0x7EF]  }
0xa7: {  	[sflag:s0] =	ssyncset.done @!p0 $0x0  }
0xa8: {  	[sflag:s0] =	ssyncadd.s32 @!p0 $0xFFFFF380  }
0xa9: {  	[spmem:s3] =	stream.linear.scatter @!p0 [tilespmem:s1], [sflag:$0xC], $0xC80, $0x38;
	[tilespmem:$0x1EE10] =	vst v63  }
0xaa: {  	_ =	swait.ge @!p0 [sflag:s0], $0xC80  }
0xab: {  	s3 =	sld [smem:$0x7F0]  }
0xac: {  	[sflag:s0] =	ssyncset.done @!p0 $0x0  }
0xad: {  	[sflag:s0] =	ssyncadd.s32 @!p0 $0xFFFFF380  }
0xae: {  	[spmem:s3] =	stream.linear.scatter @!p0 [tilespmem:s1], [sflag:$0xC], $0xC80, $0x38;
	[tilespmem:$0x1EE10] =	vst v63  }
0xaf: {  	_ =	swait.ge @!p0 [sflag:s0], $0xC80  }
0xb0: {  	s3 =	sld [smem:$0x7F1]  }
0xb1: {  	[sflag:s0] =	ssyncset.done @!p0 $0x0  }
0xb2: {  	[sflag:s0] =	ssyncadd.s32 @!p0 $0xFFFFF380  }
0xb3: {  	[spmem:s3] =	stream.linear.scatter @!p0 [tilespmem:s1], [sflag:$0xC], $0xC80, $0x38;
	[tilespmem:$0x1EE10] =	vst v63  }
0xb4: {  	_ =	swait.ge @!p0 [sflag:s0], $0xC80  }
0xb5: {  	s3 =	sld [smem:$0x7F2]  }
0xb6: {  	[sflag:s0] =	ssyncset.done @!p0 $0x0  }
0xb7: {  	[sflag:s0] =	ssyncadd.s32 @!p0 $0xFFFFF380  }
0xb8: {  	[spmem:s3] =	stream.linear.scatter @!p0 [tilespmem:s1], [sflag:$0xC], $0xC80, $0x38;
	[tilespmem:$0x1EE10] =	vst v63  }
0xb9: {  	_ =	swait.ge @!p0 [sflag:s0], $0xC80  }
0xba: {  	s3 =	sld [smem:$0x7F3]  }
0xbb: {  	[sflag:s0] =	ssyncset.done @!p0 $0x0  }
0xbc: {  	[sflag:s0] =	ssyncadd.s32 @!p0 $0xFFFFF380  }
0xbd: {  	[spmem:s3] =	stream.linear.scatter @!p0 [tilespmem:s1], [sflag:$0xC], $0xC80, $0x38;
	[tilespmem:$0x1EE10] =	vst v63  }
0xbe: {  	_ =	swait.ge @!p0 [sflag:s0], $0xC80  }
0xbf: {  	s3 =	sld [smem:$0x7F4]  }
0xc0: {  	[sflag:s0] =	ssyncset.done @!p0 $0x0  }
0xc1: {  	[sflag:s0] =	ssyncadd.s32 @!p0 $0xFFFFF380  }
0xc2: {  	[spmem:s3] =	stream.linear.scatter @!p0 [tilespmem:s1], [sflag:$0xC], $0xC80, $0x38;
	[tilespmem:$0x1EE10] =	vst v63  }
0xc3: {  	_ =	swait.ge @!p0 [sflag:s0], $0xC80  }
0xc4: {  	s3 =	sld [smem:$0x7F5]  }
0xc5: {  	[sflag:s0] =	ssyncset.done @!p0 $0x0  }
0xc6: {  	[sflag:s0] =	ssyncadd.s32 @!p0 $0xFFFFF380  }
0xc7: {  	[spmem:s3] =	stream.linear.scatter @!p0 [tilespmem:s1], [sflag:$0xC], $0xC80, $0x38;
	[tilespmem:$0x1EE10] =	vst v63  }
0xc8: {  	_ =	swait.ge @!p0 [sflag:s0], $0xC80  }
0xc9: {  	s3 =	sld [smem:$0x7F6]  }
0xca: {  	[sflag:s0] =	ssyncset.done @!p0 $0x0  }
0xcb: {  	[sflag:s0] =	ssyncadd.s32 @!p0 $0xFFFFF380  }
0xcc: {  	[spmem:s3] =	stream.linear.scatter @!p0 [tilespmem:s1], [sflag:$0xC], $0xC80, $0x38;
	[tilespmem:$0x1EE10] =	vst v63  }
0xcd: {  	_ =	swait.ge @!p0 [sflag:s0], $0xC80  }
0xce: {  	s3 =	sld [smem:$0x7F7]  }
0xcf: {  	[sflag:s0] =	ssyncset.done @!p0 $0x0  }
0xd0: {  	[sflag:s0] =	ssyncadd.s32 @!p0 $0xFFFFF380  }
0xd1: {  	[spmem:s3] =	stream.linear.scatter @!p0 [tilespmem:s1], [sflag:$0xC], $0xC80, $0x38;
	[tilespmem:$0x1EE10] =	vst v63  }
0xd2: {  	_ =	swait.ge @!p0 [sflag:s0], $0xC80  }
0xd3: {  	s3 =	sld [smem:$0x7F8]  }
0xd4: {  	[sflag:s0] =	ssyncset.done @!p0 $0x0  }
0xd5: {  	[sflag:s0] =	ssyncadd.s32 @!p0 $0xFFFFF380  }
0xd6: {  	[spmem:s3] =	stream.linear.scatter @!p0 [tilespmem:s1], [sflag:$0xC], $0xC80, $0x38;
	[tilespmem:$0x1EE10] =	vst v63  }
0xd7: {  	_ =	swait.ge @!p0 [sflag:s0], $0xC80  }
0xd8: {  	s3 =	sld [smem:$0x7F9]  }
0xd9: {  	[sflag:s0] =	ssyncset.done @!p0 $0x0  }
0xda: {  	[sflag:s0] =	ssyncadd.s32 @!p0 $0xFFFFF380  }
0xdb: {  	[spmem:s3] =	stream.linear.scatter @!p0 [tilespmem:s1], [sflag:$0xC], $0xC80, $0x38;
	[tilespmem:$0x1EE10] =	vst v63  }
0xdc: {  	_ =	swait.ge @!p0 [sflag:s0], $0xC80  }
0xdd: {  	s3 =	sld [smem:$0x7FA]  }
0xde: {  	[sflag:s0] =	ssyncset.done @!p0 $0x0  }
0xdf: {  	[sflag:s0] =	ssyncadd.s32 @!p0 $0xFFFFF380  }
0xe0: {  	[spmem:s3] =	stream.linear.scatter @!p0 [tilespmem:s1], [sflag:$0xC], $0xC80, $0x38;
	[tilespmem:$0x1EE10] =	vst v63  }
0xe1: {  	_ =	swait.ge @!p0 [sflag:s0], $0xC80  }
0xe2: {  	s3 =	sld [smem:$0x7FB]  }
0xe3: {  	[sflag:s0] =	ssyncset.done @!p0 $0x0  }
0xe4: {  	[sflag:s0] =	ssyncadd.s32 @!p0 $0xFFFFF380  }
0xe5: {  	[spmem:s3] =	stream.linear.scatter @!p0 [tilespmem:s1], [sflag:$0xC], $0xC80, $0x38;
	[tilespmem:$0x1EE10] =	vst v63  }
0xe6: {  	_ =	swait.ge @!p0 [sflag:s0], $0xC80  }
0xe7: {  	s3 =	sld [smem:$0x7FC]  }
0xe8: {  	[sflag:s0] =	ssyncset.done @!p0 $0x0  }
0xe9: {  	[sflag:s0] =	ssyncadd.s32 @!p0 $0xFFFFF380  }
0xea: {  	[spmem:s3] =	stream.linear.scatter @!p0 [tilespmem:s1], [sflag:$0xC], $0xC80, $0x38;
	[tilespmem:$0x1EE10] =	vst v63  }
0xeb: {  	_ =	swait.ge @!p0 [sflag:s0], $0xC80  }
0xec: {  	s3 =	sld [smem:$0x7FD]  }
0xed: {  	[sflag:s0] =	ssyncset.done @!p0 $0x0  }
.Ltmp3:
0xee: {  	[sflag:s0] =	ssyncadd.s32 @!p0 $0xFFFFF380;
	(pc) =	sbr.rel @!p1 .LBB2_5-.Ltmp3, $4  }
0xef: {  	[spmem:s3] =	stream.linear.scatter @!p0 [tilespmem:s1], [sflag:$0xC], $0xC80, $0x38;
	[tilespmem:$0x1EE10] =	vst v63  }
0xf0: {  	_ =	swait.ge @!p0 [sflag:s0], $0xC80  }
0xf1: {  	[sflag:s0] =	ssyncset.done @!p0 $0x0  }
0xf2: {  	p2 =	por @!p0 $0x0, $0x0;
	[sflag:s0] =	ssyncadd.s32 @!p0 $0xFFFFF380  }
0xf3: {  	s0 =	rddreg [dreg:$0x6];
	s1 =	simm.s32 $0x7A80;
	s3 =	simm.s32 $0xC  }
0xf4: {  	[spmem:s0] =	stream.linear.scatter [tilespmem:s1], [sflag:$0xC], $0xA00, $0x38;
	[tilespmem:$0x1EE10] =	vst v63  }
0xf5: {  	_ =	swait.ge [sflag:s3], $0xA00  }
0xf6: {  	[sflag:s3] =	ssyncset.done $0x0  }
0xf7: {  	s21 =	rddreg [dreg:$0x7];
	[sflag:s3] =	ssyncadd.s32 $0xFFFFF600  }
0xf8: {  	[spmem:s21] =	stream.linear.scatter [tilespmem:s1], [sflag:$0xC], $0xA00, $0x38;
	[tilespmem:$0x1EE10] =	vst v63  }
0xf9: {  	_ =	swait.ge [sflag:s3], $0xA00  }
0xfa: {  	[sflag:s3] =	ssyncset.done $0x0  }
0xfb: {  	s23 =	rddreg [dreg:$0x8];
	[sflag:s3] =	ssyncadd.s32 $0xFFFFF600  }
0xfc: {  	[spmem:s23] =	stream.linear.scatter [tilespmem:s1], [sflag:$0xC], $0xA00, $0x38;
	[tilespmem:$0x1EE10] =	vst v63  }
0xfd: {  	_ =	swait.ge [sflag:s3], $0xA00  }
0xfe: {  	[sflag:s3] =	ssyncset.done $0x0  }
0xff: {  	s24 =	rddreg [dreg:$0x9];
	[sflag:s3] =	ssyncadd.s32 $0xFFFFF600  }
0x100: {  	[spmem:s24] =	stream.linear.scatter [tilespmem:s1], [sflag:$0xC], $0xA00, $0x38;
	[tilespmem:$0x1EE10] =	vst v63  }
0x101: {  	_ =	swait.ge [sflag:s3], $0xA00  }
0x102: {  	[sflag:s3] =	ssyncset.done $0x0  }
0x103: {  	s25 =	rddreg [dreg:$0xa];
	[sflag:s3] =	ssyncadd.s32 $0xFFFFF600  }
0x104: {  	[spmem:s25] =	stream.linear.scatter [tilespmem:s1], [sflag:$0xC], $0xA00, $0x38;
	[tilespmem:$0x1EE10] =	vst v63  }
0x105: {  	_ =	swait.ge [sflag:s3], $0xA00  }
0x106: {  	[sflag:s3] =	ssyncset.done $0x0  }
0x107: {  	s26 =	rddreg [dreg:$0xb];
	[sflag:s3] =	ssyncadd.s32 $0xFFFFF600  }
0x108: {  	[spmem:s26] =	stream.linear.scatter [tilespmem:s1], [sflag:$0xC], $0xA00, $0x38;
	[tilespmem:$0x1EE10] =	vst v63  }
0x109: {  	_ =	swait.ge [sflag:s3], $0xA00  }
0x10a: {  	[sflag:s3] =	ssyncset.done $0x0  }
0x10b: {  	s28 =	rddreg [dreg:$0xc];
	[sflag:s3] =	ssyncadd.s32 $0xFFFFF600  }
0x10c: {  	[spmem:s28] =	stream.linear.scatter [tilespmem:s1], [sflag:$0xC], $0xA00, $0x38;
	[tilespmem:$0x1EE10] =	vst v63  }
0x10d: {  	_ =	swait.ge [sflag:s3], $0xA00  }
0x10e: {  	[sflag:s3] =	ssyncset.done $0x0  }
0x10f: {  	s29 =	rddreg [dreg:$0xe];
	[sflag:s3] =	ssyncadd.s32 $0xFFFFF600  }
0x110: {  	[spmem:s29] =	stream.linear.scatter [tilespmem:s1], [sflag:$0xC], $0xA00, $0x38;
	[tilespmem:$0x1EE10] =	vst v63  }
0x111: {  	_ =	swait.ge [sflag:s3], $0xA00  }
0x112: {  	[sflag:s3] =	ssyncset.done $0x0  }
0x113: {  	s30 =	rddreg [dreg:$0xf];
	[sflag:s3] =	ssyncadd.s32 $0xFFFFF600  }
0x114: {  	[spmem:s30] =	stream.linear.scatter [tilespmem:s1], [sflag:$0xC], $0xA00, $0x38;
	[tilespmem:$0x1EE10] =	vst v63  }
0x115: {  	_ =	swait.ge [sflag:s3], $0xA00  }
0x116: {  	[sflag:s3] =	ssyncset.done $0x0  }
0x117: {  	s31 =	rddreg [dreg:$0x10];
	[sflag:s3] =	ssyncadd.s32 $0xFFFFF600  }
0x118: {  	[spmem:s31] =	stream.linear.scatter [tilespmem:s1], [sflag:$0xC], $0xA00, $0x38;
	[tilespmem:$0x1EE10] =	vst v63  }
0x119: {  	_ =	swait.ge [sflag:s3], $0xA00  }
0x11a: {  	[sflag:s3] =	ssyncset.done $0x0  }
0x11b: {  	s4 =	rddreg [dreg:$0x11];
	[sflag:s3] =	ssyncadd.s32 $0xFFFFF600  }
0x11c: {  	[spmem:s4] =	stream.linear.scatter [tilespmem:s1], [sflag:$0xC], $0xA00, $0x38;
	[tilespmem:$0x1EE10] =	vst v63  }
0x11d: {  	_ =	swait.ge [sflag:s3], $0xA00  }
0x11e: {  	[sflag:s3] =	ssyncset.done $0x0  }
0x11f: {  	s13 =	rddreg [dreg:$0x12];
	[sflag:s3] =	ssyncadd.s32 $0xFFFFF600  }
0x120: {  	[spmem:s13] =	stream.linear.scatter [tilespmem:s1], [sflag:$0xC], $0xA00, $0x38;
	[tilespmem:$0x1EE10] =	vst v63  }
0x121: {  	_ =	swait.ge [sflag:s3], $0xA00  }
0x122: {  	[sflag:s3] =	ssyncset.done $0x0  }
0x123: {  	s16 =	rddreg [dreg:$0x13];
	[sflag:s3] =	ssyncadd.s32 $0xFFFFF600  }
0x124: {  	[spmem:s16] =	stream.linear.scatter [tilespmem:s1], [sflag:$0xC], $0xA00, $0x38;
	[tilespmem:$0x1EE10] =	vst v63  }
0x125: {  	_ =	swait.ge [sflag:s3], $0xA00  }
0x126: {  	[sflag:s3] =	ssyncset.done $0x0  }
0x127: {  	s17 =	rddreg [dreg:$0x14];
	[sflag:s3] =	ssyncadd.s32 $0xFFFFF600  }
0x128: {  	[spmem:s17] =	stream.linear.scatter [tilespmem:s1], [sflag:$0xC], $0xA00, $0x38;
	[tilespmem:$0x1EE10] =	vst v63  }
0x129: {  	_ =	swait.ge [sflag:s3], $0xA00  }
0x12a: {  	[sflag:s3] =	ssyncset.done $0x0  }
0x12b: {  	s19 =	rddreg [dreg:$0x15];
	[sflag:s3] =	ssyncadd.s32 $0xFFFFF600  }
0x12c: {  	[spmem:s19] =	stream.linear.scatter [tilespmem:s1], [sflag:$0xC], $0xA00, $0x38;
	[tilespmem:$0x1EE10] =	vst v63  }
0x12d: {  	_ =	swait.ge [sflag:s3], $0xA00  }
0x12e: {  	[sflag:s3] =	ssyncset.done $0x0  }
0x12f: {  	s20 =	rddreg [dreg:$0x16];
	[sflag:s3] =	ssyncadd.s32 $0xFFFFF600  }
0x130: {  	[spmem:s20] =	stream.linear.scatter [tilespmem:s1], [sflag:$0xC], $0xA00, $0x38;
	[tilespmem:$0x1EE10] =	vst v63  }
0x131: {  	_ =	swait.ge [sflag:s3], $0xA00  }
0x132: {  	[sflag:s3] =	ssyncset.done $0x0  }
0x133: {  	s21 =	rddreg [dreg:$0x17];
	[sflag:s3] =	ssyncadd.s32 $0xFFFFF600  }
0x134: {  	[spmem:s21] =	stream.linear.scatter [tilespmem:s1], [sflag:$0xC], $0xA00, $0x38;
	[tilespmem:$0x1EE10] =	vst v63  }
0x135: {  	_ =	swait.ge [sflag:s3], $0xA00  }
0x136: {  	[sflag:s3] =	ssyncset.done $0x0  }
0x137: {  	s23 =	rddreg [dreg:$0x18];
	[sflag:s3] =	ssyncadd.s32 $0xFFFFF600  }
0x138: {  	[spmem:s23] =	stream.linear.scatter [tilespmem:s1], [sflag:$0xC], $0xA00, $0x38;
	[tilespmem:$0x1EE10] =	vst v63  }
0x139: {  	_ =	swait.ge [sflag:s3], $0xA00  }
0x13a: {  	[sflag:s3] =	ssyncset.done $0x0  }
0x13b: {  	s24 =	rddreg [dreg:$0x19];
	[sflag:s3] =	ssyncadd.s32 $0xFFFFF600  }
0x13c: {  	[spmem:s24] =	stream.linear.scatter [tilespmem:s1], [sflag:$0xC], $0xA00, $0x38;
	[tilespmem:$0x1EE10] =	vst v63  }
0x13d: {  	_ =	swait.ge [sflag:s3], $0xA00  }
0x13e: {  	[sflag:s3] =	ssyncset.done $0x0  }
0x13f: {  	s25 =	rddreg [dreg:$0x1a];
	[sflag:s3] =	ssyncadd.s32 $0xFFFFF600  }
0x140: {  	[spmem:s25] =	stream.linear.scatter [tilespmem:s1], [sflag:$0xC], $0xA00, $0x38;
	[tilespmem:$0x1EE10] =	vst v63  }
0x141: {  	_ =	swait.ge [sflag:s3], $0xA00  }
0x142: {  	[sflag:s3] =	ssyncset.done $0x0  }
0x143: {  	s26 =	rddreg [dreg:$0x1b];
	[sflag:s3] =	ssyncadd.s32 $0xFFFFF600  }
0x144: {  	[spmem:s26] =	stream.linear.scatter [tilespmem:s1], [sflag:$0xC], $0xA00, $0x38;
	[tilespmem:$0x1EE10] =	vst v63  }
0x145: {  	_ =	swait.ge [sflag:s3], $0xA00  }
0x146: {  	[sflag:s3] =	ssyncset.done $0x0  }
0x147: {  	s28 =	rddreg [dreg:$0x1c];
	[sflag:s3] =	ssyncadd.s32 $0xFFFFF600  }
0x148: {  	[spmem:s28] =	stream.linear.scatter [tilespmem:s1], [sflag:$0xC], $0xA00, $0x38;
	[tilespmem:$0x1EE10] =	vst v63  }
0x149: {  	_ =	swait.ge [sflag:s3], $0xA00  }
0x14a: {  	[sflag:s3] =	ssyncset.done $0x0  }
0x14b: {  	s29 =	rddreg [dreg:$0x1d];
	[sflag:s3] =	ssyncadd.s32 $0xFFFFF600  }
0x14c: {  	[spmem:s29] =	stream.linear.scatter [tilespmem:s1], [sflag:$0xC], $0xA00, $0x38;
	[tilespmem:$0x1EE10] =	vst v63  }
0x14d: {  	_ =	swait.ge [sflag:s3], $0xA00  }
0x14e: {  	[sflag:s3] =	ssyncset.done $0x0  }
0x14f: {  	s30 =	rddreg [dreg:$0x1e];
	[sflag:s3] =	ssyncadd.s32 $0xFFFFF600  }
0x150: {  	[spmem:s30] =	stream.linear.scatter [tilespmem:s1], [sflag:$0xC], $0xA00, $0x38;
	[tilespmem:$0x1EE10] =	vst v63  }
0x151: {  	_ =	swait.ge [sflag:s3], $0xA00  }
0x152: {  	[sflag:s3] =	ssyncset.done $0x0  }
0x153: {  	s31 =	rddreg [dreg:$0x1f];
	[sflag:s3] =	ssyncadd.s32 $0xFFFFF600  }
0x154: {  	[spmem:s31] =	stream.linear.scatter [tilespmem:s1], [sflag:$0xC], $0xA00, $0x38;
	[tilespmem:$0x1EE10] =	vst v63  }
0x155: {  	_ =	swait.ge [sflag:s3], $0xA00  }
0x156: {  	[sflag:s3] =	ssyncset.done $0x0  }
0x157: {  	p2 =	por $0x1, $0x1;
	s13 =	simm.s32 $0x7A80;
	[sflag:s3] =	ssyncadd.s32 $0xFFFFF600  }
.LBB2_5:
0x158: {  	[bflag:$0x0] =	sbarrier.arrive $0xFFFF  }
0x159: {  	s0 =	sld [smem:$0x7DB];
	_ =	sdelay $0x1  }
0x15a: {  	s23 =	simm.s32 $0x0;
	s20 =	sld [smem:$0x7DC]  }
0x15b: {  	[tilespmem:s23], [sflag:$0x7] =	stream.linear.gather [hbm4b:s0+s23], $0x50, $0x38;
	[tilespmem:$0x1EE10] =	vst v63  }
0x15c: {  	s1 =	simm.s32 $0xA0;
	s21 =	sld [smem:$0x7DD]  }
0x15d: {  	[tilespmem:s1], [sflag:$0x7] =	stream.linear.gather [hbm4b:s20+s23], $0x50, $0x38;
	[tilespmem:$0x1EE10] =	vst v63  }
0x15e: {  	s3 =	simm.s32 $0x140;
	s24 =	simm.s32 $0x7  }
0x15f: {  	[tilespmem:s3], [sflag:$0x7] =	stream.linear.gather [hbm4b:s21+s23], $0x50, $0x38;
	[tilespmem:$0x1EE10] =	vst v63  }
0x160: {  	_ =	swait.ge [sflag:s24], $0x50  }
0x161: {  	[sflag:s24] =	ssyncset.done $0x0  }
0x162: {  	[sflag:s24] =	ssyncadd.s32 $0xFFFFFFB0  }
0x163: {  	_ =	swait.ge [sflag:s24], $0x50  }
0x164: {  	[sflag:s24] =	ssyncset.done $0x0  }
0x165: {  	[sflag:s24] =	ssyncadd.s32 $0xFFFFFFB0  }
0x166: {  	_ =	swait.ge [sflag:s24], $0x50  }
0x167: {  	[sflag:s24] =	ssyncset.done $0x0  }
0x168: {  	[sflag:s24] =	ssyncadd.s32 $0xFFFFFFB0  }
0x169: {  	v2 =	vld [tilespmem:$0xA0]  }
0x16a: {  	v3 =	vld [tilespmem:$0xB0]  }
0x16b: {  	v4 =	vld [tilespmem:$0xC0]  }
0x16c: {  	v5 =	vld [tilespmem:$0xD0]  }
0x16d: {  	v6 =	vld [tilespmem:$0xE0]  }
0x16e: {  	v2 =	vadd.s32 v0, v2  }
0x16f: {  	[tilespmem:$0xA0] =	vst v2;
	v2 =	vadd.s32 v0, v3  }
0x170: {  	[tilespmem:$0xB0] =	vst v2;
	v2 =	vadd.s32 v0, v4  }
0x171: {  	[tilespmem:$0xC0] =	vst v2;
	v2 =	vadd.s32 v0, v5  }
0x172: {  	[tilespmem:$0xD0] =	vst v2;
	v2 =	vadd.s32 v0, v6  }
0x173: {  	s25 =	simm.s32 $0x280;
	[tilespmem:$0xE0] =	vst v2  }
0x174: {  	[tilespmem:s25], [sflag:$0x1] =	stream.indirect.gather [hbm4b:s5+s18], $0x50, s1, s18, $0xb8;
	[tilespmem:$0x1EE10] =	vst v63  }
0x175: {  	s26 =	simm.s32 $0x3480  }
0x176: {  	[tilespmem:s26], [sflag:$0x2] =	stream.indirect.gather [hbm4b:s6+s18], $0x10, s23, s18, $0xb8;
	[tilespmem:$0x1EE10] =	vst v63  }
0x177: {  	s28 =	simm.s32 $0x3E80;
	s29 =	sld [smem:$0x7DE]  }
0x178: {  	[tilespmem:s28], [sflag:$0x3] =	stream.indirect.gather [hbm4b:s7+s18], $0x10, s3, s18, $0xb8;
	[tilespmem:$0x1EE10] =	vst v63  }
0x179: {  	s30 =	sld [smem:$0x7DF]  }
0x17a: {  	[tilespmem:s18], [sflag:$0x8] =	stream.linear.gather [hbm4b:s29+s23], $0x50, $0x38;
	[tilespmem:$0x1EE10] =	vst v63  }
0x17b: {  	s31 =	sld [smem:$0x7E0]  }
0x17c: {  	[tilespmem:s11], [sflag:$0x8] =	stream.linear.gather [hbm4b:s30+s23], $0x50, $0x38;
	[tilespmem:$0x1EE10] =	vst v63  }
0x17d: {  	_ = 	snop  }
0x17e: {  	[tilespmem:s12], [sflag:$0x8] =	stream.linear.gather [hbm4b:s31+s23], $0x50, $0x38;
	[tilespmem:$0x1EE10] =	vst v63  }
.LBB2_6:
0x17f: {  	_ =	swait.ge [sflag:s22], $0x50  }
0x180: {  	[sflag:s22] =	ssyncset.done $0x0  }
0x181: {  	[sflag:s22] =	ssyncadd.s32 $0xFFFFFFB0  }
0x182: {  	_ =	swait.ge [sflag:s22], $0x50  }
0x183: {  	[sflag:s22] =	ssyncset.done $0x0  }
0x184: {  	[sflag:s22] =	ssyncadd.s32 $0xFFFFFFB0  }
0x185: {  	_ =	swait.ge [sflag:s22], $0x50  }
0x186: {  	[sflag:s22] =	ssyncset.done $0x0  }
0x187: {  	[sflag:s22] =	ssyncadd.s32 $0xFFFFFFB0  }
0x188: {  	v2 =	vld [tilespmem:$0xF0]  }
0x189: {  	v3 =	vld [tilespmem:$0x100]  }
0x18a: {  	v4 =	vld [tilespmem:$0x110]  }
0x18b: {  	v5 =	vld [tilespmem:$0x120]  }
0x18c: {  	v6 =	vld [tilespmem:$0x130]  }
0x18d: {  	v2 =	vadd.s32 v0, v2  }
0x18e: {  	[tilespmem:$0xF0] =	vst v2;
	v2 =	vadd.s32 v0, v3  }
0x18f: {  	[tilespmem:$0x100] =	vst v2;
	v2 =	vadd.s32 v0, v4  }
0x190: {  	[tilespmem:$0x110] =	vst v2;
	v2 =	vadd.s32 v0, v5  }
0x191: {  	[tilespmem:$0x120] =	vst v2;
	v2 =	vadd.s32 v0, v6  }
0x192: {  	s0 =	simm.s32 $0x1B80;
	[tilespmem:$0x130] =	vst v2  }
0x193: {  	[tilespmem:s0], [sflag:$0x4] =	stream.indirect.gather [hbm4b:s5+s18], $0x50, s11, s18, $0xb8;
	[tilespmem:$0x1EE10] =	vst v63  }
0x194: {  	s26 =	simm.s32 $0x3980  }
0x195: {  	[tilespmem:s26], [sflag:$0x5] =	stream.indirect.gather [hbm4b:s6+s18], $0x10, s18, s18, $0xb8;
	[tilespmem:$0x1EE10] =	vst v63  }
0x196: {  	s28 =	simm.s32 $0x4380;
	s29 =	simm.s32 $0x1  }
0x197: {  	[tilespmem:s28], [sflag:$0x6] =	stream.indirect.gather [hbm4b:s7+s18], $0x10, s12, s18, $0xb8;
	[tilespmem:$0x1EE10] =	vst v63  }
0x198: {  	_ =	swait.ge [sflag:s29], $0x1900  }
0x199: {  	[sflag:s29] =	ssyncset.done $0x0  }
0x19a: {  	s30 =	simm.s32 $0x2;
	[sflag:s29] =	ssyncadd.s32 $0xFFFFE700  }
0x19b: {  	_ =	swait.ge [sflag:s30], $0x500  }
0x19c: {  	[sflag:s30] =	ssyncset.done $0x0  }
0x19d: {  	s31 =	simm.s32 $0x3;
	[sflag:s30] =	ssyncadd.s32 $0xFFFFFB00  }
0x19e: {  	_ =	swait.ge [sflag:s31], $0x500  }
0x19f: {  	p3 =	seq.s32 s23, $0x0;
	[sflag:s31] =	ssyncset.done $0x0  }
0x1a0: {  	s0 =	simm.s32 @!p3 $0x9;
	[sflag:s31] =	ssyncadd.s32 $0xFFFFFB00  }
0x1a1: {  	_ =	swait.ge @!p3 [sflag:s0], $0x1900  }
0x1a2: {  	[sflag:s0] =	ssyncset.done @!p3 $0x0  }
0x1a3: {  	[sflag:s0] =	ssyncadd.s32 @!p3 $0xFFFFE700;
	s0 =	simm.s32 @!p3 $0xB  }
0x1a4: {  	_ =	swait.ge @!p3 [sflag:s0], $0x1400  }
0x1a5: {  	[sflag:s0] =	ssyncset.done @!p3 $0x0  }
0x1a6: {  	s24 =	simm.s32 $0x0;
	[sflag:s0] =	ssyncadd.s32 @!p3 $0xFFFFEC00  }
.LBB2_7:
0x1a7: {  	s0 =	sshll.u32 s24, $0x4;
	s28 =	smul.u32 $0x50, s24  }
0x1a8: {  	v2 =	vld [tilespmem:s0+$0x3480]  }
0x1a9: {  	v3 =	vld [tilespmem:s28+$0x2C0];
	_ =	sdelay $0x1  }
0x1aa: {  	v4 =	vld [tilespmem:s0+$0x3E80];
	_ =	sdelay $0x2  }
0x1ab: {  	v2 =	vadd.f32 v3, v2;
	_ =	sdelay $0x1  }
0x1ac: {  	s3 =	sor.u32 $0x1, s24;
	v2 =	vadd.f32 v4, v2  }
0x1ad: {  	s20 =	smul.u32 $0x50, s3  }
0x1ae: {  	v3 =	vmul.f32 $2.000000030e-01, v2  }
0x1af: {  	s26 =	sshll.u32 s3, $0x4;
	v60 =	vld [tilespmem:s20+$0x2C0];
	vm1 =	vge.f32 v2, $0.0e+00  }
0x1b0: {  	v2 =	vsel vm1, v2, v3;
	v3 =	vld [tilespmem:s26+$0x3480]  }
0x1b1: {  	v2 =	vsub.f32 $0.0e+00, v2  }
0x1b2: {  	s4 =	sor.u32 $0x2, s24;
	v5 =	vld [tilespmem:s26+$0x3E80]  }
0x1b3: {  	s29 =	sshll.u32 s4, $0x4;
	s19 =	smul.u32 $0x50, s4;
	v2 =	vmul.f32 $1.442695020e+00, v2  }
0x1b4: {  	v6 =	vld [tilespmem:s29+$0x3480]  }
0x1b5: {  	(erf) = vpow2.f32 v2;
	v2 =	vld [tilespmem:s19+$0x2C0];
	v3 =	vadd.f32 v60, v3;
	_ =	sdelay $0x1  }
0x1b6: {  	v7 =	vld [tilespmem:s29+$0x3E80];
	v3 =	vadd.f32 v5, v3;
	_ =	sdelay $0x1  }
0x1b7: {  	s11 =	sor.u32 $0x3, s24;
	v5 =	vmul.f32 $2.000000030e-01, v3  }
0x1b8: {  	s30 =	sshll.u32 s11, $0x4;
	s17 =	smul.u32 $0x50, s11;
	v61 =	vld [tilespmem:s28+$0x280];
	vm1 =	vge.f32 v3, $0.0e+00;
	v2 =	vadd.f32 v2, v6  }
0x1b9: {  	v17 =	vld [tilespmem:s30+$0x3480];
	v3 =	vsel vm1, v3, v5  }
0x1ba: {  	v9 =	vld [tilespmem:s17+$0x2C0];
	v7 =	vadd.f32 v7, v2;
	v3 =	vsub.f32 $0.0e+00, v3;
	_ =	sdelay $0x1  }
0x1bb: {  	v10 =	vld [tilespmem:s30+$0x3E80];
	v2 =	vpop (erf);
	v62 =	vmul.f32 $2.000000030e-01, v7;
	v3 =	vmul.f32 $1.442695020e+00, v3  }
0x1bc: {  	vm1 =	vge.f32 v7, $0.0e+00;
	v63 =	vbroadcast v2, $0x0  }
0x1bd: {  	v12 =	vbroadcast v2, $0x1;
	v5 =	vsel vm1, v7, v62;
	(erf) = vpow2.f32 v3  }
0x1be: {  	s25 =	sor.u32 $0x4, s24;
	v7 =	vadd.f32 v9, v17;
	v8 =	vmul.f32 v63, v61;
	v5 =	vsub.f32 $0.0e+00, v5  }
0x1bf: {  	s12 =	sshll.u32 s24, $0x6;
	s16 =	sshll.u32 s25, $0x4;
	s1 =	smul.u32 $0x50, s25;
	v4 =	vmul.f32 v12, v61  }
0x1c0: {  	s0 =	sand.u32 $0x3FFFFFC0, s12;
	v18 =	vld [tilespmem:s16+$0x3480];
	v7 =	vadd.f32 v10, v7;
	[tilespmem:s28+$0x4880] =	vst v8;
	v3 =	vmul.f32 $1.442695020e+00, v5  }
0x1c1: {  	v19 =	vld [tilespmem:s1+$0x2C0];
	[tilespmem:s0+$0x7A80] =	vst v4  }
0x1c2: {  	v10 =	vmul.f32 $2.000000030e-01, v7;
	v20 =	vld [tilespmem:s28+$0x290];
	(erf) = vpow2.f32 v3  }
0x1c3: {  	vm1 =	vge.f32 v7, $0.0e+00;
	v3 =	vld [tilespmem:s16+$0x3E80]  }
0x1c4: {  	v7 =	vsel vm1, v7, v10  }
0x1c5: {  	s29 =	sor.u32 $0x6, s24;
	v22 =	vld [tilespmem:s20+$0x280];
	v13 =	vsub.f32 $0.0e+00, v7  }
0x1c6: {  	v11 =	vld [tilespmem:s19+$0x280];
	s31 =	sshll.u32 s29, $0x4;
	v4 =	vadd.f32 v19, v18;
	s16 =	sor.u32 $0x5, s24  }
0x1c7: {  	v25 =	vld [tilespmem:s31+$0x3480];
	s21 =	sshll.u32 s16, $0x4;
	s12 =	smul.u32 $0x50, s16;
	v5 =	vpop (erf);
	v13 =	vmul.f32 $1.442695020e+00, v13  }
0x1c8: {  	s26 =	sshll.u32 s3, $0x6;
	s3 =	smul.u32 $0x50, s29;
	v16 =	vld [tilespmem:s21+$0x3480];
	v21 =	vmul.f32 v63, v20;
	v4 =	vadd.f32 v3, v4;
	v19 =	vbroadcast v5, $0x0  }
0x1c9: {  	v17 =	vld [tilespmem:s12+$0x2C0];
	v8 =	vmul.f32 v12, v20;
	v14 =	vbroadcast v5, $0x1  }
0x1ca: {  	v27 =	vld [tilespmem:s3+$0x2C0];
	[tilespmem:s28+$0x4890] =	vst v21;
	v23 =	vmul.f32 $2.000000030e-01, v4;
	v15 =	vmul.f32 v19, v22  }
0x1cb: {  	v20 =	vld [tilespmem:s21+$0x3E80];
	vm1 =	vge.f32 v4, $0.0e+00;
	v9 =	vmul.f32 v14, v22;
	[tilespmem:s0+$0x7A90] =	vst v8;
	v3 =	vpop (erf)  }
0x1cc: {  	s30 =	sand.u32 $0x3FFFFFC0, s26;
	v24 =	vld [tilespmem:s28+$0x2A0];
	v4 =	vsel vm1, v4, v23;
	[tilespmem:s20+$0x4880] =	vst v15;
	(erf) = vpow2.f32 v13;
	v7 =	vbroadcast v3, $0x0  }
0x1cd: {  	v29 =	vld [tilespmem:s31+$0x3E80];
	v4 =	vsub.f32 $0.0e+00, v4;
	v8 =	vbroadcast v3, $0x1;
	[tilespmem:s30+$0x7A80] =	vst v9  }
0x1ce: {  	v16 =	vadd.f32 v17, v16;
	v28 =	vld [tilespmem:s20+$0x290];
	v18 =	vmul.f32 v7, v11  }
0x1cf: {  	s4 =	sshll.u32 s4, $0x6;
	v4 =	vmul.f32 $1.442695020e+00, v4;
	v26 =	vmul.f32 v8, v11  }
0x1d0: {  	s4 =	sand.u32 $0x3FFFFFC0, s4;
	v16 =	vadd.f32 v20, v16;
	[tilespmem:s19+$0x4880] =	vst v18  }
0x1d1: {  	v11 =	vadd.f32 v27, v25;
	(erf) = vpow2.f32 v4;
	v30 =	vmul.f32 v63, v24;
	[tilespmem:s4+$0x7A80] =	vst v26  }
0x1d2: {  	v20 =	vmul.f32 $2.000000030e-01, v16;
	v10 =	vmul.f32 v12, v24;
	v9 =	vld [tilespmem:s19+$0x290]  }
0x1d3: {  	v32 =	vld [tilespmem:s17+$0x280];
	vm1 =	vge.f32 v16, $0.0e+00;
	v21 =	vadd.f32 v29, v11;
	v31 =	vmul.f32 v19, v28;
	[tilespmem:s28+$0x48A0] =	vst v30  }
0x1d4: {  	v33 =	vsel vm1, v16, v20;
	v15 =	vmul.f32 v14, v28;
	[tilespmem:s0+$0x7AA0] =	vst v10  }
0x1d5: {  	v35 =	vsub.f32 $0.0e+00, v33;
	v34 =	vmul.f32 $2.000000030e-01, v21;
	v11 =	vpop (erf);
	[tilespmem:s20+$0x4890] =	vst v31  }
0x1d6: {  	vm1 =	vge.f32 v21, $0.0e+00;
	v36 =	vld [tilespmem:s28+$0x2B0];
	v17 =	vbroadcast v11, $0x0;
	[tilespmem:s30+$0x7A90] =	vst v15  }
0x1d7: {  	v13 =	vmul.f32 $1.442695020e+00, v35;
	v10 =	vsel vm1, v21, v34;
	v38 =	vld [tilespmem:s20+$0x2A0];
	v22 =	vmul.f32 v7, v9  }
0x1d8: {  	v24 =	vld [tilespmem:s1+$0x280];
	v16 =	vbroadcast v11, $0x1;
	v21 =	vsub.f32 $0.0e+00, v10;
	v37 =	vmul.f32 v17, v32  }
0x1d9: {  	(erf) = vpow2.f32 v13;
	v23 =	vmul.f32 v8, v9;
	[tilespmem:s19+$0x4890] =	vst v22  }
0x1da: {  	s11 =	sshll.u32 s11, $0x6;
	v18 =	vmul.f32 v16, v32;
	v40 =	vmul.f32 $1.442695020e+00, v21;
	v4 =	vpop (erf);
	[tilespmem:s17+$0x4880] =	vst v37  }
0x1db: {  	s21 =	sand.u32 $0x3FFFFFC0, s11;
	v6 =	vmul.f32 v36, v63;
	v9 =	vbroadcast v4, $0x0;
	[tilespmem:s4+$0x7A90] =	vst v23  }
0x1dc: {  	(erf) = vpow2.f32 v40;
	[tilespmem:s21+$0x7A80] =	vst v18;
	v41 =	vld [tilespmem:s19+$0x2A0];
	v44 =	vmul.f32 v19, v38  }
0x1dd: {  	v10 =	vbroadcast v4, $0x1;
	v43 =	vld [tilespmem:s17+$0x290];
	[tilespmem:s28+$0x48B0] =	vst v6;
	v39 =	vmul.f32 v9, v24  }
0x1de: {  	v45 =	vmul.f32 v14, v38;
	[tilespmem:s20+$0x48A0] =	vst v44  }
0x1df: {  	s26 =	sshll.u32 s25, $0x6;
	v42 =	vmul.f32 v10, v24;
	[tilespmem:s1+$0x4880] =	vst v39  }
0x1e0: {  	v46 =	vld [tilespmem:s12+$0x280];
	s11 =	sand.u32 $0x3FFFFFC0, s26;
	v12 =	vmul.f32 v36, v12;
	[tilespmem:s30+$0x7AA0] =	vst v45  }
0x1e1: {  	[tilespmem:s11+$0x7A80] =	vst v42;
	v26 =	vld [tilespmem:s20+$0x2B0];
	v47 =	vmul.f32 v7, v41  }
0x1e2: {  	[tilespmem:s0+$0x7AB0] =	vst v12;
	v15 =	vpop (erf);
	v18 =	vld [tilespmem:s1+$0x290];
	v51 =	vmul.f32 v17, v43  }
0x1e3: {  	v52 =	vld [tilespmem:s3+$0x280];
	s26 =	sor.u32 $0x7, s24;
	v20 =	vbroadcast v15, $0x0;
	v49 =	vmul.f32 v8, v41;
	[tilespmem:s19+$0x48A0] =	vst v47  }
0x1e4: {  	s31 =	sshll.u32 s26, $0x4;
	s0 =	smul.u32 $0x50, s26;
	v53 =	vmul.f32 v16, v43;
	[tilespmem:s17+$0x4890] =	vst v51  }
0x1e5: {  	s29 =	sshll.u32 s29, $0x6;
	s16 =	sshll.u32 s16, $0x6;
	v48 =	vld [tilespmem:s31+$0x3480];
	v28 =	vmul.f32 v20, v46;
	v6 =	vpop (erf);
	[tilespmem:s4+$0x7AA0] =	vst v49  }
0x1e6: {  	s25 =	sand.u32 $0x3FFFFFC0, s16;
	s16 =	sand.u32 $0x3FFFFFC0, s29;
	s29 =	sadd.s32 $0x8, s24;
	v50 =	vld [tilespmem:s0+$0x2C0];
	[tilespmem:s21+$0x7A90] =	vst v53;
	v13 =	vbroadcast v6, $0x0;
	v19 =	vmul.f32 v26, v19  }
0x1e7: {  	v25 =	vld [tilespmem:s31+$0x3E80];
	s31 =	sshll.u32 s29, $0x4;
	[tilespmem:s12+$0x4880] =	vst v28;
	v54 =	vmul.f32 v9, v18  }
0x1e8: {  	v35 =	vld [tilespmem:s31+$0x3E80];
	v56 =	vmul.f32 v13, v52;
	[tilespmem:s20+$0x48B0] =	vst v19  }
0x1e9: {  	v12 =	vbroadcast v6, $0x1;
	v27 =	vld [tilespmem:s17+$0x2A0];
	v14 =	vmul.f32 v26, v14;
	[tilespmem:s1+$0x4890] =	vst v54  }
0x1ea: {  	v59 =	vld [tilespmem:s19+$0x2B0];
	v55 =	vmul.f32 v10, v18;
	v18 =	vbroadcast v15, $0x1;
	[tilespmem:s3+$0x4880] =	vst v56  }
0x1eb: {  	v32 =	vld [tilespmem:s28+$0x540];
	v22 =	vadd.f32 v50, v48;
	v58 =	vmul.f32 v12, v52;
	[tilespmem:s30+$0x7AB0] =	vst v14  }
0x1ec: {  	v63 =	vld [tilespmem:s31+$0x3480];
	v21 =	vmul.f32 v18, v46;
	[tilespmem:s11+$0x7A90] =	vst v55  }
0x1ed: {  	v22 =	vadd.f32 v25, v22;
	[tilespmem:s16+$0x7A80] =	vst v58;
	v57 =	vld [tilespmem:s1+$0x2A0]  }
0x1ee: {  	v5 =	vnsel vm0, $0x0, v5;
	[tilespmem:s25+$0x7A80] =	vst v21;
	v61 =	vmul.f32 v17, v27;
	v21 =	vld [tilespmem:s3+$0x290]  }
0x1ef: {  	v60 =	vmul.f32 $2.000000030e-01, v22;
	[tilespmem:s20+$0x48C0] =	vst v5;
	v7 =	vmul.f32 v59, v7;
	v29 =	vld [tilespmem:s12+$0x290]  }
0x1f0: {  	v39 =	vld [tilespmem:s28+$0x590];
	vm1 =	vge.f32 v22, $0.0e+00;
	s30 =	sadd.s32 $0x9, s24;
	v62 =	vmul.f32 v16, v27;
	[tilespmem:s17+$0x48A0] =	vst v61  }
0x1f1: {  	v48 =	vld [tilespmem:s28+$0x5E0];
	s31 =	sshll.u32 s30, $0x4;
	v22 =	vsel vm1, v22, v60;
	v43 =	vmul.f32 v59, v8;
	[tilespmem:s19+$0x48B0] =	vst v7  }
0x1f2: {  	s20 =	sadd.s32 $0xA, s24;
	v37 =	vld [tilespmem:s31+$0x3480];
	v22 =	vsub.f32 $0.0e+00, v22;
	[tilespmem:s21+$0x7AA0] =	vst v62;
	v31 =	vmul.f32 v9, v57  }
0x1f3: {  	v23 =	vadd.f32 v32, v63;
	v41 =	vld [tilespmem:s31+$0x3E80];
	s31 =	sshll.u32 s20, $0x4;
	[tilespmem:s4+$0x7AB0] =	vst v43;
	v38 =	vmul.f32 v13, v21  }
0x1f4: {  	v46 =	vld [tilespmem:s31+$0x3480];
	v22 =	vmul.f32 $1.442695020e+00, v22;
	v34 =	vmul.f32 v20, v29;
	[tilespmem:s1+$0x48A0] =	vst v31  }
0x1f5: {  	v42 =	vadd.f32 v35, v23;
	v33 =	vld [tilespmem:s17+$0x2B0];
	v21 =	vmul.f32 v12, v21;
	[tilespmem:s3+$0x4890] =	vst v38  }
0x1f6: {  	(erf) = vpow2.f32 v22;
	v36 =	vmul.f32 v18, v29;
	[tilespmem:s12+$0x4890] =	vst v34  }
0x1f7: {  	v23 =	vmul.f32 $2.000000030e-01, v42;
	v50 =	vld [tilespmem:s31+$0x3E80];
	v25 =	vmul.f32 v10, v57;
	[tilespmem:s16+$0x7A90] =	vst v21  }
0x1f8: {  	vm1 =	vge.f32 v42, $0.0e+00;
	v22 =	vadd.f32 v39, v37;
	[tilespmem:s25+$0x7A90] =	vst v36;
	v44 =	vld [tilespmem:s3+$0x2A0]  }
0x1f9: {  	v2 =	vnsel vm0, $0x0, v2;
	v3 =	vnsel vm0, $0x0, v3;
	v47 =	vsel vm1, v42, v23;
	[tilespmem:s11+$0x7AA0] =	vst v25;
	v25 =	vld [tilespmem:s12+$0x2A0]  }
0x1fa: {  	[tilespmem:s19+$0x48C0] =	vst v3;
	v5 =	vadd.f32 v48, v46;
	v19 =	vadd.f32 v41, v22;
	v3 =	vmul.f32 v33, v17  }
0x1fb: {  	[tilespmem:s28+$0x48C0] =	vst v2;
	v14 =	vmul.f32 v33, v16;
	v17 =	vsub.f32 $0.0e+00, v47  }
0x1fc: {  	v45 =	vld [tilespmem:s0+$0x280];
	s4 =	sadd.s32 $0xB, s24;
	v5 =	vadd.f32 v50, v5;
	v51 =	vmul.f32 $2.000000030e-01, v19;
	vm1 =	vge.f32 v19, $0.0e+00;
	[tilespmem:s17+$0x48B0] =	vst v3  }
0x1fd: {  	v54 =	vld [tilespmem:s28+$0x630];
	s31 =	sshll.u32 s4, $0x4;
	v3 =	vnsel vm0, $0x0, v11;
	v17 =	vmul.f32 $1.442695020e+00, v17;
	[tilespmem:s21+$0x7AB0] =	vst v14;
	v58 =	vmul.f32 v13, v44  }
0x1fe: {  	v52 =	vld [tilespmem:s31+$0x3480];
	v61 =	vmul.f32 $2.000000030e-01, v5;
	v19 =	vsel vm1, v19, v51;
	[tilespmem:s17+$0x48C0] =	vst v3;
	v49 =	vmul.f32 v20, v25  }
0x1ff: {  	v57 =	vld [tilespmem:s31+$0x3E80];
	vm1 =	vge.f32 v5, $0.0e+00;
	(erf) = vpow2.f32 v17;
	v2 =	vpop (erf);
	v53 =	vmul.f32 v18, v25;
	[tilespmem:s3+$0x48A0] =	vst v58  }
0x200: {  	v40 =	vld [tilespmem:s1+$0x2B0];
	v56 =	vsub.f32 $0.0e+00, v19;
	v8 =	vmul.f32 v12, v44;
	v11 =	vbroadcast v2, $0x0;
	[tilespmem:s12+$0x48A0] =	vst v49  }
0x201: {  	v5 =	vsel vm1, v5, v61;
	v3 =	vbroadcast v2, $0x1;
	[tilespmem:s25+$0x7AA0] =	vst v53  }
0x202: {  	v5 =	vsub.f32 $0.0e+00, v5;
	v16 =	vmul.f32 $1.442695020e+00, v56;
	v55 =	vmul.f32 v11, v45;
	[tilespmem:s16+$0x7AA0] =	vst v8;
	v14 =	vld [tilespmem:s12+$0x2B0]  }
0x203: {  	s26 =	sshll.u32 s26, $0x6;
	v59 =	vadd.f32 v54, v52;
	v7 =	vmul.f32 v3, v45;
	v23 =	vld [tilespmem:s3+$0x2B0]  }
0x204: {  	s17 =	sand.u32 $0x3FFFFFC0, s26;
	v5 =	vmul.f32 $1.442695020e+00, v5;
	(erf) = vpow2.f32 v16;
	[tilespmem:s0+$0x4880] =	vst v55  }
0x205: {  	v9 =	vmul.f32 v40, v9;
	[tilespmem:s17+$0x7A80] =	vst v7;
	v7 =	vadd.f32 v57, v59  }
0x206: {  	v63 =	vld [tilespmem:s28+$0x500];
	v10 =	vmul.f32 v40, v10;
	(erf) = vpow2.f32 v5  }
0x207: {  	[tilespmem:s1+$0x48B0] =	vst v9;
	v60 =	vld [tilespmem:s0+$0x290];
	v62 =	vmul.f32 v14, v20;
	v20 =	vmul.f32 $2.000000030e-01, v7  }
0x208: {  	v4 =	vnsel vm0, $0x0, v4;
	[tilespmem:s11+$0x7AB0] =	vst v10;
	vm1 =	vge.f32 v7, $0.0e+00;
	v17 =	vpop (erf);
	v28 =	vmul.f32 v23, v13  }
0x209: {  	[tilespmem:s1+$0x48C0] =	vst v4;
	v9 =	vbroadcast v17, $0x0;
	v7 =	vsel vm1, v7, v20  }
0x20a: {  	v31 =	vmul.f32 v23, v12;
	v21 =	vmul.f32 v14, v18;
	[tilespmem:s3+$0x48B0] =	vst v28;
	v7 =	vsub.f32 $0.0e+00, v7  }
0x20b: {  	v26 =	vld [tilespmem:s28+$0x550];
	v14 =	vbroadcast v17, $0x1;
	v27 =	vmul.f32 v9, v63;
	[tilespmem:s12+$0x48B0] =	vst v62  }
0x20c: {  	v24 =	vmul.f32 v11, v60;
	[tilespmem:s16+$0x7AB0] =	vst v31;
	v7 =	vmul.f32 $1.442695020e+00, v7  }
0x20d: {  	s31 =	sshll.u32 s29, $0x6;
	v8 =	vpop (erf);
	v25 =	vmul.f32 v3, v60;
	v29 =	vmul.f32 v14, v63;
	[tilespmem:s28+$0x4B00] =	vst v27  }
0x20e: {  	v35 =	vld [tilespmem:s28+$0x5A0];
	s11 =	sand.u32 $0x3FFFFFC0, s31;
	v5 =	vbroadcast v8, $0x0;
	[tilespmem:s0+$0x4890] =	vst v24;
	(erf) = vpow2.f32 v7  }
0x20f: {  	v4 =	vbroadcast v8, $0x1;
	[tilespmem:s11+$0x7A80] =	vst v29  }
0x210: {  	v38 =	vpop (erf);
	v33 =	vmul.f32 v5, v26;
	[tilespmem:s17+$0x7A90] =	vst v25;
	v32 =	vld [tilespmem:s28+$0x510]  }
0x211: {  	s19 =	sshll.u32 s30, $0x6;
	[tilespmem:s25+$0x7AB0] =	vst v21;
	v40 =	vbroadcast v38, $0x0;
	v34 =	vmul.f32 v4, v26;
	v30 =	vld [tilespmem:s0+$0x2A0]  }
0x212: {  	s21 =	sand.u32 $0x3FFFFFC0, s19;
	v43 =	vbroadcast v38, $0x1;
	[tilespmem:s28+$0x4B50] =	vst v33  }
0x213: {  	v6 =	vnsel vm0, $0x0, v6;
	v44 =	vmul.f32 v40, v35;
	[tilespmem:s21+$0x7A80] =	vst v34  }
0x214: {  	[tilespmem:s3+$0x48C0] =	vst v6;
	s25 =	sshll.u32 s20, $0x6;
	v47 =	vmul.f32 v43, v35;
	v7 =	vld [tilespmem:s28+$0x560]  }
0x215: {  	v41 =	vld [tilespmem:s28+$0x5F0];
	s26 =	sand.u32 $0x3FFFFFC0, s25;
	[tilespmem:s28+$0x4BA0] =	vst v44;
	v39 =	vmul.f32 v9, v32  }
0x216: {  	[tilespmem:s26+$0x7A80] =	vst v47;
	v36 =	vmul.f32 v11, v30  }
0x217: {  	v42 =	vmul.f32 v14, v32;
	[tilespmem:s28+$0x4B10] =	vst v39;
	v45 =	vpop (erf)  }
0x218: {  	v53 =	vld [tilespmem:s28+$0x5B0];
	v37 =	vmul.f32 v3, v30;
	[tilespmem:s0+$0x48A0] =	vst v36;
	v48 =	vbroadcast v45, $0x0  }
0x219: {  	[tilespmem:s11+$0x7A90] =	vst v42;
	v50 =	vmul.f32 v5, v7;
	v51 =	vbroadcast v45, $0x1  }
0x21a: {  	[tilespmem:s17+$0x7AA0] =	vst v37;
	v49 =	vld [tilespmem:s28+$0x520];
	v52 =	vmul.f32 v48, v41  }
0x21b: {  	s29 =	sshll.u32 s4, $0x6;
	[tilespmem:s28+$0x4B60] =	vst v50;
	v18 =	vmul.f32 v51, v41  }
0x21c: {  	s4 =	sand.u32 $0x3FFFFFC0, s29;
	v7 =	vmul.f32 v4, v7;
	v46 =	vld [tilespmem:s0+$0x2B0];
	[tilespmem:s28+$0x4BF0] =	vst v52  }
0x21d: {  	s30 =	sadd.s32 $0xC, s24;
	v59 =	vmul.f32 v40, v53;
	[tilespmem:s4+$0x7A80] =	vst v18  }
0x21e: {  	s31 =	sshll.u32 s30, $0x4;
	v61 =	vmul.f32 v43, v53;
	[tilespmem:s21+$0x7A90] =	vst v7;
	v56 =	vld [tilespmem:s28+$0x600]  }
0x21f: {  	v60 =	vld [tilespmem:s31+$0x3480];
	[tilespmem:s28+$0x4BB0] =	vst v59;
	v55 =	vmul.f32 v9, v49  }
0x220: {  	v62 =	vld [tilespmem:s28+$0x680];
	[tilespmem:s26+$0x7A90] =	vst v61;
	v57 =	vmul.f32 v14, v49  }
0x221: {  	v58 =	vld [tilespmem:s28+$0x570];
	v54 =	vmul.f32 v46, v11;
	[tilespmem:s28+$0x4B20] =	vst v55  }
0x222: {  	v25 =	vld [tilespmem:s31+$0x3E80];
	v3 =	vmul.f32 v46, v3;
	[tilespmem:s11+$0x7AA0] =	vst v57  }
0x223: {  	[tilespmem:s0+$0x48B0] =	vst v54;
	v63 =	vld [tilespmem:s28+$0x530];
	v24 =	vmul.f32 v48, v56  }
0x224: {  	[tilespmem:s17+$0x7AB0] =	vst v3;
	v3 =	vld [tilespmem:s28+$0x5C0];
	v7 =	vmul.f32 v51, v56  }
0x225: {  	[tilespmem:s28+$0x4C00] =	vst v24  }
0x226: {  	v2 =	vnsel vm0, $0x0, v2;
	v26 =	vmul.f32 v5, v58;
	[tilespmem:s4+$0x7A90] =	vst v7  }
0x227: {  	v27 =	vadd.f32 v62, v60;
	[tilespmem:s0+$0x48C0] =	vst v2;
	v2 =	vmul.f32 v4, v58;
	v28 =	vld [tilespmem:s28+$0x610]  }
0x228: {  	[tilespmem:s28+$0x4B70] =	vst v26;
	v9 =	vmul.f32 v63, v9  }
0x229: {  	v29 =	vadd.f32 v25, v27;
	[tilespmem:s21+$0x7AA0] =	vst v2;
	v2 =	vmul.f32 v40, v3  }
0x22a: {  	v30 =	vld [tilespmem:s28+$0x580];
	v3 =	vmul.f32 v43, v3;
	[tilespmem:s28+$0x4B30] =	vst v9  }
0x22b: {  	v31 =	vmul.f32 $2.000000030e-01, v29;
	v32 =	vmul.f32 v63, v14;
	[tilespmem:s28+$0x4BC0] =	vst v2  }
0x22c: {  	vm1 =	vge.f32 v29, $0.0e+00;
	[tilespmem:s26+$0x7AA0] =	vst v3;
	v2 =	vmul.f32 v48, v28  }
0x22d: {  	v3 =	vsel vm1, v29, v31;
	[tilespmem:s11+$0x7AB0] =	vst v32;
	v33 =	vld [tilespmem:s28+$0x5D0];
	v34 =	vmul.f32 v51, v28  }
0x22e: {  	v3 =	vsub.f32 $0.0e+00, v3;
	[tilespmem:s28+$0x4C10] =	vst v2  }
0x22f: {  	v5 =	vmul.f32 v30, v5;
	v2 =	vnsel vm0, $0x0, v17;
	[tilespmem:s4+$0x7AA0] =	vst v34  }
0x230: {  	v3 =	vmul.f32 $1.442695020e+00, v3;
	[tilespmem:s28+$0x4B40] =	vst v2;
	v2 =	vmul.f32 v30, v4;
	v35 =	vld [tilespmem:s28+$0x620]  }
0x231: {  	[tilespmem:s28+$0x4B80] =	vst v5  }
0x232: {  	(erf) = vpow2.f32 v3;
	v3 =	vmul.f32 v33, v40;
	[tilespmem:s21+$0x7AB0] =	vst v2;
	v2 =	vnsel vm0, $0x0, v8  }
0x233: {  	[tilespmem:s28+$0x4B90] =	vst v2;
	v2 =	vmul.f32 v33, v43  }
0x234: {  	[tilespmem:s28+$0x4BD0] =	vst v3  }
0x235: {  	[tilespmem:s26+$0x7AB0] =	vst v2;
	v2 =	vnsel vm0, $0x0, v38;
	v3 =	vmul.f32 v35, v48  }
0x236: {  	[tilespmem:s28+$0x4BE0] =	vst v2;
	v2 =	vmul.f32 v35, v51  }
0x237: {  	[tilespmem:s28+$0x4C20] =	vst v3  }
0x238: {  	v22 =	vnsel vm0, $0x0, v15;
	[tilespmem:s4+$0x7AB0] =	vst v2;
	v2 =	vnsel vm0, $0x0, v45  }
0x239: {  	[tilespmem:s12+$0x48C0] =	vst v22  }
0x23a: {  	s12 =	sadd.s32 $0xD, s24;
	[tilespmem:s28+$0x4C30] =	vst v2  }
0x23b: {  	s17 =	sshll.u32 s12, $0x4;
	v2 =	vpop (erf)  }
0x23c: {  	v3 =	vld [tilespmem:s17+$0x3480]  }
0x23d: {  	s19 =	sadd.s32 $0xE, s24;
	v36 =	vld [tilespmem:s28+$0x6D0]  }
0x23e: {  	s21 =	sshll.u32 s19, $0x4;
	v37 =	vld [tilespmem:s17+$0x3E80]  }
0x23f: {  	s25 =	sadd.s32 $0xF, s24;
	v38 =	vld [tilespmem:s21+$0x3480]  }
0x240: {  	s26 =	sshll.u32 s25, $0x4;
	v39 =	vld [tilespmem:s28+$0x720]  }
0x241: {  	v41 =	vld [tilespmem:s26+$0x3480]  }
0x242: {  	v42 =	vld [tilespmem:s28+$0x770]  }
0x243: {  	v43 =	vld [tilespmem:s28+$0x640]  }
0x244: {  	v40 =	vld [tilespmem:s21+$0x3E80];
	v3 =	vadd.f32 v36, v3;
	_ =	sdelay $0x1  }
0x245: {  	v45 =	vld [tilespmem:s26+$0x3E80];
	v8 =	vbroadcast v2, $0x0;
	v3 =	vadd.f32 v37, v3  }
0x246: {  	v9 =	vbroadcast v2, $0x1;
	v44 =	vadd.f32 v39, v38  }
0x247: {  	v4 =	vadd.f32 v42, v41;
	v48 =	vmul.f32 v8, v43;
	v46 =	vmul.f32 $2.000000030e-01, v3  }
0x248: {  	s29 =	sadd.s32 $0x10, s24;
	s1 =	sshll.u32 s30, $0x6;
	v49 =	vmul.f32 v9, v43;
	v5 =	vadd.f32 v40, v44;
	vm1 =	vge.f32 v3, $0.0e+00  }
0x249: {  	s30 =	sshll.u32 s29, $0x4;
	s1 =	sand.u32 $0x3FFFFFC0, s1;
	[tilespmem:s28+$0x4C40] =	vst v48;
	v3 =	vsel vm1, v3, v46  }
0x24a: {  	v52 =	vld [tilespmem:s30+$0x3480];
	v4 =	vadd.f32 v45, v4;
	[tilespmem:s1+$0x7A80] =	vst v49;
	v47 =	vmul.f32 $2.000000030e-01, v5;
	v3 =	vsub.f32 $0.0e+00, v3  }
0x24b: {  	v6 =	vld [tilespmem:s28+$0x650];
	vm1 =	vge.f32 v5, $0.0e+00  }
0x24c: {  	v53 =	vld [tilespmem:s28+$0x7C0];
	v50 =	vmul.f32 $2.000000030e-01, v4;
	v5 =	vsel vm1, v5, v47;
	v3 =	vmul.f32 $1.442695020e+00, v3  }
0x24d: {  	s31 =	sadd.s32 $0x11, s24;
	v54 =	vld [tilespmem:s30+$0x3E80];
	vm1 =	vge.f32 v4, $0.0e+00;
	v5 =	vsub.f32 $0.0e+00, v5  }
0x24e: {  	s17 =	sshll.u32 s31, $0x4;
	v56 =	vld [tilespmem:s28+$0x810];
	v4 =	vsel vm1, v4, v50;
	(erf) = vpow2.f32 v3  }
0x24f: {  	v55 =	vld [tilespmem:s17+$0x3480];
	v4 =	vsub.f32 $0.0e+00, v4;
	v3 =	vmul.f32 $1.442695020e+00, v5  }
0x250: {  	v59 =	vmul.f32 v8, v6;
	v6 =	vmul.f32 v9, v6  }
0x251: {  	v57 =	vld [tilespmem:s17+$0x3E80];
	(erf) = vpow2.f32 v3;
	v3 =	vmul.f32 $1.442695020e+00, v4;
	v4 =	vadd.f32 v53, v52  }
0x252: {  	[tilespmem:s28+$0x4C50] =	vst v59  }
0x253: {  	[tilespmem:s1+$0x7A90] =	vst v6;
	(erf) = vpow2.f32 v3;
	v10 =	vadd.f32 v54, v4  }
0x254: {  	v11 =	vadd.f32 v56, v55;
	v26 =	vld [tilespmem:s28+$0x660]  }
0x255: {  	v51 =	vld [tilespmem:s28+$0x690];
	v62 =	vmul.f32 $2.000000030e-01, v10  }
0x256: {  	v58 =	vld [tilespmem:s28+$0x6E0];
	v7 =	vadd.f32 v57, v11;
	vm1 =	vge.f32 v10, $0.0e+00  }
0x257: {  	s3 =	sshll.u32 s19, $0x6;
	s0 =	sshll.u32 s25, $0x6;
	v61 =	vld [tilespmem:s28+$0x730];
	v10 =	vsel vm1, v10, v62;
	v3 =	vpop (erf)  }
0x258: {  	s4 =	sshll.u32 s12, $0x6;
	s21 =	sand.u32 $0x3FFFFFC0, s3;
	v31 =	vld [tilespmem:s28+$0x780];
	s3 =	sadd.s32 $0x13, s24;
	v11 =	vmul.f32 $2.000000030e-01, v7;
	v10 =	vsub.f32 $0.0e+00, v10;
	v16 =	vbroadcast v3, $0x0  }
0x259: {  	s20 =	sand.u32 $0x3FFFFFC0, s4;
	s4 =	sadd.s32 $0x12, s24;
	s25 =	sshll.u32 s3, $0x4;
	v39 =	vld [tilespmem:s28+$0x860];
	v38 =	vmul.f32 v8, v26;
	v18 =	vbroadcast v3, $0x1  }
0x25a: {  	s19 =	sshll.u32 s4, $0x4;
	v42 =	vld [tilespmem:s25+$0x3480];
	v4 =	vpop (erf);
	v10 =	vmul.f32 $1.442695020e+00, v10;
	v60 =	vmul.f32 v16, v51  }
0x25b: {  	v37 =	vld [tilespmem:s19+$0x3480];
	vm1 =	vge.f32 v7, $0.0e+00;
	v17 =	vbroadcast v4, $0x0;
	v63 =	vmul.f32 v18, v51  }
0x25c: {  	v40 =	vld [tilespmem:s19+$0x3E80];
	v7 =	vsel vm1, v7, v11;
	[tilespmem:s28+$0x4C60] =	vst v38;
	v20 =	vbroadcast v4, $0x1;
	v5 =	vpop (erf);
	(erf) = vpow2.f32 v10  }
0x25d: {  	v44 =	vld [tilespmem:s28+$0x8B0];
	v7 =	vsub.f32 $0.0e+00, v7;
	v24 =	vmul.f32 v17, v58;
	[tilespmem:s28+$0x4C90] =	vst v60;
	v21 =	vbroadcast v5, $0x0  }
0x25e: {  	v48 =	vld [tilespmem:s25+$0x3E80];
	v13 =	vmul.f32 v20, v58;
	v22 =	vbroadcast v5, $0x1;
	[tilespmem:s20+$0x7A80] =	vst v63  }
0x25f: {  	v29 =	vmul.f32 $1.442695020e+00, v7;
	[tilespmem:s28+$0x4CE0] =	vst v24;
	v25 =	vmul.f32 v21, v61;
	v27 =	vld [tilespmem:s28+$0x6A0]  }
0x260: {  	v46 =	vld [tilespmem:s28+$0x7D0];
	v12 =	vmul.f32 v22, v61;
	[tilespmem:s21+$0x7A80] =	vst v13  }
0x261: {  	s0 =	sand.u32 $0x3FFFFFC0, s0;
	v47 =	vadd.f32 v39, v37;
	v11 =	vmul.f32 v9, v26;
	(erf) = vpow2.f32 v29;
	[tilespmem:s28+$0x4D30] =	vst v25;
	v28 =	vld [tilespmem:s28+$0x6F0]  }
0x262: {  	v62 =	vld [tilespmem:s28+$0x900];
	v13 =	vadd.f32 v44, v42;
	[tilespmem:s0+$0x7A80] =	vst v12  }
0x263: {  	s19 =	sadd.s32 $0x14, s24;
	[tilespmem:s1+$0x7AA0] =	vst v11;
	v11 =	vadd.f32 v40, v47;
	v30 =	vld [tilespmem:s28+$0x740]  }
0x264: {  	s26 =	sshll.u32 s19, $0x4;
	v52 =	vld [tilespmem:s28+$0x670];
	v13 =	vadd.f32 v48, v13;
	v41 =	vmul.f32 v16, v27  }
0x265: {  	v53 =	vmul.f32 $2.000000030e-01, v11;
	v63 =	vld [tilespmem:s26+$0x3E80];
	v43 =	vmul.f32 v18, v27  }
0x266: {  	v61 =	vld [tilespmem:s26+$0x3480];
	s26 =	sadd.s32 $0x16, s24;
	v58 =	vmul.f32 $2.000000030e-01, v13;
	v6 =	vpop (erf);
	[tilespmem:s28+$0x4CA0] =	vst v41;
	v45 =	vmul.f32 v17, v28  }
0x267: {  	s17 =	sadd.s32 $0x15, s24;
	v60 =	vld [tilespmem:s28+$0x820];
	s30 =	sshll.u32 s26, $0x4;
	v10 =	vmul.f32 v20, v28;
	v34 =	vbroadcast v6, $0x0;
	[tilespmem:s20+$0x7A90] =	vst v43  }
0x268: {  	s11 =	sshll.u32 s29, $0x6;
	s29 =	sshll.u32 s17, $0x4;
	vm1 =	vge.f32 v11, $0.0e+00;
	v39 =	vld [tilespmem:s30+$0x3480];
	v36 =	vbroadcast v6, $0x1;
	[tilespmem:s28+$0x4CF0] =	vst v45;
	v49 =	vmul.f32 v21, v30  }
0x269: {  	v48 =	vld [tilespmem:s29+$0x3480];
	v50 =	vmul.f32 v22, v30;
	v51 =	vmul.f32 v34, v31;
	[tilespmem:s21+$0x7A90] =	vst v10;
	v10 =	vsel vm1, v11, v53  }
0x26a: {  	v7 =	vpop (erf);
	v41 =	vld [tilespmem:s28+$0x9A0];
	v30 =	vmul.f32 v52, v8;
	vm1 =	vge.f32 v13, $0.0e+00;
	[tilespmem:s28+$0x4D40] =	vst v49;
	v10 =	vsub.f32 $0.0e+00, v10  }
0x26b: {  	v38 =	vbroadcast v7, $0x0;
	v15 =	vbroadcast v7, $0x1;
	v54 =	vld [tilespmem:s28+$0x6B0];
	[tilespmem:s28+$0x4D80] =	vst v51;
	v13 =	vsel vm1, v13, v58  }
0x26c: {  	v12 =	vmul.f32 v36, v31;
	v31 =	vld [tilespmem:s29+$0x3E80];
	[tilespmem:s28+$0x4C70] =	vst v30;
	v13 =	vsub.f32 $0.0e+00, v13;
	v10 =	vmul.f32 $1.442695020e+00, v10  }
0x26d: {  	s11 =	sand.u32 $0x3FFFFFC0, s11;
	v55 =	vmul.f32 v38, v46;
	v57 =	vmul.f32 v15, v46;
	v56 =	vld [tilespmem:s28+$0x700];
	[tilespmem:s0+$0x7A90] =	vst v50  }
0x26e: {  	s12 =	sshll.u32 s31, $0x6;
	v26 =	vadd.f32 v62, v61;
	v49 =	vld [tilespmem:s28+$0x950];
	[tilespmem:s11+$0x7A80] =	vst v12;
	v13 =	vmul.f32 $1.442695020e+00, v13;
	(erf) = vpow2.f32 v10  }
0x26f: {  	s25 =	sand.u32 $0x3FFFFFC0, s12;
	v19 =	vmul.f32 v52, v9;
	[tilespmem:s28+$0x4DD0] =	vst v55;
	v11 =	vld [tilespmem:s28+$0x750]  }
0x270: {  	v59 =	vld [tilespmem:s28+$0x790];
	[tilespmem:s25+$0x7A80] =	vst v57;
	(erf) = vpow2.f32 v13;
	v13 =	vadd.f32 v63, v26  }
0x271: {  	v2 =	vnsel vm0, $0x0, v2;
	s29 =	sadd.s32 $0x17, s24;
	[tilespmem:s1+$0x7AB0] =	vst v19;
	v12 =	vld [tilespmem:s28+$0x7E0];
	v32 =	vmul.f32 v16, v54  }
0x272: {  	s31 =	sshll.u32 s29, $0x4;
	v51 =	vld [tilespmem:s28+$0x9F0];
	[tilespmem:s28+$0x4C80] =	vst v2;
	v23 =	vmul.f32 v18, v54;
	v55 =	vmul.f32 $2.000000030e-01, v13  }
0x273: {  	v50 =	vld [tilespmem:s31+$0x3480];
	v40 =	vmul.f32 v17, v56;
	v14 =	vmul.f32 v20, v56;
	[tilespmem:s28+$0x4CB0] =	vst v32;
	vm1 =	vge.f32 v13, $0.0e+00  }
0x274: {  	v44 =	vld [tilespmem:s30+$0x3E80];
	s30 =	sadd.s32 $0x18, s24;
	v28 =	vadd.f32 v49, v48;
	[tilespmem:s20+$0x7AA0] =	vst v23;
	v42 =	vmul.f32 v21, v11;
	v13 =	vsel vm1, v13, v55  }
0x275: {  	s16 =	sshll.u32 s30, $0x4;
	v46 =	vld [tilespmem:s28+$0xA40];
	v43 =	vmul.f32 v34, v59;
	v25 =	vmul.f32 v36, v59;
	[tilespmem:s28+$0x4D00] =	vst v40;
	v13 =	vsub.f32 $0.0e+00, v13  }
0x276: {  	v54 =	vld [tilespmem:s16+$0x3480];
	v28 =	vadd.f32 v31, v28;
	v11 =	vmul.f32 v22, v11;
	v45 =	vmul.f32 v38, v12;
	[tilespmem:s21+$0x7AA0] =	vst v14  }
0x277: {  	v39 =	vadd.f32 v41, v39;
	v10 =	vld [tilespmem:s28+$0x870];
	v12 =	vmul.f32 v15, v12;
	[tilespmem:s28+$0x4D90] =	vst v43;
	v13 =	vmul.f32 $1.442695020e+00, v13;
	v8 =	vpop (erf)  }
0x278: {  	v53 =	vld [tilespmem:s31+$0x3E80];
	v27 =	vadd.f32 v51, v50;
	v56 =	vmul.f32 $2.000000030e-01, v28;
	[tilespmem:s28+$0x4D50] =	vst v42;
	v35 =	vbroadcast v8, $0x0  }
0x279: {  	v58 =	vld [tilespmem:s16+$0x3E80];
	vm1 =	vge.f32 v28, $0.0e+00;
	[tilespmem:s11+$0x7A90] =	vst v25;
	v33 =	vbroadcast v8, $0x1;
	v9 =	vpop (erf);
	(erf) = vpow2.f32 v13  }
0x27a: {  	[tilespmem:s28+$0x4DE0] =	vst v45;
	v59 =	vsel vm1, v28, v56;
	v63 =	vld [tilespmem:s28+$0x7A0];
	v37 =	vbroadcast v9, $0x0;
	v52 =	vmul.f32 v35, v60  }
0x27b: {  	s31 =	sshll.u32 s4, $0x6;
	[tilespmem:s25+$0x7A90] =	vst v12;
	v14 =	vsub.f32 $0.0e+00, v59;
	v19 =	vbroadcast v9, $0x1;
	v24 =	vmul.f32 v33, v60  }
0x27c: {  	s16 =	sand.u32 $0x3FFFFFC0, s31;
	v62 =	vadd.f32 v46, v54;
	v43 =	vld [tilespmem:s28+$0x7F0];
	v60 =	vadd.f32 v44, v39;
	v57 =	vmul.f32 v37, v10;
	[tilespmem:s28+$0x4E20] =	vst v52  }
0x27d: {  	s3 =	sshll.u32 s3, $0x6;
	v14 =	vmul.f32 $1.442695020e+00, v14;
	v10 =	vmul.f32 v19, v10;
	[tilespmem:s16+$0x7A80] =	vst v24  }
0x27e: {  	s12 =	sand.u32 $0x3FFFFFC0, s3;
	v26 =	vadd.f32 v53, v27;
	v41 =	vadd.f32 v58, v62;
	v61 =	vmul.f32 $2.000000030e-01, v60;
	[tilespmem:s28+$0x4E70] =	vst v57;
	v24 =	vld [tilespmem:s28+$0x830]  }
0x27f: {  	(erf) = vpow2.f32 v14;
	v46 =	vmul.f32 v34, v63;
	vm1 =	vge.f32 v60, $0.0e+00;
	[tilespmem:s12+$0x7A80] =	vst v10  }
0x280: {  	[tilespmem:s0+$0x7AA0] =	vst v11;
	v39 =	vmul.f32 $2.000000030e-01, v26;
	v49 =	vmul.f32 v36, v63;
	v31 =	vsel vm1, v60, v61;
	v51 =	vld [tilespmem:s28+$0x880]  }
0x281: {  	v54 =	vld [tilespmem:s28+$0x8C0];
	v50 =	vmul.f32 v38, v43;
	[tilespmem:s28+$0x4DA0] =	vst v46;
	vm1 =	vge.f32 v26, $0.0e+00;
	v12 =	vsub.f32 $0.0e+00, v31  }
0x282: {  	v45 =	vmul.f32 $2.000000030e-01, v41;
	v53 =	vmul.f32 v15, v43;
	[tilespmem:s11+$0x7AA0] =	vst v49;
	v44 =	vsel vm1, v26, v39;
	v39 =	vld [tilespmem:s28+$0x6C0]  }
0x283: {  	[tilespmem:s28+$0x4DF0] =	vst v50;
	v13 =	vsub.f32 $0.0e+00, v44;
	v12 =	vmul.f32 $1.442695020e+00, v12;
	v10 =	vpop (erf);
	v55 =	vmul.f32 v35, v24  }
0x284: {  	[tilespmem:s25+$0x7AA0] =	vst v53;
	v26 =	vbroadcast v10, $0x0;
	v56 =	vmul.f32 v33, v24  }
0x285: {  	v47 =	vmul.f32 $1.442695020e+00, v13;
	v58 =	vmul.f32 v37, v51;
	[tilespmem:s28+$0x4E30] =	vst v55  }
0x286: {  	v57 =	vld [tilespmem:s28+$0x910];
	vm1 =	vge.f32 v41, $0.0e+00;
	v23 =	vbroadcast v10, $0x1;
	v61 =	vmul.f32 v26, v54;
	[tilespmem:s16+$0x7A90] =	vst v56  }
0x287: {  	v14 =	vsel vm1, v41, v45;
	(erf) = vpow2.f32 v12;
	v16 =	vmul.f32 v39, v16;
	[tilespmem:s28+$0x4E80] =	vst v58  }
0x288: {  	v48 =	vsub.f32 $0.0e+00, v14;
	v11 =	vpop (erf);
	(erf) = vpow2.f32 v47;
	v14 =	vmul.f32 v19, v51;
	[tilespmem:s28+$0x4EC0] =	vst v61  }
0x289: {  	s4 =	sshll.u32 s19, $0x6;
	v41 =	vld [tilespmem:s28+$0x760];
	v25 =	vbroadcast v11, $0x0;
	v62 =	vmul.f32 v23, v54;
	[tilespmem:s28+$0x4CC0] =	vst v16  }
0x28a: {  	s19 =	sand.u32 $0x3FFFFFC0, s4;
	v52 =	vmul.f32 $1.442695020e+00, v48;
	v54 =	vld [tilespmem:s28+$0x7B0];
	v18 =	vmul.f32 v39, v18;
	[tilespmem:s12+$0x7A90] =	vst v14  }
0x28b: {  	v44 =	vld [tilespmem:s28+$0x800];
	v24 =	vbroadcast v11, $0x1;
	v51 =	vmul.f32 v25, v57;
	[tilespmem:s19+$0x7A80] =	vst v62  }
0x28c: {  	[tilespmem:s20+$0x7AB0] =	vst v18  }
0x28d: {  	s17 =	sshll.u32 s17, $0x6;
	v3 =	vnsel vm0, $0x0, v3;
	(erf) = vpow2.f32 v52;
	v52 =	vmul.f32 v24, v57;
	[tilespmem:s28+$0x4F10] =	vst v51  }
0x28e: {  	s17 =	sand.u32 $0x3FFFFFC0, s17;
	v59 =	vld [tilespmem:s28+$0x960];
	v62 =	vmul.f32 v41, v21;
	[tilespmem:s28+$0x4CD0] =	vst v3  }
0x28f: {  	s29 =	sshll.u32 s29, $0x6;
	v60 =	vld [tilespmem:s28+$0x710];
	[tilespmem:s17+$0x7A80] =	vst v52;
	v51 =	vmul.f32 v54, v34  }
0x290: {  	s3 =	sand.u32 $0x3FFFFFC0, s29;
	s29 =	sadd.s32 $0x19, s24;
	v63 =	vld [tilespmem:s28+$0x9B0];
	[tilespmem:s28+$0x4D60] =	vst v62;
	v52 =	vmul.f32 v54, v36;
	v54 =	vmul.f32 v44, v38;
	v12 =	vpop (erf)  }
0x291: {  	s31 =	sshll.u32 s29, $0x4;
	v53 =	vld [tilespmem:s28+$0xA00];
	[tilespmem:s28+$0x4DB0] =	vst v51;
	v28 =	vbroadcast v12, $0x0  }
0x292: {  	v15 =	vmul.f32 v44, v15;
	v61 =	vld [tilespmem:s31+$0x3480];
	[tilespmem:s28+$0x4E00] =	vst v54;
	v27 =	vbroadcast v12, $0x1;
	v13 =	vpop (erf)  }
0x293: {  	v46 =	vld [tilespmem:s28+$0x840];
	[tilespmem:s11+$0x7AB0] =	vst v52;
	v29 =	vbroadcast v13, $0x0;
	v55 =	vmul.f32 v28, v59  }
0x294: {  	s26 =	sshll.u32 s26, $0x6;
	s30 =	sshll.u32 s30, $0x6;
	s4 =	sadd.s32 $0x1A, s24;
	v48 =	vld [tilespmem:s28+$0x890];
	[tilespmem:s25+$0x7AB0] =	vst v15;
	v56 =	vmul.f32 v27, v59;
	v59 =	vmul.f32 v60, v17  }
0x295: {  	s1 =	sand.u32 $0x3FFFFFC0, s26;
	s26 =	sand.u32 $0x3FFFFFC0, s30;
	s30 =	sshll.u32 s4, $0x4;
	v49 =	vld [tilespmem:s28+$0x8D0];
	[tilespmem:s28+$0x4F60] =	vst v55  }
0x296: {  	v34 =	vld [tilespmem:s30+$0x3480];
	v30 =	vbroadcast v13, $0x1;
	v14 =	vpop (erf);
	v47 =	vmul.f32 v29, v63;
	[tilespmem:s28+$0x4D10] =	vst v59  }
0x297: {  	v38 =	vld [tilespmem:s30+$0x3E80];
	v31 =	vbroadcast v14, $0x0;
	v60 =	vmul.f32 v60, v20;
	[tilespmem:s1+$0x7A80] =	vst v56  }
0x298: {  	v50 =	vld [tilespmem:s28+$0x920];
	v57 =	vmul.f32 v30, v63;
	[tilespmem:s28+$0x4FB0] =	vst v47  }
0x299: {  	v52 =	vld [tilespmem:s28+$0xB80];
	v32 =	vbroadcast v14, $0x1;
	v58 =	vmul.f32 v31, v53;
	[tilespmem:s21+$0x7AB0] =	vst v60  }
0x29a: {  	v63 =	vld [tilespmem:s28+$0xA90];
	v55 =	vmul.f32 v35, v46;
	[tilespmem:s3+$0x7A80] =	vst v57  }
0x29b: {  	v42 =	vmul.f32 v32, v53;
	v53 =	vld [tilespmem:s28+$0xAE0];
	[tilespmem:s28+$0x5000] =	vst v58  }
0x29c: {  	v3 =	vnsel vm0, $0x0, v4;
	v59 =	vld [tilespmem:s28+$0xB30];
	[tilespmem:s28+$0x4E40] =	vst v55  }
0x29d: {  	v47 =	vmul.f32 v41, v22;
	v22 =	vld [tilespmem:s31+$0x3E80];
	[tilespmem:s28+$0x4D20] =	vst v3  }
0x29e: {  	v45 =	vld [tilespmem:s28+$0x970];
	v57 =	vmul.f32 v33, v46;
	[tilespmem:s26+$0x7A80] =	vst v42  }
0x29f: {  	s11 =	sadd.s32 $0x1C, s24;
	v58 =	vmul.f32 v37, v48;
	v39 =	vld [tilespmem:s28+$0x9C0];
	[tilespmem:s0+$0x7AB0] =	vst v47  }
0x2a0: {  	v60 =	vmul.f32 v19, v48;
	s21 =	sshll.u32 s11, $0x4;
	v48 =	vmul.f32 v25, v50;
	s0 =	sadd.s32 $0x1B, s24;
	v17 =	vld [tilespmem:s28+$0xA10];
	[tilespmem:s16+$0x7AA0] =	vst v57  }
0x2a1: {  	s31 =	sshll.u32 s0, $0x4;
	v20 =	vadd.f32 v63, v61;
	v61 =	vmul.f32 v26, v49;
	v63 =	vmul.f32 v23, v49;
	v49 =	vld [tilespmem:s21+$0x3480];
	[tilespmem:s28+$0x4E90] =	vst v58  }
0x2a2: {  	v50 =	vmul.f32 v24, v50;
	[tilespmem:s28+$0x4F20] =	vst v48;
	v56 =	vld [tilespmem:s31+$0x3480];
	v34 =	vadd.f32 v53, v34  }
0x2a3: {  	v62 =	vld [tilespmem:s31+$0x3E80];
	[tilespmem:s12+$0x7AA0] =	vst v60;
	v20 =	vadd.f32 v22, v20  }
0x2a4: {  	v58 =	vld [tilespmem:s28+$0x850];
	[tilespmem:s17+$0x7A90] =	vst v50;
	v51 =	vmul.f32 v28, v45;
	v34 =	vadd.f32 v38, v34  }
0x2a5: {  	v55 =	vld [tilespmem:s21+$0x3E80];
	[tilespmem:s28+$0x4ED0] =	vst v61;
	v53 =	vmul.f32 v27, v45;
	v54 =	vmul.f32 $2.000000030e-01, v20;
	vm1 =	vge.f32 v20, $0.0e+00  }
0x2a6: {  	[tilespmem:s19+$0x7A90] =	vst v63;
	v57 =	vmul.f32 $2.000000030e-01, v34;
	v22 =	vadd.f32 v52, v49;
	v63 =	vmul.f32 v32, v17  }
0x2a7: {  	v40 =	vld [tilespmem:s28+$0x8A0];
	[tilespmem:s28+$0x4F70] =	vst v51;
	v21 =	vadd.f32 v59, v56;
	v56 =	vmul.f32 v29, v39;
	v39 =	vmul.f32 v30, v39  }
0x2a8: {  	v43 =	vld [tilespmem:s28+$0x930];
	v20 =	vsel vm1, v20, v54;
	v59 =	vmul.f32 v31, v17;
	vm1 =	vge.f32 v34, $0.0e+00;
	[tilespmem:s1+$0x7A90] =	vst v53  }
0x2a9: {  	v52 =	vld [tilespmem:s28+$0xA50];
	v35 =	vmul.f32 v58, v35;
	v20 =	vsub.f32 $0.0e+00, v20;
	v21 =	vadd.f32 v62, v21;
	[tilespmem:s28+$0x4FC0] =	vst v56  }
0x2aa: {  	s21 =	sadd.s32 $0x1E, s24;
	v50 =	vmul.f32 v58, v33;
	v33 =	vld [tilespmem:s28+$0xAA0];
	v34 =	vsel vm1, v34, v57;
	v22 =	vadd.f32 v55, v22;
	[tilespmem:s28+$0x5010] =	vst v59  }
0x2ab: {  	v46 =	vld [tilespmem:s28+$0x980];
	v61 =	vsub.f32 $0.0e+00, v34;
	[tilespmem:s28+$0x4E50] =	vst v35;
	v20 =	vmul.f32 $1.442695020e+00, v20;
	v60 =	vmul.f32 $2.000000030e-01, v21  }
0x2ac: {  	s31 =	sshll.u32 s21, $0x4;
	v51 =	vmul.f32 v40, v37;
	v62 =	vld [tilespmem:s28+$0x8E0];
	[tilespmem:s3+$0x7A90] =	vst v39;
	v45 =	vmul.f32 $2.000000030e-01, v22;
	vm1 =	vge.f32 v21, $0.0e+00  }
0x2ad: {  	v37 =	vld [tilespmem:s31+$0x3E80];
	[tilespmem:s26+$0x7A90] =	vst v63;
	v18 =	vmul.f32 $1.442695020e+00, v61;
	(erf) = vpow2.f32 v20;
	v38 =	vsel vm1, v21, v60  }
0x2ae: {  	v34 =	vld [tilespmem:s28+$0xAF0];
	v56 =	vmul.f32 v25, v43;
	[tilespmem:s16+$0x7AB0] =	vst v50;
	vm1 =	vge.f32 v22, $0.0e+00;
	v17 =	vsub.f32 $0.0e+00, v38  }
0x2af: {  	s20 =	sadd.s32 $0x1D, s24;
	v57 =	vmul.f32 v24, v43;
	[tilespmem:s28+$0x4EA0] =	vst v51;
	v63 =	vld [tilespmem:s28+$0xC20];
	(erf) = vpow2.f32 v18;
	v49 =	vsel vm1, v22, v45  }
0x2b0: {  	s30 =	sshll.u32 s20, $0x4;
	v19 =	vmul.f32 v40, v19;
	v47 =	vld [tilespmem:s28+$0x9D0];
	[tilespmem:s28+$0x4F30] =	vst v56;
	v48 =	vmul.f32 $1.442695020e+00, v17;
	v17 =	vsub.f32 $0.0e+00, v49  }
0x2b1: {  	v20 =	vld [tilespmem:s30+$0x3480];
	[tilespmem:s17+$0x7AA0] =	vst v57;
	v58 =	vmul.f32 v28, v46;
	v53 =	vmul.f32 v26, v62  }
0x2b2: {  	[tilespmem:s12+$0x7AB0] =	vst v19;
	v50 =	vld [tilespmem:s28+$0x940];
	(erf) = vpow2.f32 v48;
	v54 =	vmul.f32 $1.442695020e+00, v17  }
0x2b3: {  	v59 =	vmul.f32 v27, v46;
	v60 =	vld [tilespmem:s28+$0xBD0];
	[tilespmem:s28+$0x4F80] =	vst v58  }
0x2b4: {  	v55 =	vmul.f32 v23, v62;
	[tilespmem:s28+$0x4EE0] =	vst v53;
	v49 =	vld [tilespmem:s31+$0x3480];
	(erf) = vpow2.f32 v54  }
0x2b5: {  	v61 =	vmul.f32 v29, v47;
	[tilespmem:s1+$0x7AA0] =	vst v59;
	v48 =	vld [tilespmem:s30+$0x3E80];
	s30 =	sadd.s32 $0x1F, s24  }
0x2b6: {  	v38 =	vmul.f32 v30, v47;
	v59 =	vld [tilespmem:s28+$0xC70];
	[tilespmem:s19+$0x7AA0] =	vst v55;
	s31 =	sshll.u32 s30, $0x4;
	v15 =	vpop (erf)  }
0x2b7: {  	[tilespmem:s28+$0x4FD0] =	vst v61;
	v25 =	vmul.f32 v50, v25;
	v51 =	vld [tilespmem:s31+$0x3480];
	v41 =	vbroadcast v15, $0x0  }
0x2b8: {  	v21 =	vld [tilespmem:s28+$0xA20];
	v24 =	vmul.f32 v50, v24;
	[tilespmem:s3+$0x7AA0] =	vst v38;
	v42 =	vbroadcast v15, $0x1;
	v16 =	vpop (erf)  }
0x2b9: {  	v20 =	vadd.f32 v60, v20;
	v60 =	vld [tilespmem:s31+$0x3E80];
	[tilespmem:s28+$0x4F40] =	vst v25;
	v43 =	vbroadcast v16, $0x0;
	v62 =	vmul.f32 v41, v52  }
0x2ba: {  	s25 =	sshll.u32 s29, $0x6;
	[tilespmem:s17+$0x7AB0] =	vst v24;
	v44 =	vbroadcast v16, $0x1;
	v22 =	vmul.f32 v42, v52  }
0x2bb: {  	v35 =	vld [tilespmem:s28+$0xB40];
	s16 =	sand.u32 $0x3FFFFFC0, s25;
	v57 =	vmul.f32 v43, v33;
	[tilespmem:s28+$0x5050] =	vst v62;
	v17 =	vpop (erf)  }
0x2bc: {  	s4 =	sshll.u32 s4, $0x6;
	v58 =	vmul.f32 v44, v33;
	v33 =	vadd.f32 v59, v51;
	[tilespmem:s16+$0x7A80] =	vst v22;
	v45 =	vbroadcast v17, $0x0  }
0x2bd: {  	s25 =	sand.u32 $0x3FFFFFC0, s4;
	v52 =	vmul.f32 v31, v21;
	v62 =	vadd.f32 v63, v49;
	[tilespmem:s28+$0x50A0] =	vst v57;
	v53 =	vld [tilespmem:s28+$0xA60];
	v46 =	vbroadcast v17, $0x1;
	v18 =	vpop (erf)  }
0x2be: {  	v22 =	vadd.f32 v60, v33;
	[tilespmem:s25+$0x7A80] =	vst v58;
	v54 =	vmul.f32 v45, v34;
	v47 =	vbroadcast v18, $0x0  }
0x2bf: {  	s0 =	sshll.u32 s0, $0x6;
	v20 =	vadd.f32 v48, v20;
	[tilespmem:s28+$0x5020] =	vst v52;
	v61 =	vld [tilespmem:s28+$0xAB0];
	v39 =	vbroadcast v18, $0x1;
	v34 =	vmul.f32 v46, v34  }
0x2c0: {  	s4 =	sand.u32 $0x3FFFFFC0, s0;
	v37 =	vadd.f32 v37, v62;
	v60 =	vmul.f32 $2.000000030e-01, v22;
	[tilespmem:s28+$0x50F0] =	vst v54;
	v63 =	vmul.f32 v47, v35  }
0x2c1: {  	s29 =	sshll.u32 s11, $0x6;
	v35 =	vmul.f32 v39, v35;
	v54 =	vmul.f32 $2.000000030e-01, v20;
	[tilespmem:s4+$0x7A80] =	vst v34  }
0x2c2: {  	s11 =	sand.u32 $0x3FFFFFC0, s29;
	vm1 =	vge.f32 v20, $0.0e+00;
	v58 =	vmul.f32 $2.000000030e-01, v37;
	v55 =	vmul.f32 v41, v53;
	v57 =	vld [tilespmem:s28+$0xB00];
	[tilespmem:s28+$0x5140] =	vst v63  }
0x2c3: {  	v40 =	vld [tilespmem:s28+$0xD10];
	v56 =	vmul.f32 v42, v53;
	v20 =	vsel vm1, v20, v54;
	vm1 =	vge.f32 v37, $0.0e+00;
	[tilespmem:s11+$0x7A80] =	vst v35  }
0x2c4: {  	v59 =	vmul.f32 v43, v61;
	v20 =	vsub.f32 $0.0e+00, v20;
	[tilespmem:s28+$0x5060] =	vst v55;
	v34 =	vsel vm1, v37, v58;
	v35 =	vld [tilespmem:s28+$0xB50]  }
0x2c5: {  	v38 =	vld [tilespmem:s28+$0xBE0];
	v36 =	vmul.f32 v44, v61;
	vm1 =	vge.f32 v22, $0.0e+00;
	[tilespmem:s16+$0x7A90] =	vst v56;
	v34 =	vsub.f32 $0.0e+00, v34  }
0x2c6: {  	v21 =	vmul.f32 v32, v21;
	v49 =	vld [tilespmem:s28+$0x8F0];
	[tilespmem:s28+$0x50B0] =	vst v59;
	v22 =	vsel vm1, v22, v60;
	v20 =	vmul.f32 $1.442695020e+00, v20  }
0x2c7: {  	v61 =	vld [tilespmem:s28+$0xA70];
	[tilespmem:s25+$0x7A90] =	vst v36;
	v22 =	vsub.f32 $0.0e+00, v22;
	v36 =	vmul.f32 $1.442695020e+00, v34;
	v62 =	vmul.f32 v45, v57  }
0x2c8: {  	v51 =	vld [tilespmem:s28+$0x9E0];
	[tilespmem:s26+$0x7AA0] =	vst v21;
	v63 =	vmul.f32 v46, v57;
	(erf) = vpow2.f32 v20  }
0x2c9: {  	v37 =	vld [tilespmem:s28+$0xAC0];
	v55 =	vmul.f32 $1.442695020e+00, v22;
	[tilespmem:s28+$0x5100] =	vst v62;
	v54 =	vmul.f32 v47, v35  }
0x2ca: {  	v48 =	vld [tilespmem:s28+$0x990];
	(erf) = vpow2.f32 v36;
	v35 =	vmul.f32 v39, v35;
	[tilespmem:s4+$0x7A90] =	vst v63  }
0x2cb: {  	v26 =	vmul.f32 v49, v26;
	v56 =	vld [tilespmem:s28+$0xB10];
	[tilespmem:s28+$0x5150] =	vst v54  }
0x2cc: {  	v52 =	vld [tilespmem:s28+$0xC30];
	(erf) = vpow2.f32 v55;
	v58 =	vmul.f32 v41, v61;
	[tilespmem:s11+$0x7A90] =	vst v35  }
0x2cd: {  	[tilespmem:s28+$0x4EF0] =	vst v26;
	v59 =	vmul.f32 v42, v61;
	v60 =	vld [tilespmem:s28+$0xB60]  }
0x2ce: {  	s29 =	sadd.s32 $0x20, s24;
	v50 =	vmul.f32 v51, v29;
	v29 =	vld [tilespmem:s28+$0xD60];
	v61 =	vmul.f32 v43, v37;
	[tilespmem:s28+$0x5070] =	vst v58  }
0x2cf: {  	s31 =	sshll.u32 s29, $0x4;
	v63 =	vld [tilespmem:s28+$0xB90];
	v62 =	vmul.f32 v44, v37;
	[tilespmem:s16+$0x7AA0] =	vst v59  }
0x2d0: {  	s20 =	sshll.u32 s20, $0x6;
	v53 =	vld [tilespmem:s31+$0x3480];
	[tilespmem:s28+$0x50C0] =	vst v61;
	v57 =	vmul.f32 v45, v56  }
0x2d1: {  	s21 =	sshll.u32 s21, $0x6;
	s0 =	sand.u32 $0x3FFFFFC0, s20;
	s30 =	sshll.u32 s30, $0x6;
	v55 =	vld [tilespmem:s28+$0xA30];
	[tilespmem:s25+$0x7AA0] =	vst v62;
	v22 =	vmul.f32 v46, v56;
	v20 =	vpop (erf)  }
0x2d2: {  	s20 =	sand.u32 $0x3FFFFFC0, s21;
	s21 =	sand.u32 $0x3FFFFFC0, s30;
	s30 =	sadd.s32 $0x21, s24;
	v54 =	vld [tilespmem:s28+$0xCC0];
	v33 =	vbroadcast v20, $0x0;
	[tilespmem:s28+$0x5110] =	vst v57;
	v58 =	vmul.f32 v47, v60  }
0x2d3: {  	v34 =	vbroadcast v20, $0x1;
	v21 =	vpop (erf);
	v59 =	vmul.f32 v39, v60;
	v57 =	vld [tilespmem:s31+$0x3E80];
	s31 =	sshll.u32 s30, $0x4;
	[tilespmem:s4+$0x7AA0] =	vst v22  }
0x2d4: {  	v35 =	vbroadcast v21, $0x0;
	v60 =	vmul.f32 v33, v63;
	v26 =	vld [tilespmem:s31+$0x3480];
	[tilespmem:s28+$0x5160] =	vst v58  }
0x2d5: {  	v36 =	vbroadcast v21, $0x1;
	v56 =	vmul.f32 v34, v63;
	v22 =	vpop (erf);
	v58 =	vld [tilespmem:s28+$0xA80];
	[tilespmem:s11+$0x7AA0] =	vst v59  }
0x2d6: {  	[tilespmem:s28+$0x5190] =	vst v60;
	v59 =	vmul.f32 v35, v38;
	v37 =	vbroadcast v22, $0x0;
	v60 =	vld [tilespmem:s28+$0xAD0]  }
0x2d7: {  	v53 =	vadd.f32 v54, v53;
	v61 =	vmul.f32 v36, v38;
	v38 =	vbroadcast v22, $0x1;
	[tilespmem:s0+$0x7A80] =	vst v56;
	v56 =	vld [tilespmem:s28+$0xB70]  }
0x2d8: {  	[tilespmem:s28+$0x51E0] =	vst v59;
	v59 =	vld [tilespmem:s28+$0xB20];
	v62 =	vmul.f32 v37, v52  }
0x2d9: {  	v52 =	vmul.f32 v38, v52;
	v63 =	vadd.f32 v57, v53;
	v53 =	vld [tilespmem:s28+$0xBA0];
	[tilespmem:s20+$0x7A80] =	vst v61  }
0x2da: {  	v26 =	vadd.f32 v40, v26;
	v40 =	vld [tilespmem:s28+$0xDB0];
	[tilespmem:s28+$0x5230] =	vst v62  }
0x2db: {  	v57 =	vmul.f32 v49, v23;
	v61 =	vmul.f32 $2.000000030e-01, v63;
	[tilespmem:s21+$0x7A80] =	vst v52;
	v52 =	vld [tilespmem:s28+$0xBF0]  }
0x2dc: {  	s12 =	sadd.s32 $0x22, s24;
	[tilespmem:s28+$0x4FE0] =	vst v50;
	v54 =	vmul.f32 v51, v30;
	vm1 =	vge.f32 v63, $0.0e+00;
	v23 =	vld [tilespmem:s28+$0xC40]  }
0x2dd: {  	[tilespmem:s19+$0x7AB0] =	vst v57;
	v57 =	vmul.f32 v55, v31;
	v62 =	vsel vm1, v63, v61;
	v63 =	vmul.f32 v48, v28;
	v28 =	vld [tilespmem:s31+$0x3E80];
	s31 =	sshll.u32 s12, $0x4  }
0x2de: {  	[tilespmem:s3+$0x7AB0] =	vst v54;
	s3 =	sadd.s32 $0x24, s24;
	v49 =	vmul.f32 v48, v27;
	v19 =	vsub.f32 $0.0e+00, v62;
	v27 =	vld [tilespmem:s31+$0x3480]  }
0x2df: {  	v61 =	vmul.f32 v55, v32;
	[tilespmem:s28+$0x5030] =	vst v57;
	v48 =	vmul.f32 v60, v43;
	v31 =	vld [tilespmem:s31+$0x3E80];
	s31 =	sshll.u32 s3, $0x4  }
0x2e0: {  	s17 =	sadd.s32 $0x23, s24;
	v55 =	vmul.f32 v56, v47;
	[tilespmem:s28+$0x4F90] =	vst v63;
	v54 =	vld [tilespmem:s31+$0x3480];
	v19 =	vmul.f32 $1.442695020e+00, v19  }
0x2e1: {  	s19 =	sshll.u32 s17, $0x4;
	v62 =	vmul.f32 v58, v41;
	v63 =	vmul.f32 v58, v42;
	[tilespmem:s26+$0x7AB0] =	vst v61;
	v58 =	vld [tilespmem:s28+$0xE00]  }
0x2e2: {  	v50 =	vmul.f32 v59, v45;
	[tilespmem:s28+$0x50D0] =	vst v48;
	(erf) = vpow2.f32 v19;
	v19 =	vld [tilespmem:s19+$0x3480]  }
0x2e3: {  	v51 =	vmul.f32 v59, v46;
	v57 =	vmul.f32 v33, v53;
	v42 =	vld [tilespmem:s19+$0x3E80];
	[tilespmem:s28+$0x5170] =	vst v55;
	v26 =	vadd.f32 v28, v26  }
0x2e4: {  	v59 =	vmul.f32 v34, v53;
	v61 =	vld [tilespmem:s31+$0x3E80];
	[tilespmem:s1+$0x7AB0] =	vst v49;
	v49 =	vmul.f32 v60, v44;
	v27 =	vadd.f32 v29, v27  }
0x2e5: {  	[tilespmem:s28+$0x5080] =	vst v62;
	v62 =	vmul.f32 v35, v52;
	v60 =	vmul.f32 $2.000000030e-01, v26  }
0x2e6: {  	[tilespmem:s16+$0x7AB0] =	vst v63;
	v63 =	vmul.f32 v36, v52;
	vm1 =	vge.f32 v26, $0.0e+00;
	v31 =	vadd.f32 v31, v27  }
0x2e7: {  	[tilespmem:s28+$0x5120] =	vst v50;
	v28 =	vadd.f32 v58, v54;
	v26 =	vsel vm1, v26, v60;
	v48 =	vadd.f32 v40, v19  }
0x2e8: {  	[tilespmem:s25+$0x7AB0] =	vst v49;
	v49 =	vmul.f32 v37, v23;
	v26 =	vsub.f32 $0.0e+00, v26;
	v50 =	vmul.f32 $2.000000030e-01, v31  }
0x2e9: {  	[tilespmem:s4+$0x7AB0] =	vst v51;
	v52 =	vld [tilespmem:s28+$0xC80];
	v29 =	vadd.f32 v61, v28;
	vm1 =	vge.f32 v31, $0.0e+00;
	v51 =	vadd.f32 v42, v48  }
0x2ea: {  	[tilespmem:s28+$0x51A0] =	vst v57;
	v23 =	vmul.f32 v38, v23;
	v26 =	vmul.f32 $1.442695020e+00, v26;
	v31 =	vsel vm1, v31, v50  }
0x2eb: {  	[tilespmem:s0+$0x7A90] =	vst v59;
	v57 =	vmul.f32 $2.000000030e-01, v29;
	v31 =	vsub.f32 $0.0e+00, v31;
	v19 =	vpop (erf);
	v53 =	vmul.f32 $2.000000030e-01, v51  }
0x2ec: {  	[tilespmem:s28+$0x51F0] =	vst v62;
	v54 =	vld [tilespmem:s28+$0xBB0];
	vm1 =	vge.f32 v51, $0.0e+00;
	(erf) = vpow2.f32 v26;
	v27 =	vbroadcast v19, $0x0  }
0x2ed: {  	[tilespmem:s20+$0x7A90] =	vst v63;
	v28 =	vbroadcast v19, $0x1;
	v31 =	vmul.f32 $1.442695020e+00, v31;
	v55 =	vsel vm1, v51, v53  }
0x2ee: {  	[tilespmem:s28+$0x5240] =	vst v49;
	vm1 =	vge.f32 v29, $0.0e+00;
	v26 =	vsub.f32 $0.0e+00, v55;
	v59 =	vmul.f32 v27, v52  }
0x2ef: {  	s19 =	sshll.u32 s29, $0x6;
	v58 =	vld [tilespmem:s28+$0xC00];
	[tilespmem:s21+$0x7A90] =	vst v23;
	v60 =	vmul.f32 v28, v52;
	v29 =	vsel vm1, v29, v57  }
0x2f0: {  	s1 =	sand.u32 $0x3FFFFFC0, s19;
	(erf) = vpow2.f32 v31;
	v62 =	vsub.f32 $0.0e+00, v29;
	v61 =	vmul.f32 $1.442695020e+00, v26;
	[tilespmem:s28+$0x5280] =	vst v59  }
0x2f1: {  	v3 =	vnsel vm0, $0x0, v5;
	v63 =	vmul.f32 v56, v39;
	v41 =	vld [tilespmem:s28+$0xC50];
	v39 =	vmul.f32 v33, v54;
	[tilespmem:s1+$0x7A80] =	vst v60  }
0x2f2: {  	[tilespmem:s28+$0x4D70] =	vst v3;
	v42 =	vmul.f32 $1.442695020e+00, v62;
	(erf) = vpow2.f32 v61;
	v43 =	vld [tilespmem:s28+$0xC90]  }
0x2f3: {  	[tilespmem:s11+$0x7AB0] =	vst v63;
	v24 =	vmul.f32 v34, v54  }
0x2f4: {  	v44 =	vmul.f32 v35, v58;
	[tilespmem:s28+$0x51B0] =	vst v39;
	(erf) = vpow2.f32 v42  }
0x2f5: {  	v46 =	vld [tilespmem:s28+$0xCD0];
	v45 =	vmul.f32 v36, v58;
	[tilespmem:s0+$0x7AA0] =	vst v24  }
0x2f6: {  	v47 =	vmul.f32 v37, v41;
	[tilespmem:s28+$0x5200] =	vst v44  }
0x2f7: {  	v49 =	vld [tilespmem:s28+$0xD20];
	v48 =	vmul.f32 v38, v41;
	[tilespmem:s20+$0x7AA0] =	vst v45;
	v23 =	vpop (erf);
	v25 =	vmul.f32 v28, v43  }
0x2f8: {  	[tilespmem:s28+$0x5250] =	vst v47;
	v31 =	vbroadcast v23, $0x0;
	v50 =	vmul.f32 v27, v43  }
0x2f9: {  	v51 =	vld [tilespmem:s28+$0xD70];
	[tilespmem:s21+$0x7AA0] =	vst v48;
	v32 =	vbroadcast v23, $0x1;
	v24 =	vpop (erf)  }
0x2fa: {  	v52 =	vmul.f32 v31, v46;
	v40 =	vbroadcast v24, $0x0;
	[tilespmem:s28+$0x5290] =	vst v50  }
0x2fb: {  	s25 =	sshll.u32 s30, $0x6;
	v53 =	vld [tilespmem:s28+$0xDC0];
	v29 =	vmul.f32 v32, v46;
	v41 =	vbroadcast v24, $0x1;
	[tilespmem:s1+$0x7A90] =	vst v25;
	v25 =	vpop (erf)  }
0x2fc: {  	s4 =	sand.u32 $0x3FFFFFC0, s25;
	[tilespmem:s28+$0x52D0] =	vst v52;
	v54 =	vmul.f32 v40, v49;
	v44 =	vbroadcast v25, $0x0  }
0x2fd: {  	s26 =	sshll.u32 s12, $0x6;
	[tilespmem:s4+$0x7A80] =	vst v29;
	v55 =	vmul.f32 v41, v49;
	v45 =	vld [tilespmem:s28+$0xCA0];
	v30 =	vbroadcast v25, $0x1;
	v26 =	vpop (erf)  }
0x2fe: {  	s12 =	sand.u32 $0x3FFFFFC0, s26;
	v56 =	vld [tilespmem:s28+$0xCE0];
	[tilespmem:s28+$0x5320] =	vst v54;
	v47 =	vbroadcast v26, $0x0;
	v57 =	vmul.f32 v44, v51  }
0x2ff: {  	s29 =	sshll.u32 s17, $0x6;
	[tilespmem:s12+$0x7A80] =	vst v55;
	v39 =	vbroadcast v26, $0x1;
	v58 =	vmul.f32 v30, v51  }
0x300: {  	s16 =	sand.u32 $0x3FFFFFC0, s29;
	v60 =	vmul.f32 v47, v53;
	[tilespmem:s28+$0x5370] =	vst v57  }
0x301: {  	s3 =	sshll.u32 s3, $0x6;
	v59 =	vld [tilespmem:s28+$0xD30];
	v61 =	vmul.f32 v39, v53;
	[tilespmem:s16+$0x7A80] =	vst v58  }
0x302: {  	s17 =	sand.u32 $0x3FFFFFC0, s3;
	v62 =	vmul.f32 v27, v45;
	[tilespmem:s28+$0x53C0] =	vst v60  }
0x303: {  	v51 =	vmul.f32 v31, v56;
	v63 =	vld [tilespmem:s28+$0xD80];
	[tilespmem:s17+$0x7A80] =	vst v61  }
0x304: {  	v52 =	vmul.f32 v32, v56;
	[tilespmem:s28+$0x52A0] =	vst v62  }
0x305: {  	[tilespmem:s28+$0x52E0] =	vst v51;
	v62 =	vmul.f32 v28, v45;
	v53 =	vld [tilespmem:s28+$0xDD0]  }
0x306: {  	v54 =	vmul.f32 v40, v59;
	[tilespmem:s4+$0x7A90] =	vst v52  }
0x307: {  	v55 =	vmul.f32 v41, v59;
	v56 =	vld [tilespmem:s28+$0xCF0];
	[tilespmem:s1+$0x7AA0] =	vst v62  }
0x308: {  	[tilespmem:s28+$0x5330] =	vst v54;
	v57 =	vmul.f32 v44, v63  }
0x309: {  	[tilespmem:s12+$0x7A90] =	vst v55;
	v55 =	vld [tilespmem:s28+$0xBC0];
	v58 =	vmul.f32 v30, v63  }
0x30a: {  	v59 =	vld [tilespmem:s28+$0xD40];
	v60 =	vmul.f32 v47, v53;
	[tilespmem:s28+$0x5380] =	vst v57  }
0x30b: {  	v61 =	vmul.f32 v39, v53;
	[tilespmem:s16+$0x7A90] =	vst v58  }
0x30c: {  	v45 =	vld [tilespmem:s28+$0xEF0];
	v51 =	vmul.f32 v31, v56;
	[tilespmem:s28+$0x53D0] =	vst v60  }
0x30d: {  	v52 =	vmul.f32 v32, v56;
	v57 =	vld [tilespmem:s28+$0xC10];
	[tilespmem:s17+$0x7A90] =	vst v61  }
0x30e: {  	v63 =	vld [tilespmem:s28+$0xD90];
	[tilespmem:s28+$0x52F0] =	vst v51;
	v33 =	vmul.f32 v55, v33  }
0x30f: {  	v61 =	vld [tilespmem:s28+$0xCB0];
	v54 =	vmul.f32 v40, v59;
	[tilespmem:s4+$0x7AA0] =	vst v52  }
0x310: {  	s11 =	sadd.s32 $0x25, s24;
	v34 =	vmul.f32 v55, v34;
	v53 =	vld [tilespmem:s28+$0xDE0];
	[tilespmem:s28+$0x51C0] =	vst v33  }
0x311: {  	s30 =	sshll.u32 s11, $0x4;
	v56 =	vmul.f32 v41, v59;
	v59 =	vld [tilespmem:s28+$0xC60];
	[tilespmem:s28+$0x5340] =	vst v54  }
0x312: {  	s31 =	sadd.s32 $0x26, s24;
	v52 =	vld [tilespmem:s30+$0x3480];
	v33 =	vnsel vm0, $0x0, v18;
	[tilespmem:s0+$0x7AB0] =	vst v34  }
0x313: {  	s25 =	sshll.u32 s31, $0x4;
	v50 =	vmul.f32 v57, v35;
	v54 =	vld [tilespmem:s28+$0xE50];
	[tilespmem:s28+$0x5180] =	vst v33  }
0x314: {  	v51 =	vmul.f32 v57, v36;
	v57 =	vld [tilespmem:s25+$0x3480];
	[tilespmem:s12+$0x7AA0] =	vst v56  }
0x315: {  	v58 =	vmul.f32 v44, v63;
	v60 =	vmul.f32 v30, v63;
	v63 =	vld [tilespmem:s28+$0xD00];
	[tilespmem:s28+$0x5210] =	vst v50  }
0x316: {  	v56 =	vld [tilespmem:s30+$0x3E80];
	[tilespmem:s20+$0x7AB0] =	vst v51  }
0x317: {  	v27 =	vmul.f32 v61, v27;
	v62 =	vmul.f32 v47, v53;
	[tilespmem:s28+$0x5390] =	vst v58;
	v58 =	vld [tilespmem:s28+$0xEA0]  }
0x318: {  	s26 =	sadd.s32 $0x27, s24;
	v43 =	vld [tilespmem:s28+$0xD50];
	v28 =	vmul.f32 v61, v28;
	v42 =	vmul.f32 v39, v53;
	[tilespmem:s16+$0x7AA0] =	vst v60  }
0x319: {  	s29 =	sshll.u32 s26, $0x4;
	v53 =	vmul.f32 v59, v37;
	v55 =	vmul.f32 v59, v38;
	[tilespmem:s28+$0x53E0] =	vst v62;
	v60 =	vld [tilespmem:s25+$0x3E80];
	v62 =	vadd.f32 v54, v52  }
0x31a: {  	v37 =	vnsel vm0, $0x0, v20;
	[tilespmem:s28+$0x52B0] =	vst v27;
	v59 =	vmul.f32 v63, v31;
	v61 =	vmul.f32 v63, v32;
	v63 =	vld [tilespmem:s29+$0x3480]  }
0x31b: {  	[tilespmem:s28+$0x51D0] =	vst v37;
	v29 =	vadd.f32 v56, v62  }
0x31c: {  	v48 =	vld [tilespmem:s29+$0x3E80];
	[tilespmem:s28+$0x5260] =	vst v53;
	v49 =	vadd.f32 v58, v57  }
0x31d: {  	[tilespmem:s1+$0x7AB0] =	vst v28;
	v52 =	vmul.f32 $2.000000030e-01, v29  }
0x31e: {  	[tilespmem:s17+$0x7AA0] =	vst v42;
	vm1 =	vge.f32 v29, $0.0e+00;
	v27 =	vadd.f32 v60, v49  }
0x31f: {  	[tilespmem:s21+$0x7AB0] =	vst v55;
	v40 =	vmul.f32 v43, v40;
	v29 =	vsel vm1, v29, v52;
	v55 =	vadd.f32 v45, v63  }
0x320: {  	[tilespmem:s28+$0x5300] =	vst v59;
	v29 =	vsub.f32 $0.0e+00, v29;
	v56 =	vmul.f32 $2.000000030e-01, v27  }
0x321: {  	v42 =	vld [tilespmem:s28+$0xDA0];
	v46 =	vmul.f32 v43, v41;
	[tilespmem:s28+$0x5350] =	vst v40;
	vm1 =	vge.f32 v27, $0.0e+00;
	v57 =	vadd.f32 v48, v55  }
0x322: {  	[tilespmem:s4+$0x7AB0] =	vst v61;
	v58 =	vmul.f32 $1.442695020e+00, v29;
	v2 =	vsel vm1, v27, v56  }
0x323: {  	v40 =	vnsel vm0, $0x0, v21;
	[tilespmem:s12+$0x7AB0] =	vst v46;
	v2 =	vsub.f32 $0.0e+00, v2;
	v59 =	vmul.f32 $2.000000030e-01, v57  }
0x324: {  	v61 =	vnsel vm0, $0x0, v7;
	[tilespmem:s28+$0x5220] =	vst v40;
	(erf) = vpow2.f32 v58;
	vm1 =	vge.f32 v57, $0.0e+00  }
0x325: {  	v60 =	vnsel vm0, $0x0, v6;
	[tilespmem:s28+$0x4E10] =	vst v61;
	v3 =	vsel vm1, v57, v59;
	v2 =	vmul.f32 $1.442695020e+00, v2  }
0x326: {  	v50 =	vmul.f32 v42, v44;
	v44 =	vnsel vm0, $0x0, v22;
	[tilespmem:s28+$0x4DC0] =	vst v60;
	v3 =	vsub.f32 $0.0e+00, v3  }
0x327: {  	[tilespmem:s28+$0x5270] =	vst v44;
	(erf) = vpow2.f32 v2;
	v2 =	vnsel vm0, $0x0, v8  }
0x328: {  	[tilespmem:s28+$0x4E60] =	vst v2;
	v2 =	vnsel vm0, $0x0, v9;
	v3 =	vmul.f32 $1.442695020e+00, v3  }
0x329: {  	[tilespmem:s28+$0x4EB0] =	vst v2;
	v2 =	vnsel vm0, $0x0, v10  }
0x32a: {  	[tilespmem:s28+$0x4F00] =	vst v2;
	v2 =	vnsel vm0, $0x0, v11;
	(erf) = vpow2.f32 v3  }
0x32b: {  	v3 =	vld [tilespmem:s28+$0xE10];
	[tilespmem:s28+$0x4F50] =	vst v2;
	v2 =	vnsel vm0, $0x0, v12  }
0x32c: {  	[tilespmem:s28+$0x4FA0] =	vst v2;
	v2 =	vnsel vm0, $0x0, v13  }
0x32d: {  	v35 =	vld [tilespmem:s28+$0xDF0];
	v62 =	vpop (erf);
	[tilespmem:s28+$0x4FF0] =	vst v2;
	v2 =	vnsel vm0, $0x0, v14  }
0x32e: {  	v27 =	vld [tilespmem:s28+$0xE60];
	v63 =	vbroadcast v62, $0x0;
	[tilespmem:s28+$0x5040] =	vst v2;
	v2 =	vnsel vm0, $0x0, v15  }
0x32f: {  	v28 =	vbroadcast v62, $0x1;
	[tilespmem:s28+$0x5090] =	vst v2;
	v2 =	vnsel vm0, $0x0, v16  }
0x330: {  	v51 =	vmul.f32 v42, v30;
	v30 =	vmul.f32 v63, v3;
	v29 =	vpop (erf);
	[tilespmem:s28+$0x50E0] =	vst v2;
	v2 =	vnsel vm0, $0x0, v17  }
0x331: {  	s30 =	sshll.u32 s11, $0x6;
	v31 =	vld [tilespmem:s28+$0xEB0];
	[tilespmem:s28+$0x5130] =	vst v2;
	v2 =	vmul.f32 v28, v3;
	v3 =	vbroadcast v29, $0x0  }
0x332: {  	s1 =	sand.u32 $0x3FFFFFC0, s30;
	v53 =	vmul.f32 v35, v47;
	[tilespmem:s28+$0x5410] =	vst v30;
	v32 =	vbroadcast v29, $0x1  }
0x333: {  	v54 =	vmul.f32 v35, v39;
	[tilespmem:s1+$0x7A80] =	vst v2;
	v2 =	vmul.f32 v3, v27;
	v34 =	vpop (erf)  }
0x334: {  	s0 =	sshll.u32 s31, $0x6;
	[tilespmem:s28+$0x53A0] =	vst v50;
	v6 =	vmul.f32 v32, v27;
	v35 =	vld [tilespmem:s28+$0xE20];
	v36 =	vbroadcast v34, $0x0  }
0x335: {  	s0 =	sand.u32 $0x3FFFFFC0, s0;
	[tilespmem:s28+$0x5460] =	vst v2;
	v2 =	vbroadcast v34, $0x1  }
0x336: {  	v47 =	vnsel vm0, $0x0, v19;
	[tilespmem:s0+$0x7A80] =	vst v6;
	v38 =	vmul.f32 v36, v31  }
0x337: {  	s3 =	sshll.u32 s26, $0x6;
	[tilespmem:s28+$0x52C0] =	vst v47;
	v39 =	vld [tilespmem:s28+$0xE70];
	v10 =	vmul.f32 v2, v31  }
0x338: {  	s3 =	sand.u32 $0x3FFFFFC0, s3;
	[tilespmem:s28+$0x54B0] =	vst v38  }
0x339: {  	[tilespmem:s3+$0x7A80] =	vst v10;
	v41 =	vmul.f32 v63, v35  }
0x33a: {  	[tilespmem:s16+$0x7AB0] =	vst v51;
	v42 =	vmul.f32 v28, v35;
	v43 =	vld [tilespmem:s28+$0xEC0]  }
0x33b: {  	[tilespmem:s28+$0x5420] =	vst v41  }
0x33c: {  	[tilespmem:s1+$0x7A90] =	vst v42;
	v45 =	vmul.f32 v3, v39  }
0x33d: {  	[tilespmem:s28+$0x53F0] =	vst v53;
	v14 =	vmul.f32 v32, v39;
	v46 =	vld [tilespmem:s28+$0xE30]  }
0x33e: {  	[tilespmem:s28+$0x5470] =	vst v45  }
0x33f: {  	v50 =	vnsel vm0, $0x0, v23;
	[tilespmem:s0+$0x7A90] =	vst v14;
	v48 =	vmul.f32 v36, v43  }
0x340: {  	[tilespmem:s28+$0x5310] =	vst v50;
	v11 =	vmul.f32 v2, v43;
	v49 =	vld [tilespmem:s28+$0xE80]  }
0x341: {  	[tilespmem:s28+$0x54C0] =	vst v48  }
0x342: {  	[tilespmem:s3+$0x7A90] =	vst v11;
	v51 =	vmul.f32 v63, v46  }
0x343: {  	[tilespmem:s17+$0x7AB0] =	vst v54;
	v10 =	vmul.f32 v28, v46;
	v52 =	vld [tilespmem:s28+$0xED0]  }
0x344: {  	[tilespmem:s28+$0x5430] =	vst v51  }
0x345: {  	v53 =	vnsel vm0, $0x0, v24;
	[tilespmem:s1+$0x7AA0] =	vst v10;
	v54 =	vmul.f32 v3, v49  }
0x346: {  	[tilespmem:s28+$0x5360] =	vst v53;
	v6 =	vmul.f32 v32, v49;
	v55 =	vld [tilespmem:s28+$0xE40]  }
0x347: {  	[tilespmem:s28+$0x5480] =	vst v54  }
0x348: {  	v56 =	vnsel vm0, $0x0, v25;
	[tilespmem:s0+$0x7AA0] =	vst v6;
	v57 =	vmul.f32 v36, v52  }
0x349: {  	[tilespmem:s28+$0x53B0] =	vst v56;
	v14 =	vmul.f32 v2, v52;
	v58 =	vld [tilespmem:s28+$0xE90]  }
0x34a: {  	[tilespmem:s28+$0x54D0] =	vst v57  }
0x34b: {  	v59 =	vnsel vm0, $0x0, v26;
	[tilespmem:s3+$0x7AA0] =	vst v14;
	v5 =	vmul.f32 v55, v63  }
0x34c: {  	[tilespmem:s28+$0x5400] =	vst v59;
	v60 =	vmul.f32 v55, v28;
	v61 =	vld [tilespmem:s28+$0xEE0]  }
0x34d: {  	[tilespmem:s28+$0x5440] =	vst v5  }
0x34e: {  	v4 =	vnsel vm0, $0x0, v62;
	[tilespmem:s1+$0x7AB0] =	vst v60;
	v3 =	vmul.f32 v58, v3  }
0x34f: {  	v62 =	vmul.f32 v58, v32;
	[tilespmem:s28+$0x5450] =	vst v4  }
0x350: {  	p4 =	slt.u32 s24, $0x28;
	[tilespmem:s28+$0x5490] =	vst v3  }
.Ltmp4:
0x351: {  	v3 =	vnsel vm0, $0x0, v29;
	[tilespmem:s0+$0x7AB0] =	vst v62;
	v63 =	vmul.f32 v61, v36;
	(pc) =	sbr.rel @p4 .LBB2_7-.Ltmp4, $4  }
0x352: {  	v2 =	vmul.f32 v61, v2;
	[tilespmem:s28+$0x54A0] =	vst v3  }
0x353: {  	[tilespmem:s28+$0x54E0] =	vst v63  }
0x354: {  	s31 =	sadd.s32 $0x28, s24;
	[tilespmem:s3+$0x7AB0] =	vst v2;
	v2 =	vnsel vm0, $0x0, v34  }
0x355: {  	s24 =	smov.u32 s31;
	[tilespmem:s28+$0x54F0] =	vst v2  }
0x356: {  	v2 =	vld [tilespmem:$0x0]  }
0x357: {  	v3 =	vld [tilespmem:$0x10]  }
0x358: {  	v4 =	vld [tilespmem:$0x20]  }
0x359: {  	v5 =	vld [tilespmem:$0x30]  }
0x35a: {  	v6 =	vld [tilespmem:$0x40]  }
0x35b: {  	[tilespmem:$0x1E0] =	vst v2  }
0x35c: {  	[tilespmem:$0x1F0] =	vst v3  }
0x35d: {  	[tilespmem:$0x200] =	vst v4  }
0x35e: {  	[tilespmem:$0x210] =	vst v5  }
0x35f: {  	s0 =	rddreg [dreg:$0x2];
	s3 =	simm.s32 $0x1E0;
	s1 =	simm.s32 $0x4880;
	[tilespmem:$0x220] =	vst v6  }
0x360: {  	[spmem:s0] =	stream.indirect.scatter.add.f32 [tilespmem:s1], [sflag:$0x9], $0x50, s3, s18, $0xb8;
	[tilespmem:$0x1EE10] =	vst v63  }
0x361: {  	p4 =	seq.s32 s23, $0x7C;
	s1 =	sld [smem:$0x7E1]  }
0x362: {  	s30 =	rddreg [dreg:$0x3];
	s0 =	smul.u32 @!p4 $0xA0, s23  }
0x363: {  	[spmem:s30] =	stream.indirect.scatter.add.f32 [tilespmem:s13], [sflag:$0xB], $0x40, s3, s18, $0xb8;
	[tilespmem:$0x1EE10] =	vst v63  }
0x364: {  	s0 =	sadd.s32 @!p4 s0, s1  }
0x365: {  	s0 =	sshrl.u32 @!p4 s0, $0x3  }
0x366: {  	s3 =	simm.s32 @!p4 $0x0;
	s1 =	sadd.s32 @!p4 s8, s0  }
0x367: {  	[tilespmem:s3], [sflag:$0x7] =	stream.linear.gather @!p4 [hbm4b:s1+s3], $0x50, $0x38;
	[tilespmem:$0x1EE10] =	vst v63  }
0x368: {  	s4 =	simm.s32 @!p4 $0xA0;
	s1 =	sadd.s32 @!p4 s9, s0  }
0x369: {  	[tilespmem:s4], [sflag:$0x7] =	stream.linear.gather @!p4 [hbm4b:s1+s3], $0x50, $0x38;
	[tilespmem:$0x1EE10] =	vst v63  }
0x36a: {  	s0 =	sadd.s32 @!p4 s10, s0;
	s1 =	simm.s32 @!p4 $0x140  }
0x36b: {  	[tilespmem:s1], [sflag:$0x7] =	stream.linear.gather @!p4 [hbm4b:s0+s3], $0x50, $0x38;
	[tilespmem:$0x1EE10] =	vst v63  }
0x36c: {  	s0 =	simm.s32 @!p4 $0x7  }
0x36d: {  	_ =	swait.ge @!p4 [sflag:s0], $0x50  }
0x36e: {  	[sflag:s0] =	ssyncset.done @!p4 $0x0  }
0x36f: {  	[sflag:s0] =	ssyncadd.s32 @!p4 $0xFFFFFFB0  }
0x370: {  	_ =	swait.ge @!p4 [sflag:s0], $0x50  }
0x371: {  	[sflag:s0] =	ssyncset.done @!p4 $0x0  }
0x372: {  	[sflag:s0] =	ssyncadd.s32 @!p4 $0xFFFFFFB0  }
0x373: {  	_ =	swait.ge @!p4 [sflag:s0], $0x50  }
0x374: {  	[sflag:s0] =	ssyncset.done @!p4 $0x0  }
0x375: {  	[sflag:s0] =	ssyncadd.s32 @!p4 $0xFFFFFFB0  }
0x376: {  	v2 =	vld @!p4 [tilespmem:$0xA0]  }
0x377: {  	v3 =	vld @!p4 [tilespmem:$0xB0]  }
0x378: {  	v4 =	vld @!p4 [tilespmem:$0xC0]  }
0x379: {  	v5 =	vld @!p4 [tilespmem:$0xD0]  }
0x37a: {  	v6 =	vld @!p4 [tilespmem:$0xE0]  }
0x37b: {  	v2 =	vadd.s32 @!p4 v0, v2  }
0x37c: {  	[tilespmem:$0xA0] =	vst @!p4 v2;
	v2 =	vadd.s32 @!p4 v0, v3  }
0x37d: {  	[tilespmem:$0xB0] =	vst @!p4 v2;
	v2 =	vadd.s32 @!p4 v0, v4  }
0x37e: {  	[tilespmem:$0xC0] =	vst @!p4 v2;
	v2 =	vadd.s32 @!p4 v0, v5  }
0x37f: {  	[tilespmem:$0xD0] =	vst @!p4 v2;
	v2 =	vadd.s32 @!p4 v0, v6  }
0x380: {  	s11 =	simm.s32 @!p4 $0x280;
	s0 =	simm.s32 @!p4 $0x50;
	[tilespmem:$0xE0] =	vst @!p4 v2  }
0x381: {  	[tilespmem:s11], [sflag:$0x1] =	stream.indirect.gather @!p4 [hbm4b:s5+s0], $0x50, s4, s0, $0xb8;
	[tilespmem:$0x1EE10] =	vst v63  }
0x382: {  	s4 =	simm.s32 @!p4 $0x3480  }
0x383: {  	[tilespmem:s4], [sflag:$0x2] =	stream.indirect.gather @!p4 [hbm4b:s6+s0], $0x10, s3, s0, $0xb8;
	[tilespmem:$0x1EE10] =	vst v63  }
0x384: {  	s31 =	simm.s32 $0x4;
	s3 =	simm.s32 @!p4 $0x3E80  }
0x385: {  	[tilespmem:s3], [sflag:$0x3] =	stream.indirect.gather @!p4 [hbm4b:s7+s0], $0x10, s1, s0, $0xb8;
	[tilespmem:$0x1EE10] =	vst v63  }
0x386: {  	_ =	swait.ge [sflag:s31], $0x1900  }
0x387: {  	[sflag:s31] =	ssyncset.done $0x0  }
0x388: {  	[sflag:s31] =	ssyncadd.s32 $0xFFFFE700  }
0x389: {  	_ =	swait.ge [sflag:s14], $0x500  }
0x38a: {  	[sflag:s14] =	ssyncset.done $0x0  }
0x38b: {  	[sflag:s14] =	ssyncadd.s32 $0xFFFFFB00  }
0x38c: {  	_ =	swait.ge [sflag:s15], $0x500  }
0x38d: {  	[sflag:s15] =	ssyncset.done $0x0  }
0x38e: {  	s0 =	simm.s32 @!p3 $0xA;
	[sflag:s15] =	ssyncadd.s32 $0xFFFFFB00  }
0x38f: {  	_ =	swait.ge @!p3 [sflag:s0], $0x1900  }
0x390: {  	[sflag:s0] =	ssyncset.done @!p3 $0x0  }
0x391: {  	[sflag:s0] =	ssyncadd.s32 @!p3 $0xFFFFE700  }
0x392: {  	_ =	swait.ge [sflag:s2], $0x1400  }
0x393: {  	[sflag:s2] =	ssyncset.done $0x0  }
0x394: {  	s24 =	simm.s32 $0x0;
	[sflag:s2] =	ssyncadd.s32 $0xFFFFEC00  }
.LBB2_9:
0x395: {  	s0 =	sshll.u32 s24, $0x4;
	s28 =	smul.u32 $0x50, s24  }
0x396: {  	v2 =	vld [tilespmem:s0+$0x3980]  }
0x397: {  	v3 =	vld [tilespmem:s28+$0x1BC0];
	_ =	sdelay $0x1  }
0x398: {  	v4 =	vld [tilespmem:s0+$0x4380];
	_ =	sdelay $0x2  }
0x399: {  	v2 =	vadd.f32 v3, v2;
	_ =	sdelay $0x1  }
0x39a: {  	s3 =	sor.u32 $0x1, s24;
	v2 =	vadd.f32 v4, v2  }
0x39b: {  	s20 =	smul.u32 $0x50, s3  }
0x39c: {  	v3 =	vmul.f32 $2.000000030e-01, v2  }
0x39d: {  	s26 =	sshll.u32 s3, $0x4;
	v60 =	vld [tilespmem:s20+$0x1BC0];
	vm1 =	vge.f32 v2, $0.0e+00  }
0x39e: {  	v2 =	vsel vm1, v2, v3;
	v3 =	vld [tilespmem:s26+$0x3980]  }
0x39f: {  	v2 =	vsub.f32 $0.0e+00, v2  }
0x3a0: {  	s4 =	sor.u32 $0x2, s24;
	v5 =	vld [tilespmem:s26+$0x4380]  }
0x3a1: {  	s29 =	sshll.u32 s4, $0x4;
	s19 =	smul.u32 $0x50, s4;
	v2 =	vmul.f32 $1.442695020e+00, v2  }
0x3a2: {  	v6 =	vld [tilespmem:s29+$0x3980]  }
0x3a3: {  	(erf) = vpow2.f32 v2;
	v2 =	vld [tilespmem:s19+$0x1BC0];
	v3 =	vadd.f32 v60, v3;
	_ =	sdelay $0x1  }
0x3a4: {  	v7 =	vld [tilespmem:s29+$0x4380];
	v3 =	vadd.f32 v5, v3;
	_ =	sdelay $0x1  }
0x3a5: {  	s11 =	sor.u32 $0x3, s24;
	v5 =	vmul.f32 $2.000000030e-01, v3  }
0x3a6: {  	s30 =	sshll.u32 s11, $0x4;
	s17 =	smul.u32 $0x50, s11;
	v61 =	vld [tilespmem:s28+$0x1B80];
	vm1 =	vge.f32 v3, $0.0e+00;
	v2 =	vadd.f32 v2, v6  }
0x3a7: {  	v17 =	vld [tilespmem:s30+$0x3980];
	v3 =	vsel vm1, v3, v5  }
0x3a8: {  	v9 =	vld [tilespmem:s17+$0x1BC0];
	v7 =	vadd.f32 v7, v2;
	v3 =	vsub.f32 $0.0e+00, v3;
	_ =	sdelay $0x1  }
0x3a9: {  	v10 =	vld [tilespmem:s30+$0x4380];
	v2 =	vpop (erf);
	v62 =	vmul.f32 $2.000000030e-01, v7;
	v3 =	vmul.f32 $1.442695020e+00, v3  }
0x3aa: {  	vm1 =	vge.f32 v7, $0.0e+00;
	v63 =	vbroadcast v2, $0x0  }
0x3ab: {  	v12 =	vbroadcast v2, $0x1;
	v5 =	vsel vm1, v7, v62;
	(erf) = vpow2.f32 v3  }
0x3ac: {  	s25 =	sor.u32 $0x4, s24;
	v7 =	vadd.f32 v9, v17;
	v8 =	vmul.f32 v63, v61;
	v5 =	vsub.f32 $0.0e+00, v5  }
0x3ad: {  	s12 =	sshll.u32 s24, $0x6;
	s16 =	sshll.u32 s25, $0x4;
	s1 =	smul.u32 $0x50, s25;
	v4 =	vmul.f32 v12, v61  }
0x3ae: {  	s0 =	sand.u32 $0x3FFFFFC0, s12;
	v18 =	vld [tilespmem:s16+$0x3980];
	v7 =	vadd.f32 v10, v7;
	[tilespmem:s28+$0x6180] =	vst v8;
	v3 =	vmul.f32 $1.442695020e+00, v5  }
0x3af: {  	v19 =	vld [tilespmem:s1+$0x1BC0];
	[tilespmem:s0+$0x7A80] =	vst v4  }
0x3b0: {  	v10 =	vmul.f32 $2.000000030e-01, v7;
	v20 =	vld [tilespmem:s28+$0x1B90];
	(erf) = vpow2.f32 v3  }
0x3b1: {  	vm1 =	vge.f32 v7, $0.0e+00;
	v3 =	vld [tilespmem:s16+$0x4380]  }
0x3b2: {  	v7 =	vsel vm1, v7, v10  }
0x3b3: {  	s29 =	sor.u32 $0x6, s24;
	v22 =	vld [tilespmem:s20+$0x1B80];
	v13 =	vsub.f32 $0.0e+00, v7  }
0x3b4: {  	v11 =	vld [tilespmem:s19+$0x1B80];
	s31 =	sshll.u32 s29, $0x4;
	v4 =	vadd.f32 v19, v18;
	s16 =	sor.u32 $0x5, s24  }
0x3b5: {  	v25 =	vld [tilespmem:s31+$0x3980];
	s21 =	sshll.u32 s16, $0x4;
	s12 =	smul.u32 $0x50, s16;
	v5 =	vpop (erf);
	v13 =	vmul.f32 $1.442695020e+00, v13  }
0x3b6: {  	s26 =	sshll.u32 s3, $0x6;
	s3 =	smul.u32 $0x50, s29;
	v16 =	vld [tilespmem:s21+$0x3980];
	v21 =	vmul.f32 v63, v20;
	v4 =	vadd.f32 v3, v4;
	v19 =	vbroadcast v5, $0x0  }
0x3b7: {  	v17 =	vld [tilespmem:s12+$0x1BC0];
	v8 =	vmul.f32 v12, v20;
	v14 =	vbroadcast v5, $0x1  }
0x3b8: {  	v27 =	vld [tilespmem:s3+$0x1BC0];
	[tilespmem:s28+$0x6190] =	vst v21;
	v23 =	vmul.f32 $2.000000030e-01, v4;
	v15 =	vmul.f32 v19, v22  }
0x3b9: {  	v20 =	vld [tilespmem:s21+$0x4380];
	vm1 =	vge.f32 v4, $0.0e+00;
	v9 =	vmul.f32 v14, v22;
	[tilespmem:s0+$0x7A90] =	vst v8;
	v3 =	vpop (erf)  }
0x3ba: {  	s30 =	sand.u32 $0x3FFFFFC0, s26;
	v24 =	vld [tilespmem:s28+$0x1BA0];
	v4 =	vsel vm1, v4, v23;
	[tilespmem:s20+$0x6180] =	vst v15;
	(erf) = vpow2.f32 v13;
	v7 =	vbroadcast v3, $0x0  }
0x3bb: {  	v29 =	vld [tilespmem:s31+$0x4380];
	v4 =	vsub.f32 $0.0e+00, v4;
	v8 =	vbroadcast v3, $0x1;
	[tilespmem:s30+$0x7A80] =	vst v9  }
0x3bc: {  	v16 =	vadd.f32 v17, v16;
	v28 =	vld [tilespmem:s20+$0x1B90];
	v18 =	vmul.f32 v7, v11  }
0x3bd: {  	s4 =	sshll.u32 s4, $0x6;
	v4 =	vmul.f32 $1.442695020e+00, v4;
	v26 =	vmul.f32 v8, v11  }
0x3be: {  	s4 =	sand.u32 $0x3FFFFFC0, s4;
	v16 =	vadd.f32 v20, v16;
	[tilespmem:s19+$0x6180] =	vst v18  }
0x3bf: {  	v11 =	vadd.f32 v27, v25;
	(erf) = vpow2.f32 v4;
	v30 =	vmul.f32 v63, v24;
	[tilespmem:s4+$0x7A80] =	vst v26  }
0x3c0: {  	v20 =	vmul.f32 $2.000000030e-01, v16;
	v10 =	vmul.f32 v12, v24;
	v9 =	vld [tilespmem:s19+$0x1B90]  }
0x3c1: {  	v32 =	vld [tilespmem:s17+$0x1B80];
	vm1 =	vge.f32 v16, $0.0e+00;
	v21 =	vadd.f32 v29, v11;
	v31 =	vmul.f32 v19, v28;
	[tilespmem:s28+$0x61A0] =	vst v30  }
0x3c2: {  	v33 =	vsel vm1, v16, v20;
	v15 =	vmul.f32 v14, v28;
	[tilespmem:s0+$0x7AA0] =	vst v10  }
0x3c3: {  	v35 =	vsub.f32 $0.0e+00, v33;
	v34 =	vmul.f32 $2.000000030e-01, v21;
	v11 =	vpop (erf);
	[tilespmem:s20+$0x6190] =	vst v31  }
0x3c4: {  	vm1 =	vge.f32 v21, $0.0e+00;
	v36 =	vld [tilespmem:s28+$0x1BB0];
	v17 =	vbroadcast v11, $0x0;
	[tilespmem:s30+$0x7A90] =	vst v15  }
0x3c5: {  	v13 =	vmul.f32 $1.442695020e+00, v35;
	v10 =	vsel vm1, v21, v34;
	v38 =	vld [tilespmem:s20+$0x1BA0];
	v22 =	vmul.f32 v7, v9  }
0x3c6: {  	v24 =	vld [tilespmem:s1+$0x1B80];
	v16 =	vbroadcast v11, $0x1;
	v21 =	vsub.f32 $0.0e+00, v10;
	v37 =	vmul.f32 v17, v32  }
0x3c7: {  	(erf) = vpow2.f32 v13;
	v23 =	vmul.f32 v8, v9;
	[tilespmem:s19+$0x6190] =	vst v22  }
0x3c8: {  	s11 =	sshll.u32 s11, $0x6;
	v18 =	vmul.f32 v16, v32;
	v40 =	vmul.f32 $1.442695020e+00, v21;
	v4 =	vpop (erf);
	[tilespmem:s17+$0x6180] =	vst v37  }
0x3c9: {  	s21 =	sand.u32 $0x3FFFFFC0, s11;
	v6 =	vmul.f32 v36, v63;
	v9 =	vbroadcast v4, $0x0;
	[tilespmem:s4+$0x7A90] =	vst v23  }
0x3ca: {  	(erf) = vpow2.f32 v40;
	[tilespmem:s21+$0x7A80] =	vst v18;
	v41 =	vld [tilespmem:s19+$0x1BA0];
	v44 =	vmul.f32 v19, v38  }
0x3cb: {  	v10 =	vbroadcast v4, $0x1;
	v43 =	vld [tilespmem:s17+$0x1B90];
	[tilespmem:s28+$0x61B0] =	vst v6;
	v39 =	vmul.f32 v9, v24  }
0x3cc: {  	v45 =	vmul.f32 v14, v38;
	[tilespmem:s20+$0x61A0] =	vst v44  }
0x3cd: {  	s26 =	sshll.u32 s25, $0x6;
	v42 =	vmul.f32 v10, v24;
	[tilespmem:s1+$0x6180] =	vst v39  }
0x3ce: {  	v46 =	vld [tilespmem:s12+$0x1B80];
	s11 =	sand.u32 $0x3FFFFFC0, s26;
	v12 =	vmul.f32 v36, v12;
	[tilespmem:s30+$0x7AA0] =	vst v45  }
0x3cf: {  	[tilespmem:s11+$0x7A80] =	vst v42;
	v26 =	vld [tilespmem:s20+$0x1BB0];
	v47 =	vmul.f32 v7, v41  }
0x3d0: {  	[tilespmem:s0+$0x7AB0] =	vst v12;
	v15 =	vpop (erf);
	v18 =	vld [tilespmem:s1+$0x1B90];
	v51 =	vmul.f32 v17, v43  }
0x3d1: {  	v52 =	vld [tilespmem:s3+$0x1B80];
	s26 =	sor.u32 $0x7, s24;
	v20 =	vbroadcast v15, $0x0;
	v49 =	vmul.f32 v8, v41;
	[tilespmem:s19+$0x61A0] =	vst v47  }
0x3d2: {  	s31 =	sshll.u32 s26, $0x4;
	s0 =	smul.u32 $0x50, s26;
	v53 =	vmul.f32 v16, v43;
	[tilespmem:s17+$0x6190] =	vst v51  }
0x3d3: {  	s29 =	sshll.u32 s29, $0x6;
	s16 =	sshll.u32 s16, $0x6;
	v48 =	vld [tilespmem:s31+$0x3980];
	v28 =	vmul.f32 v20, v46;
	v6 =	vpop (erf);
	[tilespmem:s4+$0x7AA0] =	vst v49  }
0x3d4: {  	s25 =	sand.u32 $0x3FFFFFC0, s16;
	s16 =	sand.u32 $0x3FFFFFC0, s29;
	s29 =	sadd.s32 $0x8, s24;
	v50 =	vld [tilespmem:s0+$0x1BC0];
	[tilespmem:s21+$0x7A90] =	vst v53;
	v13 =	vbroadcast v6, $0x0;
	v19 =	vmul.f32 v26, v19  }
0x3d5: {  	v25 =	vld [tilespmem:s31+$0x4380];
	s31 =	sshll.u32 s29, $0x4;
	[tilespmem:s12+$0x6180] =	vst v28;
	v54 =	vmul.f32 v9, v18  }
0x3d6: {  	v35 =	vld [tilespmem:s31+$0x4380];
	v56 =	vmul.f32 v13, v52;
	[tilespmem:s20+$0x61B0] =	vst v19  }
0x3d7: {  	v12 =	vbroadcast v6, $0x1;
	v27 =	vld [tilespmem:s17+$0x1BA0];
	v14 =	vmul.f32 v26, v14;
	[tilespmem:s1+$0x6190] =	vst v54  }
0x3d8: {  	v59 =	vld [tilespmem:s19+$0x1BB0];
	v55 =	vmul.f32 v10, v18;
	v18 =	vbroadcast v15, $0x1;
	[tilespmem:s3+$0x6180] =	vst v56  }
0x3d9: {  	v32 =	vld [tilespmem:s28+$0x1E40];
	v22 =	vadd.f32 v50, v48;
	v58 =	vmul.f32 v12, v52;
	[tilespmem:s30+$0x7AB0] =	vst v14  }
0x3da: {  	v63 =	vld [tilespmem:s31+$0x3980];
	v21 =	vmul.f32 v18, v46;
	[tilespmem:s11+$0x7A90] =	vst v55  }
0x3db: {  	v22 =	vadd.f32 v25, v22;
	[tilespmem:s16+$0x7A80] =	vst v58;
	v57 =	vld [tilespmem:s1+$0x1BA0]  }
0x3dc: {  	v5 =	vnsel vm0, $0x0, v5;
	[tilespmem:s25+$0x7A80] =	vst v21;
	v61 =	vmul.f32 v17, v27;
	v21 =	vld [tilespmem:s3+$0x1B90]  }
0x3dd: {  	v60 =	vmul.f32 $2.000000030e-01, v22;
	[tilespmem:s20+$0x61C0] =	vst v5;
	v7 =	vmul.f32 v59, v7;
	v29 =	vld [tilespmem:s12+$0x1B90]  }
0x3de: {  	v39 =	vld [tilespmem:s28+$0x1E90];
	vm1 =	vge.f32 v22, $0.0e+00;
	s30 =	sadd.s32 $0x9, s24;
	v62 =	vmul.f32 v16, v27;
	[tilespmem:s17+$0x61A0] =	vst v61  }
0x3df: {  	v48 =	vld [tilespmem:s28+$0x1EE0];
	s31 =	sshll.u32 s30, $0x4;
	v22 =	vsel vm1, v22, v60;
	v43 =	vmul.f32 v59, v8;
	[tilespmem:s19+$0x61B0] =	vst v7  }
0x3e0: {  	s20 =	sadd.s32 $0xA, s24;
	v37 =	vld [tilespmem:s31+$0x3980];
	v22 =	vsub.f32 $0.0e+00, v22;
	[tilespmem:s21+$0x7AA0] =	vst v62;
	v31 =	vmul.f32 v9, v57  }
0x3e1: {  	v23 =	vadd.f32 v32, v63;
	v41 =	vld [tilespmem:s31+$0x4380];
	s31 =	sshll.u32 s20, $0x4;
	[tilespmem:s4+$0x7AB0] =	vst v43;
	v38 =	vmul.f32 v13, v21  }
0x3e2: {  	v46 =	vld [tilespmem:s31+$0x3980];
	v22 =	vmul.f32 $1.442695020e+00, v22;
	v34 =	vmul.f32 v20, v29;
	[tilespmem:s1+$0x61A0] =	vst v31  }
0x3e3: {  	v42 =	vadd.f32 v35, v23;
	v33 =	vld [tilespmem:s17+$0x1BB0];
	v21 =	vmul.f32 v12, v21;
	[tilespmem:s3+$0x6190] =	vst v38  }
0x3e4: {  	(erf) = vpow2.f32 v22;
	v36 =	vmul.f32 v18, v29;
	[tilespmem:s12+$0x6190] =	vst v34  }
0x3e5: {  	v23 =	vmul.f32 $2.000000030e-01, v42;
	v50 =	vld [tilespmem:s31+$0x4380];
	v25 =	vmul.f32 v10, v57;
	[tilespmem:s16+$0x7A90] =	vst v21  }
0x3e6: {  	vm1 =	vge.f32 v42, $0.0e+00;
	v22 =	vadd.f32 v39, v37;
	[tilespmem:s25+$0x7A90] =	vst v36;
	v44 =	vld [tilespmem:s3+$0x1BA0]  }
0x3e7: {  	v2 =	vnsel vm0, $0x0, v2;
	v3 =	vnsel vm0, $0x0, v3;
	v47 =	vsel vm1, v42, v23;
	[tilespmem:s11+$0x7AA0] =	vst v25;
	v25 =	vld [tilespmem:s12+$0x1BA0]  }
0x3e8: {  	[tilespmem:s19+$0x61C0] =	vst v3;
	v5 =	vadd.f32 v48, v46;
	v19 =	vadd.f32 v41, v22;
	v3 =	vmul.f32 v33, v17  }
0x3e9: {  	[tilespmem:s28+$0x61C0] =	vst v2;
	v14 =	vmul.f32 v33, v16;
	v17 =	vsub.f32 $0.0e+00, v47  }
0x3ea: {  	v45 =	vld [tilespmem:s0+$0x1B80];
	s4 =	sadd.s32 $0xB, s24;
	v5 =	vadd.f32 v50, v5;
	v51 =	vmul.f32 $2.000000030e-01, v19;
	vm1 =	vge.f32 v19, $0.0e+00;
	[tilespmem:s17+$0x61B0] =	vst v3  }
0x3eb: {  	v54 =	vld [tilespmem:s28+$0x1F30];
	s31 =	sshll.u32 s4, $0x4;
	v3 =	vnsel vm0, $0x0, v11;
	v17 =	vmul.f32 $1.442695020e+00, v17;
	[tilespmem:s21+$0x7AB0] =	vst v14;
	v58 =	vmul.f32 v13, v44  }
0x3ec: {  	v52 =	vld [tilespmem:s31+$0x3980];
	v61 =	vmul.f32 $2.000000030e-01, v5;
	v19 =	vsel vm1, v19, v51;
	[tilespmem:s17+$0x61C0] =	vst v3;
	v49 =	vmul.f32 v20, v25  }
0x3ed: {  	v57 =	vld [tilespmem:s31+$0x4380];
	vm1 =	vge.f32 v5, $0.0e+00;
	(erf) = vpow2.f32 v17;
	v2 =	vpop (erf);
	v53 =	vmul.f32 v18, v25;
	[tilespmem:s3+$0x61A0] =	vst v58  }
0x3ee: {  	v40 =	vld [tilespmem:s1+$0x1BB0];
	v56 =	vsub.f32 $0.0e+00, v19;
	v8 =	vmul.f32 v12, v44;
	v11 =	vbroadcast v2, $0x0;
	[tilespmem:s12+$0x61A0] =	vst v49  }
0x3ef: {  	v5 =	vsel vm1, v5, v61;
	v3 =	vbroadcast v2, $0x1;
	[tilespmem:s25+$0x7AA0] =	vst v53  }
0x3f0: {  	v5 =	vsub.f32 $0.0e+00, v5;
	v16 =	vmul.f32 $1.442695020e+00, v56;
	v55 =	vmul.f32 v11, v45;
	[tilespmem:s16+$0x7AA0] =	vst v8;
	v14 =	vld [tilespmem:s12+$0x1BB0]  }
0x3f1: {  	s26 =	sshll.u32 s26, $0x6;
	v59 =	vadd.f32 v54, v52;
	v7 =	vmul.f32 v3, v45;
	v23 =	vld [tilespmem:s3+$0x1BB0]  }
0x3f2: {  	s17 =	sand.u32 $0x3FFFFFC0, s26;
	v5 =	vmul.f32 $1.442695020e+00, v5;
	(erf) = vpow2.f32 v16;
	[tilespmem:s0+$0x6180] =	vst v55  }
0x3f3: {  	v9 =	vmul.f32 v40, v9;
	[tilespmem:s17+$0x7A80] =	vst v7;
	v7 =	vadd.f32 v57, v59  }
0x3f4: {  	v63 =	vld [tilespmem:s28+$0x1E00];
	v10 =	vmul.f32 v40, v10;
	(erf) = vpow2.f32 v5  }
0x3f5: {  	[tilespmem:s1+$0x61B0] =	vst v9;
	v60 =	vld [tilespmem:s0+$0x1B90];
	v62 =	vmul.f32 v14, v20;
	v20 =	vmul.f32 $2.000000030e-01, v7  }
0x3f6: {  	v4 =	vnsel vm0, $0x0, v4;
	[tilespmem:s11+$0x7AB0] =	vst v10;
	vm1 =	vge.f32 v7, $0.0e+00;
	v17 =	vpop (erf);
	v28 =	vmul.f32 v23, v13  }
0x3f7: {  	[tilespmem:s1+$0x61C0] =	vst v4;
	v9 =	vbroadcast v17, $0x0;
	v7 =	vsel vm1, v7, v20  }
0x3f8: {  	v31 =	vmul.f32 v23, v12;
	v21 =	vmul.f32 v14, v18;
	[tilespmem:s3+$0x61B0] =	vst v28;
	v7 =	vsub.f32 $0.0e+00, v7  }
0x3f9: {  	v26 =	vld [tilespmem:s28+$0x1E50];
	v14 =	vbroadcast v17, $0x1;
	v27 =	vmul.f32 v9, v63;
	[tilespmem:s12+$0x61B0] =	vst v62  }
0x3fa: {  	v24 =	vmul.f32 v11, v60;
	[tilespmem:s16+$0x7AB0] =	vst v31;
	v7 =	vmul.f32 $1.442695020e+00, v7  }
0x3fb: {  	s31 =	sshll.u32 s29, $0x6;
	v8 =	vpop (erf);
	v25 =	vmul.f32 v3, v60;
	v29 =	vmul.f32 v14, v63;
	[tilespmem:s28+$0x6400] =	vst v27  }
0x3fc: {  	v35 =	vld [tilespmem:s28+$0x1EA0];
	s11 =	sand.u32 $0x3FFFFFC0, s31;
	v5 =	vbroadcast v8, $0x0;
	[tilespmem:s0+$0x6190] =	vst v24;
	(erf) = vpow2.f32 v7  }
0x3fd: {  	v4 =	vbroadcast v8, $0x1;
	[tilespmem:s11+$0x7A80] =	vst v29  }
0x3fe: {  	v38 =	vpop (erf);
	v33 =	vmul.f32 v5, v26;
	[tilespmem:s17+$0x7A90] =	vst v25;
	v32 =	vld [tilespmem:s28+$0x1E10]  }
0x3ff: {  	s19 =	sshll.u32 s30, $0x6;
	[tilespmem:s25+$0x7AB0] =	vst v21;
	v40 =	vbroadcast v38, $0x0;
	v34 =	vmul.f32 v4, v26;
	v30 =	vld [tilespmem:s0+$0x1BA0]  }
0x400: {  	s21 =	sand.u32 $0x3FFFFFC0, s19;
	v43 =	vbroadcast v38, $0x1;
	[tilespmem:s28+$0x6450] =	vst v33  }
0x401: {  	v6 =	vnsel vm0, $0x0, v6;
	v44 =	vmul.f32 v40, v35;
	[tilespmem:s21+$0x7A80] =	vst v34  }
0x402: {  	[tilespmem:s3+$0x61C0] =	vst v6;
	s25 =	sshll.u32 s20, $0x6;
	v47 =	vmul.f32 v43, v35;
	v7 =	vld [tilespmem:s28+$0x1E60]  }
0x403: {  	v41 =	vld [tilespmem:s28+$0x1EF0];
	s26 =	sand.u32 $0x3FFFFFC0, s25;
	[tilespmem:s28+$0x64A0] =	vst v44;
	v39 =	vmul.f32 v9, v32  }
0x404: {  	[tilespmem:s26+$0x7A80] =	vst v47;
	v36 =	vmul.f32 v11, v30  }
0x405: {  	v42 =	vmul.f32 v14, v32;
	[tilespmem:s28+$0x6410] =	vst v39;
	v45 =	vpop (erf)  }
0x406: {  	v53 =	vld [tilespmem:s28+$0x1EB0];
	v37 =	vmul.f32 v3, v30;
	[tilespmem:s0+$0x61A0] =	vst v36;
	v48 =	vbroadcast v45, $0x0  }
0x407: {  	[tilespmem:s11+$0x7A90] =	vst v42;
	v50 =	vmul.f32 v5, v7;
	v51 =	vbroadcast v45, $0x1  }
0x408: {  	[tilespmem:s17+$0x7AA0] =	vst v37;
	v49 =	vld [tilespmem:s28+$0x1E20];
	v52 =	vmul.f32 v48, v41  }
0x409: {  	s29 =	sshll.u32 s4, $0x6;
	[tilespmem:s28+$0x6460] =	vst v50;
	v18 =	vmul.f32 v51, v41  }
0x40a: {  	s4 =	sand.u32 $0x3FFFFFC0, s29;
	v7 =	vmul.f32 v4, v7;
	v46 =	vld [tilespmem:s0+$0x1BB0];
	[tilespmem:s28+$0x64F0] =	vst v52  }
0x40b: {  	s30 =	sadd.s32 $0xC, s24;
	v59 =	vmul.f32 v40, v53;
	[tilespmem:s4+$0x7A80] =	vst v18  }
0x40c: {  	s31 =	sshll.u32 s30, $0x4;
	v61 =	vmul.f32 v43, v53;
	[tilespmem:s21+$0x7A90] =	vst v7;
	v56 =	vld [tilespmem:s28+$0x1F00]  }
0x40d: {  	v60 =	vld [tilespmem:s31+$0x3980];
	[tilespmem:s28+$0x64B0] =	vst v59;
	v55 =	vmul.f32 v9, v49  }
0x40e: {  	v62 =	vld [tilespmem:s28+$0x1F80];
	[tilespmem:s26+$0x7A90] =	vst v61;
	v57 =	vmul.f32 v14, v49  }
0x40f: {  	v58 =	vld [tilespmem:s28+$0x1E70];
	v54 =	vmul.f32 v46, v11;
	[tilespmem:s28+$0x6420] =	vst v55  }
0x410: {  	v25 =	vld [tilespmem:s31+$0x4380];
	v3 =	vmul.f32 v46, v3;
	[tilespmem:s11+$0x7AA0] =	vst v57  }
0x411: {  	[tilespmem:s0+$0x61B0] =	vst v54;
	v63 =	vld [tilespmem:s28+$0x1E30];
	v24 =	vmul.f32 v48, v56  }
0x412: {  	[tilespmem:s17+$0x7AB0] =	vst v3;
	v3 =	vld [tilespmem:s28+$0x1EC0];
	v7 =	vmul.f32 v51, v56  }
0x413: {  	[tilespmem:s28+$0x6500] =	vst v24  }
0x414: {  	v2 =	vnsel vm0, $0x0, v2;
	v26 =	vmul.f32 v5, v58;
	[tilespmem:s4+$0x7A90] =	vst v7  }
0x415: {  	v27 =	vadd.f32 v62, v60;
	[tilespmem:s0+$0x61C0] =	vst v2;
	v2 =	vmul.f32 v4, v58;
	v28 =	vld [tilespmem:s28+$0x1F10]  }
0x416: {  	[tilespmem:s28+$0x6470] =	vst v26;
	v9 =	vmul.f32 v63, v9  }
0x417: {  	v29 =	vadd.f32 v25, v27;
	[tilespmem:s21+$0x7AA0] =	vst v2;
	v2 =	vmul.f32 v40, v3  }
0x418: {  	v30 =	vld [tilespmem:s28+$0x1E80];
	v3 =	vmul.f32 v43, v3;
	[tilespmem:s28+$0x6430] =	vst v9  }
0x419: {  	v31 =	vmul.f32 $2.000000030e-01, v29;
	v32 =	vmul.f32 v63, v14;
	[tilespmem:s28+$0x64C0] =	vst v2  }
0x41a: {  	vm1 =	vge.f32 v29, $0.0e+00;
	[tilespmem:s26+$0x7AA0] =	vst v3;
	v2 =	vmul.f32 v48, v28  }
0x41b: {  	v3 =	vsel vm1, v29, v31;
	[tilespmem:s11+$0x7AB0] =	vst v32;
	v33 =	vld [tilespmem:s28+$0x1ED0];
	v34 =	vmul.f32 v51, v28  }
0x41c: {  	v3 =	vsub.f32 $0.0e+00, v3;
	[tilespmem:s28+$0x6510] =	vst v2  }
0x41d: {  	v5 =	vmul.f32 v30, v5;
	v2 =	vnsel vm0, $0x0, v17;
	[tilespmem:s4+$0x7AA0] =	vst v34  }
0x41e: {  	v3 =	vmul.f32 $1.442695020e+00, v3;
	[tilespmem:s28+$0x6440] =	vst v2;
	v2 =	vmul.f32 v30, v4;
	v35 =	vld [tilespmem:s28+$0x1F20]  }
0x41f: {  	[tilespmem:s28+$0x6480] =	vst v5  }
0x420: {  	(erf) = vpow2.f32 v3;
	v3 =	vmul.f32 v33, v40;
	[tilespmem:s21+$0x7AB0] =	vst v2;
	v2 =	vnsel vm0, $0x0, v8  }
0x421: {  	[tilespmem:s28+$0x6490] =	vst v2;
	v2 =	vmul.f32 v33, v43  }
0x422: {  	[tilespmem:s28+$0x64D0] =	vst v3  }
0x423: {  	[tilespmem:s26+$0x7AB0] =	vst v2;
	v2 =	vnsel vm0, $0x0, v38;
	v3 =	vmul.f32 v35, v48  }
0x424: {  	[tilespmem:s28+$0x64E0] =	vst v2;
	v2 =	vmul.f32 v35, v51  }
0x425: {  	[tilespmem:s28+$0x6520] =	vst v3  }
0x426: {  	v22 =	vnsel vm0, $0x0, v15;
	[tilespmem:s4+$0x7AB0] =	vst v2;
	v2 =	vnsel vm0, $0x0, v45  }
0x427: {  	[tilespmem:s12+$0x61C0] =	vst v22  }
0x428: {  	s12 =	sadd.s32 $0xD, s24;
	[tilespmem:s28+$0x6530] =	vst v2  }
0x429: {  	s17 =	sshll.u32 s12, $0x4;
	v2 =	vpop (erf)  }
0x42a: {  	v3 =	vld [tilespmem:s17+$0x3980]  }
0x42b: {  	s19 =	sadd.s32 $0xE, s24;
	v36 =	vld [tilespmem:s28+$0x1FD0]  }
0x42c: {  	s21 =	sshll.u32 s19, $0x4;
	v37 =	vld [tilespmem:s17+$0x4380]  }
0x42d: {  	s25 =	sadd.s32 $0xF, s24;
	v38 =	vld [tilespmem:s21+$0x3980]  }
0x42e: {  	s26 =	sshll.u32 s25, $0x4;
	v39 =	vld [tilespmem:s28+$0x2020]  }
0x42f: {  	v41 =	vld [tilespmem:s26+$0x3980]  }
0x430: {  	v42 =	vld [tilespmem:s28+$0x2070]  }
0x431: {  	v43 =	vld [tilespmem:s28+$0x1F40]  }
0x432: {  	v40 =	vld [tilespmem:s21+$0x4380];
	v3 =	vadd.f32 v36, v3;
	_ =	sdelay $0x1  }
0x433: {  	v45 =	vld [tilespmem:s26+$0x4380];
	v8 =	vbroadcast v2, $0x0;
	v3 =	vadd.f32 v37, v3  }
0x434: {  	v9 =	vbroadcast v2, $0x1;
	v44 =	vadd.f32 v39, v38  }
0x435: {  	v4 =	vadd.f32 v42, v41;
	v48 =	vmul.f32 v8, v43;
	v46 =	vmul.f32 $2.000000030e-01, v3  }
0x436: {  	s29 =	sadd.s32 $0x10, s24;
	s1 =	sshll.u32 s30, $0x6;
	v49 =	vmul.f32 v9, v43;
	v5 =	vadd.f32 v40, v44;
	vm1 =	vge.f32 v3, $0.0e+00  }
0x437: {  	s30 =	sshll.u32 s29, $0x4;
	s1 =	sand.u32 $0x3FFFFFC0, s1;
	[tilespmem:s28+$0x6540] =	vst v48;
	v3 =	vsel vm1, v3, v46  }
0x438: {  	v52 =	vld [tilespmem:s30+$0x3980];
	v4 =	vadd.f32 v45, v4;
	[tilespmem:s1+$0x7A80] =	vst v49;
	v47 =	vmul.f32 $2.000000030e-01, v5;
	v3 =	vsub.f32 $0.0e+00, v3  }
0x439: {  	v6 =	vld [tilespmem:s28+$0x1F50];
	vm1 =	vge.f32 v5, $0.0e+00  }
0x43a: {  	v53 =	vld [tilespmem:s28+$0x20C0];
	v50 =	vmul.f32 $2.000000030e-01, v4;
	v5 =	vsel vm1, v5, v47;
	v3 =	vmul.f32 $1.442695020e+00, v3  }
0x43b: {  	s31 =	sadd.s32 $0x11, s24;
	v54 =	vld [tilespmem:s30+$0x4380];
	vm1 =	vge.f32 v4, $0.0e+00;
	v5 =	vsub.f32 $0.0e+00, v5  }
0x43c: {  	s17 =	sshll.u32 s31, $0x4;
	v56 =	vld [tilespmem:s28+$0x2110];
	v4 =	vsel vm1, v4, v50;
	(erf) = vpow2.f32 v3  }
0x43d: {  	v55 =	vld [tilespmem:s17+$0x3980];
	v4 =	vsub.f32 $0.0e+00, v4;
	v3 =	vmul.f32 $1.442695020e+00, v5  }
0x43e: {  	v59 =	vmul.f32 v8, v6;
	v6 =	vmul.f32 v9, v6  }
0x43f: {  	v57 =	vld [tilespmem:s17+$0x4380];
	(erf) = vpow2.f32 v3;
	v3 =	vmul.f32 $1.442695020e+00, v4;
	v4 =	vadd.f32 v53, v52  }
0x440: {  	[tilespmem:s28+$0x6550] =	vst v59  }
0x441: {  	[tilespmem:s1+$0x7A90] =	vst v6;
	(erf) = vpow2.f32 v3;
	v10 =	vadd.f32 v54, v4  }
0x442: {  	v11 =	vadd.f32 v56, v55;
	v26 =	vld [tilespmem:s28+$0x1F60]  }
0x443: {  	v51 =	vld [tilespmem:s28+$0x1F90];
	v62 =	vmul.f32 $2.000000030e-01, v10  }
0x444: {  	v58 =	vld [tilespmem:s28+$0x1FE0];
	v7 =	vadd.f32 v57, v11;
	vm1 =	vge.f32 v10, $0.0e+00  }
0x445: {  	s3 =	sshll.u32 s19, $0x6;
	s0 =	sshll.u32 s25, $0x6;
	v61 =	vld [tilespmem:s28+$0x2030];
	v10 =	vsel vm1, v10, v62;
	v3 =	vpop (erf)  }
0x446: {  	s4 =	sshll.u32 s12, $0x6;
	s21 =	sand.u32 $0x3FFFFFC0, s3;
	v31 =	vld [tilespmem:s28+$0x2080];
	s3 =	sadd.s32 $0x13, s24;
	v11 =	vmul.f32 $2.000000030e-01, v7;
	v10 =	vsub.f32 $0.0e+00, v10;
	v16 =	vbroadcast v3, $0x0  }
0x447: {  	s20 =	sand.u32 $0x3FFFFFC0, s4;
	s4 =	sadd.s32 $0x12, s24;
	s25 =	sshll.u32 s3, $0x4;
	v39 =	vld [tilespmem:s28+$0x2160];
	v38 =	vmul.f32 v8, v26;
	v18 =	vbroadcast v3, $0x1  }
0x448: {  	s19 =	sshll.u32 s4, $0x4;
	v42 =	vld [tilespmem:s25+$0x3980];
	v4 =	vpop (erf);
	v10 =	vmul.f32 $1.442695020e+00, v10;
	v60 =	vmul.f32 v16, v51  }
0x449: {  	v37 =	vld [tilespmem:s19+$0x3980];
	vm1 =	vge.f32 v7, $0.0e+00;
	v17 =	vbroadcast v4, $0x0;
	v63 =	vmul.f32 v18, v51  }
0x44a: {  	v40 =	vld [tilespmem:s19+$0x4380];
	v7 =	vsel vm1, v7, v11;
	[tilespmem:s28+$0x6560] =	vst v38;
	v20 =	vbroadcast v4, $0x1;
	v5 =	vpop (erf);
	(erf) = vpow2.f32 v10  }
0x44b: {  	v44 =	vld [tilespmem:s28+$0x21B0];
	v7 =	vsub.f32 $0.0e+00, v7;
	v24 =	vmul.f32 v17, v58;
	[tilespmem:s28+$0x6590] =	vst v60;
	v21 =	vbroadcast v5, $0x0  }
0x44c: {  	v48 =	vld [tilespmem:s25+$0x4380];
	v13 =	vmul.f32 v20, v58;
	v22 =	vbroadcast v5, $0x1;
	[tilespmem:s20+$0x7A80] =	vst v63  }
0x44d: {  	v29 =	vmul.f32 $1.442695020e+00, v7;
	[tilespmem:s28+$0x65E0] =	vst v24;
	v25 =	vmul.f32 v21, v61;
	v27 =	vld [tilespmem:s28+$0x1FA0]  }
0x44e: {  	v46 =	vld [tilespmem:s28+$0x20D0];
	v12 =	vmul.f32 v22, v61;
	[tilespmem:s21+$0x7A80] =	vst v13  }
0x44f: {  	s0 =	sand.u32 $0x3FFFFFC0, s0;
	v47 =	vadd.f32 v39, v37;
	v11 =	vmul.f32 v9, v26;
	(erf) = vpow2.f32 v29;
	[tilespmem:s28+$0x6630] =	vst v25;
	v28 =	vld [tilespmem:s28+$0x1FF0]  }
0x450: {  	v62 =	vld [tilespmem:s28+$0x2200];
	v13 =	vadd.f32 v44, v42;
	[tilespmem:s0+$0x7A80] =	vst v12  }
0x451: {  	s19 =	sadd.s32 $0x14, s24;
	[tilespmem:s1+$0x7AA0] =	vst v11;
	v11 =	vadd.f32 v40, v47;
	v30 =	vld [tilespmem:s28+$0x2040]  }
0x452: {  	s26 =	sshll.u32 s19, $0x4;
	v52 =	vld [tilespmem:s28+$0x1F70];
	v13 =	vadd.f32 v48, v13;
	v41 =	vmul.f32 v16, v27  }
0x453: {  	v53 =	vmul.f32 $2.000000030e-01, v11;
	v63 =	vld [tilespmem:s26+$0x4380];
	v43 =	vmul.f32 v18, v27  }
0x454: {  	v61 =	vld [tilespmem:s26+$0x3980];
	s26 =	sadd.s32 $0x16, s24;
	v58 =	vmul.f32 $2.000000030e-01, v13;
	v6 =	vpop (erf);
	[tilespmem:s28+$0x65A0] =	vst v41;
	v45 =	vmul.f32 v17, v28  }
0x455: {  	s17 =	sadd.s32 $0x15, s24;
	v60 =	vld [tilespmem:s28+$0x2120];
	s30 =	sshll.u32 s26, $0x4;
	v10 =	vmul.f32 v20, v28;
	v34 =	vbroadcast v6, $0x0;
	[tilespmem:s20+$0x7A90] =	vst v43  }
0x456: {  	s11 =	sshll.u32 s29, $0x6;
	s29 =	sshll.u32 s17, $0x4;
	vm1 =	vge.f32 v11, $0.0e+00;
	v39 =	vld [tilespmem:s30+$0x3980];
	v36 =	vbroadcast v6, $0x1;
	[tilespmem:s28+$0x65F0] =	vst v45;
	v49 =	vmul.f32 v21, v30  }
0x457: {  	v48 =	vld [tilespmem:s29+$0x3980];
	v50 =	vmul.f32 v22, v30;
	v51 =	vmul.f32 v34, v31;
	[tilespmem:s21+$0x7A90] =	vst v10;
	v10 =	vsel vm1, v11, v53  }
0x458: {  	v7 =	vpop (erf);
	v41 =	vld [tilespmem:s28+$0x22A0];
	v30 =	vmul.f32 v52, v8;
	vm1 =	vge.f32 v13, $0.0e+00;
	[tilespmem:s28+$0x6640] =	vst v49;
	v10 =	vsub.f32 $0.0e+00, v10  }
0x459: {  	v38 =	vbroadcast v7, $0x0;
	v15 =	vbroadcast v7, $0x1;
	v54 =	vld [tilespmem:s28+$0x1FB0];
	[tilespmem:s28+$0x6680] =	vst v51;
	v13 =	vsel vm1, v13, v58  }
0x45a: {  	v12 =	vmul.f32 v36, v31;
	v31 =	vld [tilespmem:s29+$0x4380];
	[tilespmem:s28+$0x6570] =	vst v30;
	v13 =	vsub.f32 $0.0e+00, v13;
	v10 =	vmul.f32 $1.442695020e+00, v10  }
0x45b: {  	s11 =	sand.u32 $0x3FFFFFC0, s11;
	v55 =	vmul.f32 v38, v46;
	v57 =	vmul.f32 v15, v46;
	v56 =	vld [tilespmem:s28+$0x2000];
	[tilespmem:s0+$0x7A90] =	vst v50  }
0x45c: {  	s12 =	sshll.u32 s31, $0x6;
	v26 =	vadd.f32 v62, v61;
	v49 =	vld [tilespmem:s28+$0x2250];
	[tilespmem:s11+$0x7A80] =	vst v12;
	v13 =	vmul.f32 $1.442695020e+00, v13;
	(erf) = vpow2.f32 v10  }
0x45d: {  	s25 =	sand.u32 $0x3FFFFFC0, s12;
	v19 =	vmul.f32 v52, v9;
	[tilespmem:s28+$0x66D0] =	vst v55;
	v11 =	vld [tilespmem:s28+$0x2050]  }
0x45e: {  	v59 =	vld [tilespmem:s28+$0x2090];
	[tilespmem:s25+$0x7A80] =	vst v57;
	(erf) = vpow2.f32 v13;
	v13 =	vadd.f32 v63, v26  }
0x45f: {  	v2 =	vnsel vm0, $0x0, v2;
	s29 =	sadd.s32 $0x17, s24;
	[tilespmem:s1+$0x7AB0] =	vst v19;
	v12 =	vld [tilespmem:s28+$0x20E0];
	v32 =	vmul.f32 v16, v54  }
0x460: {  	s31 =	sshll.u32 s29, $0x4;
	v51 =	vld [tilespmem:s28+$0x22F0];
	[tilespmem:s28+$0x6580] =	vst v2;
	v23 =	vmul.f32 v18, v54;
	v55 =	vmul.f32 $2.000000030e-01, v13  }
0x461: {  	v50 =	vld [tilespmem:s31+$0x3980];
	v40 =	vmul.f32 v17, v56;
	v14 =	vmul.f32 v20, v56;
	[tilespmem:s28+$0x65B0] =	vst v32;
	vm1 =	vge.f32 v13, $0.0e+00  }
0x462: {  	v44 =	vld [tilespmem:s30+$0x4380];
	s30 =	sadd.s32 $0x18, s24;
	v28 =	vadd.f32 v49, v48;
	[tilespmem:s20+$0x7AA0] =	vst v23;
	v42 =	vmul.f32 v21, v11;
	v13 =	vsel vm1, v13, v55  }
0x463: {  	s16 =	sshll.u32 s30, $0x4;
	v46 =	vld [tilespmem:s28+$0x2340];
	v43 =	vmul.f32 v34, v59;
	v25 =	vmul.f32 v36, v59;
	[tilespmem:s28+$0x6600] =	vst v40;
	v13 =	vsub.f32 $0.0e+00, v13  }
0x464: {  	v54 =	vld [tilespmem:s16+$0x3980];
	v28 =	vadd.f32 v31, v28;
	v11 =	vmul.f32 v22, v11;
	v45 =	vmul.f32 v38, v12;
	[tilespmem:s21+$0x7AA0] =	vst v14  }
0x465: {  	v39 =	vadd.f32 v41, v39;
	v10 =	vld [tilespmem:s28+$0x2170];
	v12 =	vmul.f32 v15, v12;
	[tilespmem:s28+$0x6690] =	vst v43;
	v13 =	vmul.f32 $1.442695020e+00, v13;
	v8 =	vpop (erf)  }
0x466: {  	v53 =	vld [tilespmem:s31+$0x4380];
	v27 =	vadd.f32 v51, v50;
	v56 =	vmul.f32 $2.000000030e-01, v28;
	[tilespmem:s28+$0x6650] =	vst v42;
	v35 =	vbroadcast v8, $0x0  }
0x467: {  	v58 =	vld [tilespmem:s16+$0x4380];
	vm1 =	vge.f32 v28, $0.0e+00;
	[tilespmem:s11+$0x7A90] =	vst v25;
	v33 =	vbroadcast v8, $0x1;
	v9 =	vpop (erf);
	(erf) = vpow2.f32 v13  }
0x468: {  	[tilespmem:s28+$0x66E0] =	vst v45;
	v59 =	vsel vm1, v28, v56;
	v63 =	vld [tilespmem:s28+$0x20A0];
	v37 =	vbroadcast v9, $0x0;
	v52 =	vmul.f32 v35, v60  }
0x469: {  	s31 =	sshll.u32 s4, $0x6;
	[tilespmem:s25+$0x7A90] =	vst v12;
	v14 =	vsub.f32 $0.0e+00, v59;
	v19 =	vbroadcast v9, $0x1;
	v24 =	vmul.f32 v33, v60  }
0x46a: {  	s16 =	sand.u32 $0x3FFFFFC0, s31;
	v62 =	vadd.f32 v46, v54;
	v43 =	vld [tilespmem:s28+$0x20F0];
	v60 =	vadd.f32 v44, v39;
	v57 =	vmul.f32 v37, v10;
	[tilespmem:s28+$0x6720] =	vst v52  }
0x46b: {  	s3 =	sshll.u32 s3, $0x6;
	v14 =	vmul.f32 $1.442695020e+00, v14;
	v10 =	vmul.f32 v19, v10;
	[tilespmem:s16+$0x7A80] =	vst v24  }
0x46c: {  	s12 =	sand.u32 $0x3FFFFFC0, s3;
	v26 =	vadd.f32 v53, v27;
	v41 =	vadd.f32 v58, v62;
	v61 =	vmul.f32 $2.000000030e-01, v60;
	[tilespmem:s28+$0x6770] =	vst v57;
	v24 =	vld [tilespmem:s28+$0x2130]  }
0x46d: {  	(erf) = vpow2.f32 v14;
	v46 =	vmul.f32 v34, v63;
	vm1 =	vge.f32 v60, $0.0e+00;
	[tilespmem:s12+$0x7A80] =	vst v10  }
0x46e: {  	[tilespmem:s0+$0x7AA0] =	vst v11;
	v39 =	vmul.f32 $2.000000030e-01, v26;
	v49 =	vmul.f32 v36, v63;
	v31 =	vsel vm1, v60, v61;
	v51 =	vld [tilespmem:s28+$0x2180]  }
0x46f: {  	v54 =	vld [tilespmem:s28+$0x21C0];
	v50 =	vmul.f32 v38, v43;
	[tilespmem:s28+$0x66A0] =	vst v46;
	vm1 =	vge.f32 v26, $0.0e+00;
	v12 =	vsub.f32 $0.0e+00, v31  }
0x470: {  	v45 =	vmul.f32 $2.000000030e-01, v41;
	v53 =	vmul.f32 v15, v43;
	[tilespmem:s11+$0x7AA0] =	vst v49;
	v44 =	vsel vm1, v26, v39;
	v39 =	vld [tilespmem:s28+$0x1FC0]  }
0x471: {  	[tilespmem:s28+$0x66F0] =	vst v50;
	v13 =	vsub.f32 $0.0e+00, v44;
	v12 =	vmul.f32 $1.442695020e+00, v12;
	v10 =	vpop (erf);
	v55 =	vmul.f32 v35, v24  }
0x472: {  	[tilespmem:s25+$0x7AA0] =	vst v53;
	v26 =	vbroadcast v10, $0x0;
	v56 =	vmul.f32 v33, v24  }
0x473: {  	v47 =	vmul.f32 $1.442695020e+00, v13;
	v58 =	vmul.f32 v37, v51;
	[tilespmem:s28+$0x6730] =	vst v55  }
0x474: {  	v57 =	vld [tilespmem:s28+$0x2210];
	vm1 =	vge.f32 v41, $0.0e+00;
	v23 =	vbroadcast v10, $0x1;
	v61 =	vmul.f32 v26, v54;
	[tilespmem:s16+$0x7A90] =	vst v56  }
0x475: {  	v14 =	vsel vm1, v41, v45;
	(erf) = vpow2.f32 v12;
	v16 =	vmul.f32 v39, v16;
	[tilespmem:s28+$0x6780] =	vst v58  }
0x476: {  	v48 =	vsub.f32 $0.0e+00, v14;
	v11 =	vpop (erf);
	(erf) = vpow2.f32 v47;
	v14 =	vmul.f32 v19, v51;
	[tilespmem:s28+$0x67C0] =	vst v61  }
0x477: {  	s4 =	sshll.u32 s19, $0x6;
	v41 =	vld [tilespmem:s28+$0x2060];
	v25 =	vbroadcast v11, $0x0;
	v62 =	vmul.f32 v23, v54;
	[tilespmem:s28+$0x65C0] =	vst v16  }
0x478: {  	s19 =	sand.u32 $0x3FFFFFC0, s4;
	v52 =	vmul.f32 $1.442695020e+00, v48;
	v54 =	vld [tilespmem:s28+$0x20B0];
	v18 =	vmul.f32 v39, v18;
	[tilespmem:s12+$0x7A90] =	vst v14  }
0x479: {  	v44 =	vld [tilespmem:s28+$0x2100];
	v24 =	vbroadcast v11, $0x1;
	v51 =	vmul.f32 v25, v57;
	[tilespmem:s19+$0x7A80] =	vst v62  }
0x47a: {  	[tilespmem:s20+$0x7AB0] =	vst v18  }
0x47b: {  	s17 =	sshll.u32 s17, $0x6;
	v3 =	vnsel vm0, $0x0, v3;
	(erf) = vpow2.f32 v52;
	v52 =	vmul.f32 v24, v57;
	[tilespmem:s28+$0x6810] =	vst v51  }
0x47c: {  	s17 =	sand.u32 $0x3FFFFFC0, s17;
	v59 =	vld [tilespmem:s28+$0x2260];
	v62 =	vmul.f32 v41, v21;
	[tilespmem:s28+$0x65D0] =	vst v3  }
0x47d: {  	s29 =	sshll.u32 s29, $0x6;
	v60 =	vld [tilespmem:s28+$0x2010];
	[tilespmem:s17+$0x7A80] =	vst v52;
	v51 =	vmul.f32 v54, v34  }
0x47e: {  	s3 =	sand.u32 $0x3FFFFFC0, s29;
	s29 =	sadd.s32 $0x19, s24;
	v63 =	vld [tilespmem:s28+$0x22B0];
	[tilespmem:s28+$0x6660] =	vst v62;
	v52 =	vmul.f32 v54, v36;
	v54 =	vmul.f32 v44, v38;
	v12 =	vpop (erf)  }
0x47f: {  	s31 =	sshll.u32 s29, $0x4;
	v53 =	vld [tilespmem:s28+$0x2300];
	[tilespmem:s28+$0x66B0] =	vst v51;
	v28 =	vbroadcast v12, $0x0  }
0x480: {  	v15 =	vmul.f32 v44, v15;
	v61 =	vld [tilespmem:s31+$0x3980];
	[tilespmem:s28+$0x6700] =	vst v54;
	v27 =	vbroadcast v12, $0x1;
	v13 =	vpop (erf)  }
0x481: {  	v46 =	vld [tilespmem:s28+$0x2140];
	[tilespmem:s11+$0x7AB0] =	vst v52;
	v29 =	vbroadcast v13, $0x0;
	v55 =	vmul.f32 v28, v59  }
0x482: {  	s26 =	sshll.u32 s26, $0x6;
	s30 =	sshll.u32 s30, $0x6;
	s4 =	sadd.s32 $0x1A, s24;
	v48 =	vld [tilespmem:s28+$0x2190];
	[tilespmem:s25+$0x7AB0] =	vst v15;
	v56 =	vmul.f32 v27, v59;
	v59 =	vmul.f32 v60, v17  }
0x483: {  	s1 =	sand.u32 $0x3FFFFFC0, s26;
	s26 =	sand.u32 $0x3FFFFFC0, s30;
	s30 =	sshll.u32 s4, $0x4;
	v49 =	vld [tilespmem:s28+$0x21D0];
	[tilespmem:s28+$0x6860] =	vst v55  }
0x484: {  	v34 =	vld [tilespmem:s30+$0x3980];
	v30 =	vbroadcast v13, $0x1;
	v14 =	vpop (erf);
	v47 =	vmul.f32 v29, v63;
	[tilespmem:s28+$0x6610] =	vst v59  }
0x485: {  	v38 =	vld [tilespmem:s30+$0x4380];
	v31 =	vbroadcast v14, $0x0;
	v60 =	vmul.f32 v60, v20;
	[tilespmem:s1+$0x7A80] =	vst v56  }
0x486: {  	v50 =	vld [tilespmem:s28+$0x2220];
	v57 =	vmul.f32 v30, v63;
	[tilespmem:s28+$0x68B0] =	vst v47  }
0x487: {  	v52 =	vld [tilespmem:s28+$0x2480];
	v32 =	vbroadcast v14, $0x1;
	v58 =	vmul.f32 v31, v53;
	[tilespmem:s21+$0x7AB0] =	vst v60  }
0x488: {  	v63 =	vld [tilespmem:s28+$0x2390];
	v55 =	vmul.f32 v35, v46;
	[tilespmem:s3+$0x7A80] =	vst v57  }
0x489: {  	v42 =	vmul.f32 v32, v53;
	v53 =	vld [tilespmem:s28+$0x23E0];
	[tilespmem:s28+$0x6900] =	vst v58  }
0x48a: {  	v3 =	vnsel vm0, $0x0, v4;
	v59 =	vld [tilespmem:s28+$0x2430];
	[tilespmem:s28+$0x6740] =	vst v55  }
0x48b: {  	v47 =	vmul.f32 v41, v22;
	v22 =	vld [tilespmem:s31+$0x4380];
	[tilespmem:s28+$0x6620] =	vst v3  }
0x48c: {  	v45 =	vld [tilespmem:s28+$0x2270];
	v57 =	vmul.f32 v33, v46;
	[tilespmem:s26+$0x7A80] =	vst v42  }
0x48d: {  	s11 =	sadd.s32 $0x1C, s24;
	v58 =	vmul.f32 v37, v48;
	v39 =	vld [tilespmem:s28+$0x22C0];
	[tilespmem:s0+$0x7AB0] =	vst v47  }
0x48e: {  	v60 =	vmul.f32 v19, v48;
	s21 =	sshll.u32 s11, $0x4;
	v48 =	vmul.f32 v25, v50;
	s0 =	sadd.s32 $0x1B, s24;
	v17 =	vld [tilespmem:s28+$0x2310];
	[tilespmem:s16+$0x7AA0] =	vst v57  }
0x48f: {  	s31 =	sshll.u32 s0, $0x4;
	v20 =	vadd.f32 v63, v61;
	v61 =	vmul.f32 v26, v49;
	v63 =	vmul.f32 v23, v49;
	v49 =	vld [tilespmem:s21+$0x3980];
	[tilespmem:s28+$0x6790] =	vst v58  }
0x490: {  	v50 =	vmul.f32 v24, v50;
	[tilespmem:s28+$0x6820] =	vst v48;
	v56 =	vld [tilespmem:s31+$0x3980];
	v34 =	vadd.f32 v53, v34  }
0x491: {  	v62 =	vld [tilespmem:s31+$0x4380];
	[tilespmem:s12+$0x7AA0] =	vst v60;
	v20 =	vadd.f32 v22, v20  }
0x492: {  	v58 =	vld [tilespmem:s28+$0x2150];
	[tilespmem:s17+$0x7A90] =	vst v50;
	v51 =	vmul.f32 v28, v45;
	v34 =	vadd.f32 v38, v34  }
0x493: {  	v55 =	vld [tilespmem:s21+$0x4380];
	[tilespmem:s28+$0x67D0] =	vst v61;
	v53 =	vmul.f32 v27, v45;
	v54 =	vmul.f32 $2.000000030e-01, v20;
	vm1 =	vge.f32 v20, $0.0e+00  }
0x494: {  	[tilespmem:s19+$0x7A90] =	vst v63;
	v57 =	vmul.f32 $2.000000030e-01, v34;
	v22 =	vadd.f32 v52, v49;
	v63 =	vmul.f32 v32, v17  }
0x495: {  	v40 =	vld [tilespmem:s28+$0x21A0];
	[tilespmem:s28+$0x6870] =	vst v51;
	v21 =	vadd.f32 v59, v56;
	v56 =	vmul.f32 v29, v39;
	v39 =	vmul.f32 v30, v39  }
0x496: {  	v43 =	vld [tilespmem:s28+$0x2230];
	v20 =	vsel vm1, v20, v54;
	v59 =	vmul.f32 v31, v17;
	vm1 =	vge.f32 v34, $0.0e+00;
	[tilespmem:s1+$0x7A90] =	vst v53  }
0x497: {  	v52 =	vld [tilespmem:s28+$0x2350];
	v35 =	vmul.f32 v58, v35;
	v20 =	vsub.f32 $0.0e+00, v20;
	v21 =	vadd.f32 v62, v21;
	[tilespmem:s28+$0x68C0] =	vst v56  }
0x498: {  	s21 =	sadd.s32 $0x1E, s24;
	v50 =	vmul.f32 v58, v33;
	v33 =	vld [tilespmem:s28+$0x23A0];
	v34 =	vsel vm1, v34, v57;
	v22 =	vadd.f32 v55, v22;
	[tilespmem:s28+$0x6910] =	vst v59  }
0x499: {  	v46 =	vld [tilespmem:s28+$0x2280];
	v61 =	vsub.f32 $0.0e+00, v34;
	[tilespmem:s28+$0x6750] =	vst v35;
	v20 =	vmul.f32 $1.442695020e+00, v20;
	v60 =	vmul.f32 $2.000000030e-01, v21  }
0x49a: {  	s31 =	sshll.u32 s21, $0x4;
	v51 =	vmul.f32 v40, v37;
	v62 =	vld [tilespmem:s28+$0x21E0];
	[tilespmem:s3+$0x7A90] =	vst v39;
	v45 =	vmul.f32 $2.000000030e-01, v22;
	vm1 =	vge.f32 v21, $0.0e+00  }
0x49b: {  	v37 =	vld [tilespmem:s31+$0x4380];
	[tilespmem:s26+$0x7A90] =	vst v63;
	v18 =	vmul.f32 $1.442695020e+00, v61;
	(erf) = vpow2.f32 v20;
	v38 =	vsel vm1, v21, v60  }
0x49c: {  	v34 =	vld [tilespmem:s28+$0x23F0];
	v56 =	vmul.f32 v25, v43;
	[tilespmem:s16+$0x7AB0] =	vst v50;
	vm1 =	vge.f32 v22, $0.0e+00;
	v17 =	vsub.f32 $0.0e+00, v38  }
0x49d: {  	s20 =	sadd.s32 $0x1D, s24;
	v57 =	vmul.f32 v24, v43;
	[tilespmem:s28+$0x67A0] =	vst v51;
	v63 =	vld [tilespmem:s28+$0x2520];
	(erf) = vpow2.f32 v18;
	v49 =	vsel vm1, v22, v45  }
0x49e: {  	s30 =	sshll.u32 s20, $0x4;
	v19 =	vmul.f32 v40, v19;
	v47 =	vld [tilespmem:s28+$0x22D0];
	[tilespmem:s28+$0x6830] =	vst v56;
	v48 =	vmul.f32 $1.442695020e+00, v17;
	v17 =	vsub.f32 $0.0e+00, v49  }
0x49f: {  	v20 =	vld [tilespmem:s30+$0x3980];
	[tilespmem:s17+$0x7AA0] =	vst v57;
	v58 =	vmul.f32 v28, v46;
	v53 =	vmul.f32 v26, v62  }
0x4a0: {  	[tilespmem:s12+$0x7AB0] =	vst v19;
	v50 =	vld [tilespmem:s28+$0x2240];
	(erf) = vpow2.f32 v48;
	v54 =	vmul.f32 $1.442695020e+00, v17  }
0x4a1: {  	v59 =	vmul.f32 v27, v46;
	v60 =	vld [tilespmem:s28+$0x24D0];
	[tilespmem:s28+$0x6880] =	vst v58  }
0x4a2: {  	v55 =	vmul.f32 v23, v62;
	[tilespmem:s28+$0x67E0] =	vst v53;
	v49 =	vld [tilespmem:s31+$0x3980];
	(erf) = vpow2.f32 v54  }
0x4a3: {  	v61 =	vmul.f32 v29, v47;
	[tilespmem:s1+$0x7AA0] =	vst v59;
	v48 =	vld [tilespmem:s30+$0x4380];
	s30 =	sadd.s32 $0x1F, s24  }
0x4a4: {  	v38 =	vmul.f32 v30, v47;
	v59 =	vld [tilespmem:s28+$0x2570];
	[tilespmem:s19+$0x7AA0] =	vst v55;
	s31 =	sshll.u32 s30, $0x4;
	v15 =	vpop (erf)  }
0x4a5: {  	[tilespmem:s28+$0x68D0] =	vst v61;
	v25 =	vmul.f32 v50, v25;
	v51 =	vld [tilespmem:s31+$0x3980];
	v41 =	vbroadcast v15, $0x0  }
0x4a6: {  	v21 =	vld [tilespmem:s28+$0x2320];
	v24 =	vmul.f32 v50, v24;
	[tilespmem:s3+$0x7AA0] =	vst v38;
	v42 =	vbroadcast v15, $0x1;
	v16 =	vpop (erf)  }
0x4a7: {  	v20 =	vadd.f32 v60, v20;
	v60 =	vld [tilespmem:s31+$0x4380];
	[tilespmem:s28+$0x6840] =	vst v25;
	v43 =	vbroadcast v16, $0x0;
	v62 =	vmul.f32 v41, v52  }
0x4a8: {  	s25 =	sshll.u32 s29, $0x6;
	[tilespmem:s17+$0x7AB0] =	vst v24;
	v44 =	vbroadcast v16, $0x1;
	v22 =	vmul.f32 v42, v52  }
0x4a9: {  	v35 =	vld [tilespmem:s28+$0x2440];
	s16 =	sand.u32 $0x3FFFFFC0, s25;
	v57 =	vmul.f32 v43, v33;
	[tilespmem:s28+$0x6950] =	vst v62;
	v17 =	vpop (erf)  }
0x4aa: {  	s4 =	sshll.u32 s4, $0x6;
	v58 =	vmul.f32 v44, v33;
	v33 =	vadd.f32 v59, v51;
	[tilespmem:s16+$0x7A80] =	vst v22;
	v45 =	vbroadcast v17, $0x0  }
0x4ab: {  	s25 =	sand.u32 $0x3FFFFFC0, s4;
	v52 =	vmul.f32 v31, v21;
	v62 =	vadd.f32 v63, v49;
	[tilespmem:s28+$0x69A0] =	vst v57;
	v53 =	vld [tilespmem:s28+$0x2360];
	v46 =	vbroadcast v17, $0x1;
	v18 =	vpop (erf)  }
0x4ac: {  	v22 =	vadd.f32 v60, v33;
	[tilespmem:s25+$0x7A80] =	vst v58;
	v54 =	vmul.f32 v45, v34;
	v47 =	vbroadcast v18, $0x0  }
0x4ad: {  	s0 =	sshll.u32 s0, $0x6;
	v20 =	vadd.f32 v48, v20;
	[tilespmem:s28+$0x6920] =	vst v52;
	v61 =	vld [tilespmem:s28+$0x23B0];
	v39 =	vbroadcast v18, $0x1;
	v34 =	vmul.f32 v46, v34  }
0x4ae: {  	s4 =	sand.u32 $0x3FFFFFC0, s0;
	v37 =	vadd.f32 v37, v62;
	v60 =	vmul.f32 $2.000000030e-01, v22;
	[tilespmem:s28+$0x69F0] =	vst v54;
	v63 =	vmul.f32 v47, v35  }
0x4af: {  	s29 =	sshll.u32 s11, $0x6;
	v35 =	vmul.f32 v39, v35;
	v54 =	vmul.f32 $2.000000030e-01, v20;
	[tilespmem:s4+$0x7A80] =	vst v34  }
0x4b0: {  	s11 =	sand.u32 $0x3FFFFFC0, s29;
	vm1 =	vge.f32 v20, $0.0e+00;
	v58 =	vmul.f32 $2.000000030e-01, v37;
	v55 =	vmul.f32 v41, v53;
	v57 =	vld [tilespmem:s28+$0x2400];
	[tilespmem:s28+$0x6A40] =	vst v63  }
0x4b1: {  	v40 =	vld [tilespmem:s28+$0x2610];
	v56 =	vmul.f32 v42, v53;
	v20 =	vsel vm1, v20, v54;
	vm1 =	vge.f32 v37, $0.0e+00;
	[tilespmem:s11+$0x7A80] =	vst v35  }
0x4b2: {  	v59 =	vmul.f32 v43, v61;
	v20 =	vsub.f32 $0.0e+00, v20;
	[tilespmem:s28+$0x6960] =	vst v55;
	v34 =	vsel vm1, v37, v58;
	v35 =	vld [tilespmem:s28+$0x2450]  }
0x4b3: {  	v38 =	vld [tilespmem:s28+$0x24E0];
	v36 =	vmul.f32 v44, v61;
	vm1 =	vge.f32 v22, $0.0e+00;
	[tilespmem:s16+$0x7A90] =	vst v56;
	v34 =	vsub.f32 $0.0e+00, v34  }
0x4b4: {  	v21 =	vmul.f32 v32, v21;
	v49 =	vld [tilespmem:s28+$0x21F0];
	[tilespmem:s28+$0x69B0] =	vst v59;
	v22 =	vsel vm1, v22, v60;
	v20 =	vmul.f32 $1.442695020e+00, v20  }
0x4b5: {  	v61 =	vld [tilespmem:s28+$0x2370];
	[tilespmem:s25+$0x7A90] =	vst v36;
	v22 =	vsub.f32 $0.0e+00, v22;
	v36 =	vmul.f32 $1.442695020e+00, v34;
	v62 =	vmul.f32 v45, v57  }
0x4b6: {  	v51 =	vld [tilespmem:s28+$0x22E0];
	[tilespmem:s26+$0x7AA0] =	vst v21;
	v63 =	vmul.f32 v46, v57;
	(erf) = vpow2.f32 v20  }
0x4b7: {  	v37 =	vld [tilespmem:s28+$0x23C0];
	v55 =	vmul.f32 $1.442695020e+00, v22;
	[tilespmem:s28+$0x6A00] =	vst v62;
	v54 =	vmul.f32 v47, v35  }
0x4b8: {  	v48 =	vld [tilespmem:s28+$0x2290];
	(erf) = vpow2.f32 v36;
	v35 =	vmul.f32 v39, v35;
	[tilespmem:s4+$0x7A90] =	vst v63  }
0x4b9: {  	v26 =	vmul.f32 v49, v26;
	v56 =	vld [tilespmem:s28+$0x2410];
	[tilespmem:s28+$0x6A50] =	vst v54  }
0x4ba: {  	v52 =	vld [tilespmem:s28+$0x2530];
	(erf) = vpow2.f32 v55;
	v58 =	vmul.f32 v41, v61;
	[tilespmem:s11+$0x7A90] =	vst v35  }
0x4bb: {  	[tilespmem:s28+$0x67F0] =	vst v26;
	v59 =	vmul.f32 v42, v61;
	v60 =	vld [tilespmem:s28+$0x2460]  }
0x4bc: {  	s29 =	sadd.s32 $0x20, s24;
	v50 =	vmul.f32 v51, v29;
	v29 =	vld [tilespmem:s28+$0x2660];
	v61 =	vmul.f32 v43, v37;
	[tilespmem:s28+$0x6970] =	vst v58  }
0x4bd: {  	s31 =	sshll.u32 s29, $0x4;
	v63 =	vld [tilespmem:s28+$0x2490];
	v62 =	vmul.f32 v44, v37;
	[tilespmem:s16+$0x7AA0] =	vst v59  }
0x4be: {  	s20 =	sshll.u32 s20, $0x6;
	v53 =	vld [tilespmem:s31+$0x3980];
	[tilespmem:s28+$0x69C0] =	vst v61;
	v57 =	vmul.f32 v45, v56  }
0x4bf: {  	s21 =	sshll.u32 s21, $0x6;
	s0 =	sand.u32 $0x3FFFFFC0, s20;
	s30 =	sshll.u32 s30, $0x6;
	v55 =	vld [tilespmem:s28+$0x2330];
	[tilespmem:s25+$0x7AA0] =	vst v62;
	v22 =	vmul.f32 v46, v56;
	v20 =	vpop (erf)  }
0x4c0: {  	s20 =	sand.u32 $0x3FFFFFC0, s21;
	s21 =	sand.u32 $0x3FFFFFC0, s30;
	s30 =	sadd.s32 $0x21, s24;
	v54 =	vld [tilespmem:s28+$0x25C0];
	v33 =	vbroadcast v20, $0x0;
	[tilespmem:s28+$0x6A10] =	vst v57;
	v58 =	vmul.f32 v47, v60  }
0x4c1: {  	v34 =	vbroadcast v20, $0x1;
	v21 =	vpop (erf);
	v59 =	vmul.f32 v39, v60;
	v57 =	vld [tilespmem:s31+$0x4380];
	s31 =	sshll.u32 s30, $0x4;
	[tilespmem:s4+$0x7AA0] =	vst v22  }
0x4c2: {  	v35 =	vbroadcast v21, $0x0;
	v60 =	vmul.f32 v33, v63;
	v26 =	vld [tilespmem:s31+$0x3980];
	[tilespmem:s28+$0x6A60] =	vst v58  }
0x4c3: {  	v36 =	vbroadcast v21, $0x1;
	v56 =	vmul.f32 v34, v63;
	v22 =	vpop (erf);
	v58 =	vld [tilespmem:s28+$0x2380];
	[tilespmem:s11+$0x7AA0] =	vst v59  }
0x4c4: {  	[tilespmem:s28+$0x6A90] =	vst v60;
	v59 =	vmul.f32 v35, v38;
	v37 =	vbroadcast v22, $0x0;
	v60 =	vld [tilespmem:s28+$0x23D0]  }
0x4c5: {  	v53 =	vadd.f32 v54, v53;
	v61 =	vmul.f32 v36, v38;
	v38 =	vbroadcast v22, $0x1;
	[tilespmem:s0+$0x7A80] =	vst v56;
	v56 =	vld [tilespmem:s28+$0x2470]  }
0x4c6: {  	[tilespmem:s28+$0x6AE0] =	vst v59;
	v59 =	vld [tilespmem:s28+$0x2420];
	v62 =	vmul.f32 v37, v52  }
0x4c7: {  	v52 =	vmul.f32 v38, v52;
	v63 =	vadd.f32 v57, v53;
	v53 =	vld [tilespmem:s28+$0x24A0];
	[tilespmem:s20+$0x7A80] =	vst v61  }
0x4c8: {  	v26 =	vadd.f32 v40, v26;
	v40 =	vld [tilespmem:s28+$0x26B0];
	[tilespmem:s28+$0x6B30] =	vst v62  }
0x4c9: {  	v57 =	vmul.f32 v49, v23;
	v61 =	vmul.f32 $2.000000030e-01, v63;
	[tilespmem:s21+$0x7A80] =	vst v52;
	v52 =	vld [tilespmem:s28+$0x24F0]  }
0x4ca: {  	s12 =	sadd.s32 $0x22, s24;
	[tilespmem:s28+$0x68E0] =	vst v50;
	v54 =	vmul.f32 v51, v30;
	vm1 =	vge.f32 v63, $0.0e+00;
	v23 =	vld [tilespmem:s28+$0x2540]  }
0x4cb: {  	[tilespmem:s19+$0x7AB0] =	vst v57;
	v57 =	vmul.f32 v55, v31;
	v62 =	vsel vm1, v63, v61;
	v63 =	vmul.f32 v48, v28;
	v28 =	vld [tilespmem:s31+$0x4380];
	s31 =	sshll.u32 s12, $0x4  }
0x4cc: {  	[tilespmem:s3+$0x7AB0] =	vst v54;
	s3 =	sadd.s32 $0x24, s24;
	v49 =	vmul.f32 v48, v27;
	v19 =	vsub.f32 $0.0e+00, v62;
	v27 =	vld [tilespmem:s31+$0x3980]  }
0x4cd: {  	v61 =	vmul.f32 v55, v32;
	[tilespmem:s28+$0x6930] =	vst v57;
	v48 =	vmul.f32 v60, v43;
	v31 =	vld [tilespmem:s31+$0x4380];
	s31 =	sshll.u32 s3, $0x4  }
0x4ce: {  	s17 =	sadd.s32 $0x23, s24;
	v55 =	vmul.f32 v56, v47;
	[tilespmem:s28+$0x6890] =	vst v63;
	v54 =	vld [tilespmem:s31+$0x3980];
	v19 =	vmul.f32 $1.442695020e+00, v19  }
0x4cf: {  	s19 =	sshll.u32 s17, $0x4;
	v62 =	vmul.f32 v58, v41;
	v63 =	vmul.f32 v58, v42;
	[tilespmem:s26+$0x7AB0] =	vst v61;
	v58 =	vld [tilespmem:s28+$0x2700]  }
0x4d0: {  	v50 =	vmul.f32 v59, v45;
	[tilespmem:s28+$0x69D0] =	vst v48;
	(erf) = vpow2.f32 v19;
	v19 =	vld [tilespmem:s19+$0x3980]  }
0x4d1: {  	v51 =	vmul.f32 v59, v46;
	v57 =	vmul.f32 v33, v53;
	v42 =	vld [tilespmem:s19+$0x4380];
	[tilespmem:s28+$0x6A70] =	vst v55;
	v26 =	vadd.f32 v28, v26  }
0x4d2: {  	v59 =	vmul.f32 v34, v53;
	v61 =	vld [tilespmem:s31+$0x4380];
	[tilespmem:s1+$0x7AB0] =	vst v49;
	v49 =	vmul.f32 v60, v44;
	v27 =	vadd.f32 v29, v27  }
0x4d3: {  	[tilespmem:s28+$0x6980] =	vst v62;
	v62 =	vmul.f32 v35, v52;
	v60 =	vmul.f32 $2.000000030e-01, v26  }
0x4d4: {  	[tilespmem:s16+$0x7AB0] =	vst v63;
	v63 =	vmul.f32 v36, v52;
	vm1 =	vge.f32 v26, $0.0e+00;
	v31 =	vadd.f32 v31, v27  }
0x4d5: {  	[tilespmem:s28+$0x6A20] =	vst v50;
	v28 =	vadd.f32 v58, v54;
	v26 =	vsel vm1, v26, v60;
	v48 =	vadd.f32 v40, v19  }
0x4d6: {  	[tilespmem:s25+$0x7AB0] =	vst v49;
	v49 =	vmul.f32 v37, v23;
	v26 =	vsub.f32 $0.0e+00, v26;
	v50 =	vmul.f32 $2.000000030e-01, v31  }
0x4d7: {  	[tilespmem:s4+$0x7AB0] =	vst v51;
	v52 =	vld [tilespmem:s28+$0x2580];
	v29 =	vadd.f32 v61, v28;
	vm1 =	vge.f32 v31, $0.0e+00;
	v51 =	vadd.f32 v42, v48  }
0x4d8: {  	[tilespmem:s28+$0x6AA0] =	vst v57;
	v23 =	vmul.f32 v38, v23;
	v26 =	vmul.f32 $1.442695020e+00, v26;
	v31 =	vsel vm1, v31, v50  }
0x4d9: {  	[tilespmem:s0+$0x7A90] =	vst v59;
	v57 =	vmul.f32 $2.000000030e-01, v29;
	v31 =	vsub.f32 $0.0e+00, v31;
	v19 =	vpop (erf);
	v53 =	vmul.f32 $2.000000030e-01, v51  }
0x4da: {  	[tilespmem:s28+$0x6AF0] =	vst v62;
	v54 =	vld [tilespmem:s28+$0x24B0];
	vm1 =	vge.f32 v51, $0.0e+00;
	(erf) = vpow2.f32 v26;
	v27 =	vbroadcast v19, $0x0  }
0x4db: {  	[tilespmem:s20+$0x7A90] =	vst v63;
	v28 =	vbroadcast v19, $0x1;
	v31 =	vmul.f32 $1.442695020e+00, v31;
	v55 =	vsel vm1, v51, v53  }
0x4dc: {  	[tilespmem:s28+$0x6B40] =	vst v49;
	vm1 =	vge.f32 v29, $0.0e+00;
	v26 =	vsub.f32 $0.0e+00, v55;
	v59 =	vmul.f32 v27, v52  }
0x4dd: {  	s19 =	sshll.u32 s29, $0x6;
	v58 =	vld [tilespmem:s28+$0x2500];
	[tilespmem:s21+$0x7A90] =	vst v23;
	v60 =	vmul.f32 v28, v52;
	v29 =	vsel vm1, v29, v57  }
0x4de: {  	s1 =	sand.u32 $0x3FFFFFC0, s19;
	(erf) = vpow2.f32 v31;
	v62 =	vsub.f32 $0.0e+00, v29;
	v61 =	vmul.f32 $1.442695020e+00, v26;
	[tilespmem:s28+$0x6B80] =	vst v59  }
0x4df: {  	v3 =	vnsel vm0, $0x0, v5;
	v63 =	vmul.f32 v56, v39;
	v41 =	vld [tilespmem:s28+$0x2550];
	v39 =	vmul.f32 v33, v54;
	[tilespmem:s1+$0x7A80] =	vst v60  }
0x4e0: {  	[tilespmem:s28+$0x6670] =	vst v3;
	v42 =	vmul.f32 $1.442695020e+00, v62;
	(erf) = vpow2.f32 v61;
	v43 =	vld [tilespmem:s28+$0x2590]  }
0x4e1: {  	[tilespmem:s11+$0x7AB0] =	vst v63;
	v24 =	vmul.f32 v34, v54  }
0x4e2: {  	v44 =	vmul.f32 v35, v58;
	[tilespmem:s28+$0x6AB0] =	vst v39;
	(erf) = vpow2.f32 v42  }
0x4e3: {  	v46 =	vld [tilespmem:s28+$0x25D0];
	v45 =	vmul.f32 v36, v58;
	[tilespmem:s0+$0x7AA0] =	vst v24  }
0x4e4: {  	v47 =	vmul.f32 v37, v41;
	[tilespmem:s28+$0x6B00] =	vst v44  }
0x4e5: {  	v49 =	vld [tilespmem:s28+$0x2620];
	v48 =	vmul.f32 v38, v41;
	[tilespmem:s20+$0x7AA0] =	vst v45;
	v23 =	vpop (erf);
	v25 =	vmul.f32 v28, v43  }
0x4e6: {  	[tilespmem:s28+$0x6B50] =	vst v47;
	v31 =	vbroadcast v23, $0x0;
	v50 =	vmul.f32 v27, v43  }
0x4e7: {  	v51 =	vld [tilespmem:s28+$0x2670];
	[tilespmem:s21+$0x7AA0] =	vst v48;
	v32 =	vbroadcast v23, $0x1;
	v24 =	vpop (erf)  }
0x4e8: {  	v52 =	vmul.f32 v31, v46;
	v40 =	vbroadcast v24, $0x0;
	[tilespmem:s28+$0x6B90] =	vst v50  }
0x4e9: {  	s25 =	sshll.u32 s30, $0x6;
	v53 =	vld [tilespmem:s28+$0x26C0];
	v29 =	vmul.f32 v32, v46;
	v41 =	vbroadcast v24, $0x1;
	[tilespmem:s1+$0x7A90] =	vst v25;
	v25 =	vpop (erf)  }
0x4ea: {  	s4 =	sand.u32 $0x3FFFFFC0, s25;
	[tilespmem:s28+$0x6BD0] =	vst v52;
	v54 =	vmul.f32 v40, v49;
	v44 =	vbroadcast v25, $0x0  }
0x4eb: {  	s26 =	sshll.u32 s12, $0x6;
	[tilespmem:s4+$0x7A80] =	vst v29;
	v55 =	vmul.f32 v41, v49;
	v45 =	vld [tilespmem:s28+$0x25A0];
	v30 =	vbroadcast v25, $0x1;
	v26 =	vpop (erf)  }
0x4ec: {  	s12 =	sand.u32 $0x3FFFFFC0, s26;
	v56 =	vld [tilespmem:s28+$0x25E0];
	[tilespmem:s28+$0x6C20] =	vst v54;
	v47 =	vbroadcast v26, $0x0;
	v57 =	vmul.f32 v44, v51  }
0x4ed: {  	s29 =	sshll.u32 s17, $0x6;
	[tilespmem:s12+$0x7A80] =	vst v55;
	v39 =	vbroadcast v26, $0x1;
	v58 =	vmul.f32 v30, v51  }
0x4ee: {  	s16 =	sand.u32 $0x3FFFFFC0, s29;
	v60 =	vmul.f32 v47, v53;
	[tilespmem:s28+$0x6C70] =	vst v57  }
0x4ef: {  	s3 =	sshll.u32 s3, $0x6;
	v59 =	vld [tilespmem:s28+$0x2630];
	v61 =	vmul.f32 v39, v53;
	[tilespmem:s16+$0x7A80] =	vst v58  }
0x4f0: {  	s17 =	sand.u32 $0x3FFFFFC0, s3;
	v62 =	vmul.f32 v27, v45;
	[tilespmem:s28+$0x6CC0] =	vst v60  }
0x4f1: {  	v51 =	vmul.f32 v31, v56;
	v63 =	vld [tilespmem:s28+$0x2680];
	[tilespmem:s17+$0x7A80] =	vst v61  }
0x4f2: {  	v52 =	vmul.f32 v32, v56;
	[tilespmem:s28+$0x6BA0] =	vst v62  }
0x4f3: {  	[tilespmem:s28+$0x6BE0] =	vst v51;
	v62 =	vmul.f32 v28, v45;
	v53 =	vld [tilespmem:s28+$0x26D0]  }
0x4f4: {  	v54 =	vmul.f32 v40, v59;
	[tilespmem:s4+$0x7A90] =	vst v52  }
0x4f5: {  	v55 =	vmul.f32 v41, v59;
	v56 =	vld [tilespmem:s28+$0x25F0];
	[tilespmem:s1+$0x7AA0] =	vst v62  }
0x4f6: {  	[tilespmem:s28+$0x6C30] =	vst v54;
	v57 =	vmul.f32 v44, v63  }
0x4f7: {  	[tilespmem:s12+$0x7A90] =	vst v55;
	v55 =	vld [tilespmem:s28+$0x24C0];
	v58 =	vmul.f32 v30, v63  }
0x4f8: {  	v59 =	vld [tilespmem:s28+$0x2640];
	v60 =	vmul.f32 v47, v53;
	[tilespmem:s28+$0x6C80] =	vst v57  }
0x4f9: {  	v61 =	vmul.f32 v39, v53;
	[tilespmem:s16+$0x7A90] =	vst v58  }
0x4fa: {  	v45 =	vld [tilespmem:s28+$0x27F0];
	v51 =	vmul.f32 v31, v56;
	[tilespmem:s28+$0x6CD0] =	vst v60  }
0x4fb: {  	v52 =	vmul.f32 v32, v56;
	v57 =	vld [tilespmem:s28+$0x2510];
	[tilespmem:s17+$0x7A90] =	vst v61  }
0x4fc: {  	v63 =	vld [tilespmem:s28+$0x2690];
	[tilespmem:s28+$0x6BF0] =	vst v51;
	v33 =	vmul.f32 v55, v33  }
0x4fd: {  	v61 =	vld [tilespmem:s28+$0x25B0];
	v54 =	vmul.f32 v40, v59;
	[tilespmem:s4+$0x7AA0] =	vst v52  }
0x4fe: {  	s11 =	sadd.s32 $0x25, s24;
	v34 =	vmul.f32 v55, v34;
	v53 =	vld [tilespmem:s28+$0x26E0];
	[tilespmem:s28+$0x6AC0] =	vst v33  }
0x4ff: {  	s30 =	sshll.u32 s11, $0x4;
	v56 =	vmul.f32 v41, v59;
	v59 =	vld [tilespmem:s28+$0x2560];
	[tilespmem:s28+$0x6C40] =	vst v54  }
0x500: {  	s31 =	sadd.s32 $0x26, s24;
	v52 =	vld [tilespmem:s30+$0x3980];
	v33 =	vnsel vm0, $0x0, v18;
	[tilespmem:s0+$0x7AB0] =	vst v34  }
0x501: {  	s25 =	sshll.u32 s31, $0x4;
	v50 =	vmul.f32 v57, v35;
	v54 =	vld [tilespmem:s28+$0x2750];
	[tilespmem:s28+$0x6A80] =	vst v33  }
0x502: {  	v51 =	vmul.f32 v57, v36;
	v57 =	vld [tilespmem:s25+$0x3980];
	[tilespmem:s12+$0x7AA0] =	vst v56  }
0x503: {  	v58 =	vmul.f32 v44, v63;
	v60 =	vmul.f32 v30, v63;
	v63 =	vld [tilespmem:s28+$0x2600];
	[tilespmem:s28+$0x6B10] =	vst v50  }
0x504: {  	v56 =	vld [tilespmem:s30+$0x4380];
	[tilespmem:s20+$0x7AB0] =	vst v51  }
0x505: {  	v27 =	vmul.f32 v61, v27;
	v62 =	vmul.f32 v47, v53;
	[tilespmem:s28+$0x6C90] =	vst v58;
	v58 =	vld [tilespmem:s28+$0x27A0]  }
0x506: {  	s26 =	sadd.s32 $0x27, s24;
	v43 =	vld [tilespmem:s28+$0x2650];
	v28 =	vmul.f32 v61, v28;
	v42 =	vmul.f32 v39, v53;
	[tilespmem:s16+$0x7AA0] =	vst v60  }
0x507: {  	s29 =	sshll.u32 s26, $0x4;
	v53 =	vmul.f32 v59, v37;
	v55 =	vmul.f32 v59, v38;
	[tilespmem:s28+$0x6CE0] =	vst v62;
	v60 =	vld [tilespmem:s25+$0x4380];
	v62 =	vadd.f32 v54, v52  }
0x508: {  	v37 =	vnsel vm0, $0x0, v20;
	[tilespmem:s28+$0x6BB0] =	vst v27;
	v59 =	vmul.f32 v63, v31;
	v61 =	vmul.f32 v63, v32;
	v63 =	vld [tilespmem:s29+$0x3980]  }
0x509: {  	[tilespmem:s28+$0x6AD0] =	vst v37;
	v29 =	vadd.f32 v56, v62  }
0x50a: {  	v48 =	vld [tilespmem:s29+$0x4380];
	[tilespmem:s28+$0x6B60] =	vst v53;
	v49 =	vadd.f32 v58, v57  }
0x50b: {  	[tilespmem:s1+$0x7AB0] =	vst v28;
	v52 =	vmul.f32 $2.000000030e-01, v29  }
0x50c: {  	[tilespmem:s17+$0x7AA0] =	vst v42;
	vm1 =	vge.f32 v29, $0.0e+00;
	v27 =	vadd.f32 v60, v49  }
0x50d: {  	[tilespmem:s21+$0x7AB0] =	vst v55;
	v40 =	vmul.f32 v43, v40;
	v29 =	vsel vm1, v29, v52;
	v55 =	vadd.f32 v45, v63  }
0x50e: {  	[tilespmem:s28+$0x6C00] =	vst v59;
	v29 =	vsub.f32 $0.0e+00, v29;
	v56 =	vmul.f32 $2.000000030e-01, v27  }
0x50f: {  	v42 =	vld [tilespmem:s28+$0x26A0];
	v46 =	vmul.f32 v43, v41;
	[tilespmem:s28+$0x6C50] =	vst v40;
	vm1 =	vge.f32 v27, $0.0e+00;
	v57 =	vadd.f32 v48, v55  }
0x510: {  	[tilespmem:s4+$0x7AB0] =	vst v61;
	v58 =	vmul.f32 $1.442695020e+00, v29;
	v2 =	vsel vm1, v27, v56  }
0x511: {  	v40 =	vnsel vm0, $0x0, v21;
	[tilespmem:s12+$0x7AB0] =	vst v46;
	v2 =	vsub.f32 $0.0e+00, v2;
	v59 =	vmul.f32 $2.000000030e-01, v57  }
0x512: {  	v61 =	vnsel vm0, $0x0, v7;
	[tilespmem:s28+$0x6B20] =	vst v40;
	(erf) = vpow2.f32 v58;
	vm1 =	vge.f32 v57, $0.0e+00  }
0x513: {  	v60 =	vnsel vm0, $0x0, v6;
	[tilespmem:s28+$0x6710] =	vst v61;
	v3 =	vsel vm1, v57, v59;
	v2 =	vmul.f32 $1.442695020e+00, v2  }
0x514: {  	v50 =	vmul.f32 v42, v44;
	v44 =	vnsel vm0, $0x0, v22;
	[tilespmem:s28+$0x66C0] =	vst v60;
	v3 =	vsub.f32 $0.0e+00, v3  }
0x515: {  	[tilespmem:s28+$0x6B70] =	vst v44;
	(erf) = vpow2.f32 v2;
	v2 =	vnsel vm0, $0x0, v8  }
0x516: {  	[tilespmem:s28+$0x6760] =	vst v2;
	v2 =	vnsel vm0, $0x0, v9;
	v3 =	vmul.f32 $1.442695020e+00, v3  }
0x517: {  	[tilespmem:s28+$0x67B0] =	vst v2;
	v2 =	vnsel vm0, $0x0, v10  }
0x518: {  	[tilespmem:s28+$0x6800] =	vst v2;
	v2 =	vnsel vm0, $0x0, v11;
	(erf) = vpow2.f32 v3  }
0x519: {  	v3 =	vld [tilespmem:s28+$0x2710];
	[tilespmem:s28+$0x6850] =	vst v2;
	v2 =	vnsel vm0, $0x0, v12  }
0x51a: {  	[tilespmem:s28+$0x68A0] =	vst v2;
	v2 =	vnsel vm0, $0x0, v13  }
0x51b: {  	v35 =	vld [tilespmem:s28+$0x26F0];
	v62 =	vpop (erf);
	[tilespmem:s28+$0x68F0] =	vst v2;
	v2 =	vnsel vm0, $0x0, v14  }
0x51c: {  	v27 =	vld [tilespmem:s28+$0x2760];
	v63 =	vbroadcast v62, $0x0;
	[tilespmem:s28+$0x6940] =	vst v2;
	v2 =	vnsel vm0, $0x0, v15  }
0x51d: {  	v28 =	vbroadcast v62, $0x1;
	[tilespmem:s28+$0x6990] =	vst v2;
	v2 =	vnsel vm0, $0x0, v16  }
0x51e: {  	v51 =	vmul.f32 v42, v30;
	v30 =	vmul.f32 v63, v3;
	v29 =	vpop (erf);
	[tilespmem:s28+$0x69E0] =	vst v2;
	v2 =	vnsel vm0, $0x0, v17  }
0x51f: {  	s30 =	sshll.u32 s11, $0x6;
	v31 =	vld [tilespmem:s28+$0x27B0];
	[tilespmem:s28+$0x6A30] =	vst v2;
	v2 =	vmul.f32 v28, v3;
	v3 =	vbroadcast v29, $0x0  }
0x520: {  	s1 =	sand.u32 $0x3FFFFFC0, s30;
	v53 =	vmul.f32 v35, v47;
	[tilespmem:s28+$0x6D10] =	vst v30;
	v32 =	vbroadcast v29, $0x1  }
0x521: {  	v54 =	vmul.f32 v35, v39;
	[tilespmem:s1+$0x7A80] =	vst v2;
	v2 =	vmul.f32 v3, v27;
	v34 =	vpop (erf)  }
0x522: {  	s0 =	sshll.u32 s31, $0x6;
	[tilespmem:s28+$0x6CA0] =	vst v50;
	v6 =	vmul.f32 v32, v27;
	v35 =	vld [tilespmem:s28+$0x2720];
	v36 =	vbroadcast v34, $0x0  }
0x523: {  	s0 =	sand.u32 $0x3FFFFFC0, s0;
	[tilespmem:s28+$0x6D60] =	vst v2;
	v2 =	vbroadcast v34, $0x1  }
0x524: {  	v47 =	vnsel vm0, $0x0, v19;
	[tilespmem:s0+$0x7A80] =	vst v6;
	v38 =	vmul.f32 v36, v31  }
0x525: {  	s3 =	sshll.u32 s26, $0x6;
	[tilespmem:s28+$0x6BC0] =	vst v47;
	v39 =	vld [tilespmem:s28+$0x2770];
	v10 =	vmul.f32 v2, v31  }
0x526: {  	s3 =	sand.u32 $0x3FFFFFC0, s3;
	[tilespmem:s28+$0x6DB0] =	vst v38  }
0x527: {  	[tilespmem:s3+$0x7A80] =	vst v10;
	v41 =	vmul.f32 v63, v35  }
0x528: {  	[tilespmem:s16+$0x7AB0] =	vst v51;
	v42 =	vmul.f32 v28, v35;
	v43 =	vld [tilespmem:s28+$0x27C0]  }
0x529: {  	[tilespmem:s28+$0x6D20] =	vst v41  }
0x52a: {  	[tilespmem:s1+$0x7A90] =	vst v42;
	v45 =	vmul.f32 v3, v39  }
0x52b: {  	[tilespmem:s28+$0x6CF0] =	vst v53;
	v14 =	vmul.f32 v32, v39;
	v46 =	vld [tilespmem:s28+$0x2730]  }
0x52c: {  	[tilespmem:s28+$0x6D70] =	vst v45  }
0x52d: {  	v50 =	vnsel vm0, $0x0, v23;
	[tilespmem:s0+$0x7A90] =	vst v14;
	v48 =	vmul.f32 v36, v43  }
0x52e: {  	[tilespmem:s28+$0x6C10] =	vst v50;
	v11 =	vmul.f32 v2, v43;
	v49 =	vld [tilespmem:s28+$0x2780]  }
0x52f: {  	[tilespmem:s28+$0x6DC0] =	vst v48  }
0x530: {  	[tilespmem:s3+$0x7A90] =	vst v11;
	v51 =	vmul.f32 v63, v46  }
0x531: {  	[tilespmem:s17+$0x7AB0] =	vst v54;
	v10 =	vmul.f32 v28, v46;
	v52 =	vld [tilespmem:s28+$0x27D0]  }
0x532: {  	[tilespmem:s28+$0x6D30] =	vst v51  }
0x533: {  	v53 =	vnsel vm0, $0x0, v24;
	[tilespmem:s1+$0x7AA0] =	vst v10;
	v54 =	vmul.f32 v3, v49  }
0x534: {  	[tilespmem:s28+$0x6C60] =	vst v53;
	v6 =	vmul.f32 v32, v49;
	v55 =	vld [tilespmem:s28+$0x2740]  }
0x535: {  	[tilespmem:s28+$0x6D80] =	vst v54  }
0x536: {  	v56 =	vnsel vm0, $0x0, v25;
	[tilespmem:s0+$0x7AA0] =	vst v6;
	v57 =	vmul.f32 v36, v52  }
0x537: {  	[tilespmem:s28+$0x6CB0] =	vst v56;
	v14 =	vmul.f32 v2, v52;
	v58 =	vld [tilespmem:s28+$0x2790]  }
0x538: {  	[tilespmem:s28+$0x6DD0] =	vst v57  }
0x539: {  	v59 =	vnsel vm0, $0x0, v26;
	[tilespmem:s3+$0x7AA0] =	vst v14;
	v5 =	vmul.f32 v55, v63  }
0x53a: {  	[tilespmem:s28+$0x6D00] =	vst v59;
	v60 =	vmul.f32 v55, v28;
	v61 =	vld [tilespmem:s28+$0x27E0]  }
0x53b: {  	[tilespmem:s28+$0x6D40] =	vst v5  }
0x53c: {  	v4 =	vnsel vm0, $0x0, v62;
	[tilespmem:s1+$0x7AB0] =	vst v60;
	v3 =	vmul.f32 v58, v3  }
0x53d: {  	v62 =	vmul.f32 v58, v32;
	[tilespmem:s28+$0x6D50] =	vst v4  }
0x53e: {  	p3 =	slt.u32 s24, $0x28;
	[tilespmem:s28+$0x6D90] =	vst v3  }
.Ltmp5:
0x53f: {  	v3 =	vnsel vm0, $0x0, v29;
	[tilespmem:s0+$0x7AB0] =	vst v62;
	v63 =	vmul.f32 v61, v36;
	(pc) =	sbr.rel @p3 .LBB2_9-.Ltmp5, $4  }
0x540: {  	v2 =	vmul.f32 v61, v2;
	[tilespmem:s28+$0x6DA0] =	vst v3  }
0x541: {  	[tilespmem:s28+$0x6DE0] =	vst v63  }
0x542: {  	s31 =	sadd.s32 $0x28, s24;
	[tilespmem:s3+$0x7AB0] =	vst v2;
	v2 =	vnsel vm0, $0x0, v34  }
0x543: {  	s24 =	smov.u32 s31;
	[tilespmem:s28+$0x6DF0] =	vst v2  }
0x544: {  	v2 =	vld [tilespmem:$0x50]  }
0x545: {  	v3 =	vld [tilespmem:$0x60]  }
0x546: {  	v4 =	vld [tilespmem:$0x70]  }
0x547: {  	v5 =	vld [tilespmem:$0x80]  }
0x548: {  	v6 =	vld [tilespmem:$0x90]  }
0x549: {  	[tilespmem:$0x230] =	vst v2  }
0x54a: {  	[tilespmem:$0x240] =	vst v3  }
0x54b: {  	[tilespmem:$0x250] =	vst v4  }
.Ltmp6:
0x54c: {  	[tilespmem:$0x260] =	vst v5;
	(pc) =	sbr.rel @p4 .LBB2_12-.Ltmp6, $4  }
0x54d: {  	s0 =	rddreg [dreg:$0x2];
	s1 =	simm.s32 $0x230;
	s3 =	simm.s32 $0x6180;
	[tilespmem:$0x270] =	vst v6  }
0x54e: {  	[spmem:s0] =	stream.indirect.scatter.add.f32 [tilespmem:s3], [sflag:$0xA], $0x50, s1, s18, $0xb8;
	[tilespmem:$0x1EE10] =	vst v63  }
0x54f: {  	s31 =	rddreg [dreg:$0x3];
	s11 =	simm.s32 $0xF0;
	s12 =	simm.s32 $0x190  }
0x550: {  	[spmem:s31] =	stream.indirect.scatter.add.f32 [tilespmem:s13], [sflag:$0xB], $0x40, s1, s18, $0xb8;
	[tilespmem:$0x1EE10] =	vst v63  }
0x551: {  	s1 =	sld [smem:$0x7E2]  }
0x552: {  	s0 =	smul.u32 $0xA0, s23;
	_ =	sdelay $0x1  }
0x553: {  	s0 =	sadd.s32 s0, s1  }
0x554: {  	s0 =	sshrl.u32 s0, $0x3  }
0x555: {  	s3 =	simm.s32 $0x0;
	s30 =	sadd.s32 s8, s0  }
0x556: {  	[tilespmem:s18], [sflag:$0x8] =	stream.linear.gather [hbm4b:s30+s3], $0x50, $0x38;
	[tilespmem:$0x1EE10] =	vst v63  }
.Ltmp7:
0x557: {  	_ = 	snop;
	(pc) =	sbr.rel .LBB2_6-.Ltmp7, $4  }
0x558: {  	s31 =	sadd.s32 s9, s0  }
0x559: {  	[tilespmem:s11], [sflag:$0x8] =	stream.linear.gather [hbm4b:s31+s3], $0x50, $0x38;
	[tilespmem:$0x1EE10] =	vst v63  }
0x55a: {  	s23 =	sadd.s32 $0x1, s23;
	s0 =	sadd.s32 s10, s0  }
0x55b: {  	[tilespmem:s12], [sflag:$0x8] =	stream.linear.gather [hbm4b:s0+s3], $0x50, $0x38;
	[tilespmem:$0x1EE10] =	vst v63  }
.LBB2_13:
0x55c: {  	_ =	sfence.sel $0x180000  }
0x55d: {  	[bflag:$0x0] =	sbarrier.arrive $0xFFFF  }
0x55e: {  	_ =	strace $0x90000047  }
0x55f: {  	[bflag:$0x2] =	sbarrier.arrive $0xFFFF  }
0x560: {  	p0 =	sne.s32 s3, $0x0;
	s0 =	rddreg [dreg:$0x4]  }
0x561: {  	s0 =	sadd.s32 @!p0 $0x100000, s0  }
0x562: {  	[sflag:s0] =	ssyncadd.tile.s32 @!p0 $0x1;
	_ =	shalt  }
.Lfunc_end2:
_tile_overlayer_lowered:
.L_overlay_start_2:
0x563: {  	(tag) =	ssettag $0x2  }
0x564: {  	s0 =	rddreg [dreg:$0x0];
	s2 =	stileid.u32  }
0x565: {  	s1 =	rddreg [dreg:$0x1];
	p0 =	sne.s32 s2, $0x0  }
0x566: {  	s3 =	rddreg [dreg:$0x2];
	[bflag:$0x3] =	sbarrier.arrive $0xFFFF;
	s2 =	simm.s32 @!p0 $0x1C0C  }
0x567: {  	[timem:s3], [sflag:s2] =	dma.local @!p0 [hbm:s0], s1  }
0x568: {  	s0 =	simm.s32 @!p0 $0xC  }
0x569: {  	_ =	swait.ge @!p0 [sflag:s0], s1  }
0x56a: {  	s1 =	ssub.s32 @!p0 $0x0, s1;
	[sflag:s0] =	ssyncset.done @!p0 $0x0  }
0x56b: {  	[sflag:s0] =	ssyncadd.s32 @!p0 s1  }
0x56c: {  	[bflag:$0x3] =	sbarrier.arrive $0xFFFF  }
0x56d: {  	_ =	shalt  }

</sc_bundles>
